<compile_context>
chip_gen: v7x
topology: tpu7x:2x2x1
jax: 0.10.2.dev20260603
libtpu: 0.0.44.dev20260713+nightly
codegen_flags: <defaults>
</compile_context>

<pallas_src>
import functools

import jax
import jax.numpy as jnp
from jax import lax
from jax.experimental import pallas as pl
from jax.experimental.pallas import tpu as pltpu
from jax.experimental.pallas import tpu_sc as plsc

N = 10000
E = 320000
F_IN = 128
H = 128
L = 3
R = 4
D_E = 16
G = 64

NC = 2
NS = 16
NW = NC * NS
C = 80
N_PAD = 10240



def _gates_body(attr_ref, w_ref, b_ref, out_ref):
    a = attr_ref[...]
    g = jnp.dot(a, w_ref[...], preferred_element_type=jnp.float32) + b_ref[...]
    out_ref[...] = jnp.maximum(g, 0.0)


def _gates_call(edge_attr, W_edge_l, b_edge_l):
    BE = 4000
    return pl.pallas_call(
        _gates_body,
        grid=(E // BE,),
        in_specs=[
            pl.BlockSpec((BE, D_E), lambda i: (i, 0)),
            pl.BlockSpec((D_E, H), lambda i: (0, 0)),
            pl.BlockSpec((1, H), lambda i: (0, 0)),
        ],
        out_specs=pl.BlockSpec((BE, H), lambda i: (i, 0)),
        out_shape=jax.ShapeDtypeStruct((E, H), jnp.float32),
    )(edge_attr, W_edge_l, b_edge_l)


def _prep0_body(x_ref, w2_ref, wr_ref, bc_ref, table_ref, hroot_ref):
    h = x_ref[...]
    table_ref[...] = jnp.dot(h, w2_ref[...], preferred_element_type=jnp.float32)
    hroot_ref[...] = (
        jnp.dot(h, wr_ref[...], preferred_element_type=jnp.float32) + bc_ref[...]
    )


def _prep_body(p_ref, hprev_ref, w2_ref, wr_ref, bc_ref, table_ref, hroot_ref):
    h = jnp.maximum(p_ref[0] + p_ref[1] + hprev_ref[...], 0.0)
    table_ref[...] = jnp.dot(h, w2_ref[...], preferred_element_type=jnp.float32)
    hroot_ref[...] = (
        jnp.dot(h, wr_ref[...], preferred_element_type=jnp.float32) + bc_ref[...]
    )


_BN = 2000


def _prep0_call(x, W2l, Wrl, bcl):
    return pl.pallas_call(
        _prep0_body,
        grid=(N // _BN,),
        in_specs=[
            pl.BlockSpec((_BN, F_IN), lambda i: (i, 0)),
            pl.BlockSpec((F_IN, R * H), lambda i: (0, 0)),
            pl.BlockSpec((F_IN, H), lambda i: (0, 0)),
            pl.BlockSpec((1, H), lambda i: (0, 0)),
        ],
        out_specs=[
            pl.BlockSpec((_BN, R * H), lambda i: (i, 0)),
            pl.BlockSpec((_BN, H), lambda i: (i, 0)),
        ],
        out_shape=[
            jax.ShapeDtypeStruct((N, R * H), jnp.float32),
            jax.ShapeDtypeStruct((N, H), jnp.float32),
        ],
    )(x, W2l, Wrl, bcl)


def _prep_call(p, hroot_prev, W2l, Wrl, bcl):
    return pl.pallas_call(
        _prep_body,
        grid=(N // _BN,),
        in_specs=[
            pl.BlockSpec((2, _BN, F_IN), lambda i: (0, i, 0)),
            pl.BlockSpec((_BN, F_IN), lambda i: (i, 0)),
            pl.BlockSpec((F_IN, R * H), lambda i: (0, 0)),
            pl.BlockSpec((F_IN, H), lambda i: (0, 0)),
            pl.BlockSpec((1, H), lambda i: (0, 0)),
        ],
        out_specs=[
            pl.BlockSpec((_BN, R * H), lambda i: (i, 0)),
            pl.BlockSpec((_BN, H), lambda i: (i, 0)),
        ],
        out_shape=[
            jax.ShapeDtypeStruct((N, R * H), jnp.float32),
            jax.ShapeDtypeStruct((N, H), jnp.float32),
        ],
    )(p, hroot_prev, W2l, Wrl, bcl)


def _final_body(p_ref, hr_ref, oh_ref, w1_ref, b1_ref, w2_ref, b2_ref,
                out_ref, acc_ref):
    i = pl.program_id(0)

    @pl.when(i == 0)
    def _init():
        acc_ref[...] = jnp.zeros_like(acc_ref)

    h3 = p_ref[0] + p_ref[1] + hr_ref[...]
    acc_ref[...] += lax.dot_general(
        oh_ref[...], h3, (((0,), (0,)), ((), ())),
        preferred_element_type=jnp.float32)

    @pl.when(i == pl.num_programs(0) - 1)
    def _head():
        z = jnp.dot(acc_ref[...], w1_ref[...], preferred_element_type=jnp.float32)
        z = jnp.maximum(z + b1_ref[...], 0.0)
        out_ref[...] = (
            jnp.dot(z, w2_ref[...], preferred_element_type=jnp.float32) + b2_ref[...]
        )


def _final_call(p, hroot, onehot, W_fc1, b_fc1, W_fc2, b_fc2):
    return pl.pallas_call(
        _final_body,
        grid=(N // _BN,),
        in_specs=[
            pl.BlockSpec((2, _BN, H), lambda i: (0, i, 0)),
            pl.BlockSpec((_BN, H), lambda i: (i, 0)),
            pl.BlockSpec((_BN, G), lambda i: (i, 0)),
            pl.BlockSpec((H, H // 2), lambda i: (0, 0)),
            pl.BlockSpec((1, H // 2), lambda i: (0, 0)),
            pl.BlockSpec((H // 2, 1), lambda i: (0, 0)),
            pl.BlockSpec((1, 1), lambda i: (0, 0)),
        ],
        out_specs=pl.BlockSpec((G, 1), lambda i: (0, 0)),
        out_shape=jax.ShapeDtypeStruct((G, 1), jnp.float32),
        scratch_shapes=[pltpu.VMEM((G, H), jnp.float32)],
    )(p, hroot, onehot, W_fc1, b_fc1, W_fc2, b_fc2)




def _make_edge_call():
    mesh = plsc.VectorSubcoreMesh(core_axis_name="c", subcore_axis_name="s",
                                  num_cores=NC, num_subcores=NS)
    per_w = E // NW
    n_chunks = per_w // C
    n_pairs = (n_chunks - 1) // 2
    stripe = N_PAD // NS

    @functools.partial(
        pl.kernel,
        out_type=jax.ShapeDtypeStruct((NC, N_PAD, H), jnp.float32),
        mesh=mesh,
        scratch_types=[
            pltpu.VMEM((2, C), jnp.int32),
            pltpu.VMEM((2, C), jnp.int32),
            pltpu.VMEM((C, H), jnp.float32),
            pltpu.VMEM((C, H), jnp.float32),
            pltpu.VMEM((C, H), jnp.float32),
            pltpu.VMEM((C, H), jnp.float32),
            pltpu.VMEM_SHARED((N_PAD, H), jnp.float32),
            pltpu.SemaphoreType.DMA,
            pltpu.SemaphoreType.DMA,
            pltpu.SemaphoreType.DMA,
            pltpu.SemaphoreType.DMA,
            pltpu.SemaphoreType.DMA,
            pltpu.SemaphoreType.DMA,
        ],
    )
    def edge_k(table, gates, pidx, zeros, out, idx_a, idx_b,
               rows_a, rows_b, gate_a, gate_b, acc,
               sem_ra, sem_rb, sem_ta, sem_tb, sem_sa, sem_sb):
        c = lax.axis_index("c")
        s = lax.axis_index("s")
        wid = c * NS + s
        row0 = pl.multiple_of(s * stripe, 8)

        pltpu.sync_copy(zeros.at[pl.ds(row0, stripe)],
                        acc.at[pl.ds(row0, stripe)])
        plsc.subcore_barrier()

        base_w = wid * per_w

        def start_fetch(i, idx_v, rows_v, gate_v, sem_r, sem_t):
            base = pl.multiple_of(base_w + i * C, 8)
            pltpu.sync_copy(pidx.at[wid, i], idx_v)
            pltpu.async_copy(table.at[idx_v.at[0]], rows_v, sem_r)
            pltpu.async_copy(gates.at[pl.ds(base, C)], gate_v, sem_t)

        def wait_fetch(idx_v, rows_v, gate_v, sem_r, sem_t):
            pltpu.make_async_copy(table.at[idx_v.at[0]], rows_v, sem_r).wait()
            pltpu.make_async_copy(gates.at[pl.ds(0, C)], gate_v,
                                  sem_t).wait()

        def mul(rows_v, gate_v):
            @plsc.parallel_loop(0, C, unroll=2)
            def _body(e):
                for j in range(H // 16):
                    sl = pl.ds(j * 16, 16)
                    rows_v[e, sl] = rows_v[e, sl] * gate_v[e, sl]

        def start_scatter(idx_v, rows_v, sem_s):
            pltpu.async_copy(rows_v, acc.at[idx_v.at[1]], sem_s, add=True)

        def wait_scatter(idx_v, rows_v, sem_s):
            pltpu.make_async_copy(rows_v, acc.at[idx_v.at[1]], sem_s).wait()

        start_fetch(0, idx_a, rows_a, gate_a, sem_ra, sem_ta)

        def pair(p, carry):
            a = 2 * p
            @pl.when(p > 0)
            def _():
                wait_scatter(idx_b, rows_b, sem_sb)
            start_fetch(a + 1, idx_b, rows_b, gate_b, sem_rb, sem_tb)
            wait_fetch(idx_a, rows_a, gate_a, sem_ra, sem_ta)
            mul(rows_a, gate_a)
            start_scatter(idx_a, rows_a, sem_sa)
            wait_scatter(idx_a, rows_a, sem_sa)
            start_fetch(a + 2, idx_a, rows_a, gate_a, sem_ra, sem_ta)
            wait_fetch(idx_b, rows_b, gate_b, sem_rb, sem_tb)
            mul(rows_b, gate_b)
            start_scatter(idx_b, rows_b, sem_sb)
            return carry

        lax.fori_loop(0, n_pairs, pair, 0)

        wait_fetch(idx_a, rows_a, gate_a, sem_ra, sem_ta)
        mul(rows_a, gate_a)
        start_scatter(idx_a, rows_a, sem_sa)
        wait_scatter(idx_a, rows_a, sem_sa)
        wait_scatter(idx_b, rows_b, sem_sb)

        plsc.subcore_barrier()
        pltpu.sync_copy(acc.at[pl.ds(row0, stripe)],
                        out.at[c, pl.ds(row0, stripe)])

    return edge_k


@functools.lru_cache(maxsize=None)
def _edge_call():
    return _make_edge_call()




def kernel(x, edge_index, edge_attr, node_batch, overall, edge_type,
           W_rel, W_root, b_conv, W_edge, b_edge,
           W_fc1, b_fc1, W_fc2, b_fc2):
    src = edge_index[0]
    dst = edge_index[1]
    n_chunks = E // NW // C
    cidx = (src * R + edge_type).reshape(NW, n_chunks, C)
    pidx = jnp.stack([cidx, dst.reshape(NW, n_chunks, C)], axis=2)
    zeros = jnp.zeros((N_PAD, H), jnp.float32)
    onehot = (node_batch[:, None]
              == jnp.arange(G, dtype=jnp.int32)[None, :]).astype(jnp.float32)
    W2 = jnp.transpose(W_rel, (0, 2, 1, 3)).reshape(L, F_IN, R * H)

    gates = [_gates_call(edge_attr, W_edge[l], b_edge[l].reshape(1, H))
             for l in range(L)]

    table, hroot = _prep0_call(x, W2[0], W_root[0], b_conv[0].reshape(1, H))
    p = _edge_call()(table.reshape(N * R, H), gates[0], pidx, zeros)
    for l in range(1, L):
        table, hroot = _prep_call(p, hroot, W2[l], W_root[l],
                                  b_conv[l].reshape(1, H))
        p = _edge_call()(table.reshape(N * R, H), gates[l], pidx, zeros)

    out = _final_call(p, hroot, onehot,
                      W_fc1, b_fc1.reshape(1, H // 2),
                      W_fc2, b_fc2.reshape(1, 1))
    return jnp.squeeze(out)

# --- scband reference (transcript-rebuilt; emitter-appended) ---
"""Pipeline reference for scband-hecconv-net-17154099380845 (READ-ONLY COPY).

The authoritative reference and input builder live on the scoring server;
editing this copy changes nothing except your own understanding.
"""

import jax, jax.numpy as jnp
import numpy as np

N = 10000
E = 320000
F_IN = 128
H = 128
L = 3
R = 4
D_E = 16
G = 64


def setup_inputs(seed: int = 0) -> dict:
    key = jax.random.key(seed)
    ks = jax.random.split(key, 16)
    x = jax.random.normal(ks[0], (N, F_IN), dtype=jnp.float32)
    edge_index = jax.random.randint(ks[1], (2, E), 0, N, dtype=jnp.int32)
    edge_attr = jax.random.normal(ks[2], (E, D_E), dtype=jnp.float32)
    node_batch = jnp.sort(jax.random.randint(ks[3], (N,), 0, G, dtype=jnp.int32))
    edge_type = jax.random.randint(ks[4], (E,), 0, R, dtype=jnp.int32)
    overall = jnp.zeros((G, 8), dtype=jnp.float32)
    # learned parameters (stacked per layer); layer 0 has in=F_IN=H so all layers share shapes
    W_rel = jax.random.normal(ks[5], (L, R, F_IN, H), dtype=jnp.float32) / np.sqrt(F_IN)
    W_root = jax.random.normal(ks[6], (L, F_IN, H), dtype=jnp.float32) / np.sqrt(F_IN)
    b_conv = jnp.zeros((L, H), dtype=jnp.float32)
    W_edge = jax.random.normal(ks[7], (L, D_E, H), dtype=jnp.float32) / np.sqrt(D_E)
    b_edge = jnp.zeros((L, H), dtype=jnp.float32)
    W_fc1 = jax.random.normal(ks[8], (H, H // 2), dtype=jnp.float32) / np.sqrt(H)
    b_fc1 = jnp.zeros((H // 2,), dtype=jnp.float32)
    W_fc2 = jax.random.normal(ks[9], (H // 2, 1), dtype=jnp.float32) / np.sqrt(H // 2)
    b_fc2 = jnp.zeros((1,), dtype=jnp.float32)
    return {"x": x, "edge_index": edge_index, "edge_attr": edge_attr,
            "node_batch": node_batch, "overall": overall, "edge_type": edge_type,
            "W_rel": W_rel, "W_root": W_root, "b_conv": b_conv,
            "W_edge": W_edge, "b_edge": b_edge,
            "W_fc1": W_fc1, "b_fc1": b_fc1, "W_fc2": W_fc2, "b_fc2": b_fc2}


def reference(x, edge_index, edge_attr, node_batch, overall, edge_type,
              W_rel, W_root, b_conv, W_edge, b_edge,
              W_fc1, b_fc1, W_fc2, b_fc2):
    # HECConvNet forward (eval mode: dropout = identity), JK='last', pool='add',
    # use_overall=False. HECConv implemented as heterogeneous (per-relation)
    # edge-conditioned conv: msg_e = (x_src W_{type_e}) * relu(edge_nn(edge_attr_e)),
    # scatter-add to dst, plus root transform + bias.
    src = edge_index[0]
    dst = edge_index[1]
    h = x
    for l in range(L):
        # per-node per-relation transform: [N, R, H]
        hW = jnp.einsum('ni,rio->nro', h, W_rel[l])
        gate = jax.nn.relu(edge_attr @ W_edge[l] + b_edge[l])  # [E, H]
        msg = hW[src, edge_type] * gate                        # gather -> [E, H]
        agg = jax.ops.segment_sum(msg, dst, num_segments=N)    # scatter-add
        h_new = agg + h @ W_root[l] + b_conv[l]
        if l != L - 1:
            h_new = jax.nn.relu(h_new)  # dropout skipped (training=False)
        h = h_new
    node_representation = h  # JK == 'last'
    pooled = jax.ops.segment_sum(node_representation, node_batch, num_segments=G)  # global_add_pool
    z = jax.nn.relu(pooled @ W_fc1 + b_fc1)
    out = z @ W_fc2 + b_fc2
    return jnp.squeeze(out)

if __name__ == "__main__":
    import jax
    _d = setup_inputs()
    print(jax.jit(kernel)(*tuple(_d.values())))

</pallas_src>

<mosaic_0001>
#map = affine_map<(d0, d1) -> (0, 0)>
#map1 = affine_map<(d0, d1) -> (0, 0, 0, 0)>
#map2 = affine_map<(d0, d1) -> (0, 0, 0)>
module attributes {stable_mosaic.version = 14 : i64} {
  func.func @edge_k(%arg0: i32, %arg1: i32, %arg2: memref<40000x128xf32, #tpu.memory_space<hbm>>, %arg3: memref<320000x128xf32, #tpu.memory_space<hbm>>, %arg4: memref<32x125x2x80xi32, #tpu.memory_space<hbm>>, %arg5: memref<10240x128xf32, #tpu.memory_space<hbm>>, %arg6: memref<2x10240x128xf32, #tpu.memory_space<hbm>>, %arg7: memref<2x80xi32, #tpu.memory_space<vmem>>, %arg8: memref<2x80xi32, #tpu.memory_space<vmem>>, %arg9: memref<80x128xf32, #tpu.memory_space<vmem>>, %arg10: memref<80x128xf32, #tpu.memory_space<vmem>>, %arg11: memref<80x128xf32, #tpu.memory_space<vmem>>, %arg12: memref<80x128xf32, #tpu.memory_space<vmem>>, %arg13: memref<10240x128xf32, #tpu.memory_space<vmem_shared>>, %arg14: memref<!tpu.dma_semaphore, #tpu.memory_space<semaphore_mem>>, %arg15: memref<!tpu.dma_semaphore, #tpu.memory_space<semaphore_mem>>, %arg16: memref<!tpu.dma_semaphore, #tpu.memory_space<semaphore_mem>>, %arg17: memref<!tpu.dma_semaphore, #tpu.memory_space<semaphore_mem>>, %arg18: memref<!tpu.dma_semaphore, #tpu.memory_space<semaphore_mem>>, %arg19: memref<!tpu.dma_semaphore, #tpu.memory_space<semaphore_mem>>) attributes {dimension_semantics = [#tpu.dimension_semantics<core_parallel>, #tpu.dimension_semantics<subcore_parallel>], iteration_bounds = array<i64: 2, 16>, scalar_prefetch = 0 : i64, scratch_operands = 13 : i64, tpu.core_type = #tpu.core_type<sc_vector_subcore>, window_params = [{transform_indices = #map}, {transform_indices = #map}, {transform_indices = #map1}, {transform_indices = #map}, {transform_indices = #map2}]} {
    %mul3A = arith.constant 16 : i32
    %mul3A_0 = arith.muli %arg0, %mul3A : i32
    %add3A = arith.addi %mul3A_0, %arg1 : i32
    %mul3A_1 = arith.constant 640 : i32
    %mul3A_2 = arith.muli %arg1, %mul3A_1 : i32
    %multiple_of3A = tpu.assume_multiple %mul3A_2, 8 : i32
    "tpu.region"() ({
      %run_scoped3A_59 = tpu.sem_alloc : memref<!tpu.dma_semaphore, #tpu.memory_space<semaphore_mem>>
      %dma_start3A_60 = arith.constant 0 : i32
      %dma_start3A_61 = tpu.memref_slice %arg13[%multiple_of3A, %dma_start3A_60] : memref<10240x128xf32, #tpu.memory_space<vmem_shared>> -> memref<640x128xf32, #tpu.memory_space<vmem_shared>>
      %dma_start3A_62 = arith.constant 0 : i32
      %dma_start3A_63 = tpu.memref_slice %arg5[%multiple_of3A, %dma_start3A_62] : memref<10240x128xf32, #tpu.memory_space<hbm>> -> memref<640x128xf32, #tpu.memory_space<hbm>>
      tpu.enqueue_dma source(%dma_start3A_63 : memref<640x128xf32, #tpu.memory_space<hbm>>) target(%dma_start3A_61 : memref<640x128xf32, #tpu.memory_space<vmem_shared>>) target_semaphore(%run_scoped3A_59 : memref<!tpu.dma_semaphore, #tpu.memory_space<semaphore_mem>>)
      %dma_wait3A_64 = arith.constant 0 : i32
      %dma_wait3A_65 = tpu.memref_slice %arg13[%multiple_of3A, %dma_wait3A_64] : memref<10240x128xf32, #tpu.memory_space<vmem_shared>> -> memref<640x128xf32, #tpu.memory_space<vmem_shared>>
      %dma_wait3A_66 = arith.constant 0 : i32
      %dma_wait3A_67 = tpu.memref_slice %arg5[%multiple_of3A, %dma_wait3A_66] : memref<10240x128xf32, #tpu.memory_space<hbm>> -> memref<640x128xf32, #tpu.memory_space<hbm>>
      tpu.wait_dma2 semaphore(%run_scoped3A_59 : memref<!tpu.dma_semaphore, #tpu.memory_space<semaphore_mem>>) src(%dma_wait3A_67 : memref<640x128xf32, #tpu.memory_space<hbm>>) dst(%dma_wait3A_65 : memref<640x128xf32, #tpu.memory_space<vmem_shared>>)
      tpu.yield
    }) : () -> ()
    %barrier3A = arith.constant 0 : index
    tpu.barrier barrier_id(%barrier3A)
    %mul3A_3 = arith.constant 10000 : i32
    %mul3A_4 = arith.muli %add3A, %mul3A_3 : i32
    %add3A_5 = arith.constant 0 : i32
    %add3A_6 = arith.addi %mul3A_4, %add3A_5 : i32
    %multiple_of3A_7 = tpu.assume_multiple %add3A_6, 8 : i32
    %run_scoped3A = arith.constant 0 : i32
    "tpu.region"() ({
      %run_scoped3A_59 = tpu.sem_alloc : memref<!tpu.dma_semaphore, #tpu.memory_space<semaphore_mem>>
      %dma_start3A_60 = arith.constant 0 : i32
      %dma_start3A_61 = arith.constant 0 : i32
      %dma_start3A_62 = tpu.memref_slice %arg4[%add3A, %run_scoped3A, %dma_start3A_60, %dma_start3A_61] : memref<32x125x2x80xi32, #tpu.memory_space<hbm>> -> memref<1x1x2x80xi32, #tpu.memory_space<hbm>>
      %dma_start3A_63 = tpu.memref_squeeze %dma_start3A_62 : memref<1x1x2x80xi32, #tpu.memory_space<hbm>> -> memref<2x80xi32, #tpu.memory_space<hbm>>
      %dma_start3A_64 = arith.constant 0 : i32
      %dma_start3A_65 = arith.constant 0 : i32
      %dma_start3A_66 = tpu.memref_slice %arg4[%add3A, %run_scoped3A, %dma_start3A_64, %dma_start3A_65] : memref<32x125x2x80xi32, #tpu.memory_space<hbm>> -> memref<1x1x2x80xi32, #tpu.memory_space<hbm>>
      %dma_start3A_67 = tpu.memref_squeeze %dma_start3A_66 : memref<1x1x2x80xi32, #tpu.memory_space<hbm>> -> memref<2x80xi32, #tpu.memory_space<hbm>>
      tpu.enqueue_dma source(%dma_start3A_67 : memref<2x80xi32, #tpu.memory_space<hbm>>) target(%arg7 : memref<2x80xi32, #tpu.memory_space<vmem>>) target_semaphore(%run_scoped3A_59 : memref<!tpu.dma_semaphore, #tpu.memory_space<semaphore_mem>>)
      %dma_wait3A_68 = arith.constant 0 : i32
      %dma_wait3A_69 = arith.constant 0 : i32
      %dma_wait3A_70 = tpu.memref_slice %arg4[%add3A, %run_scoped3A, %dma_wait3A_68, %dma_wait3A_69] : memref<32x125x2x80xi32, #tpu.memory_space<hbm>> -> memref<1x1x2x80xi32, #tpu.memory_space<hbm>>
      %dma_wait3A_71 = tpu.memref_squeeze %dma_wait3A_70 : memref<1x1x2x80xi32, #tpu.memory_space<hbm>> -> memref<2x80xi32, #tpu.memory_space<hbm>>
      %dma_wait3A_72 = arith.constant 0 : i32
      %dma_wait3A_73 = arith.constant 0 : i32
      %dma_wait3A_74 = tpu.memref_slice %arg4[%add3A, %run_scoped3A, %dma_wait3A_72, %dma_wait3A_73] : memref<32x125x2x80xi32, #tpu.memory_space<hbm>> -> memref<1x1x2x80xi32, #tpu.memory_space<hbm>>
      %dma_wait3A_75 = tpu.memref_squeeze %dma_wait3A_74 : memref<1x1x2x80xi32, #tpu.memory_space<hbm>> -> memref<2x80xi32, #tpu.memory_space<hbm>>
      tpu.wait_dma2 semaphore(%run_scoped3A_59 : memref<!tpu.dma_semaphore, #tpu.memory_space<semaphore_mem>>) src(%dma_wait3A_75 : memref<2x80xi32, #tpu.memory_space<hbm>>) dst(%arg7 : memref<2x80xi32, #tpu.memory_space<vmem>>)
      tpu.yield
    }) : () -> ()
    %dma_start3A = arith.constant 0 : i32
    %dma_start3A_8 = arith.constant 0 : i32
    %dma_start3A_9 = tpu.memref_slice %arg7[%dma_start3A, %dma_start3A_8] : memref<2x80xi32, #tpu.memory_space<vmem>> -> memref<1x80xi32, #tpu.memory_space<vmem>>
    %dma_start3A_10 = tpu.memref_squeeze %dma_start3A_9 : memref<1x80xi32, #tpu.memory_space<vmem>> -> memref<80xi32, #tpu.memory_space<vmem>>
    %dma_start3A_11 = arith.constant 0 : i32
    %dma_start3A_12 = arith.constant 0 : i32
    %dma_start3A_13 = tpu.memref_slice %arg2[%dma_start3A_11, %dma_start3A_12] : memref<40000x128xf32, #tpu.memory_space<hbm>> -> memref<40000x128xf32, #tpu.memory_space<hbm>>
    tpu.enqueue_indirect_dma source(%dma_start3A_13 : memref<40000x128xf32, #tpu.memory_space<hbm>>) target(%arg9 : memref<80x128xf32, #tpu.memory_space<vmem>>) offsets(%dma_start3A_10 : memref<80xi32, #tpu.memory_space<vmem>>) semaphore(%arg14 : memref<!tpu.dma_semaphore, #tpu.memory_space<semaphore_mem>>)
    %dma_start3A_14 = arith.constant 0 : i32
    %dma_start3A_15 = tpu.memref_slice %arg3[%multiple_of3A_7, %dma_start3A_14] : memref<320000x128xf32, #tpu.memory_space<hbm>> -> memref<80x128xf32, #tpu.memory_space<hbm>>
    %dma_start3A_16 = arith.constant 0 : i32
    %dma_start3A_17 = tpu.memref_slice %arg3[%multiple_of3A_7, %dma_start3A_16] : memref<320000x128xf32, #tpu.memory_space<hbm>> -> memref<80x128xf32, #tpu.memory_space<hbm>>
    tpu.enqueue_dma source(%dma_start3A_17 : memref<80x128xf32, #tpu.memory_space<hbm>>) target(%arg11 : memref<80x128xf32, #tpu.memory_space<vmem>>) target_semaphore(%arg16 : memref<!tpu.dma_semaphore, #tpu.memory_space<semaphore_mem>>)
    %scan3A = arith.constant 0 : i32
    %scan3A_18 = arith.constant 0 : i32
    %scan3A_19 = arith.constant 62 : i32
    %scan3A_20 = arith.addi %scan3A_18, %scan3A_19 : i32
    %scan3A_21 = arith.constant 1 : i32
    scf.for %scan3A_59 = %scan3A_18 to %scan3A_20 step %scan3A_21  : i32 {
      %mul3A_60 = arith.constant 2 : i32
      %mul3A_61 = arith.muli %mul3A_60, %scan3A_59 : i32
      %gt3A = arith.constant 0 : i32
      %gt3A_62 = arith.cmpi sgt, %scan3A_59, %gt3A : i32
      %convert_element_type3A = arith.extui %gt3A_62 : i1 to i32
      %cond3A = arith.constant 0 : i32
      %cond3A_63 = arith.cmpi ne, %convert_element_type3A, %cond3A : i32
      scf.if %cond3A_63 {
        %dma_wait3A_151 = arith.constant 1 : i32
        %dma_wait3A_152 = arith.constant 0 : i32
        %dma_wait3A_153 = tpu.memref_slice %arg8[%dma_wait3A_151, %dma_wait3A_152] : memref<2x80xi32, #tpu.memory_space<vmem>> -> memref<1x80xi32, #tpu.memory_space<vmem>>
        %dma_wait3A_154 = tpu.memref_squeeze %dma_wait3A_153 : memref<1x80xi32, #tpu.memory_space<vmem>> -> memref<80xi32, #tpu.memory_space<vmem>>
        %dma_wait3A_155 = arith.constant 0 : i32
        %dma_wait3A_156 = arith.constant 0 : i32
        %dma_wait3A_157 = tpu.memref_slice %arg13[%dma_wait3A_155, %dma_wait3A_156] : memref<10240x128xf32, #tpu.memory_space<vmem_shared>> -> memref<10240x128xf32, #tpu.memory_space<vmem_shared>>
        tpu.wait_indirect_dma semaphore(%arg19 : memref<!tpu.dma_semaphore, #tpu.memory_space<semaphore_mem>>) src(%arg10 : memref<80x128xf32, #tpu.memory_space<vmem>>) dst(%dma_wait3A_157 : memref<10240x128xf32, #tpu.memory_space<vmem_shared>>)
      } else {
      }
      %add3A_64 = arith.constant 1 : i32
      %add3A_65 = arith.addi %mul3A_61, %add3A_64 : i32
      %mul3A_66 = arith.constant 80 : i32
      %mul3A_67 = arith.muli %add3A_65, %mul3A_66 : i32
      %add3A_68 = arith.addi %mul3A_4, %mul3A_67 : i32
      %multiple_of3A_69 = tpu.assume_multiple %add3A_68, 8 : i32
      "tpu.region"() ({
        %run_scoped3A_151 = tpu.sem_alloc : memref<!tpu.dma_semaphore, #tpu.memory_space<semaphore_mem>>
        %dma_start3A_152 = arith.constant 0 : i32
        %dma_start3A_153 = arith.constant 0 : i32
        %dma_start3A_154 = tpu.memref_slice %arg4[%add3A, %add3A_65, %dma_start3A_152, %dma_start3A_153] : memref<32x125x2x80xi32, #tpu.memory_space<hbm>> -> memref<1x1x2x80xi32, #tpu.memory_space<hbm>>
        %dma_start3A_155 = tpu.memref_squeeze %dma_start3A_154 : memref<1x1x2x80xi32, #tpu.memory_space<hbm>> -> memref<2x80xi32, #tpu.memory_space<hbm>>
        %dma_start3A_156 = arith.constant 0 : i32
        %dma_start3A_157 = arith.constant 0 : i32
        %dma_start3A_158 = tpu.memref_slice %arg4[%add3A, %add3A_65, %dma_start3A_156, %dma_start3A_157] : memref<32x125x2x80xi32, #tpu.memory_space<hbm>> -> memref<1x1x2x80xi32, #tpu.memory_space<hbm>>
        %dma_start3A_159 = tpu.memref_squeeze %dma_start3A_158 : memref<1x1x2x80xi32, #tpu.memory_space<hbm>> -> memref<2x80xi32, #tpu.memory_space<hbm>>
        tpu.enqueue_dma source(%dma_start3A_159 : memref<2x80xi32, #tpu.memory_space<hbm>>) target(%arg8 : memref<2x80xi32, #tpu.memory_space<vmem>>) target_semaphore(%run_scoped3A_151 : memref<!tpu.dma_semaphore, #tpu.memory_space<semaphore_mem>>)
        %dma_wait3A_160 = arith.constant 0 : i32
        %dma_wait3A_161 = arith.constant 0 : i32
        %dma_wait3A_162 = tpu.memref_slice %arg4[%add3A, %add3A_65, %dma_wait3A_160, %dma_wait3A_161] : memref<32x125x2x80xi32, #tpu.memory_space<hbm>> -> memref<1x1x2x80xi32, #tpu.memory_space<hbm>>
        %dma_wait3A_163 = tpu.memref_squeeze %dma_wait3A_162 : memref<1x1x2x80xi32, #tpu.memory_space<hbm>> -> memref<2x80xi32, #tpu.memory_space<hbm>>
        %dma_wait3A_164 = arith.constant 0 : i32
        %dma_wait3A_165 = arith.constant 0 : i32
        %dma_wait3A_166 = tpu.memref_slice %arg4[%add3A, %add3A_65, %dma_wait3A_164, %dma_wait3A_165] : memref<32x125x2x80xi32, #tpu.memory_space<hbm>> -> memref<1x1x2x80xi32, #tpu.memory_space<hbm>>
        %dma_wait3A_167 = tpu.memref_squeeze %dma_wait3A_166 : memref<1x1x2x80xi32, #tpu.memory_space<hbm>> -> memref<2x80xi32, #tpu.memory_space<hbm>>
        tpu.wait_dma2 semaphore(%run_scoped3A_151 : memref<!tpu.dma_semaphore, #tpu.memory_space<semaphore_mem>>) src(%dma_wait3A_167 : memref<2x80xi32, #tpu.memory_space<hbm>>) dst(%arg8 : memref<2x80xi32, #tpu.memory_space<vmem>>)
        tpu.yield
      }) : () -> ()
      %dma_start3A_70 = arith.constant 0 : i32
      %dma_start3A_71 = arith.constant 0 : i32
      %dma_start3A_72 = tpu.memref_slice %arg8[%dma_start3A_70, %dma_start3A_71] : memref<2x80xi32, #tpu.memory_space<vmem>> -> memref<1x80xi32, #tpu.memory_space<vmem>>
      %dma_start3A_73 = tpu.memref_squeeze %dma_start3A_72 : memref<1x80xi32, #tpu.memory_space<vmem>> -> memref<80xi32, #tpu.memory_space<vmem>>
      %dma_start3A_74 = arith.constant 0 : i32
      %dma_start3A_75 = arith.constant 0 : i32
      %dma_start3A_76 = tpu.memref_slice %arg2[%dma_start3A_74, %dma_start3A_75] : memref<40000x128xf32, #tpu.memory_space<hbm>> -> memref<40000x128xf32, #tpu.memory_space<hbm>>
      tpu.enqueue_indirect_dma source(%dma_start3A_76 : memref<40000x128xf32, #tpu.memory_space<hbm>>) target(%arg10 : memref<80x128xf32, #tpu.memory_space<vmem>>) offsets(%dma_start3A_73 : memref<80xi32, #tpu.memory_space<vmem>>) semaphore(%arg15 : memref<!tpu.dma_semaphore, #tpu.memory_space<semaphore_mem>>)
      %dma_start3A_77 = arith.constant 0 : i32
      %dma_start3A_78 = tpu.memref_slice %arg3[%multiple_of3A_69, %dma_start3A_77] : memref<320000x128xf32, #tpu.memory_space<hbm>> -> memref<80x128xf32, #tpu.memory_space<hbm>>
      %dma_start3A_79 = arith.constant 0 : i32
      %dma_start3A_80 = tpu.memref_slice %arg3[%multiple_of3A_69, %dma_start3A_79] : memref<320000x128xf32, #tpu.memory_space<hbm>> -> memref<80x128xf32, #tpu.memory_space<hbm>>
      tpu.enqueue_dma source(%dma_start3A_80 : memref<80x128xf32, #tpu.memory_space<hbm>>) target(%arg12 : memref<80x128xf32, #tpu.memory_space<vmem>>) target_semaphore(%arg17 : memref<!tpu.dma_semaphore, #tpu.memory_space<semaphore_mem>>)
      %dma_wait3A_81 = arith.constant 0 : i32
      %dma_wait3A_82 = arith.constant 0 : i32
      %dma_wait3A_83 = tpu.memref_slice %arg7[%dma_wait3A_81, %dma_wait3A_82] : memref<2x80xi32, #tpu.memory_space<vmem>> -> memref<1x80xi32, #tpu.memory_space<vmem>>
      %dma_wait3A_84 = tpu.memref_squeeze %dma_wait3A_83 : memref<1x80xi32, #tpu.memory_space<vmem>> -> memref<80xi32, #tpu.memory_space<vmem>>
      %dma_wait3A_85 = arith.constant 0 : i32
      %dma_wait3A_86 = arith.constant 0 : i32
      %dma_wait3A_87 = tpu.memref_slice %arg2[%dma_wait3A_85, %dma_wait3A_86] : memref<40000x128xf32, #tpu.memory_space<hbm>> -> memref<40000x128xf32, #tpu.memory_space<hbm>>
      tpu.wait_indirect_dma semaphore(%arg14 : memref<!tpu.dma_semaphore, #tpu.memory_space<semaphore_mem>>) src(%dma_wait3A_87 : memref<40000x128xf32, #tpu.memory_space<hbm>>) dst(%arg9 : memref<80x128xf32, #tpu.memory_space<vmem>>)
      %dma_wait3A_88 = arith.constant 0 : i32
      %dma_wait3A_89 = arith.constant 0 : i32
      %dma_wait3A_90 = tpu.memref_slice %arg3[%dma_wait3A_88, %dma_wait3A_89] : memref<320000x128xf32, #tpu.memory_space<hbm>> -> memref<80x128xf32, #tpu.memory_space<hbm>>
      %dma_wait3A_91 = arith.constant 0 : i32
      %dma_wait3A_92 = arith.constant 0 : i32
      %dma_wait3A_93 = tpu.memref_slice %arg3[%dma_wait3A_91, %dma_wait3A_92] : memref<320000x128xf32, #tpu.memory_space<hbm>> -> memref<80x128xf32, #tpu.memory_space<hbm>>
      tpu.wait_dma2 semaphore(%arg16 : memref<!tpu.dma_semaphore, #tpu.memory_space<semaphore_mem>>) src(%dma_wait3A_93 : memref<80x128xf32, #tpu.memory_space<hbm>>) dst(%arg11 : memref<80x128xf32, #tpu.memory_space<vmem>>)
      %parallel_loop3A_94 = arith.constant 0 : i32
      %parallel_loop3A_95 = arith.constant 80 : i32
      %parallel_loop3A_96 = arith.constant 1 : i32
      scf.for %parallel_loop3A_151 = %parallel_loop3A_94 to %parallel_loop3A_95 step %parallel_loop3A_96  : i32 {
        %parallel_loop3A_152 = arith.index_cast %parallel_loop3A_151 : i32 to index
        %parallel_loop3A_153 = arith.constant 0 : index
        %parallel_loop3A_154 = tpu.vector_load %arg9[%parallel_loop3A_152, %parallel_loop3A_153] {strides = array<i32>} : memref<80x128xf32, #tpu.memory_space<vmem>>, vector<1x16xf32>,
        %parallel_loop3A_155 = vector.shape_cast %parallel_loop3A_154 : vector<1x16xf32> to vector<16xf32>
        %parallel_loop3A_156 = arith.index_cast %parallel_loop3A_151 : i32 to index
        %parallel_loop3A_157 = arith.constant 0 : index
        %parallel_loop3A_158 = tpu.vector_load %arg11[%parallel_loop3A_156, %parallel_loop3A_157] {strides = array<i32>} : memref<80x128xf32, #tpu.memory_space<vmem>>, vector<1x16xf32>,
        %parallel_loop3A_159 = vector.shape_cast %parallel_loop3A_158 : vector<1x16xf32> to vector<16xf32>
        %parallel_loop3A_160 = arith.mulf %parallel_loop3A_155, %parallel_loop3A_159 : vector<16xf32>
        %parallel_loop3A_161 = arith.index_cast %parallel_loop3A_151 : i32 to index
        %parallel_loop3A_162 = arith.constant 0 : index
        %parallel_loop3A_163 = tpu.vector_load %arg9[%parallel_loop3A_161, %parallel_loop3A_162] {strides = array<i32>} : memref<80x128xf32, #tpu.memory_space<vmem>>, vector<1x16xf32>,
        %parallel_loop3A_164 = vector.shape_cast %parallel_loop3A_163 : vector<1x16xf32> to vector<16xf32>
        %parallel_loop3A_165 = vector.shape_cast %parallel_loop3A_160 : vector<16xf32> to vector<1x16xf32>
        tpu.vector_store %arg9[%parallel_loop3A_161, %parallel_loop3A_162], %parallel_loop3A_165 {strides = array<i32>} : memref<80x128xf32, #tpu.memory_space<vmem>>, vector<1x16xf32>,
        %parallel_loop3A_166 = arith.index_cast %parallel_loop3A_151 : i32 to index
        %parallel_loop3A_167 = arith.constant 16 : index
        %parallel_loop3A_168 = tpu.vector_load %arg9[%parallel_loop3A_166, %parallel_loop3A_167] {strides = array<i32>} : memref<80x128xf32, #tpu.memory_space<vmem>>, vector<1x16xf32>,
        %parallel_loop3A_169 = vector.shape_cast %parallel_loop3A_168 : vector<1x16xf32> to vector<16xf32>
        %parallel_loop3A_170 = arith.index_cast %parallel_loop3A_151 : i32 to index
        %parallel_loop3A_171 = arith.constant 16 : index
        %parallel_loop3A_172 = tpu.vector_load %arg11[%parallel_loop3A_170, %parallel_loop3A_171] {strides = array<i32>} : memref<80x128xf32, #tpu.memory_space<vmem>>, vector<1x16xf32>,
        %parallel_loop3A_173 = vector.shape_cast %parallel_loop3A_172 : vector<1x16xf32> to vector<16xf32>
        %parallel_loop3A_174 = arith.mulf %parallel_loop3A_169, %parallel_loop3A_173 : vector<16xf32>
        %parallel_loop3A_175 = arith.index_cast %parallel_loop3A_151 : i32 to index
        %parallel_loop3A_176 = arith.constant 16 : index
        %parallel_loop3A_177 = tpu.vector_load %arg9[%parallel_loop3A_175, %parallel_loop3A_176] {strides = array<i32>} : memref<80x128xf32, #tpu.memory_space<vmem>>, vector<1x16xf32>,
        %parallel_loop3A_178 = vector.shape_cast %parallel_loop3A_177 : vector<1x16xf32> to vector<16xf32>
        %parallel_loop3A_179 = vector.shape_cast %parallel_loop3A_174 : vector<16xf32> to vector<1x16xf32>
        tpu.vector_store %arg9[%parallel_loop3A_175, %parallel_loop3A_176], %parallel_loop3A_179 {strides = array<i32>} : memref<80x128xf32, #tpu.memory_space<vmem>>, vector<1x16xf32>,
        %parallel_loop3A_180 = arith.index_cast %parallel_loop3A_151 : i32 to index
        %parallel_loop3A_181 = arith.constant 32 : index
        %parallel_loop3A_182 = tpu.vector_load %arg9[%parallel_loop3A_180, %parallel_loop3A_181] {strides = array<i32>} : memref<80x128xf32, #tpu.memory_space<vmem>>, vector<1x16xf32>,
        %parallel_loop3A_183 = vector.shape_cast %parallel_loop3A_182 : vector<1x16xf32> to vector<16xf32>
        %parallel_loop3A_184 = arith.index_cast %parallel_loop3A_151 : i32 to index
        %parallel_loop3A_185 = arith.constant 32 : index
        %parallel_loop3A_186 = tpu.vector_load %arg11[%parallel_loop3A_184, %parallel_loop3A_185] {strides = array<i32>} : memref<80x128xf32, #tpu.memory_space<vmem>>, vector<1x16xf32>,
        %parallel_loop3A_187 = vector.shape_cast %parallel_loop3A_186 : vector<1x16xf32> to vector<16xf32>
        %parallel_loop3A_188 = arith.mulf %parallel_loop3A_183, %parallel_loop3A_187 : vector<16xf32>
        %parallel_loop3A_189 = arith.index_cast %parallel_loop3A_151 : i32 to index
        %parallel_loop3A_190 = arith.constant 32 : index
        %parallel_loop3A_191 = tpu.vector_load %arg9[%parallel_loop3A_189, %parallel_loop3A_190] {strides = array<i32>} : memref<80x128xf32, #tpu.memory_space<vmem>>, vector<1x16xf32>,
        %parallel_loop3A_192 = vector.shape_cast %parallel_loop3A_191 : vector<1x16xf32> to vector<16xf32>
        %parallel_loop3A_193 = vector.shape_cast %parallel_loop3A_188 : vector<16xf32> to vector<1x16xf32>
        tpu.vector_store %arg9[%parallel_loop3A_189, %parallel_loop3A_190], %parallel_loop3A_193 {strides = array<i32>} : memref<80x128xf32, #tpu.memory_space<vmem>>, vector<1x16xf32>,
        %parallel_loop3A_194 = arith.index_cast %parallel_loop3A_151 : i32 to index
        %parallel_loop3A_195 = arith.constant 48 : index
        %parallel_loop3A_196 = tpu.vector_load %arg9[%parallel_loop3A_194, %parallel_loop3A_195] {strides = array<i32>} : memref<80x128xf32, #tpu.memory_space<vmem>>, vector<1x16xf32>,
        %parallel_loop3A_197 = vector.shape_cast %parallel_loop3A_196 : vector<1x16xf32> to vector<16xf32>
        %parallel_loop3A_198 = arith.index_cast %parallel_loop3A_151 : i32 to index
        %parallel_loop3A_199 = arith.constant 48 : index
        %parallel_loop3A_200 = tpu.vector_load %arg11[%parallel_loop3A_198, %parallel_loop3A_199] {strides = array<i32>} : memref<80x128xf32, #tpu.memory_space<vmem>>, vector<1x16xf32>,
        %parallel_loop3A_201 = vector.shape_cast %parallel_loop3A_200 : vector<1x16xf32> to vector<16xf32>
        %parallel_loop3A_202 = arith.mulf %parallel_loop3A_197, %parallel_loop3A_201 : vector<16xf32>
        %parallel_loop3A_203 = arith.index_cast %parallel_loop3A_151 : i32 to index
        %parallel_loop3A_204 = arith.constant 48 : index
        %parallel_loop3A_205 = tpu.vector_load %arg9[%parallel_loop3A_203, %parallel_loop3A_204] {strides = array<i32>} : memref<80x128xf32, #tpu.memory_space<vmem>>, vector<1x16xf32>,
        %parallel_loop3A_206 = vector.shape_cast %parallel_loop3A_205 : vector<1x16xf32> to vector<16xf32>
        %parallel_loop3A_207 = vector.shape_cast %parallel_loop3A_202 : vector<16xf32> to vector<1x16xf32>
        tpu.vector_store %arg9[%parallel_loop3A_203, %parallel_loop3A_204], %parallel_loop3A_207 {strides = array<i32>} : memref<80x128xf32, #tpu.memory_space<vmem>>, vector<1x16xf32>,
        %parallel_loop3A_208 = arith.index_cast %parallel_loop3A_151 : i32 to index
        %parallel_loop3A_209 = arith.constant 64 : index
        %parallel_loop3A_210 = tpu.vector_load %arg9[%parallel_loop3A_208, %parallel_loop3A_209] {strides = array<i32>} : memref<80x128xf32, #tpu.memory_space<vmem>>, vector<1x16xf32>,
        %parallel_loop3A_211 = vector.shape_cast %parallel_loop3A_210 : vector<1x16xf32> to vector<16xf32>
        %parallel_loop3A_212 = arith.index_cast %parallel_loop3A_151 : i32 to index
        %parallel_loop3A_213 = arith.constant 64 : index
        %parallel_loop3A_214 = tpu.vector_load %arg11[%parallel_loop3A_212, %parallel_loop3A_213] {strides = array<i32>} : memref<80x128xf32, #tpu.memory_space<vmem>>, vector<1x16xf32>,
        %parallel_loop3A_215 = vector.shape_cast %parallel_loop3A_214 : vector<1x16xf32> to vector<16xf32>
        %parallel_loop3A_216 = arith.mulf %parallel_loop3A_211, %parallel_loop3A_215 : vector<16xf32>
        %parallel_loop3A_217 = arith.index_cast %parallel_loop3A_151 : i32 to index
        %parallel_loop3A_218 = arith.constant 64 : index
        %parallel_loop3A_219 = tpu.vector_load %arg9[%parallel_loop3A_217, %parallel_loop3A_218] {strides = array<i32>} : memref<80x128xf32, #tpu.memory_space<vmem>>, vector<1x16xf32>,
        %parallel_loop3A_220 = vector.shape_cast %parallel_loop3A_219 : vector<1x16xf32> to vector<16xf32>
        %parallel_loop3A_221 = vector.shape_cast %parallel_loop3A_216 : vector<16xf32> to vector<1x16xf32>
        tpu.vector_store %arg9[%parallel_loop3A_217, %parallel_loop3A_218], %parallel_loop3A_221 {strides = array<i32>} : memref<80x128xf32, #tpu.memory_space<vmem>>, vector<1x16xf32>,
        %parallel_loop3A_222 = arith.index_cast %parallel_loop3A_151 : i32 to index
        %parallel_loop3A_223 = arith.constant 80 : index
        %parallel_loop3A_224 = tpu.vector_load %arg9[%parallel_loop3A_222, %parallel_loop3A_223] {strides = array<i32>} : memref<80x128xf32, #tpu.memory_space<vmem>>, vector<1x16xf32>,
        %parallel_loop3A_225 = vector.shape_cast %parallel_loop3A_224 : vector<1x16xf32> to vector<16xf32>
        %parallel_loop3A_226 = arith.index_cast %parallel_loop3A_151 : i32 to index
        %parallel_loop3A_227 = arith.constant 80 : index
        %parallel_loop3A_228 = tpu.vector_load %arg11[%parallel_loop3A_226, %parallel_loop3A_227] {strides = array<i32>} : memref<80x128xf32, #tpu.memory_space<vmem>>, vector<1x16xf32>,
        %parallel_loop3A_229 = vector.shape_cast %parallel_loop3A_228 : vector<1x16xf32> to vector<16xf32>
        %parallel_loop3A_230 = arith.mulf %parallel_loop3A_225, %parallel_loop3A_229 : vector<16xf32>
        %parallel_loop3A_231 = arith.index_cast %parallel_loop3A_151 : i32 to index
        %parallel_loop3A_232 = arith.constant 80 : index
        %parallel_loop3A_233 = tpu.vector_load %arg9[%parallel_loop3A_231, %parallel_loop3A_232] {strides = array<i32>} : memref<80x128xf32, #tpu.memory_space<vmem>>, vector<1x16xf32>,
        %parallel_loop3A_234 = vector.shape_cast %parallel_loop3A_233 : vector<1x16xf32> to vector<16xf32>
        %parallel_loop3A_235 = vector.shape_cast %parallel_loop3A_230 : vector<16xf32> to vector<1x16xf32>
        tpu.vector_store %arg9[%parallel_loop3A_231, %parallel_loop3A_232], %parallel_loop3A_235 {strides = array<i32>} : memref<80x128xf32, #tpu.memory_space<vmem>>, vector<1x16xf32>,
        %parallel_loop3A_236 = arith.index_cast %parallel_loop3A_151 : i32 to index
        %parallel_loop3A_237 = arith.constant 96 : index
        %parallel_loop3A_238 = tpu.vector_load %arg9[%parallel_loop3A_236, %parallel_loop3A_237] {strides = array<i32>} : memref<80x128xf32, #tpu.memory_space<vmem>>, vector<1x16xf32>,
        %parallel_loop3A_239 = vector.shape_cast %parallel_loop3A_238 : vector<1x16xf32> to vector<16xf32>
        %parallel_loop3A_240 = arith.index_cast %parallel_loop3A_151 : i32 to index
        %parallel_loop3A_241 = arith.constant 96 : index
        %parallel_loop3A_242 = tpu.vector_load %arg11[%parallel_loop3A_240, %parallel_loop3A_241] {strides = array<i32>} : memref<80x128xf32, #tpu.memory_space<vmem>>, vector<1x16xf32>,
        %parallel_loop3A_243 = vector.shape_cast %parallel_loop3A_242 : vector<1x16xf32> to vector<16xf32>
        %parallel_loop3A_244 = arith.mulf %parallel_loop3A_239, %parallel_loop3A_243 : vector<16xf32>
        %parallel_loop3A_245 = arith.index_cast %parallel_loop3A_151 : i32 to index
        %parallel_loop3A_246 = arith.constant 96 : index
        %parallel_loop3A_247 = tpu.vector_load %arg9[%parallel_loop3A_245, %parallel_loop3A_246] {strides = array<i32>} : memref<80x128xf32, #tpu.memory_space<vmem>>, vector<1x16xf32>,
        %parallel_loop3A_248 = vector.shape_cast %parallel_loop3A_247 : vector<1x16xf32> to vector<16xf32>
        %parallel_loop3A_249 = vector.shape_cast %parallel_loop3A_244 : vector<16xf32> to vector<1x16xf32>
        tpu.vector_store %arg9[%parallel_loop3A_245, %parallel_loop3A_246], %parallel_loop3A_249 {strides = array<i32>} : memref<80x128xf32, #tpu.memory_space<vmem>>, vector<1x16xf32>,
        %parallel_loop3A_250 = arith.index_cast %parallel_loop3A_151 : i32 to index
        %parallel_loop3A_251 = arith.constant 112 : index
        %parallel_loop3A_252 = tpu.vector_load %arg9[%parallel_loop3A_250, %parallel_loop3A_251] {strides = array<i32>} : memref<80x128xf32, #tpu.memory_space<vmem>>, vector<1x16xf32>,
        %parallel_loop3A_253 = vector.shape_cast %parallel_loop3A_252 : vector<1x16xf32> to vector<16xf32>
        %parallel_loop3A_254 = arith.index_cast %parallel_loop3A_151 : i32 to index
        %parallel_loop3A_255 = arith.constant 112 : index
        %parallel_loop3A_256 = tpu.vector_load %arg11[%parallel_loop3A_254, %parallel_loop3A_255] {strides = array<i32>} : memref<80x128xf32, #tpu.memory_space<vmem>>, vector<1x16xf32>,
        %parallel_loop3A_257 = vector.shape_cast %parallel_loop3A_256 : vector<1x16xf32> to vector<16xf32>
        %parallel_loop3A_258 = arith.mulf %parallel_loop3A_253, %parallel_loop3A_257 : vector<16xf32>
        %parallel_loop3A_259 = arith.index_cast %parallel_loop3A_151 : i32 to index
        %parallel_loop3A_260 = arith.constant 112 : index
        %parallel_loop3A_261 = tpu.vector_load %arg9[%parallel_loop3A_259, %parallel_loop3A_260] {strides = array<i32>} : memref<80x128xf32, #tpu.memory_space<vmem>>, vector<1x16xf32>,
        %parallel_loop3A_262 = vector.shape_cast %parallel_loop3A_261 : vector<1x16xf32> to vector<16xf32>
        %parallel_loop3A_263 = vector.shape_cast %parallel_loop3A_258 : vector<16xf32> to vector<1x16xf32>
        tpu.vector_store %arg9[%parallel_loop3A_259, %parallel_loop3A_260], %parallel_loop3A_263 {strides = array<i32>} : memref<80x128xf32, #tpu.memory_space<vmem>>, vector<1x16xf32>,
      } {sc.loop_unroll_factor = 2 : i64, sc.parallel_access}
      %dma_start3A_97 = arith.constant 1 : i32
      %dma_start3A_98 = arith.constant 0 : i32
      %dma_start3A_99 = tpu.memref_slice %arg7[%dma_start3A_97, %dma_start3A_98] : memref<2x80xi32, #tpu.memory_space<vmem>> -> memref<1x80xi32, #tpu.memory_space<vmem>>
      %dma_start3A_100 = tpu.memref_squeeze %dma_start3A_99 : memref<1x80xi32, #tpu.memory_space<vmem>> -> memref<80xi32, #tpu.memory_space<vmem>>
      %dma_start3A_101 = arith.constant 0 : i32
      %dma_start3A_102 = arith.constant 0 : i32
      %dma_start3A_103 = tpu.memref_slice %arg13[%dma_start3A_101, %dma_start3A_102] : memref<10240x128xf32, #tpu.memory_space<vmem_shared>> -> memref<10240x128xf32, #tpu.memory_space<vmem_shared>>
      tpu.enqueue_indirect_dma source(%arg9 : memref<80x128xf32, #tpu.memory_space<vmem>>) target(%dma_start3A_103 : memref<10240x128xf32, #tpu.memory_space<vmem_shared>>) offsets(%dma_start3A_100 : memref<80xi32, #tpu.memory_space<vmem>>) semaphore(%arg18 : memref<!tpu.dma_semaphore, #tpu.memory_space<semaphore_mem>>) {add = true}
      %dma_wait3A_104 = arith.constant 1 : i32
      %dma_wait3A_105 = arith.constant 0 : i32
      %dma_wait3A_106 = tpu.memref_slice %arg7[%dma_wait3A_104, %dma_wait3A_105] : memref<2x80xi32, #tpu.memory_space<vmem>> -> memref<1x80xi32, #tpu.memory_space<vmem>>
      %dma_wait3A_107 = tpu.memref_squeeze %dma_wait3A_106 : memref<1x80xi32, #tpu.memory_space<vmem>> -> memref<80xi32, #tpu.memory_space<vmem>>
      %dma_wait3A_108 = arith.constant 0 : i32
      %dma_wait3A_109 = arith.constant 0 : i32
      %dma_wait3A_110 = tpu.memref_slice %arg13[%dma_wait3A_108, %dma_wait3A_109] : memref<10240x128xf32, #tpu.memory_space<vmem_shared>> -> memref<10240x128xf32, #tpu.memory_space<vmem_shared>>
      tpu.wait_indirect_dma semaphore(%arg18 : memref<!tpu.dma_semaphore, #tpu.memory_space<semaphore_mem>>) src(%arg9 : memref<80x128xf32, #tpu.memory_space<vmem>>) dst(%dma_wait3A_110 : memref<10240x128xf32, #tpu.memory_space<vmem_shared>>)
      %add3A_111 = arith.constant 2 : i32
      %add3A_112 = arith.addi %mul3A_61, %add3A_111 : i32
      %mul3A_113 = arith.constant 80 : i32
      %mul3A_114 = arith.muli %add3A_112, %mul3A_113 : i32
      %add3A_115 = arith.addi %mul3A_4, %mul3A_114 : i32
      %multiple_of3A_116 = tpu.assume_multiple %add3A_115, 8 : i32
      "tpu.region"() ({
        %run_scoped3A_151 = tpu.sem_alloc : memref<!tpu.dma_semaphore, #tpu.memory_space<semaphore_mem>>
        %dma_start3A_152 = arith.constant 0 : i32
        %dma_start3A_153 = arith.constant 0 : i32
        %dma_start3A_154 = tpu.memref_slice %arg4[%add3A, %add3A_112, %dma_start3A_152, %dma_start3A_153] : memref<32x125x2x80xi32, #tpu.memory_space<hbm>> -> memref<1x1x2x80xi32, #tpu.memory_space<hbm>>
        %dma_start3A_155 = tpu.memref_squeeze %dma_start3A_154 : memref<1x1x2x80xi32, #tpu.memory_space<hbm>> -> memref<2x80xi32, #tpu.memory_space<hbm>>
        %dma_start3A_156 = arith.constant 0 : i32
        %dma_start3A_157 = arith.constant 0 : i32
        %dma_start3A_158 = tpu.memref_slice %arg4[%add3A, %add3A_112, %dma_start3A_156, %dma_start3A_157] : memref<32x125x2x80xi32, #tpu.memory_space<hbm>> -> memref<1x1x2x80xi32, #tpu.memory_space<hbm>>
        %dma_start3A_159 = tpu.memref_squeeze %dma_start3A_158 : memref<1x1x2x80xi32, #tpu.memory_space<hbm>> -> memref<2x80xi32, #tpu.memory_space<hbm>>
        tpu.enqueue_dma source(%dma_start3A_159 : memref<2x80xi32, #tpu.memory_space<hbm>>) target(%arg7 : memref<2x80xi32, #tpu.memory_space<vmem>>) target_semaphore(%run_scoped3A_151 : memref<!tpu.dma_semaphore, #tpu.memory_space<semaphore_mem>>)
        %dma_wait3A_160 = arith.constant 0 : i32
        %dma_wait3A_161 = arith.constant 0 : i32
        %dma_wait3A_162 = tpu.memref_slice %arg4[%add3A, %add3A_112, %dma_wait3A_160, %dma_wait3A_161] : memref<32x125x2x80xi32, #tpu.memory_space<hbm>> -> memref<1x1x2x80xi32, #tpu.memory_space<hbm>>
        %dma_wait3A_163 = tpu.memref_squeeze %dma_wait3A_162 : memref<1x1x2x80xi32, #tpu.memory_space<hbm>> -> memref<2x80xi32, #tpu.memory_space<hbm>>
        %dma_wait3A_164 = arith.constant 0 : i32
        %dma_wait3A_165 = arith.constant 0 : i32
        %dma_wait3A_166 = tpu.memref_slice %arg4[%add3A, %add3A_112, %dma_wait3A_164, %dma_wait3A_165] : memref<32x125x2x80xi32, #tpu.memory_space<hbm>> -> memref<1x1x2x80xi32, #tpu.memory_space<hbm>>
        %dma_wait3A_167 = tpu.memref_squeeze %dma_wait3A_166 : memref<1x1x2x80xi32, #tpu.memory_space<hbm>> -> memref<2x80xi32, #tpu.memory_space<hbm>>
        tpu.wait_dma2 semaphore(%run_scoped3A_151 : memref<!tpu.dma_semaphore, #tpu.memory_space<semaphore_mem>>) src(%dma_wait3A_167 : memref<2x80xi32, #tpu.memory_space<hbm>>) dst(%arg7 : memref<2x80xi32, #tpu.memory_space<vmem>>)
        tpu.yield
      }) : () -> ()
      %dma_start3A_117 = arith.constant 0 : i32
      %dma_start3A_118 = arith.constant 0 : i32
      %dma_start3A_119 = tpu.memref_slice %arg7[%dma_start3A_117, %dma_start3A_118] : memref<2x80xi32, #tpu.memory_space<vmem>> -> memref<1x80xi32, #tpu.memory_space<vmem>>
      %dma_start3A_120 = tpu.memref_squeeze %dma_start3A_119 : memref<1x80xi32, #tpu.memory_space<vmem>> -> memref<80xi32, #tpu.memory_space<vmem>>
      %dma_start3A_121 = arith.constant 0 : i32
      %dma_start3A_122 = arith.constant 0 : i32
      %dma_start3A_123 = tpu.memref_slice %arg2[%dma_start3A_121, %dma_start3A_122] : memref<40000x128xf32, #tpu.memory_space<hbm>> -> memref<40000x128xf32, #tpu.memory_space<hbm>>
      tpu.enqueue_indirect_dma source(%dma_start3A_123 : memref<40000x128xf32, #tpu.memory_space<hbm>>) target(%arg9 : memref<80x128xf32, #tpu.memory_space<vmem>>) offsets(%dma_start3A_120 : memref<80xi32, #tpu.memory_space<vmem>>) semaphore(%arg14 : memref<!tpu.dma_semaphore, #tpu.memory_space<semaphore_mem>>)
      %dma_start3A_124 = arith.constant 0 : i32
      %dma_start3A_125 = tpu.memref_slice %arg3[%multiple_of3A_116, %dma_start3A_124] : memref<320000x128xf32, #tpu.memory_space<hbm>> -> memref<80x128xf32, #tpu.memory_space<hbm>>
      %dma_start3A_126 = arith.constant 0 : i32
      %dma_start3A_127 = tpu.memref_slice %arg3[%multiple_of3A_116, %dma_start3A_126] : memref<320000x128xf32, #tpu.memory_space<hbm>> -> memref<80x128xf32, #tpu.memory_space<hbm>>
      tpu.enqueue_dma source(%dma_start3A_127 : memref<80x128xf32, #tpu.memory_space<hbm>>) target(%arg11 : memref<80x128xf32, #tpu.memory_space<vmem>>) target_semaphore(%arg16 : memref<!tpu.dma_semaphore, #tpu.memory_space<semaphore_mem>>)
      %dma_wait3A_128 = arith.constant 0 : i32
      %dma_wait3A_129 = arith.constant 0 : i32
      %dma_wait3A_130 = tpu.memref_slice %arg8[%dma_wait3A_128, %dma_wait3A_129] : memref<2x80xi32, #tpu.memory_space<vmem>> -> memref<1x80xi32, #tpu.memory_space<vmem>>
      %dma_wait3A_131 = tpu.memref_squeeze %dma_wait3A_130 : memref<1x80xi32, #tpu.memory_space<vmem>> -> memref<80xi32, #tpu.memory_space<vmem>>
      %dma_wait3A_132 = arith.constant 0 : i32
      %dma_wait3A_133 = arith.constant 0 : i32
      %dma_wait3A_134 = tpu.memref_slice %arg2[%dma_wait3A_132, %dma_wait3A_133] : memref<40000x128xf32, #tpu.memory_space<hbm>> -> memref<40000x128xf32, #tpu.memory_space<hbm>>
      tpu.wait_indirect_dma semaphore(%arg15 : memref<!tpu.dma_semaphore, #tpu.memory_space<semaphore_mem>>) src(%dma_wait3A_134 : memref<40000x128xf32, #tpu.memory_space<hbm>>) dst(%arg10 : memref<80x128xf32, #tpu.memory_space<vmem>>)
      %dma_wait3A_135 = arith.constant 0 : i32
      %dma_wait3A_136 = arith.constant 0 : i32
      %dma_wait3A_137 = tpu.memref_slice %arg3[%dma_wait3A_135, %dma_wait3A_136] : memref<320000x128xf32, #tpu.memory_space<hbm>> -> memref<80x128xf32, #tpu.memory_space<hbm>>
      %dma_wait3A_138 = arith.constant 0 : i32
      %dma_wait3A_139 = arith.constant 0 : i32
      %dma_wait3A_140 = tpu.memref_slice %arg3[%dma_wait3A_138, %dma_wait3A_139] : memref<320000x128xf32, #tpu.memory_space<hbm>> -> memref<80x128xf32, #tpu.memory_space<hbm>>
      tpu.wait_dma2 semaphore(%arg17 : memref<!tpu.dma_semaphore, #tpu.memory_space<semaphore_mem>>) src(%dma_wait3A_140 : memref<80x128xf32, #tpu.memory_space<hbm>>) dst(%arg12 : memref<80x128xf32, #tpu.memory_space<vmem>>)
      %parallel_loop3A_141 = arith.constant 0 : i32
      %parallel_loop3A_142 = arith.constant 80 : i32
      %parallel_loop3A_143 = arith.constant 1 : i32
      scf.for %parallel_loop3A_151 = %parallel_loop3A_141 to %parallel_loop3A_142 step %parallel_loop3A_143  : i32 {
        %parallel_loop3A_152 = arith.index_cast %parallel_loop3A_151 : i32 to index
        %parallel_loop3A_153 = arith.constant 0 : index
        %parallel_loop3A_154 = tpu.vector_load %arg10[%parallel_loop3A_152, %parallel_loop3A_153] {strides = array<i32>} : memref<80x128xf32, #tpu.memory_space<vmem>>, vector<1x16xf32>,
        %parallel_loop3A_155 = vector.shape_cast %parallel_loop3A_154 : vector<1x16xf32> to vector<16xf32>
        %parallel_loop3A_156 = arith.index_cast %parallel_loop3A_151 : i32 to index
        %parallel_loop3A_157 = arith.constant 0 : index
        %parallel_loop3A_158 = tpu.vector_load %arg12[%parallel_loop3A_156, %parallel_loop3A_157] {strides = array<i32>} : memref<80x128xf32, #tpu.memory_space<vmem>>, vector<1x16xf32>,
        %parallel_loop3A_159 = vector.shape_cast %parallel_loop3A_158 : vector<1x16xf32> to vector<16xf32>
        %parallel_loop3A_160 = arith.mulf %parallel_loop3A_155, %parallel_loop3A_159 : vector<16xf32>
        %parallel_loop3A_161 = arith.index_cast %parallel_loop3A_151 : i32 to index
        %parallel_loop3A_162 = arith.constant 0 : index
        %parallel_loop3A_163 = tpu.vector_load %arg10[%parallel_loop3A_161, %parallel_loop3A_162] {strides = array<i32>} : memref<80x128xf32, #tpu.memory_space<vmem>>, vector<1x16xf32>,
        %parallel_loop3A_164 = vector.shape_cast %parallel_loop3A_163 : vector<1x16xf32> to vector<16xf32>
        %parallel_loop3A_165 = vector.shape_cast %parallel_loop3A_160 : vector<16xf32> to vector<1x16xf32>
        tpu.vector_store %arg10[%parallel_loop3A_161, %parallel_loop3A_162], %parallel_loop3A_165 {strides = array<i32>} : memref<80x128xf32, #tpu.memory_space<vmem>>, vector<1x16xf32>,
        %parallel_loop3A_166 = arith.index_cast %parallel_loop3A_151 : i32 to index
        %parallel_loop3A_167 = arith.constant 16 : index
        %parallel_loop3A_168 = tpu.vector_load %arg10[%parallel_loop3A_166, %parallel_loop3A_167] {strides = array<i32>} : memref<80x128xf32, #tpu.memory_space<vmem>>, vector<1x16xf32>,
        %parallel_loop3A_169 = vector.shape_cast %parallel_loop3A_168 : vector<1x16xf32> to vector<16xf32>
        %parallel_loop3A_170 = arith.index_cast %parallel_loop3A_151 : i32 to index
        %parallel_loop3A_171 = arith.constant 16 : index
        %parallel_loop3A_172 = tpu.vector_load %arg12[%parallel_loop3A_170, %parallel_loop3A_171] {strides = array<i32>} : memref<80x128xf32, #tpu.memory_space<vmem>>, vector<1x16xf32>,
        %parallel_loop3A_173 = vector.shape_cast %parallel_loop3A_172 : vector<1x16xf32> to vector<16xf32>
        %parallel_loop3A_174 = arith.mulf %parallel_loop3A_169, %parallel_loop3A_173 : vector<16xf32>
        %parallel_loop3A_175 = arith.index_cast %parallel_loop3A_151 : i32 to index
        %parallel_loop3A_176 = arith.constant 16 : index
        %parallel_loop3A_177 = tpu.vector_load %arg10[%parallel_loop3A_175, %parallel_loop3A_176] {strides = array<i32>} : memref<80x128xf32, #tpu.memory_space<vmem>>, vector<1x16xf32>,
        %parallel_loop3A_178 = vector.shape_cast %parallel_loop3A_177 : vector<1x16xf32> to vector<16xf32>
        %parallel_loop3A_179 = vector.shape_cast %parallel_loop3A_174 : vector<16xf32> to vector<1x16xf32>
        tpu.vector_store %arg10[%parallel_loop3A_175, %parallel_loop3A_176], %parallel_loop3A_179 {strides = array<i32>} : memref<80x128xf32, #tpu.memory_space<vmem>>, vector<1x16xf32>,
        %parallel_loop3A_180 = arith.index_cast %parallel_loop3A_151 : i32 to index
        %parallel_loop3A_181 = arith.constant 32 : index
        %parallel_loop3A_182 = tpu.vector_load %arg10[%parallel_loop3A_180, %parallel_loop3A_181] {strides = array<i32>} : memref<80x128xf32, #tpu.memory_space<vmem>>, vector<1x16xf32>,
        %parallel_loop3A_183 = vector.shape_cast %parallel_loop3A_182 : vector<1x16xf32> to vector<16xf32>
        %parallel_loop3A_184 = arith.index_cast %parallel_loop3A_151 : i32 to index
        %parallel_loop3A_185 = arith.constant 32 : index
        %parallel_loop3A_186 = tpu.vector_load %arg12[%parallel_loop3A_184, %parallel_loop3A_185] {strides = array<i32>} : memref<80x128xf32, #tpu.memory_space<vmem>>, vector<1x16xf32>,
        %parallel_loop3A_187 = vector.shape_cast %parallel_loop3A_186 : vector<1x16xf32> to vector<16xf32>
        %parallel_loop3A_188 = arith.mulf %parallel_loop3A_183, %parallel_loop3A_187 : vector<16xf32>
        %parallel_loop3A_189 = arith.index_cast %parallel_loop3A_151 : i32 to index
        %parallel_loop3A_190 = arith.constant 32 : index
        %parallel_loop3A_191 = tpu.vector_load %arg10[%parallel_loop3A_189, %parallel_loop3A_190] {strides = array<i32>} : memref<80x128xf32, #tpu.memory_space<vmem>>, vector<1x16xf32>,
        %parallel_loop3A_192 = vector.shape_cast %parallel_loop3A_191 : vector<1x16xf32> to vector<16xf32>
        %parallel_loop3A_193 = vector.shape_cast %parallel_loop3A_188 : vector<16xf32> to vector<1x16xf32>
        tpu.vector_store %arg10[%parallel_loop3A_189, %parallel_loop3A_190], %parallel_loop3A_193 {strides = array<i32>} : memref<80x128xf32, #tpu.memory_space<vmem>>, vector<1x16xf32>,
        %parallel_loop3A_194 = arith.index_cast %parallel_loop3A_151 : i32 to index
        %parallel_loop3A_195 = arith.constant 48 : index
        %parallel_loop3A_196 = tpu.vector_load %arg10[%parallel_loop3A_194, %parallel_loop3A_195] {strides = array<i32>} : memref<80x128xf32, #tpu.memory_space<vmem>>, vector<1x16xf32>,
        %parallel_loop3A_197 = vector.shape_cast %parallel_loop3A_196 : vector<1x16xf32> to vector<16xf32>
        %parallel_loop3A_198 = arith.index_cast %parallel_loop3A_151 : i32 to index
        %parallel_loop3A_199 = arith.constant 48 : index
        %parallel_loop3A_200 = tpu.vector_load %arg12[%parallel_loop3A_198, %parallel_loop3A_199] {strides = array<i32>} : memref<80x128xf32, #tpu.memory_space<vmem>>, vector<1x16xf32>,
        %parallel_loop3A_201 = vector.shape_cast %parallel_loop3A_200 : vector<1x16xf32> to vector<16xf32>
        %parallel_loop3A_202 = arith.mulf %parallel_loop3A_197, %parallel_loop3A_201 : vector<16xf32>
        %parallel_loop3A_203 = arith.index_cast %parallel_loop3A_151 : i32 to index
        %parallel_loop3A_204 = arith.constant 48 : index
        %parallel_loop3A_205 = tpu.vector_load %arg10[%parallel_loop3A_203, %parallel_loop3A_204] {strides = array<i32>} : memref<80x128xf32, #tpu.memory_space<vmem>>, vector<1x16xf32>,
        %parallel_loop3A_206 = vector.shape_cast %parallel_loop3A_205 : vector<1x16xf32> to vector<16xf32>
        %parallel_loop3A_207 = vector.shape_cast %parallel_loop3A_202 : vector<16xf32> to vector<1x16xf32>
        tpu.vector_store %arg10[%parallel_loop3A_203, %parallel_loop3A_204], %parallel_loop3A_207 {strides = array<i32>} : memref<80x128xf32, #tpu.memory_space<vmem>>, vector<1x16xf32>,
        %parallel_loop3A_208 = arith.index_cast %parallel_loop3A_151 : i32 to index
        %parallel_loop3A_209 = arith.constant 64 : index
        %parallel_loop3A_210 = tpu.vector_load %arg10[%parallel_loop3A_208, %parallel_loop3A_209] {strides = array<i32>} : memref<80x128xf32, #tpu.memory_space<vmem>>, vector<1x16xf32>,
        %parallel_loop3A_211 = vector.shape_cast %parallel_loop3A_210 : vector<1x16xf32> to vector<16xf32>
        %parallel_loop3A_212 = arith.index_cast %parallel_loop3A_151 : i32 to index
        %parallel_loop3A_213 = arith.constant 64 : index
        %parallel_loop3A_214 = tpu.vector_load %arg12[%parallel_loop3A_212, %parallel_loop3A_213] {strides = array<i32>} : memref<80x128xf32, #tpu.memory_space<vmem>>, vector<1x16xf32>,
        %parallel_loop3A_215 = vector.shape_cast %parallel_loop3A_214 : vector<1x16xf32> to vector<16xf32>
        %parallel_loop3A_216 = arith.mulf %parallel_loop3A_211, %parallel_loop3A_215 : vector<16xf32>
        %parallel_loop3A_217 = arith.index_cast %parallel_loop3A_151 : i32 to index
        %parallel_loop3A_218 = arith.constant 64 : index
        %parallel_loop3A_219 = tpu.vector_load %arg10[%parallel_loop3A_217, %parallel_loop3A_218] {strides = array<i32>} : memref<80x128xf32, #tpu.memory_space<vmem>>, vector<1x16xf32>,
        %parallel_loop3A_220 = vector.shape_cast %parallel_loop3A_219 : vector<1x16xf32> to vector<16xf32>
        %parallel_loop3A_221 = vector.shape_cast %parallel_loop3A_216 : vector<16xf32> to vector<1x16xf32>
        tpu.vector_store %arg10[%parallel_loop3A_217, %parallel_loop3A_218], %parallel_loop3A_221 {strides = array<i32>} : memref<80x128xf32, #tpu.memory_space<vmem>>, vector<1x16xf32>,
        %parallel_loop3A_222 = arith.index_cast %parallel_loop3A_151 : i32 to index
        %parallel_loop3A_223 = arith.constant 80 : index
        %parallel_loop3A_224 = tpu.vector_load %arg10[%parallel_loop3A_222, %parallel_loop3A_223] {strides = array<i32>} : memref<80x128xf32, #tpu.memory_space<vmem>>, vector<1x16xf32>,
        %parallel_loop3A_225 = vector.shape_cast %parallel_loop3A_224 : vector<1x16xf32> to vector<16xf32>
        %parallel_loop3A_226 = arith.index_cast %parallel_loop3A_151 : i32 to index
        %parallel_loop3A_227 = arith.constant 80 : index
        %parallel_loop3A_228 = tpu.vector_load %arg12[%parallel_loop3A_226, %parallel_loop3A_227] {strides = array<i32>} : memref<80x128xf32, #tpu.memory_space<vmem>>, vector<1x16xf32>,
        %parallel_loop3A_229 = vector.shape_cast %parallel_loop3A_228 : vector<1x16xf32> to vector<16xf32>
        %parallel_loop3A_230 = arith.mulf %parallel_loop3A_225, %parallel_loop3A_229 : vector<16xf32>
        %parallel_loop3A_231 = arith.index_cast %parallel_loop3A_151 : i32 to index
        %parallel_loop3A_232 = arith.constant 80 : index
        %parallel_loop3A_233 = tpu.vector_load %arg10[%parallel_loop3A_231, %parallel_loop3A_232] {strides = array<i32>} : memref<80x128xf32, #tpu.memory_space<vmem>>, vector<1x16xf32>,
        %parallel_loop3A_234 = vector.shape_cast %parallel_loop3A_233 : vector<1x16xf32> to vector<16xf32>
        %parallel_loop3A_235 = vector.shape_cast %parallel_loop3A_230 : vector<16xf32> to vector<1x16xf32>
        tpu.vector_store %arg10[%parallel_loop3A_231, %parallel_loop3A_232], %parallel_loop3A_235 {strides = array<i32>} : memref<80x128xf32, #tpu.memory_space<vmem>>, vector<1x16xf32>,
        %parallel_loop3A_236 = arith.index_cast %parallel_loop3A_151 : i32 to index
        %parallel_loop3A_237 = arith.constant 96 : index
        %parallel_loop3A_238 = tpu.vector_load %arg10[%parallel_loop3A_236, %parallel_loop3A_237] {strides = array<i32>} : memref<80x128xf32, #tpu.memory_space<vmem>>, vector<1x16xf32>,
        %parallel_loop3A_239 = vector.shape_cast %parallel_loop3A_238 : vector<1x16xf32> to vector<16xf32>
        %parallel_loop3A_240 = arith.index_cast %parallel_loop3A_151 : i32 to index
        %parallel_loop3A_241 = arith.constant 96 : index
        %parallel_loop3A_242 = tpu.vector_load %arg12[%parallel_loop3A_240, %parallel_loop3A_241] {strides = array<i32>} : memref<80x128xf32, #tpu.memory_space<vmem>>, vector<1x16xf32>,
        %parallel_loop3A_243 = vector.shape_cast %parallel_loop3A_242 : vector<1x16xf32> to vector<16xf32>
        %parallel_loop3A_244 = arith.mulf %parallel_loop3A_239, %parallel_loop3A_243 : vector<16xf32>
        %parallel_loop3A_245 = arith.index_cast %parallel_loop3A_151 : i32 to index
        %parallel_loop3A_246 = arith.constant 96 : index
        %parallel_loop3A_247 = tpu.vector_load %arg10[%parallel_loop3A_245, %parallel_loop3A_246] {strides = array<i32>} : memref<80x128xf32, #tpu.memory_space<vmem>>, vector<1x16xf32>,
        %parallel_loop3A_248 = vector.shape_cast %parallel_loop3A_247 : vector<1x16xf32> to vector<16xf32>
        %parallel_loop3A_249 = vector.shape_cast %parallel_loop3A_244 : vector<16xf32> to vector<1x16xf32>
        tpu.vector_store %arg10[%parallel_loop3A_245, %parallel_loop3A_246], %parallel_loop3A_249 {strides = array<i32>} : memref<80x128xf32, #tpu.memory_space<vmem>>, vector<1x16xf32>,
        %parallel_loop3A_250 = arith.index_cast %parallel_loop3A_151 : i32 to index
        %parallel_loop3A_251 = arith.constant 112 : index
        %parallel_loop3A_252 = tpu.vector_load %arg10[%parallel_loop3A_250, %parallel_loop3A_251] {strides = array<i32>} : memref<80x128xf32, #tpu.memory_space<vmem>>, vector<1x16xf32>,
        %parallel_loop3A_253 = vector.shape_cast %parallel_loop3A_252 : vector<1x16xf32> to vector<16xf32>
        %parallel_loop3A_254 = arith.index_cast %parallel_loop3A_151 : i32 to index
        %parallel_loop3A_255 = arith.constant 112 : index
        %parallel_loop3A_256 = tpu.vector_load %arg12[%parallel_loop3A_254, %parallel_loop3A_255] {strides = array<i32>} : memref<80x128xf32, #tpu.memory_space<vmem>>, vector<1x16xf32>,
        %parallel_loop3A_257 = vector.shape_cast %parallel_loop3A_256 : vector<1x16xf32> to vector<16xf32>
        %parallel_loop3A_258 = arith.mulf %parallel_loop3A_253, %parallel_loop3A_257 : vector<16xf32>
        %parallel_loop3A_259 = arith.index_cast %parallel_loop3A_151 : i32 to index
        %parallel_loop3A_260 = arith.constant 112 : index
        %parallel_loop3A_261 = tpu.vector_load %arg10[%parallel_loop3A_259, %parallel_loop3A_260] {strides = array<i32>} : memref<80x128xf32, #tpu.memory_space<vmem>>, vector<1x16xf32>,
        %parallel_loop3A_262 = vector.shape_cast %parallel_loop3A_261 : vector<1x16xf32> to vector<16xf32>
        %parallel_loop3A_263 = vector.shape_cast %parallel_loop3A_258 : vector<16xf32> to vector<1x16xf32>
        tpu.vector_store %arg10[%parallel_loop3A_259, %parallel_loop3A_260], %parallel_loop3A_263 {strides = array<i32>} : memref<80x128xf32, #tpu.memory_space<vmem>>, vector<1x16xf32>,
      } {sc.loop_unroll_factor = 2 : i64, sc.parallel_access}
      %dma_start3A_144 = arith.constant 1 : i32
      %dma_start3A_145 = arith.constant 0 : i32
      %dma_start3A_146 = tpu.memref_slice %arg8[%dma_start3A_144, %dma_start3A_145] : memref<2x80xi32, #tpu.memory_space<vmem>> -> memref<1x80xi32, #tpu.memory_space<vmem>>
      %dma_start3A_147 = tpu.memref_squeeze %dma_start3A_146 : memref<1x80xi32, #tpu.memory_space<vmem>> -> memref<80xi32, #tpu.memory_space<vmem>>
      %dma_start3A_148 = arith.constant 0 : i32
      %dma_start3A_149 = arith.constant 0 : i32
      %dma_start3A_150 = tpu.memref_slice %arg13[%dma_start3A_148, %dma_start3A_149] : memref<10240x128xf32, #tpu.memory_space<vmem_shared>> -> memref<10240x128xf32, #tpu.memory_space<vmem_shared>>
      tpu.enqueue_indirect_dma source(%arg10 : memref<80x128xf32, #tpu.memory_space<vmem>>) target(%dma_start3A_150 : memref<10240x128xf32, #tpu.memory_space<vmem_shared>>) offsets(%dma_start3A_147 : memref<80xi32, #tpu.memory_space<vmem>>) semaphore(%arg19 : memref<!tpu.dma_semaphore, #tpu.memory_space<semaphore_mem>>) {add = true}
    }
    %scan3A_22 = arith.constant 62 : i32
    %dma_wait3A = arith.constant 0 : i32
    %dma_wait3A_23 = arith.constant 0 : i32
    %dma_wait3A_24 = tpu.memref_slice %arg7[%dma_wait3A, %dma_wait3A_23] : memref<2x80xi32, #tpu.memory_space<vmem>> -> memref<1x80xi32, #tpu.memory_space<vmem>>
    %dma_wait3A_25 = tpu.memref_squeeze %dma_wait3A_24 : memref<1x80xi32, #tpu.memory_space<vmem>> -> memref<80xi32, #tpu.memory_space<vmem>>
    %dma_wait3A_26 = arith.constant 0 : i32
    %dma_wait3A_27 = arith.constant 0 : i32
    %dma_wait3A_28 = tpu.memref_slice %arg2[%dma_wait3A_26, %dma_wait3A_27] : memref<40000x128xf32, #tpu.memory_space<hbm>> -> memref<40000x128xf32, #tpu.memory_space<hbm>>
    tpu.wait_indirect_dma semaphore(%arg14 : memref<!tpu.dma_semaphore, #tpu.memory_space<semaphore_mem>>) src(%dma_wait3A_28 : memref<40000x128xf32, #tpu.memory_space<hbm>>) dst(%arg9 : memref<80x128xf32, #tpu.memory_space<vmem>>)
    %dma_wait3A_29 = arith.constant 0 : i32
    %dma_wait3A_30 = arith.constant 0 : i32
    %dma_wait3A_31 = tpu.memref_slice %arg3[%dma_wait3A_29, %dma_wait3A_30] : memref<320000x128xf32, #tpu.memory_space<hbm>> -> memref<80x128xf32, #tpu.memory_space<hbm>>
    %dma_wait3A_32 = arith.constant 0 : i32
    %dma_wait3A_33 = arith.constant 0 : i32
    %dma_wait3A_34 = tpu.memref_slice %arg3[%dma_wait3A_32, %dma_wait3A_33] : memref<320000x128xf32, #tpu.memory_space<hbm>> -> memref<80x128xf32, #tpu.memory_space<hbm>>
    tpu.wait_dma2 semaphore(%arg16 : memref<!tpu.dma_semaphore, #tpu.memory_space<semaphore_mem>>) src(%dma_wait3A_34 : memref<80x128xf32, #tpu.memory_space<hbm>>) dst(%arg11 : memref<80x128xf32, #tpu.memory_space<vmem>>)
    %parallel_loop3A = arith.constant 0 : i32
    %parallel_loop3A_35 = arith.constant 80 : i32
    %parallel_loop3A_36 = arith.constant 1 : i32
    scf.for %parallel_loop3A_59 = %parallel_loop3A to %parallel_loop3A_35 step %parallel_loop3A_36  : i32 {
      %parallel_loop3A_60 = arith.index_cast %parallel_loop3A_59 : i32 to index
      %parallel_loop3A_61 = arith.constant 0 : index
      %parallel_loop3A_62 = tpu.vector_load %arg9[%parallel_loop3A_60, %parallel_loop3A_61] {strides = array<i32>} : memref<80x128xf32, #tpu.memory_space<vmem>>, vector<1x16xf32>,
      %parallel_loop3A_63 = vector.shape_cast %parallel_loop3A_62 : vector<1x16xf32> to vector<16xf32>
      %parallel_loop3A_64 = arith.index_cast %parallel_loop3A_59 : i32 to index
      %parallel_loop3A_65 = arith.constant 0 : index
      %parallel_loop3A_66 = tpu.vector_load %arg11[%parallel_loop3A_64, %parallel_loop3A_65] {strides = array<i32>} : memref<80x128xf32, #tpu.memory_space<vmem>>, vector<1x16xf32>,
      %parallel_loop3A_67 = vector.shape_cast %parallel_loop3A_66 : vector<1x16xf32> to vector<16xf32>
      %parallel_loop3A_68 = arith.mulf %parallel_loop3A_63, %parallel_loop3A_67 : vector<16xf32>
      %parallel_loop3A_69 = arith.index_cast %parallel_loop3A_59 : i32 to index
      %parallel_loop3A_70 = arith.constant 0 : index
      %parallel_loop3A_71 = tpu.vector_load %arg9[%parallel_loop3A_69, %parallel_loop3A_70] {strides = array<i32>} : memref<80x128xf32, #tpu.memory_space<vmem>>, vector<1x16xf32>,
      %parallel_loop3A_72 = vector.shape_cast %parallel_loop3A_71 : vector<1x16xf32> to vector<16xf32>
      %parallel_loop3A_73 = vector.shape_cast %parallel_loop3A_68 : vector<16xf32> to vector<1x16xf32>
      tpu.vector_store %arg9[%parallel_loop3A_69, %parallel_loop3A_70], %parallel_loop3A_73 {strides = array<i32>} : memref<80x128xf32, #tpu.memory_space<vmem>>, vector<1x16xf32>,
      %parallel_loop3A_74 = arith.index_cast %parallel_loop3A_59 : i32 to index
      %parallel_loop3A_75 = arith.constant 16 : index
      %parallel_loop3A_76 = tpu.vector_load %arg9[%parallel_loop3A_74, %parallel_loop3A_75] {strides = array<i32>} : memref<80x128xf32, #tpu.memory_space<vmem>>, vector<1x16xf32>,
      %parallel_loop3A_77 = vector.shape_cast %parallel_loop3A_76 : vector<1x16xf32> to vector<16xf32>
      %parallel_loop3A_78 = arith.index_cast %parallel_loop3A_59 : i32 to index
      %parallel_loop3A_79 = arith.constant 16 : index
      %parallel_loop3A_80 = tpu.vector_load %arg11[%parallel_loop3A_78, %parallel_loop3A_79] {strides = array<i32>} : memref<80x128xf32, #tpu.memory_space<vmem>>, vector<1x16xf32>,
      %parallel_loop3A_81 = vector.shape_cast %parallel_loop3A_80 : vector<1x16xf32> to vector<16xf32>
      %parallel_loop3A_82 = arith.mulf %parallel_loop3A_77, %parallel_loop3A_81 : vector<16xf32>
      %parallel_loop3A_83 = arith.index_cast %parallel_loop3A_59 : i32 to index
      %parallel_loop3A_84 = arith.constant 16 : index
      %parallel_loop3A_85 = tpu.vector_load %arg9[%parallel_loop3A_83, %parallel_loop3A_84] {strides = array<i32>} : memref<80x128xf32, #tpu.memory_space<vmem>>, vector<1x16xf32>,
      %parallel_loop3A_86 = vector.shape_cast %parallel_loop3A_85 : vector<1x16xf32> to vector<16xf32>
      %parallel_loop3A_87 = vector.shape_cast %parallel_loop3A_82 : vector<16xf32> to vector<1x16xf32>
      tpu.vector_store %arg9[%parallel_loop3A_83, %parallel_loop3A_84], %parallel_loop3A_87 {strides = array<i32>} : memref<80x128xf32, #tpu.memory_space<vmem>>, vector<1x16xf32>,
      %parallel_loop3A_88 = arith.index_cast %parallel_loop3A_59 : i32 to index
      %parallel_loop3A_89 = arith.constant 32 : index
      %parallel_loop3A_90 = tpu.vector_load %arg9[%parallel_loop3A_88, %parallel_loop3A_89] {strides = array<i32>} : memref<80x128xf32, #tpu.memory_space<vmem>>, vector<1x16xf32>,
      %parallel_loop3A_91 = vector.shape_cast %parallel_loop3A_90 : vector<1x16xf32> to vector<16xf32>
      %parallel_loop3A_92 = arith.index_cast %parallel_loop3A_59 : i32 to index
      %parallel_loop3A_93 = arith.constant 32 : index
      %parallel_loop3A_94 = tpu.vector_load %arg11[%parallel_loop3A_92, %parallel_loop3A_93] {strides = array<i32>} : memref<80x128xf32, #tpu.memory_space<vmem>>, vector<1x16xf32>,
      %parallel_loop3A_95 = vector.shape_cast %parallel_loop3A_94 : vector<1x16xf32> to vector<16xf32>
      %parallel_loop3A_96 = arith.mulf %parallel_loop3A_91, %parallel_loop3A_95 : vector<16xf32>
      %parallel_loop3A_97 = arith.index_cast %parallel_loop3A_59 : i32 to index
      %parallel_loop3A_98 = arith.constant 32 : index
      %parallel_loop3A_99 = tpu.vector_load %arg9[%parallel_loop3A_97, %parallel_loop3A_98] {strides = array<i32>} : memref<80x128xf32, #tpu.memory_space<vmem>>, vector<1x16xf32>,
      %parallel_loop3A_100 = vector.shape_cast %parallel_loop3A_99 : vector<1x16xf32> to vector<16xf32>
      %parallel_loop3A_101 = vector.shape_cast %parallel_loop3A_96 : vector<16xf32> to vector<1x16xf32>
      tpu.vector_store %arg9[%parallel_loop3A_97, %parallel_loop3A_98], %parallel_loop3A_101 {strides = array<i32>} : memref<80x128xf32, #tpu.memory_space<vmem>>, vector<1x16xf32>,
      %parallel_loop3A_102 = arith.index_cast %parallel_loop3A_59 : i32 to index
      %parallel_loop3A_103 = arith.constant 48 : index
      %parallel_loop3A_104 = tpu.vector_load %arg9[%parallel_loop3A_102, %parallel_loop3A_103] {strides = array<i32>} : memref<80x128xf32, #tpu.memory_space<vmem>>, vector<1x16xf32>,
      %parallel_loop3A_105 = vector.shape_cast %parallel_loop3A_104 : vector<1x16xf32> to vector<16xf32>
      %parallel_loop3A_106 = arith.index_cast %parallel_loop3A_59 : i32 to index
      %parallel_loop3A_107 = arith.constant 48 : index
      %parallel_loop3A_108 = tpu.vector_load %arg11[%parallel_loop3A_106, %parallel_loop3A_107] {strides = array<i32>} : memref<80x128xf32, #tpu.memory_space<vmem>>, vector<1x16xf32>,
      %parallel_loop3A_109 = vector.shape_cast %parallel_loop3A_108 : vector<1x16xf32> to vector<16xf32>
      %parallel_loop3A_110 = arith.mulf %parallel_loop3A_105, %parallel_loop3A_109 : vector<16xf32>
      %parallel_loop3A_111 = arith.index_cast %parallel_loop3A_59 : i32 to index
      %parallel_loop3A_112 = arith.constant 48 : index
      %parallel_loop3A_113 = tpu.vector_load %arg9[%parallel_loop3A_111, %parallel_loop3A_112] {strides = array<i32>} : memref<80x128xf32, #tpu.memory_space<vmem>>, vector<1x16xf32>,
      %parallel_loop3A_114 = vector.shape_cast %parallel_loop3A_113 : vector<1x16xf32> to vector<16xf32>
      %parallel_loop3A_115 = vector.shape_cast %parallel_loop3A_110 : vector<16xf32> to vector<1x16xf32>
      tpu.vector_store %arg9[%parallel_loop3A_111, %parallel_loop3A_112], %parallel_loop3A_115 {strides = array<i32>} : memref<80x128xf32, #tpu.memory_space<vmem>>, vector<1x16xf32>,
      %parallel_loop3A_116 = arith.index_cast %parallel_loop3A_59 : i32 to index
      %parallel_loop3A_117 = arith.constant 64 : index
      %parallel_loop3A_118 = tpu.vector_load %arg9[%parallel_loop3A_116, %parallel_loop3A_117] {strides = array<i32>} : memref<80x128xf32, #tpu.memory_space<vmem>>, vector<1x16xf32>,
      %parallel_loop3A_119 = vector.shape_cast %parallel_loop3A_118 : vector<1x16xf32> to vector<16xf32>
      %parallel_loop3A_120 = arith.index_cast %parallel_loop3A_59 : i32 to index
      %parallel_loop3A_121 = arith.constant 64 : index
      %parallel_loop3A_122 = tpu.vector_load %arg11[%parallel_loop3A_120, %parallel_loop3A_121] {strides = array<i32>} : memref<80x128xf32, #tpu.memory_space<vmem>>, vector<1x16xf32>,
      %parallel_loop3A_123 = vector.shape_cast %parallel_loop3A_122 : vector<1x16xf32> to vector<16xf32>
      %parallel_loop3A_124 = arith.mulf %parallel_loop3A_119, %parallel_loop3A_123 : vector<16xf32>
      %parallel_loop3A_125 = arith.index_cast %parallel_loop3A_59 : i32 to index
      %parallel_loop3A_126 = arith.constant 64 : index
      %parallel_loop3A_127 = tpu.vector_load %arg9[%parallel_loop3A_125, %parallel_loop3A_126] {strides = array<i32>} : memref<80x128xf32, #tpu.memory_space<vmem>>, vector<1x16xf32>,
      %parallel_loop3A_128 = vector.shape_cast %parallel_loop3A_127 : vector<1x16xf32> to vector<16xf32>
      %parallel_loop3A_129 = vector.shape_cast %parallel_loop3A_124 : vector<16xf32> to vector<1x16xf32>
      tpu.vector_store %arg9[%parallel_loop3A_125, %parallel_loop3A_126], %parallel_loop3A_129 {strides = array<i32>} : memref<80x128xf32, #tpu.memory_space<vmem>>, vector<1x16xf32>,
      %parallel_loop3A_130 = arith.index_cast %parallel_loop3A_59 : i32 to index
      %parallel_loop3A_131 = arith.constant 80 : index
      %parallel_loop3A_132 = tpu.vector_load %arg9[%parallel_loop3A_130, %parallel_loop3A_131] {strides = array<i32>} : memref<80x128xf32, #tpu.memory_space<vmem>>, vector<1x16xf32>,
      %parallel_loop3A_133 = vector.shape_cast %parallel_loop3A_132 : vector<1x16xf32> to vector<16xf32>
      %parallel_loop3A_134 = arith.index_cast %parallel_loop3A_59 : i32 to index
      %parallel_loop3A_135 = arith.constant 80 : index
      %parallel_loop3A_136 = tpu.vector_load %arg11[%parallel_loop3A_134, %parallel_loop3A_135] {strides = array<i32>} : memref<80x128xf32, #tpu.memory_space<vmem>>, vector<1x16xf32>,
      %parallel_loop3A_137 = vector.shape_cast %parallel_loop3A_136 : vector<1x16xf32> to vector<16xf32>
      %parallel_loop3A_138 = arith.mulf %parallel_loop3A_133, %parallel_loop3A_137 : vector<16xf32>
      %parallel_loop3A_139 = arith.index_cast %parallel_loop3A_59 : i32 to index
      %parallel_loop3A_140 = arith.constant 80 : index
      %parallel_loop3A_141 = tpu.vector_load %arg9[%parallel_loop3A_139, %parallel_loop3A_140] {strides = array<i32>} : memref<80x128xf32, #tpu.memory_space<vmem>>, vector<1x16xf32>,
      %parallel_loop3A_142 = vector.shape_cast %parallel_loop3A_141 : vector<1x16xf32> to vector<16xf32>
      %parallel_loop3A_143 = vector.shape_cast %parallel_loop3A_138 : vector<16xf32> to vector<1x16xf32>
      tpu.vector_store %arg9[%parallel_loop3A_139, %parallel_loop3A_140], %parallel_loop3A_143 {strides = array<i32>} : memref<80x128xf32, #tpu.memory_space<vmem>>, vector<1x16xf32>,
      %parallel_loop3A_144 = arith.index_cast %parallel_loop3A_59 : i32 to index
      %parallel_loop3A_145 = arith.constant 96 : index
      %parallel_loop3A_146 = tpu.vector_load %arg9[%parallel_loop3A_144, %parallel_loop3A_145] {strides = array<i32>} : memref<80x128xf32, #tpu.memory_space<vmem>>, vector<1x16xf32>,
      %parallel_loop3A_147 = vector.shape_cast %parallel_loop3A_146 : vector<1x16xf32> to vector<16xf32>
      %parallel_loop3A_148 = arith.index_cast %parallel_loop3A_59 : i32 to index
      %parallel_loop3A_149 = arith.constant 96 : index
      %parallel_loop3A_150 = tpu.vector_load %arg11[%parallel_loop3A_148, %parallel_loop3A_149] {strides = array<i32>} : memref<80x128xf32, #tpu.memory_space<vmem>>, vector<1x16xf32>,
      %parallel_loop3A_151 = vector.shape_cast %parallel_loop3A_150 : vector<1x16xf32> to vector<16xf32>
      %parallel_loop3A_152 = arith.mulf %parallel_loop3A_147, %parallel_loop3A_151 : vector<16xf32>
      %parallel_loop3A_153 = arith.index_cast %parallel_loop3A_59 : i32 to index
      %parallel_loop3A_154 = arith.constant 96 : index
      %parallel_loop3A_155 = tpu.vector_load %arg9[%parallel_loop3A_153, %parallel_loop3A_154] {strides = array<i32>} : memref<80x128xf32, #tpu.memory_space<vmem>>, vector<1x16xf32>,
      %parallel_loop3A_156 = vector.shape_cast %parallel_loop3A_155 : vector<1x16xf32> to vector<16xf32>
      %parallel_loop3A_157 = vector.shape_cast %parallel_loop3A_152 : vector<16xf32> to vector<1x16xf32>
      tpu.vector_store %arg9[%parallel_loop3A_153, %parallel_loop3A_154], %parallel_loop3A_157 {strides = array<i32>} : memref<80x128xf32, #tpu.memory_space<vmem>>, vector<1x16xf32>,
      %parallel_loop3A_158 = arith.index_cast %parallel_loop3A_59 : i32 to index
      %parallel_loop3A_159 = arith.constant 112 : index
      %parallel_loop3A_160 = tpu.vector_load %arg9[%parallel_loop3A_158, %parallel_loop3A_159] {strides = array<i32>} : memref<80x128xf32, #tpu.memory_space<vmem>>, vector<1x16xf32>,
      %parallel_loop3A_161 = vector.shape_cast %parallel_loop3A_160 : vector<1x16xf32> to vector<16xf32>
      %parallel_loop3A_162 = arith.index_cast %parallel_loop3A_59 : i32 to index
      %parallel_loop3A_163 = arith.constant 112 : index
      %parallel_loop3A_164 = tpu.vector_load %arg11[%parallel_loop3A_162, %parallel_loop3A_163] {strides = array<i32>} : memref<80x128xf32, #tpu.memory_space<vmem>>, vector<1x16xf32>,
      %parallel_loop3A_165 = vector.shape_cast %parallel_loop3A_164 : vector<1x16xf32> to vector<16xf32>
      %parallel_loop3A_166 = arith.mulf %parallel_loop3A_161, %parallel_loop3A_165 : vector<16xf32>
      %parallel_loop3A_167 = arith.index_cast %parallel_loop3A_59 : i32 to index
      %parallel_loop3A_168 = arith.constant 112 : index
      %parallel_loop3A_169 = tpu.vector_load %arg9[%parallel_loop3A_167, %parallel_loop3A_168] {strides = array<i32>} : memref<80x128xf32, #tpu.memory_space<vmem>>, vector<1x16xf32>,
      %parallel_loop3A_170 = vector.shape_cast %parallel_loop3A_169 : vector<1x16xf32> to vector<16xf32>
      %parallel_loop3A_171 = vector.shape_cast %parallel_loop3A_166 : vector<16xf32> to vector<1x16xf32>
      tpu.vector_store %arg9[%parallel_loop3A_167, %parallel_loop3A_168], %parallel_loop3A_171 {strides = array<i32>} : memref<80x128xf32, #tpu.memory_space<vmem>>, vector<1x16xf32>,
    } {sc.loop_unroll_factor = 2 : i64, sc.parallel_access}
    %dma_start3A_37 = arith.constant 1 : i32
    %dma_start3A_38 = arith.constant 0 : i32
    %dma_start3A_39 = tpu.memref_slice %arg7[%dma_start3A_37, %dma_start3A_38] : memref<2x80xi32, #tpu.memory_space<vmem>> -> memref<1x80xi32, #tpu.memory_space<vmem>>
    %dma_start3A_40 = tpu.memref_squeeze %dma_start3A_39 : memref<1x80xi32, #tpu.memory_space<vmem>> -> memref<80xi32, #tpu.memory_space<vmem>>
    %dma_start3A_41 = arith.constant 0 : i32
    %dma_start3A_42 = arith.constant 0 : i32
    %dma_start3A_43 = tpu.memref_slice %arg13[%dma_start3A_41, %dma_start3A_42] : memref<10240x128xf32, #tpu.memory_space<vmem_shared>> -> memref<10240x128xf32, #tpu.memory_space<vmem_shared>>
    tpu.enqueue_indirect_dma source(%arg9 : memref<80x128xf32, #tpu.memory_space<vmem>>) target(%dma_start3A_43 : memref<10240x128xf32, #tpu.memory_space<vmem_shared>>) offsets(%dma_start3A_40 : memref<80xi32, #tpu.memory_space<vmem>>) semaphore(%arg18 : memref<!tpu.dma_semaphore, #tpu.memory_space<semaphore_mem>>) {add = true}
    %dma_wait3A_44 = arith.constant 1 : i32
    %dma_wait3A_45 = arith.constant 0 : i32
    %dma_wait3A_46 = tpu.memref_slice %arg7[%dma_wait3A_44, %dma_wait3A_45] : memref<2x80xi32, #tpu.memory_space<vmem>> -> memref<1x80xi32, #tpu.memory_space<vmem>>
    %dma_wait3A_47 = tpu.memref_squeeze %dma_wait3A_46 : memref<1x80xi32, #tpu.memory_space<vmem>> -> memref<80xi32, #tpu.memory_space<vmem>>
    %dma_wait3A_48 = arith.constant 0 : i32
    %dma_wait3A_49 = arith.constant 0 : i32
    %dma_wait3A_50 = tpu.memref_slice %arg13[%dma_wait3A_48, %dma_wait3A_49] : memref<10240x128xf32, #tpu.memory_space<vmem_shared>> -> memref<10240x128xf32, #tpu.memory_space<vmem_shared>>
    tpu.wait_indirect_dma semaphore(%arg18 : memref<!tpu.dma_semaphore, #tpu.memory_space<semaphore_mem>>) src(%arg9 : memref<80x128xf32, #tpu.memory_space<vmem>>) dst(%dma_wait3A_50 : memref<10240x128xf32, #tpu.memory_space<vmem_shared>>)
    %dma_wait3A_51 = arith.constant 1 : i32
    %dma_wait3A_52 = arith.constant 0 : i32
    %dma_wait3A_53 = tpu.memref_slice %arg8[%dma_wait3A_51, %dma_wait3A_52] : memref<2x80xi32, #tpu.memory_space<vmem>> -> memref<1x80xi32, #tpu.memory_space<vmem>>
    %dma_wait3A_54 = tpu.memref_squeeze %dma_wait3A_53 : memref<1x80xi32, #tpu.memory_space<vmem>> -> memref<80xi32, #tpu.memory_space<vmem>>
    %dma_wait3A_55 = arith.constant 0 : i32
    %dma_wait3A_56 = arith.constant 0 : i32
    %dma_wait3A_57 = tpu.memref_slice %arg13[%dma_wait3A_55, %dma_wait3A_56] : memref<10240x128xf32, #tpu.memory_space<vmem_shared>> -> memref<10240x128xf32, #tpu.memory_space<vmem_shared>>
    tpu.wait_indirect_dma semaphore(%arg19 : memref<!tpu.dma_semaphore, #tpu.memory_space<semaphore_mem>>) src(%arg10 : memref<80x128xf32, #tpu.memory_space<vmem>>) dst(%dma_wait3A_57 : memref<10240x128xf32, #tpu.memory_space<vmem_shared>>)
    %barrier3A_58 = arith.constant 0 : index
    tpu.barrier barrier_id(%barrier3A_58)
    "tpu.region"() ({
      %run_scoped3A_59 = tpu.sem_alloc : memref<!tpu.dma_semaphore, #tpu.memory_space<semaphore_mem>>
      %dma_start3A_60 = arith.constant 0 : i32
      %dma_start3A_61 = tpu.memref_slice %arg6[%arg0, %multiple_of3A, %dma_start3A_60] : memref<2x10240x128xf32, #tpu.memory_space<hbm>> -> memref<1x640x128xf32, #tpu.memory_space<hbm>>
      %dma_start3A_62 = tpu.memref_squeeze %dma_start3A_61 : memref<1x640x128xf32, #tpu.memory_space<hbm>> -> memref<640x128xf32, #tpu.memory_space<hbm>>
      %dma_start3A_63 = arith.constant 0 : i32
      %dma_start3A_64 = tpu.memref_slice %arg13[%multiple_of3A, %dma_start3A_63] : memref<10240x128xf32, #tpu.memory_space<vmem_shared>> -> memref<640x128xf32, #tpu.memory_space<vmem_shared>>
      tpu.enqueue_dma source(%dma_start3A_64 : memref<640x128xf32, #tpu.memory_space<vmem_shared>>) target(%dma_start3A_62 : memref<640x128xf32, #tpu.memory_space<hbm>>) target_semaphore(%run_scoped3A_59 : memref<!tpu.dma_semaphore, #tpu.memory_space<semaphore_mem>>)
      %dma_wait3A_65 = arith.constant 0 : i32
      %dma_wait3A_66 = tpu.memref_slice %arg6[%arg0, %multiple_of3A, %dma_wait3A_65] : memref<2x10240x128xf32, #tpu.memory_space<hbm>> -> memref<1x640x128xf32, #tpu.memory_space<hbm>>
      %dma_wait3A_67 = tpu.memref_squeeze %dma_wait3A_66 : memref<1x640x128xf32, #tpu.memory_space<hbm>> -> memref<640x128xf32, #tpu.memory_space<hbm>>
      %dma_wait3A_68 = arith.constant 0 : i32
      %dma_wait3A_69 = tpu.memref_slice %arg13[%multiple_of3A, %dma_wait3A_68] : memref<10240x128xf32, #tpu.memory_space<vmem_shared>> -> memref<640x128xf32, #tpu.memory_space<vmem_shared>>
      tpu.wait_dma2 semaphore(%run_scoped3A_59 : memref<!tpu.dma_semaphore, #tpu.memory_space<semaphore_mem>>) src(%dma_wait3A_69 : memref<640x128xf32, #tpu.memory_space<vmem_shared>>) dst(%dma_wait3A_67 : memref<640x128xf32, #tpu.memory_space<hbm>>)
      tpu.yield
    }) : () -> ()
    return
  }
}

#map = affine_map<(d0, d1) -> (0, 0)>
#map1 = affine_map<(d0, d1) -> (0, 0, 0, 0)>
#map2 = affine_map<(d0, d1) -> (0, 0, 0)>
module attributes {stable_mosaic.version = 14 : i64} {
  func.func @edge_k(%arg0: i32, %arg1: i32, %arg2: memref<40000x128xf32, #tpu.memory_space<hbm>>, %arg3: memref<320000x128xf32, #tpu.memory_space<hbm>>, %arg4: memref<32x125x2x80xi32, #tpu.memory_space<hbm>>, %arg5: memref<10240x128xf32, #tpu.memory_space<hbm>>, %arg6: memref<2x10240x128xf32, #tpu.memory_space<hbm>>, %arg7: memref<2x80xi32, #tpu.memory_space<vmem>>, %arg8: memref<2x80xi32, #tpu.memory_space<vmem>>, %arg9: memref<80x128xf32, #tpu.memory_space<vmem>>, %arg10: memref<80x128xf32, #tpu.memory_space<vmem>>, %arg11: memref<80x128xf32, #tpu.memory_space<vmem>>, %arg12: memref<80x128xf32, #tpu.memory_space<vmem>>, %arg13: memref<10240x128xf32, #tpu.memory_space<vmem_shared>>, %arg14: memref<!tpu.dma_semaphore, #tpu.memory_space<semaphore_mem>>, %arg15: memref<!tpu.dma_semaphore, #tpu.memory_space<semaphore_mem>>, %arg16: memref<!tpu.dma_semaphore, #tpu.memory_space<semaphore_mem>>, %arg17: memref<!tpu.dma_semaphore, #tpu.memory_space<semaphore_mem>>, %arg18: memref<!tpu.dma_semaphore, #tpu.memory_space<semaphore_mem>>, %arg19: memref<!tpu.dma_semaphore, #tpu.memory_space<semaphore_mem>>) attributes {dimension_semantics = [#tpu.dimension_semantics<core_parallel>, #tpu.dimension_semantics<subcore_parallel>], iteration_bounds = array<i64: 2, 16>, scalar_prefetch = 0 : i64, scratch_operands = 13 : i64, tpu.core_type = #tpu.core_type<sc_vector_subcore>, window_params = [{transform_indices = #map}, {transform_indices = #map}, {transform_indices = #map1}, {transform_indices = #map}, {transform_indices = #map2}]} {
    %mul3A = arith.constant 16 : i32
    %mul3A_0 = arith.muli %arg0, %mul3A : i32
    %add3A = arith.addi %mul3A_0, %arg1 : i32
    %mul3A_1 = arith.constant 640 : i32
    %mul3A_2 = arith.muli %arg1, %mul3A_1 : i32
    %multiple_of3A = tpu.assume_multiple %mul3A_2, 8 : i32
    "tpu.region"() ({
      %run_scoped3A_59 = tpu.sem_alloc : memref<!tpu.dma_semaphore, #tpu.memory_space<semaphore_mem>>
      %dma_start3A_60 = arith.constant 0 : i32
      %dma_start3A_61 = tpu.memref_slice %arg13[%multiple_of3A, %dma_start3A_60] : memref<10240x128xf32, #tpu.memory_space<vmem_shared>> -> memref<640x128xf32, #tpu.memory_space<vmem_shared>>
      %dma_start3A_62 = arith.constant 0 : i32
      %dma_start3A_63 = tpu.memref_slice %arg5[%multiple_of3A, %dma_start3A_62] : memref<10240x128xf32, #tpu.memory_space<hbm>> -> memref<640x128xf32, #tpu.memory_space<hbm>>
      tpu.enqueue_dma source(%dma_start3A_63 : memref<640x128xf32, #tpu.memory_space<hbm>>) target(%dma_start3A_61 : memref<640x128xf32, #tpu.memory_space<vmem_shared>>) target_semaphore(%run_scoped3A_59 : memref<!tpu.dma_semaphore, #tpu.memory_space<semaphore_mem>>)
      %dma_wait3A_64 = arith.constant 0 : i32
      %dma_wait3A_65 = tpu.memref_slice %arg13[%multiple_of3A, %dma_wait3A_64] : memref<10240x128xf32, #tpu.memory_space<vmem_shared>> -> memref<640x128xf32, #tpu.memory_space<vmem_shared>>
      %dma_wait3A_66 = arith.constant 0 : i32
      %dma_wait3A_67 = tpu.memref_slice %arg5[%multiple_of3A, %dma_wait3A_66] : memref<10240x128xf32, #tpu.memory_space<hbm>> -> memref<640x128xf32, #tpu.memory_space<hbm>>
      tpu.wait_dma2 semaphore(%run_scoped3A_59 : memref<!tpu.dma_semaphore, #tpu.memory_space<semaphore_mem>>) src(%dma_wait3A_67 : memref<640x128xf32, #tpu.memory_space<hbm>>) dst(%dma_wait3A_65 : memref<640x128xf32, #tpu.memory_space<vmem_shared>>)
      tpu.yield
    }) : () -> ()
    %barrier3A = arith.constant 0 : index
    tpu.barrier barrier_id(%barrier3A)
    %mul3A_3 = arith.constant 10000 : i32
    %mul3A_4 = arith.muli %add3A, %mul3A_3 : i32
    %add3A_5 = arith.constant 0 : i32
    %add3A_6 = arith.addi %mul3A_4, %add3A_5 : i32
    %multiple_of3A_7 = tpu.assume_multiple %add3A_6, 8 : i32
    %run_scoped3A = arith.constant 0 : i32
    "tpu.region"() ({
      %run_scoped3A_59 = tpu.sem_alloc : memref<!tpu.dma_semaphore, #tpu.memory_space<semaphore_mem>>
      %dma_start3A_60 = arith.constant 0 : i32
      %dma_start3A_61 = arith.constant 0 : i32
      %dma_start3A_62 = tpu.memref_slice %arg4[%add3A, %run_scoped3A, %dma_start3A_60, %dma_start3A_61] : memref<32x125x2x80xi32, #tpu.memory_space<hbm>> -> memref<1x1x2x80xi32, #tpu.memory_space<hbm>>
      %dma_start3A_63 = tpu.memref_squeeze %dma_start3A_62 : memref<1x1x2x80xi32, #tpu.memory_space<hbm>> -> memref<2x80xi32, #tpu.memory_space<hbm>>
      %dma_start3A_64 = arith.constant 0 : i32
      %dma_start3A_65 = arith.constant 0 : i32
      %dma_start3A_66 = tpu.memref_slice %arg4[%add3A, %run_scoped3A, %dma_start3A_64, %dma_start3A_65] : memref<32x125x2x80xi32, #tpu.memory_space<hbm>> -> memref<1x1x2x80xi32, #tpu.memory_space<hbm>>
      %dma_start3A_67 = tpu.memref_squeeze %dma_start3A_66 : memref<1x1x2x80xi32, #tpu.memory_space<hbm>> -> memref<2x80xi32, #tpu.memory_space<hbm>>
      tpu.enqueue_dma source(%dma_start3A_67 : memref<2x80xi32, #tpu.memory_space<hbm>>) target(%arg7 : memref<2x80xi32, #tpu.memory_space<vmem>>) target_semaphore(%run_scoped3A_59 : memref<!tpu.dma_semaphore, #tpu.memory_space<semaphore_mem>>)
      %dma_wait3A_68 = arith.constant 0 : i32
      %dma_wait3A_69 = arith.constant 0 : i32
      %dma_wait3A_70 = tpu.memref_slice %arg4[%add3A, %run_scoped3A, %dma_wait3A_68, %dma_wait3A_69] : memref<32x125x2x80xi32, #tpu.memory_space<hbm>> -> memref<1x1x2x80xi32, #tpu.memory_space<hbm>>
      %dma_wait3A_71 = tpu.memref_squeeze %dma_wait3A_70 : memref<1x1x2x80xi32, #tpu.memory_space<hbm>> -> memref<2x80xi32, #tpu.memory_space<hbm>>
      %dma_wait3A_72 = arith.constant 0 : i32
      %dma_wait3A_73 = arith.constant 0 : i32
      %dma_wait3A_74 = tpu.memref_slice %arg4[%add3A, %run_scoped3A, %dma_wait3A_72, %dma_wait3A_73] : memref<32x125x2x80xi32, #tpu.memory_space<hbm>> -> memref<1x1x2x80xi32, #tpu.memory_space<hbm>>
      %dma_wait3A_75 = tpu.memref_squeeze %dma_wait3A_74 : memref<1x1x2x80xi32, #tpu.memory_space<hbm>> -> memref<2x80xi32, #tpu.memory_space<hbm>>
      tpu.wait_dma2 semaphore(%run_scoped3A_59 : memref<!tpu.dma_semaphore, #tpu.memory_space<semaphore_mem>>) src(%dma_wait3A_75 : memref<2x80xi32, #tpu.memory_space<hbm>>) dst(%arg7 : memref<2x80xi32, #tpu.memory_space<vmem>>)
      tpu.yield
    }) : () -> ()
    %dma_start3A = arith.constant 0 : i32
    %dma_start3A_8 = arith.constant 0 : i32
    %dma_start3A_9 = tpu.memref_slice %arg7[%dma_start3A, %dma_start3A_8] : memref<2x80xi32, #tpu.memory_space<vmem>> -> memref<1x80xi32, #tpu.memory_space<vmem>>
    %dma_start3A_10 = tpu.memref_squeeze %dma_start3A_9 : memref<1x80xi32, #tpu.memory_space<vmem>> -> memref<80xi32, #tpu.memory_space<vmem>>
    %dma_start3A_11 = arith.constant 0 : i32
    %dma_start3A_12 = arith.constant 0 : i32
    %dma_start3A_13 = tpu.memref_slice %arg2[%dma_start3A_11, %dma_start3A_12] : memref<40000x128xf32, #tpu.memory_space<hbm>> -> memref<40000x128xf32, #tpu.memory_space<hbm>>
    tpu.enqueue_indirect_dma source(%dma_start3A_13 : memref<40000x128xf32, #tpu.memory_space<hbm>>) target(%arg9 : memref<80x128xf32, #tpu.memory_space<vmem>>) offsets(%dma_start3A_10 : memref<80xi32, #tpu.memory_space<vmem>>) semaphore(%arg14 : memref<!tpu.dma_semaphore, #tpu.memory_space<semaphore_mem>>)
    %dma_start3A_14 = arith.constant 0 : i32
    %dma_start3A_15 = tpu.memref_slice %arg3[%multiple_of3A_7, %dma_start3A_14] : memref<320000x128xf32, #tpu.memory_space<hbm>> -> memref<80x128xf32, #tpu.memory_space<hbm>>
    %dma_start3A_16 = arith.constant 0 : i32
    %dma_start3A_17 = tpu.memref_slice %arg3[%multiple_of3A_7, %dma_start3A_16] : memref<320000x128xf32, #tpu.memory_space<hbm>> -> memref<80x128xf32, #tpu.memory_space<hbm>>
    tpu.enqueue_dma source(%dma_start3A_17 : memref<80x128xf32, #tpu.memory_space<hbm>>) target(%arg11 : memref<80x128xf32, #tpu.memory_space<vmem>>) target_semaphore(%arg16 : memref<!tpu.dma_semaphore, #tpu.memory_space<semaphore_mem>>)
    %scan3A = arith.constant 0 : i32
    %scan3A_18 = arith.constant 0 : i32
    %scan3A_19 = arith.constant 62 : i32
    %scan3A_20 = arith.addi %scan3A_18, %scan3A_19 : i32
    %scan3A_21 = arith.constant 1 : i32
    scf.for %scan3A_59 = %scan3A_18 to %scan3A_20 step %scan3A_21  : i32 {
      %mul3A_60 = arith.constant 2 : i32
      %mul3A_61 = arith.muli %mul3A_60, %scan3A_59 : i32
      %gt3A = arith.constant 0 : i32
      %gt3A_62 = arith.cmpi sgt, %scan3A_59, %gt3A : i32
      %convert_element_type3A = arith.extui %gt3A_62 : i1 to i32
      %cond3A = arith.constant 0 : i32
      %cond3A_63 = arith.cmpi ne, %convert_element_type3A, %cond3A : i32
      scf.if %cond3A_63 {
        %dma_wait3A_151 = arith.constant 1 : i32
        %dma_wait3A_152 = arith.constant 0 : i32
        %dma_wait3A_153 = tpu.memref_slice %arg8[%dma_wait3A_151, %dma_wait3A_152] : memref<2x80xi32, #tpu.memory_space<vmem>> -> memref<1x80xi32, #tpu.memory_space<vmem>>
        %dma_wait3A_154 = tpu.memref_squeeze %dma_wait3A_153 : memref<1x80xi32, #tpu.memory_space<vmem>> -> memref<80xi32, #tpu.memory_space<vmem>>
        %dma_wait3A_155 = arith.constant 0 : i32
        %dma_wait3A_156 = arith.constant 0 : i32
        %dma_wait3A_157 = tpu.memref_slice %arg13[%dma_wait3A_155, %dma_wait3A_156] : memref<10240x128xf32, #tpu.memory_space<vmem_shared>> -> memref<10240x128xf32, #tpu.memory_space<vmem_shared>>
        tpu.wait_indirect_dma semaphore(%arg19 : memref<!tpu.dma_semaphore, #tpu.memory_space<semaphore_mem>>) src(%arg10 : memref<80x128xf32, #tpu.memory_space<vmem>>) dst(%dma_wait3A_157 : memref<10240x128xf32, #tpu.memory_space<vmem_shared>>)
      } else {
      }
      %add3A_64 = arith.constant 1 : i32
      %add3A_65 = arith.addi %mul3A_61, %add3A_64 : i32
      %mul3A_66 = arith.constant 80 : i32
      %mul3A_67 = arith.muli %add3A_65, %mul3A_66 : i32
      %add3A_68 = arith.addi %mul3A_4, %mul3A_67 : i32
      %multiple_of3A_69 = tpu.assume_multiple %add3A_68, 8 : i32
      "tpu.region"() ({
        %run_scoped3A_151 = tpu.sem_alloc : memref<!tpu.dma_semaphore, #tpu.memory_space<semaphore_mem>>
        %dma_start3A_152 = arith.constant 0 : i32
        %dma_start3A_153 = arith.constant 0 : i32
        %dma_start3A_154 = tpu.memref_slice %arg4[%add3A, %add3A_65, %dma_start3A_152, %dma_start3A_153] : memref<32x125x2x80xi32, #tpu.memory_space<hbm>> -> memref<1x1x2x80xi32, #tpu.memory_space<hbm>>
        %dma_start3A_155 = tpu.memref_squeeze %dma_start3A_154 : memref<1x1x2x80xi32, #tpu.memory_space<hbm>> -> memref<2x80xi32, #tpu.memory_space<hbm>>
        %dma_start3A_156 = arith.constant 0 : i32
        %dma_start3A_157 = arith.constant 0 : i32
        %dma_start3A_158 = tpu.memref_slice %arg4[%add3A, %add3A_65, %dma_start3A_156, %dma_start3A_157] : memref<32x125x2x80xi32, #tpu.memory_space<hbm>> -> memref<1x1x2x80xi32, #tpu.memory_space<hbm>>
        %dma_start3A_159 = tpu.memref_squeeze %dma_start3A_158 : memref<1x1x2x80xi32, #tpu.memory_space<hbm>> -> memref<2x80xi32, #tpu.memory_space<hbm>>
        tpu.enqueue_dma source(%dma_start3A_159 : memref<2x80xi32, #tpu.memory_space<hbm>>) target(%arg8 : memref<2x80xi32, #tpu.memory_space<vmem>>) target_semaphore(%run_scoped3A_151 : memref<!tpu.dma_semaphore, #tpu.memory_space<semaphore_mem>>)
        %dma_wait3A_160 = arith.constant 0 : i32
        %dma_wait3A_161 = arith.constant 0 : i32
        %dma_wait3A_162 = tpu.memref_slice %arg4[%add3A, %add3A_65, %dma_wait3A_160, %dma_wait3A_161] : memref<32x125x2x80xi32, #tpu.memory_space<hbm>> -> memref<1x1x2x80xi32, #tpu.memory_space<hbm>>
        %dma_wait3A_163 = tpu.memref_squeeze %dma_wait3A_162 : memref<1x1x2x80xi32, #tpu.memory_space<hbm>> -> memref<2x80xi32, #tpu.memory_space<hbm>>
        %dma_wait3A_164 = arith.constant 0 : i32
        %dma_wait3A_165 = arith.constant 0 : i32
        %dma_wait3A_166 = tpu.memref_slice %arg4[%add3A, %add3A_65, %dma_wait3A_164, %dma_wait3A_165] : memref<32x125x2x80xi32, #tpu.memory_space<hbm>> -> memref<1x1x2x80xi32, #tpu.memory_space<hbm>>
        %dma_wait3A_167 = tpu.memref_squeeze %dma_wait3A_166 : memref<1x1x2x80xi32, #tpu.memory_space<hbm>> -> memref<2x80xi32, #tpu.memory_space<hbm>>
        tpu.wait_dma2 semaphore(%run_scoped3A_151 : memref<!tpu.dma_semaphore, #tpu.memory_space<semaphore_mem>>) src(%dma_wait3A_167 : memref<2x80xi32, #tpu.memory_space<hbm>>) dst(%arg8 : memref<2x80xi32, #tpu.memory_space<vmem>>)
        tpu.yield
      }) : () -> ()
      %dma_start3A_70 = arith.constant 0 : i32
      %dma_start3A_71 = arith.constant 0 : i32
      %dma_start3A_72 = tpu.memref_slice %arg8[%dma_start3A_70, %dma_start3A_71] : memref<2x80xi32, #tpu.memory_space<vmem>> -> memref<1x80xi32, #tpu.memory_space<vmem>>
      %dma_start3A_73 = tpu.memref_squeeze %dma_start3A_72 : memref<1x80xi32, #tpu.memory_space<vmem>> -> memref<80xi32, #tpu.memory_space<vmem>>
      %dma_start3A_74 = arith.constant 0 : i32
      %dma_start3A_75 = arith.constant 0 : i32
      %dma_start3A_76 = tpu.memref_slice %arg2[%dma_start3A_74, %dma_start3A_75] : memref<40000x128xf32, #tpu.memory_space<hbm>> -> memref<40000x128xf32, #tpu.memory_space<hbm>>
      tpu.enqueue_indirect_dma source(%dma_start3A_76 : memref<40000x128xf32, #tpu.memory_space<hbm>>) target(%arg10 : memref<80x128xf32, #tpu.memory_space<vmem>>) offsets(%dma_start3A_73 : memref<80xi32, #tpu.memory_space<vmem>>) semaphore(%arg15 : memref<!tpu.dma_semaphore, #tpu.memory_space<semaphore_mem>>)
      %dma_start3A_77 = arith.constant 0 : i32
      %dma_start3A_78 = tpu.memref_slice %arg3[%multiple_of3A_69, %dma_start3A_77] : memref<320000x128xf32, #tpu.memory_space<hbm>> -> memref<80x128xf32, #tpu.memory_space<hbm>>
      %dma_start3A_79 = arith.constant 0 : i32
      %dma_start3A_80 = tpu.memref_slice %arg3[%multiple_of3A_69, %dma_start3A_79] : memref<320000x128xf32, #tpu.memory_space<hbm>> -> memref<80x128xf32, #tpu.memory_space<hbm>>
      tpu.enqueue_dma source(%dma_start3A_80 : memref<80x128xf32, #tpu.memory_space<hbm>>) target(%arg12 : memref<80x128xf32, #tpu.memory_space<vmem>>) target_semaphore(%arg17 : memref<!tpu.dma_semaphore, #tpu.memory_space<semaphore_mem>>)
      %dma_wait3A_81 = arith.constant 0 : i32
      %dma_wait3A_82 = arith.constant 0 : i32
      %dma_wait3A_83 = tpu.memref_slice %arg7[%dma_wait3A_81, %dma_wait3A_82] : memref<2x80xi32, #tpu.memory_space<vmem>> -> memref<1x80xi32, #tpu.memory_space<vmem>>
      %dma_wait3A_84 = tpu.memref_squeeze %dma_wait3A_83 : memref<1x80xi32, #tpu.memory_space<vmem>> -> memref<80xi32, #tpu.memory_space<vmem>>
      %dma_wait3A_85 = arith.constant 0 : i32
      %dma_wait3A_86 = arith.constant 0 : i32
      %dma_wait3A_87 = tpu.memref_slice %arg2[%dma_wait3A_85, %dma_wait3A_86] : memref<40000x128xf32, #tpu.memory_space<hbm>> -> memref<40000x128xf32, #tpu.memory_space<hbm>>
      tpu.wait_indirect_dma semaphore(%arg14 : memref<!tpu.dma_semaphore, #tpu.memory_space<semaphore_mem>>) src(%dma_wait3A_87 : memref<40000x128xf32, #tpu.memory_space<hbm>>) dst(%arg9 : memref<80x128xf32, #tpu.memory_space<vmem>>)
      %dma_wait3A_88 = arith.constant 0 : i32
      %dma_wait3A_89 = arith.constant 0 : i32
      %dma_wait3A_90 = tpu.memref_slice %arg3[%dma_wait3A_88, %dma_wait3A_89] : memref<320000x128xf32, #tpu.memory_space<hbm>> -> memref<80x128xf32, #tpu.memory_space<hbm>>
      %dma_wait3A_91 = arith.constant 0 : i32
      %dma_wait3A_92 = arith.constant 0 : i32
      %dma_wait3A_93 = tpu.memref_slice %arg3[%dma_wait3A_91, %dma_wait3A_92] : memref<320000x128xf32, #tpu.memory_space<hbm>> -> memref<80x128xf32, #tpu.memory_space<hbm>>
      tpu.wait_dma2 semaphore(%arg16 : memref<!tpu.dma_semaphore, #tpu.memory_space<semaphore_mem>>) src(%dma_wait3A_93 : memref<80x128xf32, #tpu.memory_space<hbm>>) dst(%arg11 : memref<80x128xf32, #tpu.memory_space<vmem>>)
      %parallel_loop3A_94 = arith.constant 0 : i32
      %parallel_loop3A_95 = arith.constant 80 : i32
      %parallel_loop3A_96 = arith.constant 1 : i32
      scf.for %parallel_loop3A_151 = %parallel_loop3A_94 to %parallel_loop3A_95 step %parallel_loop3A_96  : i32 {
        %parallel_loop3A_152 = arith.index_cast %parallel_loop3A_151 : i32 to index
        %parallel_loop3A_153 = arith.constant 0 : index
        %parallel_loop3A_154 = tpu.vector_load %arg9[%parallel_loop3A_152, %parallel_loop3A_153] {strides = array<i32>} : memref<80x128xf32, #tpu.memory_space<vmem>>, vector<1x16xf32>,
        %parallel_loop3A_155 = vector.shape_cast %parallel_loop3A_154 : vector<1x16xf32> to vector<16xf32>
        %parallel_loop3A_156 = arith.index_cast %parallel_loop3A_151 : i32 to index
        %parallel_loop3A_157 = arith.constant 0 : index
        %parallel_loop3A_158 = tpu.vector_load %arg11[%parallel_loop3A_156, %parallel_loop3A_157] {strides = array<i32>} : memref<80x128xf32, #tpu.memory_space<vmem>>, vector<1x16xf32>,
        %parallel_loop3A_159 = vector.shape_cast %parallel_loop3A_158 : vector<1x16xf32> to vector<16xf32>
        %parallel_loop3A_160 = arith.mulf %parallel_loop3A_155, %parallel_loop3A_159 : vector<16xf32>
        %parallel_loop3A_161 = arith.index_cast %parallel_loop3A_151 : i32 to index
        %parallel_loop3A_162 = arith.constant 0 : index
        %parallel_loop3A_163 = tpu.vector_load %arg9[%parallel_loop3A_161, %parallel_loop3A_162] {strides = array<i32>} : memref<80x128xf32, #tpu.memory_space<vmem>>, vector<1x16xf32>,
        %parallel_loop3A_164 = vector.shape_cast %parallel_loop3A_163 : vector<1x16xf32> to vector<16xf32>
        %parallel_loop3A_165 = vector.shape_cast %parallel_loop3A_160 : vector<16xf32> to vector<1x16xf32>
        tpu.vector_store %arg9[%parallel_loop3A_161, %parallel_loop3A_162], %parallel_loop3A_165 {strides = array<i32>} : memref<80x128xf32, #tpu.memory_space<vmem>>, vector<1x16xf32>,
        %parallel_loop3A_166 = arith.index_cast %parallel_loop3A_151 : i32 to index
        %parallel_loop3A_167 = arith.constant 16 : index
        %parallel_loop3A_168 = tpu.vector_load %arg9[%parallel_loop3A_166, %parallel_loop3A_167] {strides = array<i32>} : memref<80x128xf32, #tpu.memory_space<vmem>>, vector<1x16xf32>,
        %parallel_loop3A_169 = vector.shape_cast %parallel_loop3A_168 : vector<1x16xf32> to vector<16xf32>
        %parallel_loop3A_170 = arith.index_cast %parallel_loop3A_151 : i32 to index
        %parallel_loop3A_171 = arith.constant 16 : index
        %parallel_loop3A_172 = tpu.vector_load %arg11[%parallel_loop3A_170, %parallel_loop3A_171] {strides = array<i32>} : memref<80x128xf32, #tpu.memory_space<vmem>>, vector<1x16xf32>,
        %parallel_loop3A_173 = vector.shape_cast %parallel_loop3A_172 : vector<1x16xf32> to vector<16xf32>
        %parallel_loop3A_174 = arith.mulf %parallel_loop3A_169, %parallel_loop3A_173 : vector<16xf32>
        %parallel_loop3A_175 = arith.index_cast %parallel_loop3A_151 : i32 to index
        %parallel_loop3A_176 = arith.constant 16 : index
        %parallel_loop3A_177 = tpu.vector_load %arg9[%parallel_loop3A_175, %parallel_loop3A_176] {strides = array<i32>} : memref<80x128xf32, #tpu.memory_space<vmem>>, vector<1x16xf32>,
        %parallel_loop3A_178 = vector.shape_cast %parallel_loop3A_177 : vector<1x16xf32> to vector<16xf32>
        %parallel_loop3A_179 = vector.shape_cast %parallel_loop3A_174 : vector<16xf32> to vector<1x16xf32>
        tpu.vector_store %arg9[%parallel_loop3A_175, %parallel_loop3A_176], %parallel_loop3A_179 {strides = array<i32>} : memref<80x128xf32, #tpu.memory_space<vmem>>, vector<1x16xf32>,
        %parallel_loop3A_180 = arith.index_cast %parallel_loop3A_151 : i32 to index
        %parallel_loop3A_181 = arith.constant 32 : index
        %parallel_loop3A_182 = tpu.vector_load %arg9[%parallel_loop3A_180, %parallel_loop3A_181] {strides = array<i32>} : memref<80x128xf32, #tpu.memory_space<vmem>>, vector<1x16xf32>,
        %parallel_loop3A_183 = vector.shape_cast %parallel_loop3A_182 : vector<1x16xf32> to vector<16xf32>
        %parallel_loop3A_184 = arith.index_cast %parallel_loop3A_151 : i32 to index
        %parallel_loop3A_185 = arith.constant 32 : index
        %parallel_loop3A_186 = tpu.vector_load %arg11[%parallel_loop3A_184, %parallel_loop3A_185] {strides = array<i32>} : memref<80x128xf32, #tpu.memory_space<vmem>>, vector<1x16xf32>,
        %parallel_loop3A_187 = vector.shape_cast %parallel_loop3A_186 : vector<1x16xf32> to vector<16xf32>
        %parallel_loop3A_188 = arith.mulf %parallel_loop3A_183, %parallel_loop3A_187 : vector<16xf32>
        %parallel_loop3A_189 = arith.index_cast %parallel_loop3A_151 : i32 to index
        %parallel_loop3A_190 = arith.constant 32 : index
        %parallel_loop3A_191 = tpu.vector_load %arg9[%parallel_loop3A_189, %parallel_loop3A_190] {strides = array<i32>} : memref<80x128xf32, #tpu.memory_space<vmem>>, vector<1x16xf32>,
        %parallel_loop3A_192 = vector.shape_cast %parallel_loop3A_191 : vector<1x16xf32> to vector<16xf32>
        %parallel_loop3A_193 = vector.shape_cast %parallel_loop3A_188 : vector<16xf32> to vector<1x16xf32>
        tpu.vector_store %arg9[%parallel_loop3A_189, %parallel_loop3A_190], %parallel_loop3A_193 {strides = array<i32>} : memref<80x128xf32, #tpu.memory_space<vmem>>, vector<1x16xf32>,
        %parallel_loop3A_194 = arith.index_cast %parallel_loop3A_151 : i32 to index
        %parallel_loop3A_195 = arith.constant 48 : index
        %parallel_loop3A_196 = tpu.vector_load %arg9[%parallel_loop3A_194, %parallel_loop3A_195] {strides = array<i32>} : memref<80x128xf32, #tpu.memory_space<vmem>>, vector<1x16xf32>,
        %parallel_loop3A_197 = vector.shape_cast %parallel_loop3A_196 : vector<1x16xf32> to vector<16xf32>
        %parallel_loop3A_198 = arith.index_cast %parallel_loop3A_151 : i32 to index
        %parallel_loop3A_199 = arith.constant 48 : index
        %parallel_loop3A_200 = tpu.vector_load %arg11[%parallel_loop3A_198, %parallel_loop3A_199] {strides = array<i32>} : memref<80x128xf32, #tpu.memory_space<vmem>>, vector<1x16xf32>,
        %parallel_loop3A_201 = vector.shape_cast %parallel_loop3A_200 : vector<1x16xf32> to vector<16xf32>
        %parallel_loop3A_202 = arith.mulf %parallel_loop3A_197, %parallel_loop3A_201 : vector<16xf32>
        %parallel_loop3A_203 = arith.index_cast %parallel_loop3A_151 : i32 to index
        %parallel_loop3A_204 = arith.constant 48 : index
        %parallel_loop3A_205 = tpu.vector_load %arg9[%parallel_loop3A_203, %parallel_loop3A_204] {strides = array<i32>} : memref<80x128xf32, #tpu.memory_space<vmem>>, vector<1x16xf32>,
        %parallel_loop3A_206 = vector.shape_cast %parallel_loop3A_205 : vector<1x16xf32> to vector<16xf32>
        %parallel_loop3A_207 = vector.shape_cast %parallel_loop3A_202 : vector<16xf32> to vector<1x16xf32>
        tpu.vector_store %arg9[%parallel_loop3A_203, %parallel_loop3A_204], %parallel_loop3A_207 {strides = array<i32>} : memref<80x128xf32, #tpu.memory_space<vmem>>, vector<1x16xf32>,
        %parallel_loop3A_208 = arith.index_cast %parallel_loop3A_151 : i32 to index
        %parallel_loop3A_209 = arith.constant 64 : index
        %parallel_loop3A_210 = tpu.vector_load %arg9[%parallel_loop3A_208, %parallel_loop3A_209] {strides = array<i32>} : memref<80x128xf32, #tpu.memory_space<vmem>>, vector<1x16xf32>,
        %parallel_loop3A_211 = vector.shape_cast %parallel_loop3A_210 : vector<1x16xf32> to vector<16xf32>
        %parallel_loop3A_212 = arith.index_cast %parallel_loop3A_151 : i32 to index
        %parallel_loop3A_213 = arith.constant 64 : index
        %parallel_loop3A_214 = tpu.vector_load %arg11[%parallel_loop3A_212, %parallel_loop3A_213] {strides = array<i32>} : memref<80x128xf32, #tpu.memory_space<vmem>>, vector<1x16xf32>,
        %parallel_loop3A_215 = vector.shape_cast %parallel_loop3A_214 : vector<1x16xf32> to vector<16xf32>
        %parallel_loop3A_216 = arith.mulf %parallel_loop3A_211, %parallel_loop3A_215 : vector<16xf32>
        %parallel_loop3A_217 = arith.index_cast %parallel_loop3A_151 : i32 to index
        %parallel_loop3A_218 = arith.constant 64 : index
        %parallel_loop3A_219 = tpu.vector_load %arg9[%parallel_loop3A_217, %parallel_loop3A_218] {strides = array<i32>} : memref<80x128xf32, #tpu.memory_space<vmem>>, vector<1x16xf32>,
        %parallel_loop3A_220 = vector.shape_cast %parallel_loop3A_219 : vector<1x16xf32> to vector<16xf32>
        %parallel_loop3A_221 = vector.shape_cast %parallel_loop3A_216 : vector<16xf32> to vector<1x16xf32>
        tpu.vector_store %arg9[%parallel_loop3A_217, %parallel_loop3A_218], %parallel_loop3A_221 {strides = array<i32>} : memref<80x128xf32, #tpu.memory_space<vmem>>, vector<1x16xf32>,
        %parallel_loop3A_222 = arith.index_cast %parallel_loop3A_151 : i32 to index
        %parallel_loop3A_223 = arith.constant 80 : index
        %parallel_loop3A_224 = tpu.vector_load %arg9[%parallel_loop3A_222, %parallel_loop3A_223] {strides = array<i32>} : memref<80x128xf32, #tpu.memory_space<vmem>>, vector<1x16xf32>,
        %parallel_loop3A_225 = vector.shape_cast %parallel_loop3A_224 : vector<1x16xf32> to vector<16xf32>
        %parallel_loop3A_226 = arith.index_cast %parallel_loop3A_151 : i32 to index
        %parallel_loop3A_227 = arith.constant 80 : index
        %parallel_loop3A_228 = tpu.vector_load %arg11[%parallel_loop3A_226, %parallel_loop3A_227] {strides = array<i32>} : memref<80x128xf32, #tpu.memory_space<vmem>>, vector<1x16xf32>,
        %parallel_loop3A_229 = vector.shape_cast %parallel_loop3A_228 : vector<1x16xf32> to vector<16xf32>
        %parallel_loop3A_230 = arith.mulf %parallel_loop3A_225, %parallel_loop3A_229 : vector<16xf32>
        %parallel_loop3A_231 = arith.index_cast %parallel_loop3A_151 : i32 to index
        %parallel_loop3A_232 = arith.constant 80 : index
        %parallel_loop3A_233 = tpu.vector_load %arg9[%parallel_loop3A_231, %parallel_loop3A_232] {strides = array<i32>} : memref<80x128xf32, #tpu.memory_space<vmem>>, vector<1x16xf32>,
        %parallel_loop3A_234 = vector.shape_cast %parallel_loop3A_233 : vector<1x16xf32> to vector<16xf32>
        %parallel_loop3A_235 = vector.shape_cast %parallel_loop3A_230 : vector<16xf32> to vector<1x16xf32>
        tpu.vector_store %arg9[%parallel_loop3A_231, %parallel_loop3A_232], %parallel_loop3A_235 {strides = array<i32>} : memref<80x128xf32, #tpu.memory_space<vmem>>, vector<1x16xf32>,
        %parallel_loop3A_236 = arith.index_cast %parallel_loop3A_151 : i32 to index
        %parallel_loop3A_237 = arith.constant 96 : index
        %parallel_loop3A_238 = tpu.vector_load %arg9[%parallel_loop3A_236, %parallel_loop3A_237] {strides = array<i32>} : memref<80x128xf32, #tpu.memory_space<vmem>>, vector<1x16xf32>,
        %parallel_loop3A_239 = vector.shape_cast %parallel_loop3A_238 : vector<1x16xf32> to vector<16xf32>
        %parallel_loop3A_240 = arith.index_cast %parallel_loop3A_151 : i32 to index
        %parallel_loop3A_241 = arith.constant 96 : index
        %parallel_loop3A_242 = tpu.vector_load %arg11[%parallel_loop3A_240, %parallel_loop3A_241] {strides = array<i32>} : memref<80x128xf32, #tpu.memory_space<vmem>>, vector<1x16xf32>,
        %parallel_loop3A_243 = vector.shape_cast %parallel_loop3A_242 : vector<1x16xf32> to vector<16xf32>
        %parallel_loop3A_244 = arith.mulf %parallel_loop3A_239, %parallel_loop3A_243 : vector<16xf32>
        %parallel_loop3A_245 = arith.index_cast %parallel_loop3A_151 : i32 to index
        %parallel_loop3A_246 = arith.constant 96 : index
        %parallel_loop3A_247 = tpu.vector_load %arg9[%parallel_loop3A_245, %parallel_loop3A_246] {strides = array<i32>} : memref<80x128xf32, #tpu.memory_space<vmem>>, vector<1x16xf32>,
        %parallel_loop3A_248 = vector.shape_cast %parallel_loop3A_247 : vector<1x16xf32> to vector<16xf32>
        %parallel_loop3A_249 = vector.shape_cast %parallel_loop3A_244 : vector<16xf32> to vector<1x16xf32>
        tpu.vector_store %arg9[%parallel_loop3A_245, %parallel_loop3A_246], %parallel_loop3A_249 {strides = array<i32>} : memref<80x128xf32, #tpu.memory_space<vmem>>, vector<1x16xf32>,
        %parallel_loop3A_250 = arith.index_cast %parallel_loop3A_151 : i32 to index
        %parallel_loop3A_251 = arith.constant 112 : index
        %parallel_loop3A_252 = tpu.vector_load %arg9[%parallel_loop3A_250, %parallel_loop3A_251] {strides = array<i32>} : memref<80x128xf32, #tpu.memory_space<vmem>>, vector<1x16xf32>,
        %parallel_loop3A_253 = vector.shape_cast %parallel_loop3A_252 : vector<1x16xf32> to vector<16xf32>
        %parallel_loop3A_254 = arith.index_cast %parallel_loop3A_151 : i32 to index
        %parallel_loop3A_255 = arith.constant 112 : index
        %parallel_loop3A_256 = tpu.vector_load %arg11[%parallel_loop3A_254, %parallel_loop3A_255] {strides = array<i32>} : memref<80x128xf32, #tpu.memory_space<vmem>>, vector<1x16xf32>,
        %parallel_loop3A_257 = vector.shape_cast %parallel_loop3A_256 : vector<1x16xf32> to vector<16xf32>
        %parallel_loop3A_258 = arith.mulf %parallel_loop3A_253, %parallel_loop3A_257 : vector<16xf32>
        %parallel_loop3A_259 = arith.index_cast %parallel_loop3A_151 : i32 to index
        %parallel_loop3A_260 = arith.constant 112 : index
        %parallel_loop3A_261 = tpu.vector_load %arg9[%parallel_loop3A_259, %parallel_loop3A_260] {strides = array<i32>} : memref<80x128xf32, #tpu.memory_space<vmem>>, vector<1x16xf32>,
        %parallel_loop3A_262 = vector.shape_cast %parallel_loop3A_261 : vector<1x16xf32> to vector<16xf32>
        %parallel_loop3A_263 = vector.shape_cast %parallel_loop3A_258 : vector<16xf32> to vector<1x16xf32>
        tpu.vector_store %arg9[%parallel_loop3A_259, %parallel_loop3A_260], %parallel_loop3A_263 {strides = array<i32>} : memref<80x128xf32, #tpu.memory_space<vmem>>, vector<1x16xf32>,
      } {sc.loop_unroll_factor = 2 : i64, sc.parallel_access}
      %dma_start3A_97 = arith.constant 1 : i32
      %dma_start3A_98 = arith.constant 0 : i32
      %dma_start3A_99 = tpu.memref_slice %arg7[%dma_start3A_97, %dma_start3A_98] : memref<2x80xi32, #tpu.memory_space<vmem>> -> memref<1x80xi32, #tpu.memory_space<vmem>>
      %dma_start3A_100 = tpu.memref_squeeze %dma_start3A_99 : memref<1x80xi32, #tpu.memory_space<vmem>> -> memref<80xi32, #tpu.memory_space<vmem>>
      %dma_start3A_101 = arith.constant 0 : i32
      %dma_start3A_102 = arith.constant 0 : i32
      %dma_start3A_103 = tpu.memref_slice %arg13[%dma_start3A_101, %dma_start3A_102] : memref<10240x128xf32, #tpu.memory_space<vmem_shared>> -> memref<10240x128xf32, #tpu.memory_space<vmem_shared>>
      tpu.enqueue_indirect_dma source(%arg9 : memref<80x128xf32, #tpu.memory_space<vmem>>) target(%dma_start3A_103 : memref<10240x128xf32, #tpu.memory_space<vmem_shared>>) offsets(%dma_start3A_100 : memref<80xi32, #tpu.memory_space<vmem>>) semaphore(%arg18 : memref<!tpu.dma_semaphore, #tpu.memory_space<semaphore_mem>>) {add = true}
      %dma_wait3A_104 = arith.constant 1 : i32
      %dma_wait3A_105 = arith.constant 0 : i32
      %dma_wait3A_106 = tpu.memref_slice %arg7[%dma_wait3A_104, %dma_wait3A_105] : memref<2x80xi32, #tpu.memory_space<vmem>> -> memref<1x80xi32, #tpu.memory_space<vmem>>
      %dma_wait3A_107 = tpu.memref_squeeze %dma_wait3A_106 : memref<1x80xi32, #tpu.memory_space<vmem>> -> memref<80xi32, #tpu.memory_space<vmem>>
      %dma_wait3A_108 = arith.constant 0 : i32
      %dma_wait3A_109 = arith.constant 0 : i32
      %dma_wait3A_110 = tpu.memref_slice %arg13[%dma_wait3A_108, %dma_wait3A_109] : memref<10240x128xf32, #tpu.memory_space<vmem_shared>> -> memref<10240x128xf32, #tpu.memory_space<vmem_shared>>
      tpu.wait_indirect_dma semaphore(%arg18 : memref<!tpu.dma_semaphore, #tpu.memory_space<semaphore_mem>>) src(%arg9 : memref<80x128xf32, #tpu.memory_space<vmem>>) dst(%dma_wait3A_110 : memref<10240x128xf32, #tpu.memory_space<vmem_shared>>)
      %add3A_111 = arith.constant 2 : i32
      %add3A_112 = arith.addi %mul3A_61, %add3A_111 : i32
      %mul3A_113 = arith.constant 80 : i32
      %mul3A_114 = arith.muli %add3A_112, %mul3A_113 : i32
      %add3A_115 = arith.addi %mul3A_4, %mul3A_114 : i32
      %multiple_of3A_116 = tpu.assume_multiple %add3A_115, 8 : i32
      "tpu.region"() ({
        %run_scoped3A_151 = tpu.sem_alloc : memref<!tpu.dma_semaphore, #tpu.memory_space<semaphore_mem>>
        %dma_start3A_152 = arith.constant 0 : i32
        %dma_start3A_153 = arith.constant 0 : i32
        %dma_start3A_154 = tpu.memref_slice %arg4[%add3A, %add3A_112, %dma_start3A_152, %dma_start3A_153] : memref<32x125x2x80xi32, #tpu.memory_space<hbm>> -> memref<1x1x2x80xi32, #tpu.memory_space<hbm>>
        %dma_start3A_155 = tpu.memref_squeeze %dma_start3A_154 : memref<1x1x2x80xi32, #tpu.memory_space<hbm>> -> memref<2x80xi32, #tpu.memory_space<hbm>>
        %dma_start3A_156 = arith.constant 0 : i32
        %dma_start3A_157 = arith.constant 0 : i32
        %dma_start3A_158 = tpu.memref_slice %arg4[%add3A, %add3A_112, %dma_start3A_156, %dma_start3A_157] : memref<32x125x2x80xi32, #tpu.memory_space<hbm>> -> memref<1x1x2x80xi32, #tpu.memory_space<hbm>>
        %dma_start3A_159 = tpu.memref_squeeze %dma_start3A_158 : memref<1x1x2x80xi32, #tpu.memory_space<hbm>> -> memref<2x80xi32, #tpu.memory_space<hbm>>
        tpu.enqueue_dma source(%dma_start3A_159 : memref<2x80xi32, #tpu.memory_space<hbm>>) target(%arg7 : memref<2x80xi32, #tpu.memory_space<vmem>>) target_semaphore(%run_scoped3A_151 : memref<!tpu.dma_semaphore, #tpu.memory_space<semaphore_mem>>)
        %dma_wait3A_160 = arith.constant 0 : i32
        %dma_wait3A_161 = arith.constant 0 : i32
        %dma_wait3A_162 = tpu.memref_slice %arg4[%add3A, %add3A_112, %dma_wait3A_160, %dma_wait3A_161] : memref<32x125x2x80xi32, #tpu.memory_space<hbm>> -> memref<1x1x2x80xi32, #tpu.memory_space<hbm>>
        %dma_wait3A_163 = tpu.memref_squeeze %dma_wait3A_162 : memref<1x1x2x80xi32, #tpu.memory_space<hbm>> -> memref<2x80xi32, #tpu.memory_space<hbm>>
        %dma_wait3A_164 = arith.constant 0 : i32
        %dma_wait3A_165 = arith.constant 0 : i32
        %dma_wait3A_166 = tpu.memref_slice %arg4[%add3A, %add3A_112, %dma_wait3A_164, %dma_wait3A_165] : memref<32x125x2x80xi32, #tpu.memory_space<hbm>> -> memref<1x1x2x80xi32, #tpu.memory_space<hbm>>
        %dma_wait3A_167 = tpu.memref_squeeze %dma_wait3A_166 : memref<1x1x2x80xi32, #tpu.memory_space<hbm>> -> memref<2x80xi32, #tpu.memory_space<hbm>>
        tpu.wait_dma2 semaphore(%run_scoped3A_151 : memref<!tpu.dma_semaphore, #tpu.memory_space<semaphore_mem>>) src(%dma_wait3A_167 : memref<2x80xi32, #tpu.memory_space<hbm>>) dst(%arg7 : memref<2x80xi32, #tpu.memory_space<vmem>>)
        tpu.yield
      }) : () -> ()
      %dma_start3A_117 = arith.constant 0 : i32
      %dma_start3A_118 = arith.constant 0 : i32
      %dma_start3A_119 = tpu.memref_slice %arg7[%dma_start3A_117, %dma_start3A_118] : memref<2x80xi32, #tpu.memory_space<vmem>> -> memref<1x80xi32, #tpu.memory_space<vmem>>
      %dma_start3A_120 = tpu.memref_squeeze %dma_start3A_119 : memref<1x80xi32, #tpu.memory_space<vmem>> -> memref<80xi32, #tpu.memory_space<vmem>>
      %dma_start3A_121 = arith.constant 0 : i32
      %dma_start3A_122 = arith.constant 0 : i32
      %dma_start3A_123 = tpu.memref_slice %arg2[%dma_start3A_121, %dma_start3A_122] : memref<40000x128xf32, #tpu.memory_space<hbm>> -> memref<40000x128xf32, #tpu.memory_space<hbm>>
      tpu.enqueue_indirect_dma source(%dma_start3A_123 : memref<40000x128xf32, #tpu.memory_space<hbm>>) target(%arg9 : memref<80x128xf32, #tpu.memory_space<vmem>>) offsets(%dma_start3A_120 : memref<80xi32, #tpu.memory_space<vmem>>) semaphore(%arg14 : memref<!tpu.dma_semaphore, #tpu.memory_space<semaphore_mem>>)
      %dma_start3A_124 = arith.constant 0 : i32
      %dma_start3A_125 = tpu.memref_slice %arg3[%multiple_of3A_116, %dma_start3A_124] : memref<320000x128xf32, #tpu.memory_space<hbm>> -> memref<80x128xf32, #tpu.memory_space<hbm>>
      %dma_start3A_126 = arith.constant 0 : i32
      %dma_start3A_127 = tpu.memref_slice %arg3[%multiple_of3A_116, %dma_start3A_126] : memref<320000x128xf32, #tpu.memory_space<hbm>> -> memref<80x128xf32, #tpu.memory_space<hbm>>
      tpu.enqueue_dma source(%dma_start3A_127 : memref<80x128xf32, #tpu.memory_space<hbm>>) target(%arg11 : memref<80x128xf32, #tpu.memory_space<vmem>>) target_semaphore(%arg16 : memref<!tpu.dma_semaphore, #tpu.memory_space<semaphore_mem>>)
      %dma_wait3A_128 = arith.constant 0 : i32
      %dma_wait3A_129 = arith.constant 0 : i32
      %dma_wait3A_130 = tpu.memref_slice %arg8[%dma_wait3A_128, %dma_wait3A_129] : memref<2x80xi32, #tpu.memory_space<vmem>> -> memref<1x80xi32, #tpu.memory_space<vmem>>
      %dma_wait3A_131 = tpu.memref_squeeze %dma_wait3A_130 : memref<1x80xi32, #tpu.memory_space<vmem>> -> memref<80xi32, #tpu.memory_space<vmem>>
      %dma_wait3A_132 = arith.constant 0 : i32
      %dma_wait3A_133 = arith.constant 0 : i32
      %dma_wait3A_134 = tpu.memref_slice %arg2[%dma_wait3A_132, %dma_wait3A_133] : memref<40000x128xf32, #tpu.memory_space<hbm>> -> memref<40000x128xf32, #tpu.memory_space<hbm>>
      tpu.wait_indirect_dma semaphore(%arg15 : memref<!tpu.dma_semaphore, #tpu.memory_space<semaphore_mem>>) src(%dma_wait3A_134 : memref<40000x128xf32, #tpu.memory_space<hbm>>) dst(%arg10 : memref<80x128xf32, #tpu.memory_space<vmem>>)
      %dma_wait3A_135 = arith.constant 0 : i32
      %dma_wait3A_136 = arith.constant 0 : i32
      %dma_wait3A_137 = tpu.memref_slice %arg3[%dma_wait3A_135, %dma_wait3A_136] : memref<320000x128xf32, #tpu.memory_space<hbm>> -> memref<80x128xf32, #tpu.memory_space<hbm>>
      %dma_wait3A_138 = arith.constant 0 : i32
      %dma_wait3A_139 = arith.constant 0 : i32
      %dma_wait3A_140 = tpu.memref_slice %arg3[%dma_wait3A_138, %dma_wait3A_139] : memref<320000x128xf32, #tpu.memory_space<hbm>> -> memref<80x128xf32, #tpu.memory_space<hbm>>
      tpu.wait_dma2 semaphore(%arg17 : memref<!tpu.dma_semaphore, #tpu.memory_space<semaphore_mem>>) src(%dma_wait3A_140 : memref<80x128xf32, #tpu.memory_space<hbm>>) dst(%arg12 : memref<80x128xf32, #tpu.memory_space<vmem>>)
      %parallel_loop3A_141 = arith.constant 0 : i32
      %parallel_loop3A_142 = arith.constant 80 : i32
      %parallel_loop3A_143 = arith.constant 1 : i32
      scf.for %parallel_loop3A_151 = %parallel_loop3A_141 to %parallel_loop3A_142 step %parallel_loop3A_143  : i32 {
        %parallel_loop3A_152 = arith.index_cast %parallel_loop3A_151 : i32 to index
        %parallel_loop3A_153 = arith.constant 0 : index
        %parallel_loop3A_154 = tpu.vector_load %arg10[%parallel_loop3A_152, %parallel_loop3A_153] {strides = array<i32>} : memref<80x128xf32, #tpu.memory_space<vmem>>, vector<1x16xf32>,
        %parallel_loop3A_155 = vector.shape_cast %parallel_loop3A_154 : vector<1x16xf32> to vector<16xf32>
        %parallel_loop3A_156 = arith.index_cast %parallel_loop3A_151 : i32 to index
        %parallel_loop3A_157 = arith.constant 0 : index
        %parallel_loop3A_158 = tpu.vector_load %arg12[%parallel_loop3A_156, %parallel_loop3A_157] {strides = array<i32>} : memref<80x128xf32, #tpu.memory_space<vmem>>, vector<1x16xf32>,
        %parallel_loop3A_159 = vector.shape_cast %parallel_loop3A_158 : vector<1x16xf32> to vector<16xf32>
        %parallel_loop3A_160 = arith.mulf %parallel_loop3A_155, %parallel_loop3A_159 : vector<16xf32>
        %parallel_loop3A_161 = arith.index_cast %parallel_loop3A_151 : i32 to index
        %parallel_loop3A_162 = arith.constant 0 : index
        %parallel_loop3A_163 = tpu.vector_load %arg10[%parallel_loop3A_161, %parallel_loop3A_162] {strides = array<i32>} : memref<80x128xf32, #tpu.memory_space<vmem>>, vector<1x16xf32>,
        %parallel_loop3A_164 = vector.shape_cast %parallel_loop3A_163 : vector<1x16xf32> to vector<16xf32>
        %parallel_loop3A_165 = vector.shape_cast %parallel_loop3A_160 : vector<16xf32> to vector<1x16xf32>
        tpu.vector_store %arg10[%parallel_loop3A_161, %parallel_loop3A_162], %parallel_loop3A_165 {strides = array<i32>} : memref<80x128xf32, #tpu.memory_space<vmem>>, vector<1x16xf32>,
        %parallel_loop3A_166 = arith.index_cast %parallel_loop3A_151 : i32 to index
        %parallel_loop3A_167 = arith.constant 16 : index
        %parallel_loop3A_168 = tpu.vector_load %arg10[%parallel_loop3A_166, %parallel_loop3A_167] {strides = array<i32>} : memref<80x128xf32, #tpu.memory_space<vmem>>, vector<1x16xf32>,
        %parallel_loop3A_169 = vector.shape_cast %parallel_loop3A_168 : vector<1x16xf32> to vector<16xf32>
        %parallel_loop3A_170 = arith.index_cast %parallel_loop3A_151 : i32 to index
        %parallel_loop3A_171 = arith.constant 16 : index
        %parallel_loop3A_172 = tpu.vector_load %arg12[%parallel_loop3A_170, %parallel_loop3A_171] {strides = array<i32>} : memref<80x128xf32, #tpu.memory_space<vmem>>, vector<1x16xf32>,
        %parallel_loop3A_173 = vector.shape_cast %parallel_loop3A_172 : vector<1x16xf32> to vector<16xf32>
        %parallel_loop3A_174 = arith.mulf %parallel_loop3A_169, %parallel_loop3A_173 : vector<16xf32>
        %parallel_loop3A_175 = arith.index_cast %parallel_loop3A_151 : i32 to index
        %parallel_loop3A_176 = arith.constant 16 : index
        %parallel_loop3A_177 = tpu.vector_load %arg10[%parallel_loop3A_175, %parallel_loop3A_176] {strides = array<i32>} : memref<80x128xf32, #tpu.memory_space<vmem>>, vector<1x16xf32>,
        %parallel_loop3A_178 = vector.shape_cast %parallel_loop3A_177 : vector<1x16xf32> to vector<16xf32>
        %parallel_loop3A_179 = vector.shape_cast %parallel_loop3A_174 : vector<16xf32> to vector<1x16xf32>
        tpu.vector_store %arg10[%parallel_loop3A_175, %parallel_loop3A_176], %parallel_loop3A_179 {strides = array<i32>} : memref<80x128xf32, #tpu.memory_space<vmem>>, vector<1x16xf32>,
        %parallel_loop3A_180 = arith.index_cast %parallel_loop3A_151 : i32 to index
        %parallel_loop3A_181 = arith.constant 32 : index
        %parallel_loop3A_182 = tpu.vector_load %arg10[%parallel_loop3A_180, %parallel_loop3A_181] {strides = array<i32>} : memref<80x128xf32, #tpu.memory_space<vmem>>, vector<1x16xf32>,
        %parallel_loop3A_183 = vector.shape_cast %parallel_loop3A_182 : vector<1x16xf32> to vector<16xf32>
        %parallel_loop3A_184 = arith.index_cast %parallel_loop3A_151 : i32 to index
        %parallel_loop3A_185 = arith.constant 32 : index
        %parallel_loop3A_186 = tpu.vector_load %arg12[%parallel_loop3A_184, %parallel_loop3A_185] {strides = array<i32>} : memref<80x128xf32, #tpu.memory_space<vmem>>, vector<1x16xf32>,
        %parallel_loop3A_187 = vector.shape_cast %parallel_loop3A_186 : vector<1x16xf32> to vector<16xf32>
        %parallel_loop3A_188 = arith.mulf %parallel_loop3A_183, %parallel_loop3A_187 : vector<16xf32>
        %parallel_loop3A_189 = arith.index_cast %parallel_loop3A_151 : i32 to index
        %parallel_loop3A_190 = arith.constant 32 : index
        %parallel_loop3A_191 = tpu.vector_load %arg10[%parallel_loop3A_189, %parallel_loop3A_190] {strides = array<i32>} : memref<80x128xf32, #tpu.memory_space<vmem>>, vector<1x16xf32>,
        %parallel_loop3A_192 = vector.shape_cast %parallel_loop3A_191 : vector<1x16xf32> to vector<16xf32>
        %parallel_loop3A_193 = vector.shape_cast %parallel_loop3A_188 : vector<16xf32> to vector<1x16xf32>
        tpu.vector_store %arg10[%parallel_loop3A_189, %parallel_loop3A_190], %parallel_loop3A_193 {strides = array<i32>} : memref<80x128xf32, #tpu.memory_space<vmem>>, vector<1x16xf32>,
        %parallel_loop3A_194 = arith.index_cast %parallel_loop3A_151 : i32 to index
        %parallel_loop3A_195 = arith.constant 48 : index
        %parallel_loop3A_196 = tpu.vector_load %arg10[%parallel_loop3A_194, %parallel_loop3A_195] {strides = array<i32>} : memref<80x128xf32, #tpu.memory_space<vmem>>, vector<1x16xf32>,
        %parallel_loop3A_197 = vector.shape_cast %parallel_loop3A_196 : vector<1x16xf32> to vector<16xf32>
        %parallel_loop3A_198 = arith.index_cast %parallel_loop3A_151 : i32 to index
        %parallel_loop3A_199 = arith.constant 48 : index
        %parallel_loop3A_200 = tpu.vector_load %arg12[%parallel_loop3A_198, %parallel_loop3A_199] {strides = array<i32>} : memref<80x128xf32, #tpu.memory_space<vmem>>, vector<1x16xf32>,
        %parallel_loop3A_201 = vector.shape_cast %parallel_loop3A_200 : vector<1x16xf32> to vector<16xf32>
        %parallel_loop3A_202 = arith.mulf %parallel_loop3A_197, %parallel_loop3A_201 : vector<16xf32>
        %parallel_loop3A_203 = arith.index_cast %parallel_loop3A_151 : i32 to index
        %parallel_loop3A_204 = arith.constant 48 : index
        %parallel_loop3A_205 = tpu.vector_load %arg10[%parallel_loop3A_203, %parallel_loop3A_204] {strides = array<i32>} : memref<80x128xf32, #tpu.memory_space<vmem>>, vector<1x16xf32>,
        %parallel_loop3A_206 = vector.shape_cast %parallel_loop3A_205 : vector<1x16xf32> to vector<16xf32>
        %parallel_loop3A_207 = vector.shape_cast %parallel_loop3A_202 : vector<16xf32> to vector<1x16xf32>
        tpu.vector_store %arg10[%parallel_loop3A_203, %parallel_loop3A_204], %parallel_loop3A_207 {strides = array<i32>} : memref<80x128xf32, #tpu.memory_space<vmem>>, vector<1x16xf32>,
        %parallel_loop3A_208 = arith.index_cast %parallel_loop3A_151 : i32 to index
        %parallel_loop3A_209 = arith.constant 64 : index
        %parallel_loop3A_210 = tpu.vector_load %arg10[%parallel_loop3A_208, %parallel_loop3A_209] {strides = array<i32>} : memref<80x128xf32, #tpu.memory_space<vmem>>, vector<1x16xf32>,
        %parallel_loop3A_211 = vector.shape_cast %parallel_loop3A_210 : vector<1x16xf32> to vector<16xf32>
        %parallel_loop3A_212 = arith.index_cast %parallel_loop3A_151 : i32 to index
        %parallel_loop3A_213 = arith.constant 64 : index
        %parallel_loop3A_214 = tpu.vector_load %arg12[%parallel_loop3A_212, %parallel_loop3A_213] {strides = array<i32>} : memref<80x128xf32, #tpu.memory_space<vmem>>, vector<1x16xf32>,
        %parallel_loop3A_215 = vector.shape_cast %parallel_loop3A_214 : vector<1x16xf32> to vector<16xf32>
        %parallel_loop3A_216 = arith.mulf %parallel_loop3A_211, %parallel_loop3A_215 : vector<16xf32>
        %parallel_loop3A_217 = arith.index_cast %parallel_loop3A_151 : i32 to index
        %parallel_loop3A_218 = arith.constant 64 : index
        %parallel_loop3A_219 = tpu.vector_load %arg10[%parallel_loop3A_217, %parallel_loop3A_218] {strides = array<i32>} : memref<80x128xf32, #tpu.memory_space<vmem>>, vector<1x16xf32>,
        %parallel_loop3A_220 = vector.shape_cast %parallel_loop3A_219 : vector<1x16xf32> to vector<16xf32>
        %parallel_loop3A_221 = vector.shape_cast %parallel_loop3A_216 : vector<16xf32> to vector<1x16xf32>
        tpu.vector_store %arg10[%parallel_loop3A_217, %parallel_loop3A_218], %parallel_loop3A_221 {strides = array<i32>} : memref<80x128xf32, #tpu.memory_space<vmem>>, vector<1x16xf32>,
        %parallel_loop3A_222 = arith.index_cast %parallel_loop3A_151 : i32 to index
        %parallel_loop3A_223 = arith.constant 80 : index
        %parallel_loop3A_224 = tpu.vector_load %arg10[%parallel_loop3A_222, %parallel_loop3A_223] {strides = array<i32>} : memref<80x128xf32, #tpu.memory_space<vmem>>, vector<1x16xf32>,
        %parallel_loop3A_225 = vector.shape_cast %parallel_loop3A_224 : vector<1x16xf32> to vector<16xf32>
        %parallel_loop3A_226 = arith.index_cast %parallel_loop3A_151 : i32 to index
        %parallel_loop3A_227 = arith.constant 80 : index
        %parallel_loop3A_228 = tpu.vector_load %arg12[%parallel_loop3A_226, %parallel_loop3A_227] {strides = array<i32>} : memref<80x128xf32, #tpu.memory_space<vmem>>, vector<1x16xf32>,
        %parallel_loop3A_229 = vector.shape_cast %parallel_loop3A_228 : vector<1x16xf32> to vector<16xf32>
        %parallel_loop3A_230 = arith.mulf %parallel_loop3A_225, %parallel_loop3A_229 : vector<16xf32>
        %parallel_loop3A_231 = arith.index_cast %parallel_loop3A_151 : i32 to index
        %parallel_loop3A_232 = arith.constant 80 : index
        %parallel_loop3A_233 = tpu.vector_load %arg10[%parallel_loop3A_231, %parallel_loop3A_232] {strides = array<i32>} : memref<80x128xf32, #tpu.memory_space<vmem>>, vector<1x16xf32>,
        %parallel_loop3A_234 = vector.shape_cast %parallel_loop3A_233 : vector<1x16xf32> to vector<16xf32>
        %parallel_loop3A_235 = vector.shape_cast %parallel_loop3A_230 : vector<16xf32> to vector<1x16xf32>
        tpu.vector_store %arg10[%parallel_loop3A_231, %parallel_loop3A_232], %parallel_loop3A_235 {strides = array<i32>} : memref<80x128xf32, #tpu.memory_space<vmem>>, vector<1x16xf32>,
        %parallel_loop3A_236 = arith.index_cast %parallel_loop3A_151 : i32 to index
        %parallel_loop3A_237 = arith.constant 96 : index
        %parallel_loop3A_238 = tpu.vector_load %arg10[%parallel_loop3A_236, %parallel_loop3A_237] {strides = array<i32>} : memref<80x128xf32, #tpu.memory_space<vmem>>, vector<1x16xf32>,
        %parallel_loop3A_239 = vector.shape_cast %parallel_loop3A_238 : vector<1x16xf32> to vector<16xf32>
        %parallel_loop3A_240 = arith.index_cast %parallel_loop3A_151 : i32 to index
        %parallel_loop3A_241 = arith.constant 96 : index
        %parallel_loop3A_242 = tpu.vector_load %arg12[%parallel_loop3A_240, %parallel_loop3A_241] {strides = array<i32>} : memref<80x128xf32, #tpu.memory_space<vmem>>, vector<1x16xf32>,
        %parallel_loop3A_243 = vector.shape_cast %parallel_loop3A_242 : vector<1x16xf32> to vector<16xf32>
        %parallel_loop3A_244 = arith.mulf %parallel_loop3A_239, %parallel_loop3A_243 : vector<16xf32>
        %parallel_loop3A_245 = arith.index_cast %parallel_loop3A_151 : i32 to index
        %parallel_loop3A_246 = arith.constant 96 : index
        %parallel_loop3A_247 = tpu.vector_load %arg10[%parallel_loop3A_245, %parallel_loop3A_246] {strides = array<i32>} : memref<80x128xf32, #tpu.memory_space<vmem>>, vector<1x16xf32>,
        %parallel_loop3A_248 = vector.shape_cast %parallel_loop3A_247 : vector<1x16xf32> to vector<16xf32>
        %parallel_loop3A_249 = vector.shape_cast %parallel_loop3A_244 : vector<16xf32> to vector<1x16xf32>
        tpu.vector_store %arg10[%parallel_loop3A_245, %parallel_loop3A_246], %parallel_loop3A_249 {strides = array<i32>} : memref<80x128xf32, #tpu.memory_space<vmem>>, vector<1x16xf32>,
        %parallel_loop3A_250 = arith.index_cast %parallel_loop3A_151 : i32 to index
        %parallel_loop3A_251 = arith.constant 112 : index
        %parallel_loop3A_252 = tpu.vector_load %arg10[%parallel_loop3A_250, %parallel_loop3A_251] {strides = array<i32>} : memref<80x128xf32, #tpu.memory_space<vmem>>, vector<1x16xf32>,
        %parallel_loop3A_253 = vector.shape_cast %parallel_loop3A_252 : vector<1x16xf32> to vector<16xf32>
        %parallel_loop3A_254 = arith.index_cast %parallel_loop3A_151 : i32 to index
        %parallel_loop3A_255 = arith.constant 112 : index
        %parallel_loop3A_256 = tpu.vector_load %arg12[%parallel_loop3A_254, %parallel_loop3A_255] {strides = array<i32>} : memref<80x128xf32, #tpu.memory_space<vmem>>, vector<1x16xf32>,
        %parallel_loop3A_257 = vector.shape_cast %parallel_loop3A_256 : vector<1x16xf32> to vector<16xf32>
        %parallel_loop3A_258 = arith.mulf %parallel_loop3A_253, %parallel_loop3A_257 : vector<16xf32>
        %parallel_loop3A_259 = arith.index_cast %parallel_loop3A_151 : i32 to index
        %parallel_loop3A_260 = arith.constant 112 : index
        %parallel_loop3A_261 = tpu.vector_load %arg10[%parallel_loop3A_259, %parallel_loop3A_260] {strides = array<i32>} : memref<80x128xf32, #tpu.memory_space<vmem>>, vector<1x16xf32>,
        %parallel_loop3A_262 = vector.shape_cast %parallel_loop3A_261 : vector<1x16xf32> to vector<16xf32>
        %parallel_loop3A_263 = vector.shape_cast %parallel_loop3A_258 : vector<16xf32> to vector<1x16xf32>
        tpu.vector_store %arg10[%parallel_loop3A_259, %parallel_loop3A_260], %parallel_loop3A_263 {strides = array<i32>} : memref<80x128xf32, #tpu.memory_space<vmem>>, vector<1x16xf32>,
      } {sc.loop_unroll_factor = 2 : i64, sc.parallel_access}
      %dma_start3A_144 = arith.constant 1 : i32
      %dma_start3A_145 = arith.constant 0 : i32
      %dma_start3A_146 = tpu.memref_slice %arg8[%dma_start3A_144, %dma_start3A_145] : memref<2x80xi32, #tpu.memory_space<vmem>> -> memref<1x80xi32, #tpu.memory_space<vmem>>
      %dma_start3A_147 = tpu.memref_squeeze %dma_start3A_146 : memref<1x80xi32, #tpu.memory_space<vmem>> -> memref<80xi32, #tpu.memory_space<vmem>>
      %dma_start3A_148 = arith.constant 0 : i32
      %dma_start3A_149 = arith.constant 0 : i32
      %dma_start3A_150 = tpu.memref_slice %arg13[%dma_start3A_148, %dma_start3A_149] : memref<10240x128xf32, #tpu.memory_space<vmem_shared>> -> memref<10240x128xf32, #tpu.memory_space<vmem_shared>>
      tpu.enqueue_indirect_dma source(%arg10 : memref<80x128xf32, #tpu.memory_space<vmem>>) target(%dma_start3A_150 : memref<10240x128xf32, #tpu.memory_space<vmem_shared>>) offsets(%dma_start3A_147 : memref<80xi32, #tpu.memory_space<vmem>>) semaphore(%arg19 : memref<!tpu.dma_semaphore, #tpu.memory_space<semaphore_mem>>) {add = true}
    }
    %scan3A_22 = arith.constant 62 : i32
    %dma_wait3A = arith.constant 0 : i32
    %dma_wait3A_23 = arith.constant 0 : i32
    %dma_wait3A_24 = tpu.memref_slice %arg7[%dma_wait3A, %dma_wait3A_23] : memref<2x80xi32, #tpu.memory_space<vmem>> -> memref<1x80xi32, #tpu.memory_space<vmem>>
    %dma_wait3A_25 = tpu.memref_squeeze %dma_wait3A_24 : memref<1x80xi32, #tpu.memory_space<vmem>> -> memref<80xi32, #tpu.memory_space<vmem>>
    %dma_wait3A_26 = arith.constant 0 : i32
    %dma_wait3A_27 = arith.constant 0 : i32
    %dma_wait3A_28 = tpu.memref_slice %arg2[%dma_wait3A_26, %dma_wait3A_27] : memref<40000x128xf32, #tpu.memory_space<hbm>> -> memref<40000x128xf32, #tpu.memory_space<hbm>>
    tpu.wait_indirect_dma semaphore(%arg14 : memref<!tpu.dma_semaphore, #tpu.memory_space<semaphore_mem>>) src(%dma_wait3A_28 : memref<40000x128xf32, #tpu.memory_space<hbm>>) dst(%arg9 : memref<80x128xf32, #tpu.memory_space<vmem>>)
    %dma_wait3A_29 = arith.constant 0 : i32
    %dma_wait3A_30 = arith.constant 0 : i32
    %dma_wait3A_31 = tpu.memref_slice %arg3[%dma_wait3A_29, %dma_wait3A_30] : memref<320000x128xf32, #tpu.memory_space<hbm>> -> memref<80x128xf32, #tpu.memory_space<hbm>>
    %dma_wait3A_32 = arith.constant 0 : i32
    %dma_wait3A_33 = arith.constant 0 : i32
    %dma_wait3A_34 = tpu.memref_slice %arg3[%dma_wait3A_32, %dma_wait3A_33] : memref<320000x128xf32, #tpu.memory_space<hbm>> -> memref<80x128xf32, #tpu.memory_space<hbm>>
    tpu.wait_dma2 semaphore(%arg16 : memref<!tpu.dma_semaphore, #tpu.memory_space<semaphore_mem>>) src(%dma_wait3A_34 : memref<80x128xf32, #tpu.memory_space<hbm>>) dst(%arg11 : memref<80x128xf32, #tpu.memory_space<vmem>>)
    %parallel_loop3A = arith.constant 0 : i32
    %parallel_loop3A_35 = arith.constant 80 : i32
    %parallel_loop3A_36 = arith.constant 1 : i32
    scf.for %parallel_loop3A_59 = %parallel_loop3A to %parallel_loop3A_35 step %parallel_loop3A_36  : i32 {
      %parallel_loop3A_60 = arith.index_cast %parallel_loop3A_59 : i32 to index
      %parallel_loop3A_61 = arith.constant 0 : index
      %parallel_loop3A_62 = tpu.vector_load %arg9[%parallel_loop3A_60, %parallel_loop3A_61] {strides = array<i32>} : memref<80x128xf32, #tpu.memory_space<vmem>>, vector<1x16xf32>,
      %parallel_loop3A_63 = vector.shape_cast %parallel_loop3A_62 : vector<1x16xf32> to vector<16xf32>
      %parallel_loop3A_64 = arith.index_cast %parallel_loop3A_59 : i32 to index
      %parallel_loop3A_65 = arith.constant 0 : index
      %parallel_loop3A_66 = tpu.vector_load %arg11[%parallel_loop3A_64, %parallel_loop3A_65] {strides = array<i32>} : memref<80x128xf32, #tpu.memory_space<vmem>>, vector<1x16xf32>,
      %parallel_loop3A_67 = vector.shape_cast %parallel_loop3A_66 : vector<1x16xf32> to vector<16xf32>
      %parallel_loop3A_68 = arith.mulf %parallel_loop3A_63, %parallel_loop3A_67 : vector<16xf32>
      %parallel_loop3A_69 = arith.index_cast %parallel_loop3A_59 : i32 to index
      %parallel_loop3A_70 = arith.constant 0 : index
      %parallel_loop3A_71 = tpu.vector_load %arg9[%parallel_loop3A_69, %parallel_loop3A_70] {strides = array<i32>} : memref<80x128xf32, #tpu.memory_space<vmem>>, vector<1x16xf32>,
      %parallel_loop3A_72 = vector.shape_cast %parallel_loop3A_71 : vector<1x16xf32> to vector<16xf32>
      %parallel_loop3A_73 = vector.shape_cast %parallel_loop3A_68 : vector<16xf32> to vector<1x16xf32>
      tpu.vector_store %arg9[%parallel_loop3A_69, %parallel_loop3A_70], %parallel_loop3A_73 {strides = array<i32>} : memref<80x128xf32, #tpu.memory_space<vmem>>, vector<1x16xf32>,
      %parallel_loop3A_74 = arith.index_cast %parallel_loop3A_59 : i32 to index
      %parallel_loop3A_75 = arith.constant 16 : index
      %parallel_loop3A_76 = tpu.vector_load %arg9[%parallel_loop3A_74, %parallel_loop3A_75] {strides = array<i32>} : memref<80x128xf32, #tpu.memory_space<vmem>>, vector<1x16xf32>,
      %parallel_loop3A_77 = vector.shape_cast %parallel_loop3A_76 : vector<1x16xf32> to vector<16xf32>
      %parallel_loop3A_78 = arith.index_cast %parallel_loop3A_59 : i32 to index
      %parallel_loop3A_79 = arith.constant 16 : index
      %parallel_loop3A_80 = tpu.vector_load %arg11[%parallel_loop3A_78, %parallel_loop3A_79] {strides = array<i32>} : memref<80x128xf32, #tpu.memory_space<vmem>>, vector<1x16xf32>,
      %parallel_loop3A_81 = vector.shape_cast %parallel_loop3A_80 : vector<1x16xf32> to vector<16xf32>
      %parallel_loop3A_82 = arith.mulf %parallel_loop3A_77, %parallel_loop3A_81 : vector<16xf32>
      %parallel_loop3A_83 = arith.index_cast %parallel_loop3A_59 : i32 to index
      %parallel_loop3A_84 = arith.constant 16 : index
      %parallel_loop3A_85 = tpu.vector_load %arg9[%parallel_loop3A_83, %parallel_loop3A_84] {strides = array<i32>} : memref<80x128xf32, #tpu.memory_space<vmem>>, vector<1x16xf32>,
      %parallel_loop3A_86 = vector.shape_cast %parallel_loop3A_85 : vector<1x16xf32> to vector<16xf32>
      %parallel_loop3A_87 = vector.shape_cast %parallel_loop3A_82 : vector<16xf32> to vector<1x16xf32>
      tpu.vector_store %arg9[%parallel_loop3A_83, %parallel_loop3A_84], %parallel_loop3A_87 {strides = array<i32>} : memref<80x128xf32, #tpu.memory_space<vmem>>, vector<1x16xf32>,
      %parallel_loop3A_88 = arith.index_cast %parallel_loop3A_59 : i32 to index
      %parallel_loop3A_89 = arith.constant 32 : index
      %parallel_loop3A_90 = tpu.vector_load %arg9[%parallel_loop3A_88, %parallel_loop3A_89] {strides = array<i32>} : memref<80x128xf32, #tpu.memory_space<vmem>>, vector<1x16xf32>,
      %parallel_loop3A_91 = vector.shape_cast %parallel_loop3A_90 : vector<1x16xf32> to vector<16xf32>
      %parallel_loop3A_92 = arith.index_cast %parallel_loop3A_59 : i32 to index
      %parallel_loop3A_93 = arith.constant 32 : index
      %parallel_loop3A_94 = tpu.vector_load %arg11[%parallel_loop3A_92, %parallel_loop3A_93] {strides = array<i32>} : memref<80x128xf32, #tpu.memory_space<vmem>>, vector<1x16xf32>,
      %parallel_loop3A_95 = vector.shape_cast %parallel_loop3A_94 : vector<1x16xf32> to vector<16xf32>
      %parallel_loop3A_96 = arith.mulf %parallel_loop3A_91, %parallel_loop3A_95 : vector<16xf32>
      %parallel_loop3A_97 = arith.index_cast %parallel_loop3A_59 : i32 to index
      %parallel_loop3A_98 = arith.constant 32 : index
      %parallel_loop3A_99 = tpu.vector_load %arg9[%parallel_loop3A_97, %parallel_loop3A_98] {strides = array<i32>} : memref<80x128xf32, #tpu.memory_space<vmem>>, vector<1x16xf32>,
      %parallel_loop3A_100 = vector.shape_cast %parallel_loop3A_99 : vector<1x16xf32> to vector<16xf32>
      %parallel_loop3A_101 = vector.shape_cast %parallel_loop3A_96 : vector<16xf32> to vector<1x16xf32>
      tpu.vector_store %arg9[%parallel_loop3A_97, %parallel_loop3A_98], %parallel_loop3A_101 {strides = array<i32>} : memref<80x128xf32, #tpu.memory_space<vmem>>, vector<1x16xf32>,
      %parallel_loop3A_102 = arith.index_cast %parallel_loop3A_59 : i32 to index
      %parallel_loop3A_103 = arith.constant 48 : index
      %parallel_loop3A_104 = tpu.vector_load %arg9[%parallel_loop3A_102, %parallel_loop3A_103] {strides = array<i32>} : memref<80x128xf32, #tpu.memory_space<vmem>>, vector<1x16xf32>,
      %parallel_loop3A_105 = vector.shape_cast %parallel_loop3A_104 : vector<1x16xf32> to vector<16xf32>
      %parallel_loop3A_106 = arith.index_cast %parallel_loop3A_59 : i32 to index
      %parallel_loop3A_107 = arith.constant 48 : index
      %parallel_loop3A_108 = tpu.vector_load %arg11[%parallel_loop3A_106, %parallel_loop3A_107] {strides = array<i32>} : memref<80x128xf32, #tpu.memory_space<vmem>>, vector<1x16xf32>,
      %parallel_loop3A_109 = vector.shape_cast %parallel_loop3A_108 : vector<1x16xf32> to vector<16xf32>
      %parallel_loop3A_110 = arith.mulf %parallel_loop3A_105, %parallel_loop3A_109 : vector<16xf32>
      %parallel_loop3A_111 = arith.index_cast %parallel_loop3A_59 : i32 to index
      %parallel_loop3A_112 = arith.constant 48 : index
      %parallel_loop3A_113 = tpu.vector_load %arg9[%parallel_loop3A_111, %parallel_loop3A_112] {strides = array<i32>} : memref<80x128xf32, #tpu.memory_space<vmem>>, vector<1x16xf32>,
      %parallel_loop3A_114 = vector.shape_cast %parallel_loop3A_113 : vector<1x16xf32> to vector<16xf32>
      %parallel_loop3A_115 = vector.shape_cast %parallel_loop3A_110 : vector<16xf32> to vector<1x16xf32>
      tpu.vector_store %arg9[%parallel_loop3A_111, %parallel_loop3A_112], %parallel_loop3A_115 {strides = array<i32>} : memref<80x128xf32, #tpu.memory_space<vmem>>, vector<1x16xf32>,
      %parallel_loop3A_116 = arith.index_cast %parallel_loop3A_59 : i32 to index
      %parallel_loop3A_117 = arith.constant 64 : index
      %parallel_loop3A_118 = tpu.vector_load %arg9[%parallel_loop3A_116, %parallel_loop3A_117] {strides = array<i32>} : memref<80x128xf32, #tpu.memory_space<vmem>>, vector<1x16xf32>,
      %parallel_loop3A_119 = vector.shape_cast %parallel_loop3A_118 : vector<1x16xf32> to vector<16xf32>
      %parallel_loop3A_120 = arith.index_cast %parallel_loop3A_59 : i32 to index
      %parallel_loop3A_121 = arith.constant 64 : index
      %parallel_loop3A_122 = tpu.vector_load %arg11[%parallel_loop3A_120, %parallel_loop3A_121] {strides = array<i32>} : memref<80x128xf32, #tpu.memory_space<vmem>>, vector<1x16xf32>,
      %parallel_loop3A_123 = vector.shape_cast %parallel_loop3A_122 : vector<1x16xf32> to vector<16xf32>
      %parallel_loop3A_124 = arith.mulf %parallel_loop3A_119, %parallel_loop3A_123 : vector<16xf32>
      %parallel_loop3A_125 = arith.index_cast %parallel_loop3A_59 : i32 to index
      %parallel_loop3A_126 = arith.constant 64 : index
      %parallel_loop3A_127 = tpu.vector_load %arg9[%parallel_loop3A_125, %parallel_loop3A_126] {strides = array<i32>} : memref<80x128xf32, #tpu.memory_space<vmem>>, vector<1x16xf32>,
      %parallel_loop3A_128 = vector.shape_cast %parallel_loop3A_127 : vector<1x16xf32> to vector<16xf32>
      %parallel_loop3A_129 = vector.shape_cast %parallel_loop3A_124 : vector<16xf32> to vector<1x16xf32>
      tpu.vector_store %arg9[%parallel_loop3A_125, %parallel_loop3A_126], %parallel_loop3A_129 {strides = array<i32>} : memref<80x128xf32, #tpu.memory_space<vmem>>, vector<1x16xf32>,
      %parallel_loop3A_130 = arith.index_cast %parallel_loop3A_59 : i32 to index
      %parallel_loop3A_131 = arith.constant 80 : index
      %parallel_loop3A_132 = tpu.vector_load %arg9[%parallel_loop3A_130, %parallel_loop3A_131] {strides = array<i32>} : memref<80x128xf32, #tpu.memory_space<vmem>>, vector<1x16xf32>,
      %parallel_loop3A_133 = vector.shape_cast %parallel_loop3A_132 : vector<1x16xf32> to vector<16xf32>
      %parallel_loop3A_134 = arith.index_cast %parallel_loop3A_59 : i32 to index
      %parallel_loop3A_135 = arith.constant 80 : index
      %parallel_loop3A_136 = tpu.vector_load %arg11[%parallel_loop3A_134, %parallel_loop3A_135] {strides = array<i32>} : memref<80x128xf32, #tpu.memory_space<vmem>>, vector<1x16xf32>,
      %parallel_loop3A_137 = vector.shape_cast %parallel_loop3A_136 : vector<1x16xf32> to vector<16xf32>
      %parallel_loop3A_138 = arith.mulf %parallel_loop3A_133, %parallel_loop3A_137 : vector<16xf32>
      %parallel_loop3A_139 = arith.index_cast %parallel_loop3A_59 : i32 to index
      %parallel_loop3A_140 = arith.constant 80 : index
      %parallel_loop3A_141 = tpu.vector_load %arg9[%parallel_loop3A_139, %parallel_loop3A_140] {strides = array<i32>} : memref<80x128xf32, #tpu.memory_space<vmem>>, vector<1x16xf32>,
      %parallel_loop3A_142 = vector.shape_cast %parallel_loop3A_141 : vector<1x16xf32> to vector<16xf32>
      %parallel_loop3A_143 = vector.shape_cast %parallel_loop3A_138 : vector<16xf32> to vector<1x16xf32>
      tpu.vector_store %arg9[%parallel_loop3A_139, %parallel_loop3A_140], %parallel_loop3A_143 {strides = array<i32>} : memref<80x128xf32, #tpu.memory_space<vmem>>, vector<1x16xf32>,
      %parallel_loop3A_144 = arith.index_cast %parallel_loop3A_59 : i32 to index
      %parallel_loop3A_145 = arith.constant 96 : index
      %parallel_loop3A_146 = tpu.vector_load %arg9[%parallel_loop3A_144, %parallel_loop3A_145] {strides = array<i32>} : memref<80x128xf32, #tpu.memory_space<vmem>>, vector<1x16xf32>,
      %parallel_loop3A_147 = vector.shape_cast %parallel_loop3A_146 : vector<1x16xf32> to vector<16xf32>
      %parallel_loop3A_148 = arith.index_cast %parallel_loop3A_59 : i32 to index
      %parallel_loop3A_149 = arith.constant 96 : index
      %parallel_loop3A_150 = tpu.vector_load %arg11[%parallel_loop3A_148, %parallel_loop3A_149] {strides = array<i32>} : memref<80x128xf32, #tpu.memory_space<vmem>>, vector<1x16xf32>,
      %parallel_loop3A_151 = vector.shape_cast %parallel_loop3A_150 : vector<1x16xf32> to vector<16xf32>
      %parallel_loop3A_152 = arith.mulf %parallel_loop3A_147, %parallel_loop3A_151 : vector<16xf32>
      %parallel_loop3A_153 = arith.index_cast %parallel_loop3A_59 : i32 to index
      %parallel_loop3A_154 = arith.constant 96 : index
      %parallel_loop3A_155 = tpu.vector_load %arg9[%parallel_loop3A_153, %parallel_loop3A_154] {strides = array<i32>} : memref<80x128xf32, #tpu.memory_space<vmem>>, vector<1x16xf32>,
      %parallel_loop3A_156 = vector.shape_cast %parallel_loop3A_155 : vector<1x16xf32> to vector<16xf32>
      %parallel_loop3A_157 = vector.shape_cast %parallel_loop3A_152 : vector<16xf32> to vector<1x16xf32>
      tpu.vector_store %arg9[%parallel_loop3A_153, %parallel_loop3A_154], %parallel_loop3A_157 {strides = array<i32>} : memref<80x128xf32, #tpu.memory_space<vmem>>, vector<1x16xf32>,
      %parallel_loop3A_158 = arith.index_cast %parallel_loop3A_59 : i32 to index
      %parallel_loop3A_159 = arith.constant 112 : index
      %parallel_loop3A_160 = tpu.vector_load %arg9[%parallel_loop3A_158, %parallel_loop3A_159] {strides = array<i32>} : memref<80x128xf32, #tpu.memory_space<vmem>>, vector<1x16xf32>,
      %parallel_loop3A_161 = vector.shape_cast %parallel_loop3A_160 : vector<1x16xf32> to vector<16xf32>
      %parallel_loop3A_162 = arith.index_cast %parallel_loop3A_59 : i32 to index
      %parallel_loop3A_163 = arith.constant 112 : index
      %parallel_loop3A_164 = tpu.vector_load %arg11[%parallel_loop3A_162, %parallel_loop3A_163] {strides = array<i32>} : memref<80x128xf32, #tpu.memory_space<vmem>>, vector<1x16xf32>,
      %parallel_loop3A_165 = vector.shape_cast %parallel_loop3A_164 : vector<1x16xf32> to vector<16xf32>
      %parallel_loop3A_166 = arith.mulf %parallel_loop3A_161, %parallel_loop3A_165 : vector<16xf32>
      %parallel_loop3A_167 = arith.index_cast %parallel_loop3A_59 : i32 to index
      %parallel_loop3A_168 = arith.constant 112 : index
      %parallel_loop3A_169 = tpu.vector_load %arg9[%parallel_loop3A_167, %parallel_loop3A_168] {strides = array<i32>} : memref<80x128xf32, #tpu.memory_space<vmem>>, vector<1x16xf32>,
      %parallel_loop3A_170 = vector.shape_cast %parallel_loop3A_169 : vector<1x16xf32> to vector<16xf32>
      %parallel_loop3A_171 = vector.shape_cast %parallel_loop3A_166 : vector<16xf32> to vector<1x16xf32>
      tpu.vector_store %arg9[%parallel_loop3A_167, %parallel_loop3A_168], %parallel_loop3A_171 {strides = array<i32>} : memref<80x128xf32, #tpu.memory_space<vmem>>, vector<1x16xf32>,
    } {sc.loop_unroll_factor = 2 : i64, sc.parallel_access}
    %dma_start3A_37 = arith.constant 1 : i32
    %dma_start3A_38 = arith.constant 0 : i32
    %dma_start3A_39 = tpu.memref_slice %arg7[%dma_start3A_37, %dma_start3A_38] : memref<2x80xi32, #tpu.memory_space<vmem>> -> memref<1x80xi32, #tpu.memory_space<vmem>>
    %dma_start3A_40 = tpu.memref_squeeze %dma_start3A_39 : memref<1x80xi32, #tpu.memory_space<vmem>> -> memref<80xi32, #tpu.memory_space<vmem>>
    %dma_start3A_41 = arith.constant 0 : i32
    %dma_start3A_42 = arith.constant 0 : i32
    %dma_start3A_43 = tpu.memref_slice %arg13[%dma_start3A_41, %dma_start3A_42] : memref<10240x128xf32, #tpu.memory_space<vmem_shared>> -> memref<10240x128xf32, #tpu.memory_space<vmem_shared>>
    tpu.enqueue_indirect_dma source(%arg9 : memref<80x128xf32, #tpu.memory_space<vmem>>) target(%dma_start3A_43 : memref<10240x128xf32, #tpu.memory_space<vmem_shared>>) offsets(%dma_start3A_40 : memref<80xi32, #tpu.memory_space<vmem>>) semaphore(%arg18 : memref<!tpu.dma_semaphore, #tpu.memory_space<semaphore_mem>>) {add = true}
    %dma_wait3A_44 = arith.constant 1 : i32
    %dma_wait3A_45 = arith.constant 0 : i32
    %dma_wait3A_46 = tpu.memref_slice %arg7[%dma_wait3A_44, %dma_wait3A_45] : memref<2x80xi32, #tpu.memory_space<vmem>> -> memref<1x80xi32, #tpu.memory_space<vmem>>
    %dma_wait3A_47 = tpu.memref_squeeze %dma_wait3A_46 : memref<1x80xi32, #tpu.memory_space<vmem>> -> memref<80xi32, #tpu.memory_space<vmem>>
    %dma_wait3A_48 = arith.constant 0 : i32
    %dma_wait3A_49 = arith.constant 0 : i32
    %dma_wait3A_50 = tpu.memref_slice %arg13[%dma_wait3A_48, %dma_wait3A_49] : memref<10240x128xf32, #tpu.memory_space<vmem_shared>> -> memref<10240x128xf32, #tpu.memory_space<vmem_shared>>
    tpu.wait_indirect_dma semaphore(%arg18 : memref<!tpu.dma_semaphore, #tpu.memory_space<semaphore_mem>>) src(%arg9 : memref<80x128xf32, #tpu.memory_space<vmem>>) dst(%dma_wait3A_50 : memref<10240x128xf32, #tpu.memory_space<vmem_shared>>)
    %dma_wait3A_51 = arith.constant 1 : i32
    %dma_wait3A_52 = arith.constant 0 : i32
    %dma_wait3A_53 = tpu.memref_slice %arg8[%dma_wait3A_51, %dma_wait3A_52] : memref<2x80xi32, #tpu.memory_space<vmem>> -> memref<1x80xi32, #tpu.memory_space<vmem>>
    %dma_wait3A_54 = tpu.memref_squeeze %dma_wait3A_53 : memref<1x80xi32, #tpu.memory_space<vmem>> -> memref<80xi32, #tpu.memory_space<vmem>>
    %dma_wait3A_55 = arith.constant 0 : i32
    %dma_wait3A_56 = arith.constant 0 : i32
    %dma_wait3A_57 = tpu.memref_slice %arg13[%dma_wait3A_55, %dma_wait3A_56] : memref<10240x128xf32, #tpu.memory_space<vmem_shared>> -> memref<10240x128xf32, #tpu.memory_space<vmem_shared>>
    tpu.wait_indirect_dma semaphore(%arg19 : memref<!tpu.dma_semaphore, #tpu.memory_space<semaphore_mem>>) src(%arg10 : memref<80x128xf32, #tpu.memory_space<vmem>>) dst(%dma_wait3A_57 : memref<10240x128xf32, #tpu.memory_space<vmem_shared>>)
    %barrier3A_58 = arith.constant 0 : index
    tpu.barrier barrier_id(%barrier3A_58)
    "tpu.region"() ({
      %run_scoped3A_59 = tpu.sem_alloc : memref<!tpu.dma_semaphore, #tpu.memory_space<semaphore_mem>>
      %dma_start3A_60 = arith.constant 0 : i32
      %dma_start3A_61 = tpu.memref_slice %arg6[%arg0, %multiple_of3A, %dma_start3A_60] : memref<2x10240x128xf32, #tpu.memory_space<hbm>> -> memref<1x640x128xf32, #tpu.memory_space<hbm>>
      %dma_start3A_62 = tpu.memref_squeeze %dma_start3A_61 : memref<1x640x128xf32, #tpu.memory_space<hbm>> -> memref<640x128xf32, #tpu.memory_space<hbm>>
      %dma_start3A_63 = arith.constant 0 : i32
      %dma_start3A_64 = tpu.memref_slice %arg13[%multiple_of3A, %dma_start3A_63] : memref<10240x128xf32, #tpu.memory_space<vmem_shared>> -> memref<640x128xf32, #tpu.memory_space<vmem_shared>>
      tpu.enqueue_dma source(%dma_start3A_64 : memref<640x128xf32, #tpu.memory_space<vmem_shared>>) target(%dma_start3A_62 : memref<640x128xf32, #tpu.memory_space<hbm>>) target_semaphore(%run_scoped3A_59 : memref<!tpu.dma_semaphore, #tpu.memory_space<semaphore_mem>>)
      %dma_wait3A_65 = arith.constant 0 : i32
      %dma_wait3A_66 = tpu.memref_slice %arg6[%arg0, %multiple_of3A, %dma_wait3A_65] : memref<2x10240x128xf32, #tpu.memory_space<hbm>> -> memref<1x640x128xf32, #tpu.memory_space<hbm>>
      %dma_wait3A_67 = tpu.memref_squeeze %dma_wait3A_66 : memref<1x640x128xf32, #tpu.memory_space<hbm>> -> memref<640x128xf32, #tpu.memory_space<hbm>>
      %dma_wait3A_68 = arith.constant 0 : i32
      %dma_wait3A_69 = tpu.memref_slice %arg13[%multiple_of3A, %dma_wait3A_68] : memref<10240x128xf32, #tpu.memory_space<vmem_shared>> -> memref<640x128xf32, #tpu.memory_space<vmem_shared>>
      tpu.wait_dma2 semaphore(%run_scoped3A_59 : memref<!tpu.dma_semaphore, #tpu.memory_space<semaphore_mem>>) src(%dma_wait3A_69 : memref<640x128xf32, #tpu.memory_space<vmem_shared>>) dst(%dma_wait3A_67 : memref<640x128xf32, #tpu.memory_space<hbm>>)
      tpu.yield
    }) : () -> ()
    return
  }
}

#map = affine_map<(d0, d1) -> (0, 0)>
#map1 = affine_map<(d0, d1) -> (0, 0, 0, 0)>
#map2 = affine_map<(d0, d1) -> (0, 0, 0)>
module attributes {stable_mosaic.version = 14 : i64} {
  func.func @edge_k(%arg0: i32, %arg1: i32, %arg2: memref<40000x128xf32, #tpu.memory_space<hbm>>, %arg3: memref<320000x128xf32, #tpu.memory_space<hbm>>, %arg4: memref<32x125x2x80xi32, #tpu.memory_space<hbm>>, %arg5: memref<10240x128xf32, #tpu.memory_space<hbm>>, %arg6: memref<2x10240x128xf32, #tpu.memory_space<hbm>>, %arg7: memref<2x80xi32, #tpu.memory_space<vmem>>, %arg8: memref<2x80xi32, #tpu.memory_space<vmem>>, %arg9: memref<80x128xf32, #tpu.memory_space<vmem>>, %arg10: memref<80x128xf32, #tpu.memory_space<vmem>>, %arg11: memref<80x128xf32, #tpu.memory_space<vmem>>, %arg12: memref<80x128xf32, #tpu.memory_space<vmem>>, %arg13: memref<10240x128xf32, #tpu.memory_space<vmem_shared>>, %arg14: memref<!tpu.dma_semaphore, #tpu.memory_space<semaphore_mem>>, %arg15: memref<!tpu.dma_semaphore, #tpu.memory_space<semaphore_mem>>, %arg16: memref<!tpu.dma_semaphore, #tpu.memory_space<semaphore_mem>>, %arg17: memref<!tpu.dma_semaphore, #tpu.memory_space<semaphore_mem>>, %arg18: memref<!tpu.dma_semaphore, #tpu.memory_space<semaphore_mem>>, %arg19: memref<!tpu.dma_semaphore, #tpu.memory_space<semaphore_mem>>) attributes {dimension_semantics = [#tpu.dimension_semantics<core_parallel>, #tpu.dimension_semantics<subcore_parallel>], iteration_bounds = array<i64: 2, 16>, scalar_prefetch = 0 : i64, scratch_operands = 13 : i64, tpu.core_type = #tpu.core_type<sc_vector_subcore>, window_params = [{transform_indices = #map}, {transform_indices = #map}, {transform_indices = #map1}, {transform_indices = #map}, {transform_indices = #map2}]} {
    %mul3A = arith.constant 16 : i32
    %mul3A_0 = arith.muli %arg0, %mul3A : i32
    %add3A = arith.addi %mul3A_0, %arg1 : i32
    %mul3A_1 = arith.constant 640 : i32
    %mul3A_2 = arith.muli %arg1, %mul3A_1 : i32
    %multiple_of3A = tpu.assume_multiple %mul3A_2, 8 : i32
    "tpu.region"() ({
      %run_scoped3A_59 = tpu.sem_alloc : memref<!tpu.dma_semaphore, #tpu.memory_space<semaphore_mem>>
      %dma_start3A_60 = arith.constant 0 : i32
      %dma_start3A_61 = tpu.memref_slice %arg13[%multiple_of3A, %dma_start3A_60] : memref<10240x128xf32, #tpu.memory_space<vmem_shared>> -> memref<640x128xf32, #tpu.memory_space<vmem_shared>>
      %dma_start3A_62 = arith.constant 0 : i32
      %dma_start3A_63 = tpu.memref_slice %arg5[%multiple_of3A, %dma_start3A_62] : memref<10240x128xf32, #tpu.memory_space<hbm>> -> memref<640x128xf32, #tpu.memory_space<hbm>>
      tpu.enqueue_dma source(%dma_start3A_63 : memref<640x128xf32, #tpu.memory_space<hbm>>) target(%dma_start3A_61 : memref<640x128xf32, #tpu.memory_space<vmem_shared>>) target_semaphore(%run_scoped3A_59 : memref<!tpu.dma_semaphore, #tpu.memory_space<semaphore_mem>>)
      %dma_wait3A_64 = arith.constant 0 : i32
      %dma_wait3A_65 = tpu.memref_slice %arg13[%multiple_of3A, %dma_wait3A_64] : memref<10240x128xf32, #tpu.memory_space<vmem_shared>> -> memref<640x128xf32, #tpu.memory_space<vmem_shared>>
      %dma_wait3A_66 = arith.constant 0 : i32
      %dma_wait3A_67 = tpu.memref_slice %arg5[%multiple_of3A, %dma_wait3A_66] : memref<10240x128xf32, #tpu.memory_space<hbm>> -> memref<640x128xf32, #tpu.memory_space<hbm>>
      tpu.wait_dma2 semaphore(%run_scoped3A_59 : memref<!tpu.dma_semaphore, #tpu.memory_space<semaphore_mem>>) src(%dma_wait3A_67 : memref<640x128xf32, #tpu.memory_space<hbm>>) dst(%dma_wait3A_65 : memref<640x128xf32, #tpu.memory_space<vmem_shared>>)
      tpu.yield
    }) : () -> ()
    %barrier3A = arith.constant 0 : index
    tpu.barrier barrier_id(%barrier3A)
    %mul3A_3 = arith.constant 10000 : i32
    %mul3A_4 = arith.muli %add3A, %mul3A_3 : i32
    %add3A_5 = arith.constant 0 : i32
    %add3A_6 = arith.addi %mul3A_4, %add3A_5 : i32
    %multiple_of3A_7 = tpu.assume_multiple %add3A_6, 8 : i32
    %run_scoped3A = arith.constant 0 : i32
    "tpu.region"() ({
      %run_scoped3A_59 = tpu.sem_alloc : memref<!tpu.dma_semaphore, #tpu.memory_space<semaphore_mem>>
      %dma_start3A_60 = arith.constant 0 : i32
      %dma_start3A_61 = arith.constant 0 : i32
      %dma_start3A_62 = tpu.memref_slice %arg4[%add3A, %run_scoped3A, %dma_start3A_60, %dma_start3A_61] : memref<32x125x2x80xi32, #tpu.memory_space<hbm>> -> memref<1x1x2x80xi32, #tpu.memory_space<hbm>>
      %dma_start3A_63 = tpu.memref_squeeze %dma_start3A_62 : memref<1x1x2x80xi32, #tpu.memory_space<hbm>> -> memref<2x80xi32, #tpu.memory_space<hbm>>
      %dma_start3A_64 = arith.constant 0 : i32
      %dma_start3A_65 = arith.constant 0 : i32
      %dma_start3A_66 = tpu.memref_slice %arg4[%add3A, %run_scoped3A, %dma_start3A_64, %dma_start3A_65] : memref<32x125x2x80xi32, #tpu.memory_space<hbm>> -> memref<1x1x2x80xi32, #tpu.memory_space<hbm>>
      %dma_start3A_67 = tpu.memref_squeeze %dma_start3A_66 : memref<1x1x2x80xi32, #tpu.memory_space<hbm>> -> memref<2x80xi32, #tpu.memory_space<hbm>>
      tpu.enqueue_dma source(%dma_start3A_67 : memref<2x80xi32, #tpu.memory_space<hbm>>) target(%arg7 : memref<2x80xi32, #tpu.memory_space<vmem>>) target_semaphore(%run_scoped3A_59 : memref<!tpu.dma_semaphore, #tpu.memory_space<semaphore_mem>>)
      %dma_wait3A_68 = arith.constant 0 : i32
      %dma_wait3A_69 = arith.constant 0 : i32
      %dma_wait3A_70 = tpu.memref_slice %arg4[%add3A, %run_scoped3A, %dma_wait3A_68, %dma_wait3A_69] : memref<32x125x2x80xi32, #tpu.memory_space<hbm>> -> memref<1x1x2x80xi32, #tpu.memory_space<hbm>>
      %dma_wait3A_71 = tpu.memref_squeeze %dma_wait3A_70 : memref<1x1x2x80xi32, #tpu.memory_space<hbm>> -> memref<2x80xi32, #tpu.memory_space<hbm>>
      %dma_wait3A_72 = arith.constant 0 : i32
      %dma_wait3A_73 = arith.constant 0 : i32
      %dma_wait3A_74 = tpu.memref_slice %arg4[%add3A, %run_scoped3A, %dma_wait3A_72, %dma_wait3A_73] : memref<32x125x2x80xi32, #tpu.memory_space<hbm>> -> memref<1x1x2x80xi32, #tpu.memory_space<hbm>>
      %dma_wait3A_75 = tpu.memref_squeeze %dma_wait3A_74 : memref<1x1x2x80xi32, #tpu.memory_space<hbm>> -> memref<2x80xi32, #tpu.memory_space<hbm>>
      tpu.wait_dma2 semaphore(%run_scoped3A_59 : memref<!tpu.dma_semaphore, #tpu.memory_space<semaphore_mem>>) src(%dma_wait3A_75 : memref<2x80xi32, #tpu.memory_space<hbm>>) dst(%arg7 : memref<2x80xi32, #tpu.memory_space<vmem>>)
      tpu.yield
    }) : () -> ()
    %dma_start3A = arith.constant 0 : i32
    %dma_start3A_8 = arith.constant 0 : i32
    %dma_start3A_9 = tpu.memref_slice %arg7[%dma_start3A, %dma_start3A_8] : memref<2x80xi32, #tpu.memory_space<vmem>> -> memref<1x80xi32, #tpu.memory_space<vmem>>
    %dma_start3A_10 = tpu.memref_squeeze %dma_start3A_9 : memref<1x80xi32, #tpu.memory_space<vmem>> -> memref<80xi32, #tpu.memory_space<vmem>>
    %dma_start3A_11 = arith.constant 0 : i32
    %dma_start3A_12 = arith.constant 0 : i32
    %dma_start3A_13 = tpu.memref_slice %arg2[%dma_start3A_11, %dma_start3A_12] : memref<40000x128xf32, #tpu.memory_space<hbm>> -> memref<40000x128xf32, #tpu.memory_space<hbm>>
    tpu.enqueue_indirect_dma source(%dma_start3A_13 : memref<40000x128xf32, #tpu.memory_space<hbm>>) target(%arg9 : memref<80x128xf32, #tpu.memory_space<vmem>>) offsets(%dma_start3A_10 : memref<80xi32, #tpu.memory_space<vmem>>) semaphore(%arg14 : memref<!tpu.dma_semaphore, #tpu.memory_space<semaphore_mem>>)
    %dma_start3A_14 = arith.constant 0 : i32
    %dma_start3A_15 = tpu.memref_slice %arg3[%multiple_of3A_7, %dma_start3A_14] : memref<320000x128xf32, #tpu.memory_space<hbm>> -> memref<80x128xf32, #tpu.memory_space<hbm>>
    %dma_start3A_16 = arith.constant 0 : i32
    %dma_start3A_17 = tpu.memref_slice %arg3[%multiple_of3A_7, %dma_start3A_16] : memref<320000x128xf32, #tpu.memory_space<hbm>> -> memref<80x128xf32, #tpu.memory_space<hbm>>
    tpu.enqueue_dma source(%dma_start3A_17 : memref<80x128xf32, #tpu.memory_space<hbm>>) target(%arg11 : memref<80x128xf32, #tpu.memory_space<vmem>>) target_semaphore(%arg16 : memref<!tpu.dma_semaphore, #tpu.memory_space<semaphore_mem>>)
    %scan3A = arith.constant 0 : i32
    %scan3A_18 = arith.constant 0 : i32
    %scan3A_19 = arith.constant 62 : i32
    %scan3A_20 = arith.addi %scan3A_18, %scan3A_19 : i32
    %scan3A_21 = arith.constant 1 : i32
    scf.for %scan3A_59 = %scan3A_18 to %scan3A_20 step %scan3A_21  : i32 {
      %mul3A_60 = arith.constant 2 : i32
      %mul3A_61 = arith.muli %mul3A_60, %scan3A_59 : i32
      %gt3A = arith.constant 0 : i32
      %gt3A_62 = arith.cmpi sgt, %scan3A_59, %gt3A : i32
      %convert_element_type3A = arith.extui %gt3A_62 : i1 to i32
      %cond3A = arith.constant 0 : i32
      %cond3A_63 = arith.cmpi ne, %convert_element_type3A, %cond3A : i32
      scf.if %cond3A_63 {
        %dma_wait3A_151 = arith.constant 1 : i32
        %dma_wait3A_152 = arith.constant 0 : i32
        %dma_wait3A_153 = tpu.memref_slice %arg8[%dma_wait3A_151, %dma_wait3A_152] : memref<2x80xi32, #tpu.memory_space<vmem>> -> memref<1x80xi32, #tpu.memory_space<vmem>>
        %dma_wait3A_154 = tpu.memref_squeeze %dma_wait3A_153 : memref<1x80xi32, #tpu.memory_space<vmem>> -> memref<80xi32, #tpu.memory_space<vmem>>
        %dma_wait3A_155 = arith.constant 0 : i32
        %dma_wait3A_156 = arith.constant 0 : i32
        %dma_wait3A_157 = tpu.memref_slice %arg13[%dma_wait3A_155, %dma_wait3A_156] : memref<10240x128xf32, #tpu.memory_space<vmem_shared>> -> memref<10240x128xf32, #tpu.memory_space<vmem_shared>>
        tpu.wait_indirect_dma semaphore(%arg19 : memref<!tpu.dma_semaphore, #tpu.memory_space<semaphore_mem>>) src(%arg10 : memref<80x128xf32, #tpu.memory_space<vmem>>) dst(%dma_wait3A_157 : memref<10240x128xf32, #tpu.memory_space<vmem_shared>>)
      } else {
      }
      %add3A_64 = arith.constant 1 : i32
      %add3A_65 = arith.addi %mul3A_61, %add3A_64 : i32
      %mul3A_66 = arith.constant 80 : i32
      %mul3A_67 = arith.muli %add3A_65, %mul3A_66 : i32
      %add3A_68 = arith.addi %mul3A_4, %mul3A_67 : i32
      %multiple_of3A_69 = tpu.assume_multiple %add3A_68, 8 : i32
      "tpu.region"() ({
        %run_scoped3A_151 = tpu.sem_alloc : memref<!tpu.dma_semaphore, #tpu.memory_space<semaphore_mem>>
        %dma_start3A_152 = arith.constant 0 : i32
        %dma_start3A_153 = arith.constant 0 : i32
        %dma_start3A_154 = tpu.memref_slice %arg4[%add3A, %add3A_65, %dma_start3A_152, %dma_start3A_153] : memref<32x125x2x80xi32, #tpu.memory_space<hbm>> -> memref<1x1x2x80xi32, #tpu.memory_space<hbm>>
        %dma_start3A_155 = tpu.memref_squeeze %dma_start3A_154 : memref<1x1x2x80xi32, #tpu.memory_space<hbm>> -> memref<2x80xi32, #tpu.memory_space<hbm>>
        %dma_start3A_156 = arith.constant 0 : i32
        %dma_start3A_157 = arith.constant 0 : i32
        %dma_start3A_158 = tpu.memref_slice %arg4[%add3A, %add3A_65, %dma_start3A_156, %dma_start3A_157] : memref<32x125x2x80xi32, #tpu.memory_space<hbm>> -> memref<1x1x2x80xi32, #tpu.memory_space<hbm>>
        %dma_start3A_159 = tpu.memref_squeeze %dma_start3A_158 : memref<1x1x2x80xi32, #tpu.memory_space<hbm>> -> memref<2x80xi32, #tpu.memory_space<hbm>>
        tpu.enqueue_dma source(%dma_start3A_159 : memref<2x80xi32, #tpu.memory_space<hbm>>) target(%arg8 : memref<2x80xi32, #tpu.memory_space<vmem>>) target_semaphore(%run_scoped3A_151 : memref<!tpu.dma_semaphore, #tpu.memory_space<semaphore_mem>>)
        %dma_wait3A_160 = arith.constant 0 : i32
        %dma_wait3A_161 = arith.constant 0 : i32
        %dma_wait3A_162 = tpu.memref_slice %arg4[%add3A, %add3A_65, %dma_wait3A_160, %dma_wait3A_161] : memref<32x125x2x80xi32, #tpu.memory_space<hbm>> -> memref<1x1x2x80xi32, #tpu.memory_space<hbm>>
        %dma_wait3A_163 = tpu.memref_squeeze %dma_wait3A_162 : memref<1x1x2x80xi32, #tpu.memory_space<hbm>> -> memref<2x80xi32, #tpu.memory_space<hbm>>
        %dma_wait3A_164 = arith.constant 0 : i32
        %dma_wait3A_165 = arith.constant 0 : i32
        %dma_wait3A_166 = tpu.memref_slice %arg4[%add3A, %add3A_65, %dma_wait3A_164, %dma_wait3A_165] : memref<32x125x2x80xi32, #tpu.memory_space<hbm>> -> memref<1x1x2x80xi32, #tpu.memory_space<hbm>>
        %dma_wait3A_167 = tpu.memref_squeeze %dma_wait3A_166 : memref<1x1x2x80xi32, #tpu.memory_space<hbm>> -> memref<2x80xi32, #tpu.memory_space<hbm>>
        tpu.wait_dma2 semaphore(%run_scoped3A_151 : memref<!tpu.dma_semaphore, #tpu.memory_space<semaphore_mem>>) src(%dma_wait3A_167 : memref<2x80xi32, #tpu.memory_space<hbm>>) dst(%arg8 : memref<2x80xi32, #tpu.memory_space<vmem>>)
        tpu.yield
      }) : () -> ()
      %dma_start3A_70 = arith.constant 0 : i32
      %dma_start3A_71 = arith.constant 0 : i32
      %dma_start3A_72 = tpu.memref_slice %arg8[%dma_start3A_70, %dma_start3A_71] : memref<2x80xi32, #tpu.memory_space<vmem>> -> memref<1x80xi32, #tpu.memory_space<vmem>>
      %dma_start3A_73 = tpu.memref_squeeze %dma_start3A_72 : memref<1x80xi32, #tpu.memory_space<vmem>> -> memref<80xi32, #tpu.memory_space<vmem>>
      %dma_start3A_74 = arith.constant 0 : i32
      %dma_start3A_75 = arith.constant 0 : i32
      %dma_start3A_76 = tpu.memref_slice %arg2[%dma_start3A_74, %dma_start3A_75] : memref<40000x128xf32, #tpu.memory_space<hbm>> -> memref<40000x128xf32, #tpu.memory_space<hbm>>
      tpu.enqueue_indirect_dma source(%dma_start3A_76 : memref<40000x128xf32, #tpu.memory_space<hbm>>) target(%arg10 : memref<80x128xf32, #tpu.memory_space<vmem>>) offsets(%dma_start3A_73 : memref<80xi32, #tpu.memory_space<vmem>>) semaphore(%arg15 : memref<!tpu.dma_semaphore, #tpu.memory_space<semaphore_mem>>)
      %dma_start3A_77 = arith.constant 0 : i32
      %dma_start3A_78 = tpu.memref_slice %arg3[%multiple_of3A_69, %dma_start3A_77] : memref<320000x128xf32, #tpu.memory_space<hbm>> -> memref<80x128xf32, #tpu.memory_space<hbm>>
      %dma_start3A_79 = arith.constant 0 : i32
      %dma_start3A_80 = tpu.memref_slice %arg3[%multiple_of3A_69, %dma_start3A_79] : memref<320000x128xf32, #tpu.memory_space<hbm>> -> memref<80x128xf32, #tpu.memory_space<hbm>>
      tpu.enqueue_dma source(%dma_start3A_80 : memref<80x128xf32, #tpu.memory_space<hbm>>) target(%arg12 : memref<80x128xf32, #tpu.memory_space<vmem>>) target_semaphore(%arg17 : memref<!tpu.dma_semaphore, #tpu.memory_space<semaphore_mem>>)
      %dma_wait3A_81 = arith.constant 0 : i32
      %dma_wait3A_82 = arith.constant 0 : i32
      %dma_wait3A_83 = tpu.memref_slice %arg7[%dma_wait3A_81, %dma_wait3A_82] : memref<2x80xi32, #tpu.memory_space<vmem>> -> memref<1x80xi32, #tpu.memory_space<vmem>>
      %dma_wait3A_84 = tpu.memref_squeeze %dma_wait3A_83 : memref<1x80xi32, #tpu.memory_space<vmem>> -> memref<80xi32, #tpu.memory_space<vmem>>
      %dma_wait3A_85 = arith.constant 0 : i32
      %dma_wait3A_86 = arith.constant 0 : i32
      %dma_wait3A_87 = tpu.memref_slice %arg2[%dma_wait3A_85, %dma_wait3A_86] : memref<40000x128xf32, #tpu.memory_space<hbm>> -> memref<40000x128xf32, #tpu.memory_space<hbm>>
      tpu.wait_indirect_dma semaphore(%arg14 : memref<!tpu.dma_semaphore, #tpu.memory_space<semaphore_mem>>) src(%dma_wait3A_87 : memref<40000x128xf32, #tpu.memory_space<hbm>>) dst(%arg9 : memref<80x128xf32, #tpu.memory_space<vmem>>)
      %dma_wait3A_88 = arith.constant 0 : i32
      %dma_wait3A_89 = arith.constant 0 : i32
      %dma_wait3A_90 = tpu.memref_slice %arg3[%dma_wait3A_88, %dma_wait3A_89] : memref<320000x128xf32, #tpu.memory_space<hbm>> -> memref<80x128xf32, #tpu.memory_space<hbm>>
      %dma_wait3A_91 = arith.constant 0 : i32
      %dma_wait3A_92 = arith.constant 0 : i32
      %dma_wait3A_93 = tpu.memref_slice %arg3[%dma_wait3A_91, %dma_wait3A_92] : memref<320000x128xf32, #tpu.memory_space<hbm>> -> memref<80x128xf32, #tpu.memory_space<hbm>>
      tpu.wait_dma2 semaphore(%arg16 : memref<!tpu.dma_semaphore, #tpu.memory_space<semaphore_mem>>) src(%dma_wait3A_93 : memref<80x128xf32, #tpu.memory_space<hbm>>) dst(%arg11 : memref<80x128xf32, #tpu.memory_space<vmem>>)
      %parallel_loop3A_94 = arith.constant 0 : i32
      %parallel_loop3A_95 = arith.constant 80 : i32
      %parallel_loop3A_96 = arith.constant 1 : i32
      scf.for %parallel_loop3A_151 = %parallel_loop3A_94 to %parallel_loop3A_95 step %parallel_loop3A_96  : i32 {
        %parallel_loop3A_152 = arith.index_cast %parallel_loop3A_151 : i32 to index
        %parallel_loop3A_153 = arith.constant 0 : index
        %parallel_loop3A_154 = tpu.vector_load %arg9[%parallel_loop3A_152, %parallel_loop3A_153] {strides = array<i32>} : memref<80x128xf32, #tpu.memory_space<vmem>>, vector<1x16xf32>,
        %parallel_loop3A_155 = vector.shape_cast %parallel_loop3A_154 : vector<1x16xf32> to vector<16xf32>
        %parallel_loop3A_156 = arith.index_cast %parallel_loop3A_151 : i32 to index
        %parallel_loop3A_157 = arith.constant 0 : index
        %parallel_loop3A_158 = tpu.vector_load %arg11[%parallel_loop3A_156, %parallel_loop3A_157] {strides = array<i32>} : memref<80x128xf32, #tpu.memory_space<vmem>>, vector<1x16xf32>,
        %parallel_loop3A_159 = vector.shape_cast %parallel_loop3A_158 : vector<1x16xf32> to vector<16xf32>
        %parallel_loop3A_160 = arith.mulf %parallel_loop3A_155, %parallel_loop3A_159 : vector<16xf32>
        %parallel_loop3A_161 = arith.index_cast %parallel_loop3A_151 : i32 to index
        %parallel_loop3A_162 = arith.constant 0 : index
        %parallel_loop3A_163 = tpu.vector_load %arg9[%parallel_loop3A_161, %parallel_loop3A_162] {strides = array<i32>} : memref<80x128xf32, #tpu.memory_space<vmem>>, vector<1x16xf32>,
        %parallel_loop3A_164 = vector.shape_cast %parallel_loop3A_163 : vector<1x16xf32> to vector<16xf32>
        %parallel_loop3A_165 = vector.shape_cast %parallel_loop3A_160 : vector<16xf32> to vector<1x16xf32>
        tpu.vector_store %arg9[%parallel_loop3A_161, %parallel_loop3A_162], %parallel_loop3A_165 {strides = array<i32>} : memref<80x128xf32, #tpu.memory_space<vmem>>, vector<1x16xf32>,
        %parallel_loop3A_166 = arith.index_cast %parallel_loop3A_151 : i32 to index
        %parallel_loop3A_167 = arith.constant 16 : index
        %parallel_loop3A_168 = tpu.vector_load %arg9[%parallel_loop3A_166, %parallel_loop3A_167] {strides = array<i32>} : memref<80x128xf32, #tpu.memory_space<vmem>>, vector<1x16xf32>,
        %parallel_loop3A_169 = vector.shape_cast %parallel_loop3A_168 : vector<1x16xf32> to vector<16xf32>
        %parallel_loop3A_170 = arith.index_cast %parallel_loop3A_151 : i32 to index
        %parallel_loop3A_171 = arith.constant 16 : index
        %parallel_loop3A_172 = tpu.vector_load %arg11[%parallel_loop3A_170, %parallel_loop3A_171] {strides = array<i32>} : memref<80x128xf32, #tpu.memory_space<vmem>>, vector<1x16xf32>,
        %parallel_loop3A_173 = vector.shape_cast %parallel_loop3A_172 : vector<1x16xf32> to vector<16xf32>
        %parallel_loop3A_174 = arith.mulf %parallel_loop3A_169, %parallel_loop3A_173 : vector<16xf32>
        %parallel_loop3A_175 = arith.index_cast %parallel_loop3A_151 : i32 to index
        %parallel_loop3A_176 = arith.constant 16 : index
        %parallel_loop3A_177 = tpu.vector_load %arg9[%parallel_loop3A_175, %parallel_loop3A_176] {strides = array<i32>} : memref<80x128xf32, #tpu.memory_space<vmem>>, vector<1x16xf32>,
        %parallel_loop3A_178 = vector.shape_cast %parallel_loop3A_177 : vector<1x16xf32> to vector<16xf32>
        %parallel_loop3A_179 = vector.shape_cast %parallel_loop3A_174 : vector<16xf32> to vector<1x16xf32>
        tpu.vector_store %arg9[%parallel_loop3A_175, %parallel_loop3A_176], %parallel_loop3A_179 {strides = array<i32>} : memref<80x128xf32, #tpu.memory_space<vmem>>, vector<1x16xf32>,
        %parallel_loop3A_180 = arith.index_cast %parallel_loop3A_151 : i32 to index
        %parallel_loop3A_181 = arith.constant 32 : index
        %parallel_loop3A_182 = tpu.vector_load %arg9[%parallel_loop3A_180, %parallel_loop3A_181] {strides = array<i32>} : memref<80x128xf32, #tpu.memory_space<vmem>>, vector<1x16xf32>,
        %parallel_loop3A_183 = vector.shape_cast %parallel_loop3A_182 : vector<1x16xf32> to vector<16xf32>
        %parallel_loop3A_184 = arith.index_cast %parallel_loop3A_151 : i32 to index
        %parallel_loop3A_185 = arith.constant 32 : index
        %parallel_loop3A_186 = tpu.vector_load %arg11[%parallel_loop3A_184, %parallel_loop3A_185] {strides = array<i32>} : memref<80x128xf32, #tpu.memory_space<vmem>>, vector<1x16xf32>,
        %parallel_loop3A_187 = vector.shape_cast %parallel_loop3A_186 : vector<1x16xf32> to vector<16xf32>
        %parallel_loop3A_188 = arith.mulf %parallel_loop3A_183, %parallel_loop3A_187 : vector<16xf32>
        %parallel_loop3A_189 = arith.index_cast %parallel_loop3A_151 : i32 to index
        %parallel_loop3A_190 = arith.constant 32 : index
        %parallel_loop3A_191 = tpu.vector_load %arg9[%parallel_loop3A_189, %parallel_loop3A_190] {strides = array<i32>} : memref<80x128xf32, #tpu.memory_space<vmem>>, vector<1x16xf32>,
        %parallel_loop3A_192 = vector.shape_cast %parallel_loop3A_191 : vector<1x16xf32> to vector<16xf32>
        %parallel_loop3A_193 = vector.shape_cast %parallel_loop3A_188 : vector<16xf32> to vector<1x16xf32>
        tpu.vector_store %arg9[%parallel_loop3A_189, %parallel_loop3A_190], %parallel_loop3A_193 {strides = array<i32>} : memref<80x128xf32, #tpu.memory_space<vmem>>, vector<1x16xf32>,
        %parallel_loop3A_194 = arith.index_cast %parallel_loop3A_151 : i32 to index
        %parallel_loop3A_195 = arith.constant 48 : index
        %parallel_loop3A_196 = tpu.vector_load %arg9[%parallel_loop3A_194, %parallel_loop3A_195] {strides = array<i32>} : memref<80x128xf32, #tpu.memory_space<vmem>>, vector<1x16xf32>,
        %parallel_loop3A_197 = vector.shape_cast %parallel_loop3A_196 : vector<1x16xf32> to vector<16xf32>
        %parallel_loop3A_198 = arith.index_cast %parallel_loop3A_151 : i32 to index
        %parallel_loop3A_199 = arith.constant 48 : index
        %parallel_loop3A_200 = tpu.vector_load %arg11[%parallel_loop3A_198, %parallel_loop3A_199] {strides = array<i32>} : memref<80x128xf32, #tpu.memory_space<vmem>>, vector<1x16xf32>,
        %parallel_loop3A_201 = vector.shape_cast %parallel_loop3A_200 : vector<1x16xf32> to vector<16xf32>
        %parallel_loop3A_202 = arith.mulf %parallel_loop3A_197, %parallel_loop3A_201 : vector<16xf32>
        %parallel_loop3A_203 = arith.index_cast %parallel_loop3A_151 : i32 to index
        %parallel_loop3A_204 = arith.constant 48 : index
        %parallel_loop3A_205 = tpu.vector_load %arg9[%parallel_loop3A_203, %parallel_loop3A_204] {strides = array<i32>} : memref<80x128xf32, #tpu.memory_space<vmem>>, vector<1x16xf32>,
        %parallel_loop3A_206 = vector.shape_cast %parallel_loop3A_205 : vector<1x16xf32> to vector<16xf32>
        %parallel_loop3A_207 = vector.shape_cast %parallel_loop3A_202 : vector<16xf32> to vector<1x16xf32>
        tpu.vector_store %arg9[%parallel_loop3A_203, %parallel_loop3A_204], %parallel_loop3A_207 {strides = array<i32>} : memref<80x128xf32, #tpu.memory_space<vmem>>, vector<1x16xf32>,
        %parallel_loop3A_208 = arith.index_cast %parallel_loop3A_151 : i32 to index
        %parallel_loop3A_209 = arith.constant 64 : index
        %parallel_loop3A_210 = tpu.vector_load %arg9[%parallel_loop3A_208, %parallel_loop3A_209] {strides = array<i32>} : memref<80x128xf32, #tpu.memory_space<vmem>>, vector<1x16xf32>,
        %parallel_loop3A_211 = vector.shape_cast %parallel_loop3A_210 : vector<1x16xf32> to vector<16xf32>
        %parallel_loop3A_212 = arith.index_cast %parallel_loop3A_151 : i32 to index
        %parallel_loop3A_213 = arith.constant 64 : index
        %parallel_loop3A_214 = tpu.vector_load %arg11[%parallel_loop3A_212, %parallel_loop3A_213] {strides = array<i32>} : memref<80x128xf32, #tpu.memory_space<vmem>>, vector<1x16xf32>,
        %parallel_loop3A_215 = vector.shape_cast %parallel_loop3A_214 : vector<1x16xf32> to vector<16xf32>
        %parallel_loop3A_216 = arith.mulf %parallel_loop3A_211, %parallel_loop3A_215 : vector<16xf32>
        %parallel_loop3A_217 = arith.index_cast %parallel_loop3A_151 : i32 to index
        %parallel_loop3A_218 = arith.constant 64 : index
        %parallel_loop3A_219 = tpu.vector_load %arg9[%parallel_loop3A_217, %parallel_loop3A_218] {strides = array<i32>} : memref<80x128xf32, #tpu.memory_space<vmem>>, vector<1x16xf32>,
        %parallel_loop3A_220 = vector.shape_cast %parallel_loop3A_219 : vector<1x16xf32> to vector<16xf32>
        %parallel_loop3A_221 = vector.shape_cast %parallel_loop3A_216 : vector<16xf32> to vector<1x16xf32>
        tpu.vector_store %arg9[%parallel_loop3A_217, %parallel_loop3A_218], %parallel_loop3A_221 {strides = array<i32>} : memref<80x128xf32, #tpu.memory_space<vmem>>, vector<1x16xf32>,
        %parallel_loop3A_222 = arith.index_cast %parallel_loop3A_151 : i32 to index
        %parallel_loop3A_223 = arith.constant 80 : index
        %parallel_loop3A_224 = tpu.vector_load %arg9[%parallel_loop3A_222, %parallel_loop3A_223] {strides = array<i32>} : memref<80x128xf32, #tpu.memory_space<vmem>>, vector<1x16xf32>,
        %parallel_loop3A_225 = vector.shape_cast %parallel_loop3A_224 : vector<1x16xf32> to vector<16xf32>
        %parallel_loop3A_226 = arith.index_cast %parallel_loop3A_151 : i32 to index
        %parallel_loop3A_227 = arith.constant 80 : index
        %parallel_loop3A_228 = tpu.vector_load %arg11[%parallel_loop3A_226, %parallel_loop3A_227] {strides = array<i32>} : memref<80x128xf32, #tpu.memory_space<vmem>>, vector<1x16xf32>,
        %parallel_loop3A_229 = vector.shape_cast %parallel_loop3A_228 : vector<1x16xf32> to vector<16xf32>
        %parallel_loop3A_230 = arith.mulf %parallel_loop3A_225, %parallel_loop3A_229 : vector<16xf32>
        %parallel_loop3A_231 = arith.index_cast %parallel_loop3A_151 : i32 to index
        %parallel_loop3A_232 = arith.constant 80 : index
        %parallel_loop3A_233 = tpu.vector_load %arg9[%parallel_loop3A_231, %parallel_loop3A_232] {strides = array<i32>} : memref<80x128xf32, #tpu.memory_space<vmem>>, vector<1x16xf32>,
        %parallel_loop3A_234 = vector.shape_cast %parallel_loop3A_233 : vector<1x16xf32> to vector<16xf32>
        %parallel_loop3A_235 = vector.shape_cast %parallel_loop3A_230 : vector<16xf32> to vector<1x16xf32>
        tpu.vector_store %arg9[%parallel_loop3A_231, %parallel_loop3A_232], %parallel_loop3A_235 {strides = array<i32>} : memref<80x128xf32, #tpu.memory_space<vmem>>, vector<1x16xf32>,
        %parallel_loop3A_236 = arith.index_cast %parallel_loop3A_151 : i32 to index
        %parallel_loop3A_237 = arith.constant 96 : index
        %parallel_loop3A_238 = tpu.vector_load %arg9[%parallel_loop3A_236, %parallel_loop3A_237] {strides = array<i32>} : memref<80x128xf32, #tpu.memory_space<vmem>>, vector<1x16xf32>,
        %parallel_loop3A_239 = vector.shape_cast %parallel_loop3A_238 : vector<1x16xf32> to vector<16xf32>
        %parallel_loop3A_240 = arith.index_cast %parallel_loop3A_151 : i32 to index
        %parallel_loop3A_241 = arith.constant 96 : index
        %parallel_loop3A_242 = tpu.vector_load %arg11[%parallel_loop3A_240, %parallel_loop3A_241] {strides = array<i32>} : memref<80x128xf32, #tpu.memory_space<vmem>>, vector<1x16xf32>,
        %parallel_loop3A_243 = vector.shape_cast %parallel_loop3A_242 : vector<1x16xf32> to vector<16xf32>
        %parallel_loop3A_244 = arith.mulf %parallel_loop3A_239, %parallel_loop3A_243 : vector<16xf32>
        %parallel_loop3A_245 = arith.index_cast %parallel_loop3A_151 : i32 to index
        %parallel_loop3A_246 = arith.constant 96 : index
        %parallel_loop3A_247 = tpu.vector_load %arg9[%parallel_loop3A_245, %parallel_loop3A_246] {strides = array<i32>} : memref<80x128xf32, #tpu.memory_space<vmem>>, vector<1x16xf32>,
        %parallel_loop3A_248 = vector.shape_cast %parallel_loop3A_247 : vector<1x16xf32> to vector<16xf32>
        %parallel_loop3A_249 = vector.shape_cast %parallel_loop3A_244 : vector<16xf32> to vector<1x16xf32>
        tpu.vector_store %arg9[%parallel_loop3A_245, %parallel_loop3A_246], %parallel_loop3A_249 {strides = array<i32>} : memref<80x128xf32, #tpu.memory_space<vmem>>, vector<1x16xf32>,
        %parallel_loop3A_250 = arith.index_cast %parallel_loop3A_151 : i32 to index
        %parallel_loop3A_251 = arith.constant 112 : index
        %parallel_loop3A_252 = tpu.vector_load %arg9[%parallel_loop3A_250, %parallel_loop3A_251] {strides = array<i32>} : memref<80x128xf32, #tpu.memory_space<vmem>>, vector<1x16xf32>,
        %parallel_loop3A_253 = vector.shape_cast %parallel_loop3A_252 : vector<1x16xf32> to vector<16xf32>
        %parallel_loop3A_254 = arith.index_cast %parallel_loop3A_151 : i32 to index
        %parallel_loop3A_255 = arith.constant 112 : index
        %parallel_loop3A_256 = tpu.vector_load %arg11[%parallel_loop3A_254, %parallel_loop3A_255] {strides = array<i32>} : memref<80x128xf32, #tpu.memory_space<vmem>>, vector<1x16xf32>,
        %parallel_loop3A_257 = vector.shape_cast %parallel_loop3A_256 : vector<1x16xf32> to vector<16xf32>
        %parallel_loop3A_258 = arith.mulf %parallel_loop3A_253, %parallel_loop3A_257 : vector<16xf32>
        %parallel_loop3A_259 = arith.index_cast %parallel_loop3A_151 : i32 to index
        %parallel_loop3A_260 = arith.constant 112 : index
        %parallel_loop3A_261 = tpu.vector_load %arg9[%parallel_loop3A_259, %parallel_loop3A_260] {strides = array<i32>} : memref<80x128xf32, #tpu.memory_space<vmem>>, vector<1x16xf32>,
        %parallel_loop3A_262 = vector.shape_cast %parallel_loop3A_261 : vector<1x16xf32> to vector<16xf32>
        %parallel_loop3A_263 = vector.shape_cast %parallel_loop3A_258 : vector<16xf32> to vector<1x16xf32>
        tpu.vector_store %arg9[%parallel_loop3A_259, %parallel_loop3A_260], %parallel_loop3A_263 {strides = array<i32>} : memref<80x128xf32, #tpu.memory_space<vmem>>, vector<1x16xf32>,
      } {sc.loop_unroll_factor = 2 : i64, sc.parallel_access}
      %dma_start3A_97 = arith.constant 1 : i32
      %dma_start3A_98 = arith.constant 0 : i32
      %dma_start3A_99 = tpu.memref_slice %arg7[%dma_start3A_97, %dma_start3A_98] : memref<2x80xi32, #tpu.memory_space<vmem>> -> memref<1x80xi32, #tpu.memory_space<vmem>>
      %dma_start3A_100 = tpu.memref_squeeze %dma_start3A_99 : memref<1x80xi32, #tpu.memory_space<vmem>> -> memref<80xi32, #tpu.memory_space<vmem>>
      %dma_start3A_101 = arith.constant 0 : i32
      %dma_start3A_102 = arith.constant 0 : i32
      %dma_start3A_103 = tpu.memref_slice %arg13[%dma_start3A_101, %dma_start3A_102] : memref<10240x128xf32, #tpu.memory_space<vmem_shared>> -> memref<10240x128xf32, #tpu.memory_space<vmem_shared>>
      tpu.enqueue_indirect_dma source(%arg9 : memref<80x128xf32, #tpu.memory_space<vmem>>) target(%dma_start3A_103 : memref<10240x128xf32, #tpu.memory_space<vmem_shared>>) offsets(%dma_start3A_100 : memref<80xi32, #tpu.memory_space<vmem>>) semaphore(%arg18 : memref<!tpu.dma_semaphore, #tpu.memory_space<semaphore_mem>>) {add = true}
      %dma_wait3A_104 = arith.constant 1 : i32
      %dma_wait3A_105 = arith.constant 0 : i32
      %dma_wait3A_106 = tpu.memref_slice %arg7[%dma_wait3A_104, %dma_wait3A_105] : memref<2x80xi32, #tpu.memory_space<vmem>> -> memref<1x80xi32, #tpu.memory_space<vmem>>
      %dma_wait3A_107 = tpu.memref_squeeze %dma_wait3A_106 : memref<1x80xi32, #tpu.memory_space<vmem>> -> memref<80xi32, #tpu.memory_space<vmem>>
      %dma_wait3A_108 = arith.constant 0 : i32
      %dma_wait3A_109 = arith.constant 0 : i32
      %dma_wait3A_110 = tpu.memref_slice %arg13[%dma_wait3A_108, %dma_wait3A_109] : memref<10240x128xf32, #tpu.memory_space<vmem_shared>> -> memref<10240x128xf32, #tpu.memory_space<vmem_shared>>
      tpu.wait_indirect_dma semaphore(%arg18 : memref<!tpu.dma_semaphore, #tpu.memory_space<semaphore_mem>>) src(%arg9 : memref<80x128xf32, #tpu.memory_space<vmem>>) dst(%dma_wait3A_110 : memref<10240x128xf32, #tpu.memory_space<vmem_shared>>)
      %add3A_111 = arith.constant 2 : i32
      %add3A_112 = arith.addi %mul3A_61, %add3A_111 : i32
      %mul3A_113 = arith.constant 80 : i32
      %mul3A_114 = arith.muli %add3A_112, %mul3A_113 : i32
      %add3A_115 = arith.addi %mul3A_4, %mul3A_114 : i32
      %multiple_of3A_116 = tpu.assume_multiple %add3A_115, 8 : i32
      "tpu.region"() ({
        %run_scoped3A_151 = tpu.sem_alloc : memref<!tpu.dma_semaphore, #tpu.memory_space<semaphore_mem>>
        %dma_start3A_152 = arith.constant 0 : i32
        %dma_start3A_153 = arith.constant 0 : i32
        %dma_start3A_154 = tpu.memref_slice %arg4[%add3A, %add3A_112, %dma_start3A_152, %dma_start3A_153] : memref<32x125x2x80xi32, #tpu.memory_space<hbm>> -> memref<1x1x2x80xi32, #tpu.memory_space<hbm>>
        %dma_start3A_155 = tpu.memref_squeeze %dma_start3A_154 : memref<1x1x2x80xi32, #tpu.memory_space<hbm>> -> memref<2x80xi32, #tpu.memory_space<hbm>>
        %dma_start3A_156 = arith.constant 0 : i32
        %dma_start3A_157 = arith.constant 0 : i32
        %dma_start3A_158 = tpu.memref_slice %arg4[%add3A, %add3A_112, %dma_start3A_156, %dma_start3A_157] : memref<32x125x2x80xi32, #tpu.memory_space<hbm>> -> memref<1x1x2x80xi32, #tpu.memory_space<hbm>>
        %dma_start3A_159 = tpu.memref_squeeze %dma_start3A_158 : memref<1x1x2x80xi32, #tpu.memory_space<hbm>> -> memref<2x80xi32, #tpu.memory_space<hbm>>
        tpu.enqueue_dma source(%dma_start3A_159 : memref<2x80xi32, #tpu.memory_space<hbm>>) target(%arg7 : memref<2x80xi32, #tpu.memory_space<vmem>>) target_semaphore(%run_scoped3A_151 : memref<!tpu.dma_semaphore, #tpu.memory_space<semaphore_mem>>)
        %dma_wait3A_160 = arith.constant 0 : i32
        %dma_wait3A_161 = arith.constant 0 : i32
        %dma_wait3A_162 = tpu.memref_slice %arg4[%add3A, %add3A_112, %dma_wait3A_160, %dma_wait3A_161] : memref<32x125x2x80xi32, #tpu.memory_space<hbm>> -> memref<1x1x2x80xi32, #tpu.memory_space<hbm>>
        %dma_wait3A_163 = tpu.memref_squeeze %dma_wait3A_162 : memref<1x1x2x80xi32, #tpu.memory_space<hbm>> -> memref<2x80xi32, #tpu.memory_space<hbm>>
        %dma_wait3A_164 = arith.constant 0 : i32
        %dma_wait3A_165 = arith.constant 0 : i32
        %dma_wait3A_166 = tpu.memref_slice %arg4[%add3A, %add3A_112, %dma_wait3A_164, %dma_wait3A_165] : memref<32x125x2x80xi32, #tpu.memory_space<hbm>> -> memref<1x1x2x80xi32, #tpu.memory_space<hbm>>
        %dma_wait3A_167 = tpu.memref_squeeze %dma_wait3A_166 : memref<1x1x2x80xi32, #tpu.memory_space<hbm>> -> memref<2x80xi32, #tpu.memory_space<hbm>>
        tpu.wait_dma2 semaphore(%run_scoped3A_151 : memref<!tpu.dma_semaphore, #tpu.memory_space<semaphore_mem>>) src(%dma_wait3A_167 : memref<2x80xi32, #tpu.memory_space<hbm>>) dst(%arg7 : memref<2x80xi32, #tpu.memory_space<vmem>>)
        tpu.yield
      }) : () -> ()
      %dma_start3A_117 = arith.constant 0 : i32
      %dma_start3A_118 = arith.constant 0 : i32
      %dma_start3A_119 = tpu.memref_slice %arg7[%dma_start3A_117, %dma_start3A_118] : memref<2x80xi32, #tpu.memory_space<vmem>> -> memref<1x80xi32, #tpu.memory_space<vmem>>
      %dma_start3A_120 = tpu.memref_squeeze %dma_start3A_119 : memref<1x80xi32, #tpu.memory_space<vmem>> -> memref<80xi32, #tpu.memory_space<vmem>>
      %dma_start3A_121 = arith.constant 0 : i32
      %dma_start3A_122 = arith.constant 0 : i32
      %dma_start3A_123 = tpu.memref_slice %arg2[%dma_start3A_121, %dma_start3A_122] : memref<40000x128xf32, #tpu.memory_space<hbm>> -> memref<40000x128xf32, #tpu.memory_space<hbm>>
      tpu.enqueue_indirect_dma source(%dma_start3A_123 : memref<40000x128xf32, #tpu.memory_space<hbm>>) target(%arg9 : memref<80x128xf32, #tpu.memory_space<vmem>>) offsets(%dma_start3A_120 : memref<80xi32, #tpu.memory_space<vmem>>) semaphore(%arg14 : memref<!tpu.dma_semaphore, #tpu.memory_space<semaphore_mem>>)
      %dma_start3A_124 = arith.constant 0 : i32
      %dma_start3A_125 = tpu.memref_slice %arg3[%multiple_of3A_116, %dma_start3A_124] : memref<320000x128xf32, #tpu.memory_space<hbm>> -> memref<80x128xf32, #tpu.memory_space<hbm>>
      %dma_start3A_126 = arith.constant 0 : i32
      %dma_start3A_127 = tpu.memref_slice %arg3[%multiple_of3A_116, %dma_start3A_126] : memref<320000x128xf32, #tpu.memory_space<hbm>> -> memref<80x128xf32, #tpu.memory_space<hbm>>
      tpu.enqueue_dma source(%dma_start3A_127 : memref<80x128xf32, #tpu.memory_space<hbm>>) target(%arg11 : memref<80x128xf32, #tpu.memory_space<vmem>>) target_semaphore(%arg16 : memref<!tpu.dma_semaphore, #tpu.memory_space<semaphore_mem>>)
      %dma_wait3A_128 = arith.constant 0 : i32
      %dma_wait3A_129 = arith.constant 0 : i32
      %dma_wait3A_130 = tpu.memref_slice %arg8[%dma_wait3A_128, %dma_wait3A_129] : memref<2x80xi32, #tpu.memory_space<vmem>> -> memref<1x80xi32, #tpu.memory_space<vmem>>
      %dma_wait3A_131 = tpu.memref_squeeze %dma_wait3A_130 : memref<1x80xi32, #tpu.memory_space<vmem>> -> memref<80xi32, #tpu.memory_space<vmem>>
      %dma_wait3A_132 = arith.constant 0 : i32
      %dma_wait3A_133 = arith.constant 0 : i32
      %dma_wait3A_134 = tpu.memref_slice %arg2[%dma_wait3A_132, %dma_wait3A_133] : memref<40000x128xf32, #tpu.memory_space<hbm>> -> memref<40000x128xf32, #tpu.memory_space<hbm>>
      tpu.wait_indirect_dma semaphore(%arg15 : memref<!tpu.dma_semaphore, #tpu.memory_space<semaphore_mem>>) src(%dma_wait3A_134 : memref<40000x128xf32, #tpu.memory_space<hbm>>) dst(%arg10 : memref<80x128xf32, #tpu.memory_space<vmem>>)
      %dma_wait3A_135 = arith.constant 0 : i32
      %dma_wait3A_136 = arith.constant 0 : i32
      %dma_wait3A_137 = tpu.memref_slice %arg3[%dma_wait3A_135, %dma_wait3A_136] : memref<320000x128xf32, #tpu.memory_space<hbm>> -> memref<80x128xf32, #tpu.memory_space<hbm>>
      %dma_wait3A_138 = arith.constant 0 : i32
      %dma_wait3A_139 = arith.constant 0 : i32
      %dma_wait3A_140 = tpu.memref_slice %arg3[%dma_wait3A_138, %dma_wait3A_139] : memref<320000x128xf32, #tpu.memory_space<hbm>> -> memref<80x128xf32, #tpu.memory_space<hbm>>
      tpu.wait_dma2 semaphore(%arg17 : memref<!tpu.dma_semaphore, #tpu.memory_space<semaphore_mem>>) src(%dma_wait3A_140 : memref<80x128xf32, #tpu.memory_space<hbm>>) dst(%arg12 : memref<80x128xf32, #tpu.memory_space<vmem>>)
      %parallel_loop3A_141 = arith.constant 0 : i32
      %parallel_loop3A_142 = arith.constant 80 : i32
      %parallel_loop3A_143 = arith.constant 1 : i32
      scf.for %parallel_loop3A_151 = %parallel_loop3A_141 to %parallel_loop3A_142 step %parallel_loop3A_143  : i32 {
        %parallel_loop3A_152 = arith.index_cast %parallel_loop3A_151 : i32 to index
        %parallel_loop3A_153 = arith.constant 0 : index
        %parallel_loop3A_154 = tpu.vector_load %arg10[%parallel_loop3A_152, %parallel_loop3A_153] {strides = array<i32>} : memref<80x128xf32, #tpu.memory_space<vmem>>, vector<1x16xf32>,
        %parallel_loop3A_155 = vector.shape_cast %parallel_loop3A_154 : vector<1x16xf32> to vector<16xf32>
        %parallel_loop3A_156 = arith.index_cast %parallel_loop3A_151 : i32 to index
        %parallel_loop3A_157 = arith.constant 0 : index
        %parallel_loop3A_158 = tpu.vector_load %arg12[%parallel_loop3A_156, %parallel_loop3A_157] {strides = array<i32>} : memref<80x128xf32, #tpu.memory_space<vmem>>, vector<1x16xf32>,
        %parallel_loop3A_159 = vector.shape_cast %parallel_loop3A_158 : vector<1x16xf32> to vector<16xf32>
        %parallel_loop3A_160 = arith.mulf %parallel_loop3A_155, %parallel_loop3A_159 : vector<16xf32>
        %parallel_loop3A_161 = arith.index_cast %parallel_loop3A_151 : i32 to index
        %parallel_loop3A_162 = arith.constant 0 : index
        %parallel_loop3A_163 = tpu.vector_load %arg10[%parallel_loop3A_161, %parallel_loop3A_162] {strides = array<i32>} : memref<80x128xf32, #tpu.memory_space<vmem>>, vector<1x16xf32>,
        %parallel_loop3A_164 = vector.shape_cast %parallel_loop3A_163 : vector<1x16xf32> to vector<16xf32>
        %parallel_loop3A_165 = vector.shape_cast %parallel_loop3A_160 : vector<16xf32> to vector<1x16xf32>
        tpu.vector_store %arg10[%parallel_loop3A_161, %parallel_loop3A_162], %parallel_loop3A_165 {strides = array<i32>} : memref<80x128xf32, #tpu.memory_space<vmem>>, vector<1x16xf32>,
        %parallel_loop3A_166 = arith.index_cast %parallel_loop3A_151 : i32 to index
        %parallel_loop3A_167 = arith.constant 16 : index
        %parallel_loop3A_168 = tpu.vector_load %arg10[%parallel_loop3A_166, %parallel_loop3A_167] {strides = array<i32>} : memref<80x128xf32, #tpu.memory_space<vmem>>, vector<1x16xf32>,
        %parallel_loop3A_169 = vector.shape_cast %parallel_loop3A_168 : vector<1x16xf32> to vector<16xf32>
        %parallel_loop3A_170 = arith.index_cast %parallel_loop3A_151 : i32 to index
        %parallel_loop3A_171 = arith.constant 16 : index
        %parallel_loop3A_172 = tpu.vector_load %arg12[%parallel_loop3A_170, %parallel_loop3A_171] {strides = array<i32>} : memref<80x128xf32, #tpu.memory_space<vmem>>, vector<1x16xf32>,
        %parallel_loop3A_173 = vector.shape_cast %parallel_loop3A_172 : vector<1x16xf32> to vector<16xf32>
        %parallel_loop3A_174 = arith.mulf %parallel_loop3A_169, %parallel_loop3A_173 : vector<16xf32>
        %parallel_loop3A_175 = arith.index_cast %parallel_loop3A_151 : i32 to index
        %parallel_loop3A_176 = arith.constant 16 : index
        %parallel_loop3A_177 = tpu.vector_load %arg10[%parallel_loop3A_175, %parallel_loop3A_176] {strides = array<i32>} : memref<80x128xf32, #tpu.memory_space<vmem>>, vector<1x16xf32>,
        %parallel_loop3A_178 = vector.shape_cast %parallel_loop3A_177 : vector<1x16xf32> to vector<16xf32>
        %parallel_loop3A_179 = vector.shape_cast %parallel_loop3A_174 : vector<16xf32> to vector<1x16xf32>
        tpu.vector_store %arg10[%parallel_loop3A_175, %parallel_loop3A_176], %parallel_loop3A_179 {strides = array<i32>} : memref<80x128xf32, #tpu.memory_space<vmem>>, vector<1x16xf32>,
        %parallel_loop3A_180 = arith.index_cast %parallel_loop3A_151 : i32 to index
        %parallel_loop3A_181 = arith.constant 32 : index
        %parallel_loop3A_182 = tpu.vector_load %arg10[%parallel_loop3A_180, %parallel_loop3A_181] {strides = array<i32>} : memref<80x128xf32, #tpu.memory_space<vmem>>, vector<1x16xf32>,
        %parallel_loop3A_183 = vector.shape_cast %parallel_loop3A_182 : vector<1x16xf32> to vector<16xf32>
        %parallel_loop3A_184 = arith.index_cast %parallel_loop3A_151 : i32 to index
        %parallel_loop3A_185 = arith.constant 32 : index
        %parallel_loop3A_186 = tpu.vector_load %arg12[%parallel_loop3A_184, %parallel_loop3A_185] {strides = array<i32>} : memref<80x128xf32, #tpu.memory_space<vmem>>, vector<1x16xf32>,
        %parallel_loop3A_187 = vector.shape_cast %parallel_loop3A_186 : vector<1x16xf32> to vector<16xf32>
        %parallel_loop3A_188 = arith.mulf %parallel_loop3A_183, %parallel_loop3A_187 : vector<16xf32>
        %parallel_loop3A_189 = arith.index_cast %parallel_loop3A_151 : i32 to index
        %parallel_loop3A_190 = arith.constant 32 : index
        %parallel_loop3A_191 = tpu.vector_load %arg10[%parallel_loop3A_189, %parallel_loop3A_190] {strides = array<i32>} : memref<80x128xf32, #tpu.memory_space<vmem>>, vector<1x16xf32>,
        %parallel_loop3A_192 = vector.shape_cast %parallel_loop3A_191 : vector<1x16xf32> to vector<16xf32>
        %parallel_loop3A_193 = vector.shape_cast %parallel_loop3A_188 : vector<16xf32> to vector<1x16xf32>
        tpu.vector_store %arg10[%parallel_loop3A_189, %parallel_loop3A_190], %parallel_loop3A_193 {strides = array<i32>} : memref<80x128xf32, #tpu.memory_space<vmem>>, vector<1x16xf32>,
        %parallel_loop3A_194 = arith.index_cast %parallel_loop3A_151 : i32 to index
        %parallel_loop3A_195 = arith.constant 48 : index
        %parallel_loop3A_196 = tpu.vector_load %arg10[%parallel_loop3A_194, %parallel_loop3A_195] {strides = array<i32>} : memref<80x128xf32, #tpu.memory_space<vmem>>, vector<1x16xf32>,
        %parallel_loop3A_197 = vector.shape_cast %parallel_loop3A_196 : vector<1x16xf32> to vector<16xf32>
        %parallel_loop3A_198 = arith.index_cast %parallel_loop3A_151 : i32 to index
        %parallel_loop3A_199 = arith.constant 48 : index
        %parallel_loop3A_200 = tpu.vector_load %arg12[%parallel_loop3A_198, %parallel_loop3A_199] {strides = array<i32>} : memref<80x128xf32, #tpu.memory_space<vmem>>, vector<1x16xf32>,
        %parallel_loop3A_201 = vector.shape_cast %parallel_loop3A_200 : vector<1x16xf32> to vector<16xf32>
        %parallel_loop3A_202 = arith.mulf %parallel_loop3A_197, %parallel_loop3A_201 : vector<16xf32>
        %parallel_loop3A_203 = arith.index_cast %parallel_loop3A_151 : i32 to index
        %parallel_loop3A_204 = arith.constant 48 : index
        %parallel_loop3A_205 = tpu.vector_load %arg10[%parallel_loop3A_203, %parallel_loop3A_204] {strides = array<i32>} : memref<80x128xf32, #tpu.memory_space<vmem>>, vector<1x16xf32>,
        %parallel_loop3A_206 = vector.shape_cast %parallel_loop3A_205 : vector<1x16xf32> to vector<16xf32>
        %parallel_loop3A_207 = vector.shape_cast %parallel_loop3A_202 : vector<16xf32> to vector<1x16xf32>
        tpu.vector_store %arg10[%parallel_loop3A_203, %parallel_loop3A_204], %parallel_loop3A_207 {strides = array<i32>} : memref<80x128xf32, #tpu.memory_space<vmem>>, vector<1x16xf32>,
        %parallel_loop3A_208 = arith.index_cast %parallel_loop3A_151 : i32 to index
        %parallel_loop3A_209 = arith.constant 64 : index
        %parallel_loop3A_210 = tpu.vector_load %arg10[%parallel_loop3A_208, %parallel_loop3A_209] {strides = array<i32>} : memref<80x128xf32, #tpu.memory_space<vmem>>, vector<1x16xf32>,
        %parallel_loop3A_211 = vector.shape_cast %parallel_loop3A_210 : vector<1x16xf32> to vector<16xf32>
        %parallel_loop3A_212 = arith.index_cast %parallel_loop3A_151 : i32 to index
        %parallel_loop3A_213 = arith.constant 64 : index
        %parallel_loop3A_214 = tpu.vector_load %arg12[%parallel_loop3A_212, %parallel_loop3A_213] {strides = array<i32>} : memref<80x128xf32, #tpu.memory_space<vmem>>, vector<1x16xf32>,
        %parallel_loop3A_215 = vector.shape_cast %parallel_loop3A_214 : vector<1x16xf32> to vector<16xf32>
        %parallel_loop3A_216 = arith.mulf %parallel_loop3A_211, %parallel_loop3A_215 : vector<16xf32>
        %parallel_loop3A_217 = arith.index_cast %parallel_loop3A_151 : i32 to index
        %parallel_loop3A_218 = arith.constant 64 : index
        %parallel_loop3A_219 = tpu.vector_load %arg10[%parallel_loop3A_217, %parallel_loop3A_218] {strides = array<i32>} : memref<80x128xf32, #tpu.memory_space<vmem>>, vector<1x16xf32>,
        %parallel_loop3A_220 = vector.shape_cast %parallel_loop3A_219 : vector<1x16xf32> to vector<16xf32>
        %parallel_loop3A_221 = vector.shape_cast %parallel_loop3A_216 : vector<16xf32> to vector<1x16xf32>
        tpu.vector_store %arg10[%parallel_loop3A_217, %parallel_loop3A_218], %parallel_loop3A_221 {strides = array<i32>} : memref<80x128xf32, #tpu.memory_space<vmem>>, vector<1x16xf32>,
        %parallel_loop3A_222 = arith.index_cast %parallel_loop3A_151 : i32 to index
        %parallel_loop3A_223 = arith.constant 80 : index
        %parallel_loop3A_224 = tpu.vector_load %arg10[%parallel_loop3A_222, %parallel_loop3A_223] {strides = array<i32>} : memref<80x128xf32, #tpu.memory_space<vmem>>, vector<1x16xf32>,
        %parallel_loop3A_225 = vector.shape_cast %parallel_loop3A_224 : vector<1x16xf32> to vector<16xf32>
        %parallel_loop3A_226 = arith.index_cast %parallel_loop3A_151 : i32 to index
        %parallel_loop3A_227 = arith.constant 80 : index
        %parallel_loop3A_228 = tpu.vector_load %arg12[%parallel_loop3A_226, %parallel_loop3A_227] {strides = array<i32>} : memref<80x128xf32, #tpu.memory_space<vmem>>, vector<1x16xf32>,
        %parallel_loop3A_229 = vector.shape_cast %parallel_loop3A_228 : vector<1x16xf32> to vector<16xf32>
        %parallel_loop3A_230 = arith.mulf %parallel_loop3A_225, %parallel_loop3A_229 : vector<16xf32>
        %parallel_loop3A_231 = arith.index_cast %parallel_loop3A_151 : i32 to index
        %parallel_loop3A_232 = arith.constant 80 : index
        %parallel_loop3A_233 = tpu.vector_load %arg10[%parallel_loop3A_231, %parallel_loop3A_232] {strides = array<i32>} : memref<80x128xf32, #tpu.memory_space<vmem>>, vector<1x16xf32>,
        %parallel_loop3A_234 = vector.shape_cast %parallel_loop3A_233 : vector<1x16xf32> to vector<16xf32>
        %parallel_loop3A_235 = vector.shape_cast %parallel_loop3A_230 : vector<16xf32> to vector<1x16xf32>
        tpu.vector_store %arg10[%parallel_loop3A_231, %parallel_loop3A_232], %parallel_loop3A_235 {strides = array<i32>} : memref<80x128xf32, #tpu.memory_space<vmem>>, vector<1x16xf32>,
        %parallel_loop3A_236 = arith.index_cast %parallel_loop3A_151 : i32 to index
        %parallel_loop3A_237 = arith.constant 96 : index
        %parallel_loop3A_238 = tpu.vector_load %arg10[%parallel_loop3A_236, %parallel_loop3A_237] {strides = array<i32>} : memref<80x128xf32, #tpu.memory_space<vmem>>, vector<1x16xf32>,
        %parallel_loop3A_239 = vector.shape_cast %parallel_loop3A_238 : vector<1x16xf32> to vector<16xf32>
        %parallel_loop3A_240 = arith.index_cast %parallel_loop3A_151 : i32 to index
        %parallel_loop3A_241 = arith.constant 96 : index
        %parallel_loop3A_242 = tpu.vector_load %arg12[%parallel_loop3A_240, %parallel_loop3A_241] {strides = array<i32>} : memref<80x128xf32, #tpu.memory_space<vmem>>, vector<1x16xf32>,
        %parallel_loop3A_243 = vector.shape_cast %parallel_loop3A_242 : vector<1x16xf32> to vector<16xf32>
        %parallel_loop3A_244 = arith.mulf %parallel_loop3A_239, %parallel_loop3A_243 : vector<16xf32>
        %parallel_loop3A_245 = arith.index_cast %parallel_loop3A_151 : i32 to index
        %parallel_loop3A_246 = arith.constant 96 : index
        %parallel_loop3A_247 = tpu.vector_load %arg10[%parallel_loop3A_245, %parallel_loop3A_246] {strides = array<i32>} : memref<80x128xf32, #tpu.memory_space<vmem>>, vector<1x16xf32>,
        %parallel_loop3A_248 = vector.shape_cast %parallel_loop3A_247 : vector<1x16xf32> to vector<16xf32>
        %parallel_loop3A_249 = vector.shape_cast %parallel_loop3A_244 : vector<16xf32> to vector<1x16xf32>
        tpu.vector_store %arg10[%parallel_loop3A_245, %parallel_loop3A_246], %parallel_loop3A_249 {strides = array<i32>} : memref<80x128xf32, #tpu.memory_space<vmem>>, vector<1x16xf32>,
        %parallel_loop3A_250 = arith.index_cast %parallel_loop3A_151 : i32 to index
        %parallel_loop3A_251 = arith.constant 112 : index
        %parallel_loop3A_252 = tpu.vector_load %arg10[%parallel_loop3A_250, %parallel_loop3A_251] {strides = array<i32>} : memref<80x128xf32, #tpu.memory_space<vmem>>, vector<1x16xf32>,
        %parallel_loop3A_253 = vector.shape_cast %parallel_loop3A_252 : vector<1x16xf32> to vector<16xf32>
        %parallel_loop3A_254 = arith.index_cast %parallel_loop3A_151 : i32 to index
        %parallel_loop3A_255 = arith.constant 112 : index
        %parallel_loop3A_256 = tpu.vector_load %arg12[%parallel_loop3A_254, %parallel_loop3A_255] {strides = array<i32>} : memref<80x128xf32, #tpu.memory_space<vmem>>, vector<1x16xf32>,
        %parallel_loop3A_257 = vector.shape_cast %parallel_loop3A_256 : vector<1x16xf32> to vector<16xf32>
        %parallel_loop3A_258 = arith.mulf %parallel_loop3A_253, %parallel_loop3A_257 : vector<16xf32>
        %parallel_loop3A_259 = arith.index_cast %parallel_loop3A_151 : i32 to index
        %parallel_loop3A_260 = arith.constant 112 : index
        %parallel_loop3A_261 = tpu.vector_load %arg10[%parallel_loop3A_259, %parallel_loop3A_260] {strides = array<i32>} : memref<80x128xf32, #tpu.memory_space<vmem>>, vector<1x16xf32>,
        %parallel_loop3A_262 = vector.shape_cast %parallel_loop3A_261 : vector<1x16xf32> to vector<16xf32>
        %parallel_loop3A_263 = vector.shape_cast %parallel_loop3A_258 : vector<16xf32> to vector<1x16xf32>
        tpu.vector_store %arg10[%parallel_loop3A_259, %parallel_loop3A_260], %parallel_loop3A_263 {strides = array<i32>} : memref<80x128xf32, #tpu.memory_space<vmem>>, vector<1x16xf32>,
      } {sc.loop_unroll_factor = 2 : i64, sc.parallel_access}
      %dma_start3A_144 = arith.constant 1 : i32
      %dma_start3A_145 = arith.constant 0 : i32
      %dma_start3A_146 = tpu.memref_slice %arg8[%dma_start3A_144, %dma_start3A_145] : memref<2x80xi32, #tpu.memory_space<vmem>> -> memref<1x80xi32, #tpu.memory_space<vmem>>
      %dma_start3A_147 = tpu.memref_squeeze %dma_start3A_146 : memref<1x80xi32, #tpu.memory_space<vmem>> -> memref<80xi32, #tpu.memory_space<vmem>>
      %dma_start3A_148 = arith.constant 0 : i32
      %dma_start3A_149 = arith.constant 0 : i32
      %dma_start3A_150 = tpu.memref_slice %arg13[%dma_start3A_148, %dma_start3A_149] : memref<10240x128xf32, #tpu.memory_space<vmem_shared>> -> memref<10240x128xf32, #tpu.memory_space<vmem_shared>>
      tpu.enqueue_indirect_dma source(%arg10 : memref<80x128xf32, #tpu.memory_space<vmem>>) target(%dma_start3A_150 : memref<10240x128xf32, #tpu.memory_space<vmem_shared>>) offsets(%dma_start3A_147 : memref<80xi32, #tpu.memory_space<vmem>>) semaphore(%arg19 : memref<!tpu.dma_semaphore, #tpu.memory_space<semaphore_mem>>) {add = true}
    }
    %scan3A_22 = arith.constant 62 : i32
    %dma_wait3A = arith.constant 0 : i32
    %dma_wait3A_23 = arith.constant 0 : i32
    %dma_wait3A_24 = tpu.memref_slice %arg7[%dma_wait3A, %dma_wait3A_23] : memref<2x80xi32, #tpu.memory_space<vmem>> -> memref<1x80xi32, #tpu.memory_space<vmem>>
    %dma_wait3A_25 = tpu.memref_squeeze %dma_wait3A_24 : memref<1x80xi32, #tpu.memory_space<vmem>> -> memref<80xi32, #tpu.memory_space<vmem>>
    %dma_wait3A_26 = arith.constant 0 : i32
    %dma_wait3A_27 = arith.constant 0 : i32
    %dma_wait3A_28 = tpu.memref_slice %arg2[%dma_wait3A_26, %dma_wait3A_27] : memref<40000x128xf32, #tpu.memory_space<hbm>> -> memref<40000x128xf32, #tpu.memory_space<hbm>>
    tpu.wait_indirect_dma semaphore(%arg14 : memref<!tpu.dma_semaphore, #tpu.memory_space<semaphore_mem>>) src(%dma_wait3A_28 : memref<40000x128xf32, #tpu.memory_space<hbm>>) dst(%arg9 : memref<80x128xf32, #tpu.memory_space<vmem>>)
    %dma_wait3A_29 = arith.constant 0 : i32
    %dma_wait3A_30 = arith.constant 0 : i32
    %dma_wait3A_31 = tpu.memref_slice %arg3[%dma_wait3A_29, %dma_wait3A_30] : memref<320000x128xf32, #tpu.memory_space<hbm>> -> memref<80x128xf32, #tpu.memory_space<hbm>>
    %dma_wait3A_32 = arith.constant 0 : i32
    %dma_wait3A_33 = arith.constant 0 : i32
    %dma_wait3A_34 = tpu.memref_slice %arg3[%dma_wait3A_32, %dma_wait3A_33] : memref<320000x128xf32, #tpu.memory_space<hbm>> -> memref<80x128xf32, #tpu.memory_space<hbm>>
    tpu.wait_dma2 semaphore(%arg16 : memref<!tpu.dma_semaphore, #tpu.memory_space<semaphore_mem>>) src(%dma_wait3A_34 : memref<80x128xf32, #tpu.memory_space<hbm>>) dst(%arg11 : memref<80x128xf32, #tpu.memory_space<vmem>>)
    %parallel_loop3A = arith.constant 0 : i32
    %parallel_loop3A_35 = arith.constant 80 : i32
    %parallel_loop3A_36 = arith.constant 1 : i32
    scf.for %parallel_loop3A_59 = %parallel_loop3A to %parallel_loop3A_35 step %parallel_loop3A_36  : i32 {
      %parallel_loop3A_60 = arith.index_cast %parallel_loop3A_59 : i32 to index
      %parallel_loop3A_61 = arith.constant 0 : index
      %parallel_loop3A_62 = tpu.vector_load %arg9[%parallel_loop3A_60, %parallel_loop3A_61] {strides = array<i32>} : memref<80x128xf32, #tpu.memory_space<vmem>>, vector<1x16xf32>,
      %parallel_loop3A_63 = vector.shape_cast %parallel_loop3A_62 : vector<1x16xf32> to vector<16xf32>
      %parallel_loop3A_64 = arith.index_cast %parallel_loop3A_59 : i32 to index
      %parallel_loop3A_65 = arith.constant 0 : index
      %parallel_loop3A_66 = tpu.vector_load %arg11[%parallel_loop3A_64, %parallel_loop3A_65] {strides = array<i32>} : memref<80x128xf32, #tpu.memory_space<vmem>>, vector<1x16xf32>,
      %parallel_loop3A_67 = vector.shape_cast %parallel_loop3A_66 : vector<1x16xf32> to vector<16xf32>
      %parallel_loop3A_68 = arith.mulf %parallel_loop3A_63, %parallel_loop3A_67 : vector<16xf32>
      %parallel_loop3A_69 = arith.index_cast %parallel_loop3A_59 : i32 to index
      %parallel_loop3A_70 = arith.constant 0 : index
      %parallel_loop3A_71 = tpu.vector_load %arg9[%parallel_loop3A_69, %parallel_loop3A_70] {strides = array<i32>} : memref<80x128xf32, #tpu.memory_space<vmem>>, vector<1x16xf32>,
      %parallel_loop3A_72 = vector.shape_cast %parallel_loop3A_71 : vector<1x16xf32> to vector<16xf32>
      %parallel_loop3A_73 = vector.shape_cast %parallel_loop3A_68 : vector<16xf32> to vector<1x16xf32>
      tpu.vector_store %arg9[%parallel_loop3A_69, %parallel_loop3A_70], %parallel_loop3A_73 {strides = array<i32>} : memref<80x128xf32, #tpu.memory_space<vmem>>, vector<1x16xf32>,
      %parallel_loop3A_74 = arith.index_cast %parallel_loop3A_59 : i32 to index
      %parallel_loop3A_75 = arith.constant 16 : index
      %parallel_loop3A_76 = tpu.vector_load %arg9[%parallel_loop3A_74, %parallel_loop3A_75] {strides = array<i32>} : memref<80x128xf32, #tpu.memory_space<vmem>>, vector<1x16xf32>,
      %parallel_loop3A_77 = vector.shape_cast %parallel_loop3A_76 : vector<1x16xf32> to vector<16xf32>
      %parallel_loop3A_78 = arith.index_cast %parallel_loop3A_59 : i32 to index
      %parallel_loop3A_79 = arith.constant 16 : index
      %parallel_loop3A_80 = tpu.vector_load %arg11[%parallel_loop3A_78, %parallel_loop3A_79] {strides = array<i32>} : memref<80x128xf32, #tpu.memory_space<vmem>>, vector<1x16xf32>,
      %parallel_loop3A_81 = vector.shape_cast %parallel_loop3A_80 : vector<1x16xf32> to vector<16xf32>
      %parallel_loop3A_82 = arith.mulf %parallel_loop3A_77, %parallel_loop3A_81 : vector<16xf32>
      %parallel_loop3A_83 = arith.index_cast %parallel_loop3A_59 : i32 to index
      %parallel_loop3A_84 = arith.constant 16 : index
      %parallel_loop3A_85 = tpu.vector_load %arg9[%parallel_loop3A_83, %parallel_loop3A_84] {strides = array<i32>} : memref<80x128xf32, #tpu.memory_space<vmem>>, vector<1x16xf32>,
      %parallel_loop3A_86 = vector.shape_cast %parallel_loop3A_85 : vector<1x16xf32> to vector<16xf32>
      %parallel_loop3A_87 = vector.shape_cast %parallel_loop3A_82 : vector<16xf32> to vector<1x16xf32>
      tpu.vector_store %arg9[%parallel_loop3A_83, %parallel_loop3A_84], %parallel_loop3A_87 {strides = array<i32>} : memref<80x128xf32, #tpu.memory_space<vmem>>, vector<1x16xf32>,
      %parallel_loop3A_88 = arith.index_cast %parallel_loop3A_59 : i32 to index
      %parallel_loop3A_89 = arith.constant 32 : index
      %parallel_loop3A_90 = tpu.vector_load %arg9[%parallel_loop3A_88, %parallel_loop3A_89] {strides = array<i32>} : memref<80x128xf32, #tpu.memory_space<vmem>>, vector<1x16xf32>,
      %parallel_loop3A_91 = vector.shape_cast %parallel_loop3A_90 : vector<1x16xf32> to vector<16xf32>
      %parallel_loop3A_92 = arith.index_cast %parallel_loop3A_59 : i32 to index
      %parallel_loop3A_93 = arith.constant 32 : index
      %parallel_loop3A_94 = tpu.vector_load %arg11[%parallel_loop3A_92, %parallel_loop3A_93] {strides = array<i32>} : memref<80x128xf32, #tpu.memory_space<vmem>>, vector<1x16xf32>,
      %parallel_loop3A_95 = vector.shape_cast %parallel_loop3A_94 : vector<1x16xf32> to vector<16xf32>
      %parallel_loop3A_96 = arith.mulf %parallel_loop3A_91, %parallel_loop3A_95 : vector<16xf32>
      %parallel_loop3A_97 = arith.index_cast %parallel_loop3A_59 : i32 to index
      %parallel_loop3A_98 = arith.constant 32 : index
      %parallel_loop3A_99 = tpu.vector_load %arg9[%parallel_loop3A_97, %parallel_loop3A_98] {strides = array<i32>} : memref<80x128xf32, #tpu.memory_space<vmem>>, vector<1x16xf32>,
      %parallel_loop3A_100 = vector.shape_cast %parallel_loop3A_99 : vector<1x16xf32> to vector<16xf32>
      %parallel_loop3A_101 = vector.shape_cast %parallel_loop3A_96 : vector<16xf32> to vector<1x16xf32>
      tpu.vector_store %arg9[%parallel_loop3A_97, %parallel_loop3A_98], %parallel_loop3A_101 {strides = array<i32>} : memref<80x128xf32, #tpu.memory_space<vmem>>, vector<1x16xf32>,
      %parallel_loop3A_102 = arith.index_cast %parallel_loop3A_59 : i32 to index
      %parallel_loop3A_103 = arith.constant 48 : index
      %parallel_loop3A_104 = tpu.vector_load %arg9[%parallel_loop3A_102, %parallel_loop3A_103] {strides = array<i32>} : memref<80x128xf32, #tpu.memory_space<vmem>>, vector<1x16xf32>,
      %parallel_loop3A_105 = vector.shape_cast %parallel_loop3A_104 : vector<1x16xf32> to vector<16xf32>
      %parallel_loop3A_106 = arith.index_cast %parallel_loop3A_59 : i32 to index
      %parallel_loop3A_107 = arith.constant 48 : index
      %parallel_loop3A_108 = tpu.vector_load %arg11[%parallel_loop3A_106, %parallel_loop3A_107] {strides = array<i32>} : memref<80x128xf32, #tpu.memory_space<vmem>>, vector<1x16xf32>,
      %parallel_loop3A_109 = vector.shape_cast %parallel_loop3A_108 : vector<1x16xf32> to vector<16xf32>
      %parallel_loop3A_110 = arith.mulf %parallel_loop3A_105, %parallel_loop3A_109 : vector<16xf32>
      %parallel_loop3A_111 = arith.index_cast %parallel_loop3A_59 : i32 to index
      %parallel_loop3A_112 = arith.constant 48 : index
      %parallel_loop3A_113 = tpu.vector_load %arg9[%parallel_loop3A_111, %parallel_loop3A_112] {strides = array<i32>} : memref<80x128xf32, #tpu.memory_space<vmem>>, vector<1x16xf32>,
      %parallel_loop3A_114 = vector.shape_cast %parallel_loop3A_113 : vector<1x16xf32> to vector<16xf32>
      %parallel_loop3A_115 = vector.shape_cast %parallel_loop3A_110 : vector<16xf32> to vector<1x16xf32>
      tpu.vector_store %arg9[%parallel_loop3A_111, %parallel_loop3A_112], %parallel_loop3A_115 {strides = array<i32>} : memref<80x128xf32, #tpu.memory_space<vmem>>, vector<1x16xf32>,
      %parallel_loop3A_116 = arith.index_cast %parallel_loop3A_59 : i32 to index
      %parallel_loop3A_117 = arith.constant 64 : index
      %parallel_loop3A_118 = tpu.vector_load %arg9[%parallel_loop3A_116, %parallel_loop3A_117] {strides = array<i32>} : memref<80x128xf32, #tpu.memory_space<vmem>>, vector<1x16xf32>,
      %parallel_loop3A_119 = vector.shape_cast %parallel_loop3A_118 : vector<1x16xf32> to vector<16xf32>
      %parallel_loop3A_120 = arith.index_cast %parallel_loop3A_59 : i32 to index
      %parallel_loop3A_121 = arith.constant 64 : index
      %parallel_loop3A_122 = tpu.vector_load %arg11[%parallel_loop3A_120, %parallel_loop3A_121] {strides = array<i32>} : memref<80x128xf32, #tpu.memory_space<vmem>>, vector<1x16xf32>,
      %parallel_loop3A_123 = vector.shape_cast %parallel_loop3A_122 : vector<1x16xf32> to vector<16xf32>
      %parallel_loop3A_124 = arith.mulf %parallel_loop3A_119, %parallel_loop3A_123 : vector<16xf32>
      %parallel_loop3A_125 = arith.index_cast %parallel_loop3A_59 : i32 to index
      %parallel_loop3A_126 = arith.constant 64 : index
      %parallel_loop3A_127 = tpu.vector_load %arg9[%parallel_loop3A_125, %parallel_loop3A_126] {strides = array<i32>} : memref<80x128xf32, #tpu.memory_space<vmem>>, vector<1x16xf32>,
      %parallel_loop3A_128 = vector.shape_cast %parallel_loop3A_127 : vector<1x16xf32> to vector<16xf32>
      %parallel_loop3A_129 = vector.shape_cast %parallel_loop3A_124 : vector<16xf32> to vector<1x16xf32>
      tpu.vector_store %arg9[%parallel_loop3A_125, %parallel_loop3A_126], %parallel_loop3A_129 {strides = array<i32>} : memref<80x128xf32, #tpu.memory_space<vmem>>, vector<1x16xf32>,
      %parallel_loop3A_130 = arith.index_cast %parallel_loop3A_59 : i32 to index
      %parallel_loop3A_131 = arith.constant 80 : index
      %parallel_loop3A_132 = tpu.vector_load %arg9[%parallel_loop3A_130, %parallel_loop3A_131] {strides = array<i32>} : memref<80x128xf32, #tpu.memory_space<vmem>>, vector<1x16xf32>,
      %parallel_loop3A_133 = vector.shape_cast %parallel_loop3A_132 : vector<1x16xf32> to vector<16xf32>
      %parallel_loop3A_134 = arith.index_cast %parallel_loop3A_59 : i32 to index
      %parallel_loop3A_135 = arith.constant 80 : index
      %parallel_loop3A_136 = tpu.vector_load %arg11[%parallel_loop3A_134, %parallel_loop3A_135] {strides = array<i32>} : memref<80x128xf32, #tpu.memory_space<vmem>>, vector<1x16xf32>,
      %parallel_loop3A_137 = vector.shape_cast %parallel_loop3A_136 : vector<1x16xf32> to vector<16xf32>
      %parallel_loop3A_138 = arith.mulf %parallel_loop3A_133, %parallel_loop3A_137 : vector<16xf32>
      %parallel_loop3A_139 = arith.index_cast %parallel_loop3A_59 : i32 to index
      %parallel_loop3A_140 = arith.constant 80 : index
      %parallel_loop3A_141 = tpu.vector_load %arg9[%parallel_loop3A_139, %parallel_loop3A_140] {strides = array<i32>} : memref<80x128xf32, #tpu.memory_space<vmem>>, vector<1x16xf32>,
      %parallel_loop3A_142 = vector.shape_cast %parallel_loop3A_141 : vector<1x16xf32> to vector<16xf32>
      %parallel_loop3A_143 = vector.shape_cast %parallel_loop3A_138 : vector<16xf32> to vector<1x16xf32>
      tpu.vector_store %arg9[%parallel_loop3A_139, %parallel_loop3A_140], %parallel_loop3A_143 {strides = array<i32>} : memref<80x128xf32, #tpu.memory_space<vmem>>, vector<1x16xf32>,
      %parallel_loop3A_144 = arith.index_cast %parallel_loop3A_59 : i32 to index
      %parallel_loop3A_145 = arith.constant 96 : index
      %parallel_loop3A_146 = tpu.vector_load %arg9[%parallel_loop3A_144, %parallel_loop3A_145] {strides = array<i32>} : memref<80x128xf32, #tpu.memory_space<vmem>>, vector<1x16xf32>,
      %parallel_loop3A_147 = vector.shape_cast %parallel_loop3A_146 : vector<1x16xf32> to vector<16xf32>
      %parallel_loop3A_148 = arith.index_cast %parallel_loop3A_59 : i32 to index
      %parallel_loop3A_149 = arith.constant 96 : index
      %parallel_loop3A_150 = tpu.vector_load %arg11[%parallel_loop3A_148, %parallel_loop3A_149] {strides = array<i32>} : memref<80x128xf32, #tpu.memory_space<vmem>>, vector<1x16xf32>,
      %parallel_loop3A_151 = vector.shape_cast %parallel_loop3A_150 : vector<1x16xf32> to vector<16xf32>
      %parallel_loop3A_152 = arith.mulf %parallel_loop3A_147, %parallel_loop3A_151 : vector<16xf32>
      %parallel_loop3A_153 = arith.index_cast %parallel_loop3A_59 : i32 to index
      %parallel_loop3A_154 = arith.constant 96 : index
      %parallel_loop3A_155 = tpu.vector_load %arg9[%parallel_loop3A_153, %parallel_loop3A_154] {strides = array<i32>} : memref<80x128xf32, #tpu.memory_space<vmem>>, vector<1x16xf32>,
      %parallel_loop3A_156 = vector.shape_cast %parallel_loop3A_155 : vector<1x16xf32> to vector<16xf32>
      %parallel_loop3A_157 = vector.shape_cast %parallel_loop3A_152 : vector<16xf32> to vector<1x16xf32>
      tpu.vector_store %arg9[%parallel_loop3A_153, %parallel_loop3A_154], %parallel_loop3A_157 {strides = array<i32>} : memref<80x128xf32, #tpu.memory_space<vmem>>, vector<1x16xf32>,
      %parallel_loop3A_158 = arith.index_cast %parallel_loop3A_59 : i32 to index
      %parallel_loop3A_159 = arith.constant 112 : index
      %parallel_loop3A_160 = tpu.vector_load %arg9[%parallel_loop3A_158, %parallel_loop3A_159] {strides = array<i32>} : memref<80x128xf32, #tpu.memory_space<vmem>>, vector<1x16xf32>,
      %parallel_loop3A_161 = vector.shape_cast %parallel_loop3A_160 : vector<1x16xf32> to vector<16xf32>
      %parallel_loop3A_162 = arith.index_cast %parallel_loop3A_59 : i32 to index
      %parallel_loop3A_163 = arith.constant 112 : index
      %parallel_loop3A_164 = tpu.vector_load %arg11[%parallel_loop3A_162, %parallel_loop3A_163] {strides = array<i32>} : memref<80x128xf32, #tpu.memory_space<vmem>>, vector<1x16xf32>,
      %parallel_loop3A_165 = vector.shape_cast %parallel_loop3A_164 : vector<1x16xf32> to vector<16xf32>
      %parallel_loop3A_166 = arith.mulf %parallel_loop3A_161, %parallel_loop3A_165 : vector<16xf32>
      %parallel_loop3A_167 = arith.index_cast %parallel_loop3A_59 : i32 to index
      %parallel_loop3A_168 = arith.constant 112 : index
      %parallel_loop3A_169 = tpu.vector_load %arg9[%parallel_loop3A_167, %parallel_loop3A_168] {strides = array<i32>} : memref<80x128xf32, #tpu.memory_space<vmem>>, vector<1x16xf32>,
      %parallel_loop3A_170 = vector.shape_cast %parallel_loop3A_169 : vector<1x16xf32> to vector<16xf32>
      %parallel_loop3A_171 = vector.shape_cast %parallel_loop3A_166 : vector<16xf32> to vector<1x16xf32>
      tpu.vector_store %arg9[%parallel_loop3A_167, %parallel_loop3A_168], %parallel_loop3A_171 {strides = array<i32>} : memref<80x128xf32, #tpu.memory_space<vmem>>, vector<1x16xf32>,
    } {sc.loop_unroll_factor = 2 : i64, sc.parallel_access}
    %dma_start3A_37 = arith.constant 1 : i32
    %dma_start3A_38 = arith.constant 0 : i32
    %dma_start3A_39 = tpu.memref_slice %arg7[%dma_start3A_37, %dma_start3A_38] : memref<2x80xi32, #tpu.memory_space<vmem>> -> memref<1x80xi32, #tpu.memory_space<vmem>>
    %dma_start3A_40 = tpu.memref_squeeze %dma_start3A_39 : memref<1x80xi32, #tpu.memory_space<vmem>> -> memref<80xi32, #tpu.memory_space<vmem>>
    %dma_start3A_41 = arith.constant 0 : i32
    %dma_start3A_42 = arith.constant 0 : i32
    %dma_start3A_43 = tpu.memref_slice %arg13[%dma_start3A_41, %dma_start3A_42] : memref<10240x128xf32, #tpu.memory_space<vmem_shared>> -> memref<10240x128xf32, #tpu.memory_space<vmem_shared>>
    tpu.enqueue_indirect_dma source(%arg9 : memref<80x128xf32, #tpu.memory_space<vmem>>) target(%dma_start3A_43 : memref<10240x128xf32, #tpu.memory_space<vmem_shared>>) offsets(%dma_start3A_40 : memref<80xi32, #tpu.memory_space<vmem>>) semaphore(%arg18 : memref<!tpu.dma_semaphore, #tpu.memory_space<semaphore_mem>>) {add = true}
    %dma_wait3A_44 = arith.constant 1 : i32
    %dma_wait3A_45 = arith.constant 0 : i32
    %dma_wait3A_46 = tpu.memref_slice %arg7[%dma_wait3A_44, %dma_wait3A_45] : memref<2x80xi32, #tpu.memory_space<vmem>> -> memref<1x80xi32, #tpu.memory_space<vmem>>
    %dma_wait3A_47 = tpu.memref_squeeze %dma_wait3A_46 : memref<1x80xi32, #tpu.memory_space<vmem>> -> memref<80xi32, #tpu.memory_space<vmem>>
    %dma_wait3A_48 = arith.constant 0 : i32
    %dma_wait3A_49 = arith.constant 0 : i32
    %dma_wait3A_50 = tpu.memref_slice %arg13[%dma_wait3A_48, %dma_wait3A_49] : memref<10240x128xf32, #tpu.memory_space<vmem_shared>> -> memref<10240x128xf32, #tpu.memory_space<vmem_shared>>
    tpu.wait_indirect_dma semaphore(%arg18 : memref<!tpu.dma_semaphore, #tpu.memory_space<semaphore_mem>>) src(%arg9 : memref<80x128xf32, #tpu.memory_space<vmem>>) dst(%dma_wait3A_50 : memref<10240x128xf32, #tpu.memory_space<vmem_shared>>)
    %dma_wait3A_51 = arith.constant 1 : i32
    %dma_wait3A_52 = arith.constant 0 : i32
    %dma_wait3A_53 = tpu.memref_slice %arg8[%dma_wait3A_51, %dma_wait3A_52] : memref<2x80xi32, #tpu.memory_space<vmem>> -> memref<1x80xi32, #tpu.memory_space<vmem>>
    %dma_wait3A_54 = tpu.memref_squeeze %dma_wait3A_53 : memref<1x80xi32, #tpu.memory_space<vmem>> -> memref<80xi32, #tpu.memory_space<vmem>>
    %dma_wait3A_55 = arith.constant 0 : i32
    %dma_wait3A_56 = arith.constant 0 : i32
    %dma_wait3A_57 = tpu.memref_slice %arg13[%dma_wait3A_55, %dma_wait3A_56] : memref<10240x128xf32, #tpu.memory_space<vmem_shared>> -> memref<10240x128xf32, #tpu.memory_space<vmem_shared>>
    tpu.wait_indirect_dma semaphore(%arg19 : memref<!tpu.dma_semaphore, #tpu.memory_space<semaphore_mem>>) src(%arg10 : memref<80x128xf32, #tpu.memory_space<vmem>>) dst(%dma_wait3A_57 : memref<10240x128xf32, #tpu.memory_space<vmem_shared>>)
    %barrier3A_58 = arith.constant 0 : index
    tpu.barrier barrier_id(%barrier3A_58)
    "tpu.region"() ({
      %run_scoped3A_59 = tpu.sem_alloc : memref<!tpu.dma_semaphore, #tpu.memory_space<semaphore_mem>>
      %dma_start3A_60 = arith.constant 0 : i32
      %dma_start3A_61 = tpu.memref_slice %arg6[%arg0, %multiple_of3A, %dma_start3A_60] : memref<2x10240x128xf32, #tpu.memory_space<hbm>> -> memref<1x640x128xf32, #tpu.memory_space<hbm>>
      %dma_start3A_62 = tpu.memref_squeeze %dma_start3A_61 : memref<1x640x128xf32, #tpu.memory_space<hbm>> -> memref<640x128xf32, #tpu.memory_space<hbm>>
      %dma_start3A_63 = arith.constant 0 : i32
      %dma_start3A_64 = tpu.memref_slice %arg13[%multiple_of3A, %dma_start3A_63] : memref<10240x128xf32, #tpu.memory_space<vmem_shared>> -> memref<640x128xf32, #tpu.memory_space<vmem_shared>>
      tpu.enqueue_dma source(%dma_start3A_64 : memref<640x128xf32, #tpu.memory_space<vmem_shared>>) target(%dma_start3A_62 : memref<640x128xf32, #tpu.memory_space<hbm>>) target_semaphore(%run_scoped3A_59 : memref<!tpu.dma_semaphore, #tpu.memory_space<semaphore_mem>>)
      %dma_wait3A_65 = arith.constant 0 : i32
      %dma_wait3A_66 = tpu.memref_slice %arg6[%arg0, %multiple_of3A, %dma_wait3A_65] : memref<2x10240x128xf32, #tpu.memory_space<hbm>> -> memref<1x640x128xf32, #tpu.memory_space<hbm>>
      %dma_wait3A_67 = tpu.memref_squeeze %dma_wait3A_66 : memref<1x640x128xf32, #tpu.memory_space<hbm>> -> memref<640x128xf32, #tpu.memory_space<hbm>>
      %dma_wait3A_68 = arith.constant 0 : i32
      %dma_wait3A_69 = tpu.memref_slice %arg13[%multiple_of3A, %dma_wait3A_68] : memref<10240x128xf32, #tpu.memory_space<vmem_shared>> -> memref<640x128xf32, #tpu.memory_space<vmem_shared>>
      tpu.wait_dma2 semaphore(%run_scoped3A_59 : memref<!tpu.dma_semaphore, #tpu.memory_space<semaphore_mem>>) src(%dma_wait3A_69 : memref<640x128xf32, #tpu.memory_space<vmem_shared>>) dst(%dma_wait3A_67 : memref<640x128xf32, #tpu.memory_space<hbm>>)
      tpu.yield
    }) : () -> ()
    return
  }
}

module attributes {stable_mosaic.version = 14 : i64} {
  func.func @_prep0_body(%arg0: i32, %arg1: memref<2000x128xf32, #tpu.memory_space<vmem>>, %arg2: memref<128x512xf32, #tpu.memory_space<vmem>>, %arg3: memref<128x128xf32, #tpu.memory_space<vmem>>, %arg4: memref<1x128xf32, #tpu.memory_space<vmem>>, %arg5: memref<2000x512xf32, #tpu.memory_space<vmem>>, %arg6: memref<2000x128xf32, #tpu.memory_space<vmem>>) attributes {dimension_semantics = [#tpu.dimension_semantics<arbitrary>], iteration_bounds = array<i64: 5>, scalar_prefetch = 0 : i64, scratch_operands = 0 : i64, tpu.core_type = #tpu.core_type<tc>, window_params = [{transform_indices = @transform_0, window_bounds = array<i64: 2000, 128>}, {pipeline_mode = #tpu.pipeline_mode<synchronous>, transform_indices = @transform_1, window_bounds = array<i64: 128, 512>}, {pipeline_mode = #tpu.pipeline_mode<synchronous>, transform_indices = @transform_2, window_bounds = array<i64: 128, 128>}, {pipeline_mode = #tpu.pipeline_mode<synchronous>, transform_indices = @transform_3, window_bounds = array<i64: 1, 128>}, {transform_indices = @transform_4, window_bounds = array<i64: 2000, 512>}, {transform_indices = @transform_5, window_bounds = array<i64: 2000, 128>}]} {
    %get3A = arith.constant 0 : index
    %get3A_0 = arith.constant 0 : index
    %get3A_1 = vector.load %arg1[%get3A, %get3A_0] : memref<2000x128xf32, #tpu.memory_space<vmem>>, vector<2000x128xf32>
    %get3A_2 = arith.constant 0 : index
    %get3A_3 = arith.constant 0 : index
    %get3A_4 = vector.load %arg2[%get3A_2, %get3A_3] : memref<128x512xf32, #tpu.memory_space<vmem>>, vector<128x512xf32>
    %dot_general3A = arith.constant dense<0.000000e+00> : vector<2000x512xf32>
    %dot_general3A_5 = tpu.matmul %get3A_1, %get3A_4, %dot_general3A {dimension_numbers = #tpu.dot_dimension_numbers<[1], [0], [0], [1], [0, 0, 1, 1], [], []>, transpose_lhs_hint = false} : vector<2000x128xf32>, vector<128x512xf32>, vector<2000x512xf32> -> vector<2000x512xf32>
    %swap3A = arith.constant 0 : index
    %swap3A_6 = arith.constant 0 : index
    %swap3A_7 = vector.load %arg5[%swap3A, %swap3A_6] : memref<2000x512xf32, #tpu.memory_space<vmem>>, vector<2000x512xf32>
    tpu.vector_store %arg5[%swap3A, %swap3A_6], %dot_general3A_5 {strides = array<i32>} : memref<2000x512xf32, #tpu.memory_space<vmem>>, vector<2000x512xf32>,
    %get3A_8 = arith.constant 0 : index
    %get3A_9 = arith.constant 0 : index
    %get3A_10 = vector.load %arg3[%get3A_8, %get3A_9] : memref<128x128xf32, #tpu.memory_space<vmem>>, vector<128x128xf32>
    %dot_general3A_11 = arith.constant dense<0.000000e+00> : vector<2000x128xf32>
    %dot_general3A_12 = tpu.matmul %get3A_1, %get3A_10, %dot_general3A_11 {dimension_numbers = #tpu.dot_dimension_numbers<[1], [0], [0], [1], [0, 0, 1, 1], [], []>, transpose_lhs_hint = false} : vector<2000x128xf32>, vector<128x128xf32>, vector<2000x128xf32> -> vector<2000x128xf32>
    %get3A_13 = arith.constant 0 : index
    %get3A_14 = arith.constant 0 : index
    %get3A_15 = vector.load %arg4[%get3A_13, %get3A_14] : memref<1x128xf32, #tpu.memory_space<vmem>>, vector<1x128xf32>
    %add3A = vector.broadcast %get3A_15 : vector<1x128xf32> to vector<2000x128xf32>
    %add3A_16 = arith.addf %dot_general3A_12, %add3A : vector<2000x128xf32>
    %swap3A_17 = arith.constant 0 : index
    %swap3A_18 = arith.constant 0 : index
    %swap3A_19 = vector.load %arg6[%swap3A_17, %swap3A_18] : memref<2000x128xf32, #tpu.memory_space<vmem>>, vector<2000x128xf32>
    tpu.vector_store %arg6[%swap3A_17, %swap3A_18], %add3A_16 {strides = array<i32>} : memref<2000x128xf32, #tpu.memory_space<vmem>>, vector<2000x128xf32>,
    return
  }
  func.func @transform_0(%arg0: i32) -> (i32, i32) {
    %c0_i32 = arith.constant 0 : i32
    %c0_i32_0 = arith.constant 0 : i32
    return %arg0, %c0_i32 : i32, i32
  }
  func.func @transform_1(%arg0: i32) -> (i32, i32) {
    %c0_i32 = arith.constant 0 : i32
    %c0_i32_0 = arith.constant 0 : i32
    %c0_i32_1 = arith.constant 0 : i32
    return %c0_i32, %c0_i32_0 : i32, i32
  }
  func.func @transform_2(%arg0: i32) -> (i32, i32) {
    %c0_i32 = arith.constant 0 : i32
    %c0_i32_0 = arith.constant 0 : i32
    %c0_i32_1 = arith.constant 0 : i32
    return %c0_i32, %c0_i32_0 : i32, i32
  }
  func.func @transform_3(%arg0: i32) -> (i32, i32) {
    %c0_i32 = arith.constant 0 : i32
    %c0_i32_0 = arith.constant 0 : i32
    %c0_i32_1 = arith.constant 0 : i32
    return %c0_i32, %c0_i32_0 : i32, i32
  }
  func.func @transform_4(%arg0: i32) -> (i32, i32) {
    %c0_i32 = arith.constant 0 : i32
    %c0_i32_0 = arith.constant 0 : i32
    return %arg0, %c0_i32 : i32, i32
  }
  func.func @transform_5(%arg0: i32) -> (i32, i32) {
    %c0_i32 = arith.constant 0 : i32
    %c0_i32_0 = arith.constant 0 : i32
    return %arg0, %c0_i32 : i32, i32
  }
}

module attributes {stable_mosaic.version = 14 : i64} {
  func.func @_gates_body(%arg0: i32, %arg1: memref<4000x16xf32, #tpu.memory_space<vmem>>, %arg2: memref<16x128xf32, #tpu.memory_space<vmem>>, %arg3: memref<1x128xf32, #tpu.memory_space<vmem>>, %arg4: memref<4000x128xf32, #tpu.memory_space<vmem>>) attributes {dimension_semantics = [#tpu.dimension_semantics<arbitrary>], iteration_bounds = array<i64: 80>, scalar_prefetch = 0 : i64, scratch_operands = 0 : i64, tpu.core_type = #tpu.core_type<tc>, window_params = [{transform_indices = @transform_0, window_bounds = array<i64: 4000, 16>}, {pipeline_mode = #tpu.pipeline_mode<synchronous>, transform_indices = @transform_1, window_bounds = array<i64: 16, 128>}, {pipeline_mode = #tpu.pipeline_mode<synchronous>, transform_indices = @transform_2, window_bounds = array<i64: 1, 128>}, {transform_indices = @transform_3, window_bounds = array<i64: 4000, 128>}]} {
    %get3A = arith.constant 0 : index
    %get3A_0 = arith.constant 0 : index
    %get3A_1 = vector.load %arg1[%get3A, %get3A_0] : memref<4000x16xf32, #tpu.memory_space<vmem>>, vector<4000x16xf32>
    %get3A_2 = arith.constant 0 : index
    %get3A_3 = arith.constant 0 : index
    %get3A_4 = vector.load %arg2[%get3A_2, %get3A_3] : memref<16x128xf32, #tpu.memory_space<vmem>>, vector<16x128xf32>
    %dot_general3A = arith.constant dense<0.000000e+00> : vector<4000x128xf32>
    %dot_general3A_5 = tpu.matmul %get3A_1, %get3A_4, %dot_general3A {dimension_numbers = #tpu.dot_dimension_numbers<[1], [0], [0], [1], [0, 0, 1, 1], [], []>, transpose_lhs_hint = false} : vector<4000x16xf32>, vector<16x128xf32>, vector<4000x128xf32> -> vector<4000x128xf32>
    %get3A_6 = arith.constant 0 : index
    %get3A_7 = arith.constant 0 : index
    %get3A_8 = vector.load %arg3[%get3A_6, %get3A_7] : memref<1x128xf32, #tpu.memory_space<vmem>>, vector<1x128xf32>
    %add3A = vector.broadcast %get3A_8 : vector<1x128xf32> to vector<4000x128xf32>
    %add3A_9 = arith.addf %dot_general3A_5, %add3A : vector<4000x128xf32>
    %max3A = arith.constant 0.000000e+00 : f32
    %max3A_10 = vector.broadcast %max3A : f32 to vector<4000x128xf32>
    %max3A_11 = arith.maximumf %add3A_9, %max3A_10 : vector<4000x128xf32>
    %swap3A = arith.constant 0 : index
    %swap3A_12 = arith.constant 0 : index
    %swap3A_13 = vector.load %arg4[%swap3A, %swap3A_12] : memref<4000x128xf32, #tpu.memory_space<vmem>>, vector<4000x128xf32>
    tpu.vector_store %arg4[%swap3A, %swap3A_12], %max3A_11 {strides = array<i32>} : memref<4000x128xf32, #tpu.memory_space<vmem>>, vector<4000x128xf32>,
    return
  }
  func.func @transform_0(%arg0: i32) -> (i32, i32) {
    %c0_i32 = arith.constant 0 : i32
    %c0_i32_0 = arith.constant 0 : i32
    return %arg0, %c0_i32 : i32, i32
  }
  func.func @transform_1(%arg0: i32) -> (i32, i32) {
    %c0_i32 = arith.constant 0 : i32
    %c0_i32_0 = arith.constant 0 : i32
    %c0_i32_1 = arith.constant 0 : i32
    return %c0_i32, %c0_i32_0 : i32, i32
  }
  func.func @transform_2(%arg0: i32) -> (i32, i32) {
    %c0_i32 = arith.constant 0 : i32
    %c0_i32_0 = arith.constant 0 : i32
    %c0_i32_1 = arith.constant 0 : i32
    return %c0_i32, %c0_i32_0 : i32, i32
  }
  func.func @transform_3(%arg0: i32) -> (i32, i32) {
    %c0_i32 = arith.constant 0 : i32
    %c0_i32_0 = arith.constant 0 : i32
    return %arg0, %c0_i32 : i32, i32
  }
}

module attributes {stable_mosaic.version = 14 : i64} {
  func.func @_prep_body(%arg0: i32, %arg1: memref<2x2000x128xf32, #tpu.memory_space<vmem>>, %arg2: memref<2000x128xf32, #tpu.memory_space<vmem>>, %arg3: memref<128x512xf32, #tpu.memory_space<vmem>>, %arg4: memref<128x128xf32, #tpu.memory_space<vmem>>, %arg5: memref<1x128xf32, #tpu.memory_space<vmem>>, %arg6: memref<2000x512xf32, #tpu.memory_space<vmem>>, %arg7: memref<2000x128xf32, #tpu.memory_space<vmem>>) attributes {dimension_semantics = [#tpu.dimension_semantics<arbitrary>], iteration_bounds = array<i64: 5>, scalar_prefetch = 0 : i64, scratch_operands = 0 : i64, tpu.core_type = #tpu.core_type<tc>, window_params = [{transform_indices = @transform_0, window_bounds = array<i64: 2, 2000, 128>}, {transform_indices = @transform_1, window_bounds = array<i64: 2000, 128>}, {pipeline_mode = #tpu.pipeline_mode<synchronous>, transform_indices = @transform_2, window_bounds = array<i64: 128, 512>}, {pipeline_mode = #tpu.pipeline_mode<synchronous>, transform_indices = @transform_3, window_bounds = array<i64: 128, 128>}, {pipeline_mode = #tpu.pipeline_mode<synchronous>, transform_indices = @transform_4, window_bounds = array<i64: 1, 128>}, {transform_indices = @transform_5, window_bounds = array<i64: 2000, 512>}, {transform_indices = @transform_6, window_bounds = array<i64: 2000, 128>}]} {
    %get3A = arith.constant 0 : index
    %get3A_0 = arith.constant 0 : index
    %get3A_1 = arith.constant 0 : index
    %get3A_2 = vector.load %arg1[%get3A, %get3A_0, %get3A_1] : memref<2x2000x128xf32, #tpu.memory_space<vmem>>, vector<1x2000x128xf32>
    %get3A_3 = vector.shape_cast %get3A_2 : vector<1x2000x128xf32> to vector<2000x128xf32>
    %get3A_4 = arith.constant 1 : index
    %get3A_5 = arith.constant 0 : index
    %get3A_6 = arith.constant 0 : index
    %get3A_7 = vector.load %arg1[%get3A_4, %get3A_5, %get3A_6] : memref<2x2000x128xf32, #tpu.memory_space<vmem>>, vector<1x2000x128xf32>
    %get3A_8 = vector.shape_cast %get3A_7 : vector<1x2000x128xf32> to vector<2000x128xf32>
    %add3A = arith.addf %get3A_3, %get3A_8 : vector<2000x128xf32>
    %get3A_9 = arith.constant 0 : index
    %get3A_10 = arith.constant 0 : index
    %get3A_11 = vector.load %arg2[%get3A_9, %get3A_10] : memref<2000x128xf32, #tpu.memory_space<vmem>>, vector<2000x128xf32>
    %add3A_12 = arith.addf %add3A, %get3A_11 : vector<2000x128xf32>
    %max3A = arith.constant 0.000000e+00 : f32
    %max3A_13 = vector.broadcast %max3A : f32 to vector<2000x128xf32>
    %max3A_14 = arith.maximumf %add3A_12, %max3A_13 : vector<2000x128xf32>
    %get3A_15 = arith.constant 0 : index
    %get3A_16 = arith.constant 0 : index
    %get3A_17 = vector.load %arg3[%get3A_15, %get3A_16] : memref<128x512xf32, #tpu.memory_space<vmem>>, vector<128x512xf32>
    %dot_general3A = arith.constant dense<0.000000e+00> : vector<2000x512xf32>
    %dot_general3A_18 = tpu.matmul %max3A_14, %get3A_17, %dot_general3A {dimension_numbers = #tpu.dot_dimension_numbers<[1], [0], [0], [1], [0, 0, 1, 1], [], []>, transpose_lhs_hint = false} : vector<2000x128xf32>, vector<128x512xf32>, vector<2000x512xf32> -> vector<2000x512xf32>
    %swap3A = arith.constant 0 : index
    %swap3A_19 = arith.constant 0 : index
    %swap3A_20 = vector.load %arg6[%swap3A, %swap3A_19] : memref<2000x512xf32, #tpu.memory_space<vmem>>, vector<2000x512xf32>
    tpu.vector_store %arg6[%swap3A, %swap3A_19], %dot_general3A_18 {strides = array<i32>} : memref<2000x512xf32, #tpu.memory_space<vmem>>, vector<2000x512xf32>,
    %get3A_21 = arith.constant 0 : index
    %get3A_22 = arith.constant 0 : index
    %get3A_23 = vector.load %arg4[%get3A_21, %get3A_22] : memref<128x128xf32, #tpu.memory_space<vmem>>, vector<128x128xf32>
    %dot_general3A_24 = arith.constant dense<0.000000e+00> : vector<2000x128xf32>
    %dot_general3A_25 = tpu.matmul %max3A_14, %get3A_23, %dot_general3A_24 {dimension_numbers = #tpu.dot_dimension_numbers<[1], [0], [0], [1], [0, 0, 1, 1], [], []>, transpose_lhs_hint = false} : vector<2000x128xf32>, vector<128x128xf32>, vector<2000x128xf32> -> vector<2000x128xf32>
    %get3A_26 = arith.constant 0 : index
    %get3A_27 = arith.constant 0 : index
    %get3A_28 = vector.load %arg5[%get3A_26, %get3A_27] : memref<1x128xf32, #tpu.memory_space<vmem>>, vector<1x128xf32>
    %add3A_29 = vector.broadcast %get3A_28 : vector<1x128xf32> to vector<2000x128xf32>
    %add3A_30 = arith.addf %dot_general3A_25, %add3A_29 : vector<2000x128xf32>
    %swap3A_31 = arith.constant 0 : index
    %swap3A_32 = arith.constant 0 : index
    %swap3A_33 = vector.load %arg7[%swap3A_31, %swap3A_32] : memref<2000x128xf32, #tpu.memory_space<vmem>>, vector<2000x128xf32>
    tpu.vector_store %arg7[%swap3A_31, %swap3A_32], %add3A_30 {strides = array<i32>} : memref<2000x128xf32, #tpu.memory_space<vmem>>, vector<2000x128xf32>,
    return
  }
  func.func @transform_0(%arg0: i32) -> (i32, i32, i32) {
    %c0_i32 = arith.constant 0 : i32
    %c0_i32_0 = arith.constant 0 : i32
    %c0_i32_1 = arith.constant 0 : i32
    return %c0_i32, %arg0, %c0_i32_0 : i32, i32, i32
  }
  func.func @transform_1(%arg0: i32) -> (i32, i32) {
    %c0_i32 = arith.constant 0 : i32
    %c0_i32_0 = arith.constant 0 : i32
    return %arg0, %c0_i32 : i32, i32
  }
  func.func @transform_2(%arg0: i32) -> (i32, i32) {
    %c0_i32 = arith.constant 0 : i32
    %c0_i32_0 = arith.constant 0 : i32
    %c0_i32_1 = arith.constant 0 : i32
    return %c0_i32, %c0_i32_0 : i32, i32
  }
  func.func @transform_3(%arg0: i32) -> (i32, i32) {
    %c0_i32 = arith.constant 0 : i32
    %c0_i32_0 = arith.constant 0 : i32
    %c0_i32_1 = arith.constant 0 : i32
    return %c0_i32, %c0_i32_0 : i32, i32
  }
  func.func @transform_4(%arg0: i32) -> (i32, i32) {
    %c0_i32 = arith.constant 0 : i32
    %c0_i32_0 = arith.constant 0 : i32
    %c0_i32_1 = arith.constant 0 : i32
    return %c0_i32, %c0_i32_0 : i32, i32
  }
  func.func @transform_5(%arg0: i32) -> (i32, i32) {
    %c0_i32 = arith.constant 0 : i32
    %c0_i32_0 = arith.constant 0 : i32
    return %arg0, %c0_i32 : i32, i32
  }
  func.func @transform_6(%arg0: i32) -> (i32, i32) {
    %c0_i32 = arith.constant 0 : i32
    %c0_i32_0 = arith.constant 0 : i32
    return %arg0, %c0_i32 : i32, i32
  }
}

module attributes {stable_mosaic.version = 14 : i64} {
  func.func @_final_body(%arg0: i32, %arg1: memref<2x2000x128xf32, #tpu.memory_space<vmem>>, %arg2: memref<2000x128xf32, #tpu.memory_space<vmem>>, %arg3: memref<2000x64xf32, #tpu.memory_space<vmem>>, %arg4: memref<128x64xf32, #tpu.memory_space<vmem>>, %arg5: memref<1x64xf32, #tpu.memory_space<vmem>>, %arg6: memref<64x1xf32, #tpu.memory_space<vmem>>, %arg7: memref<1x1xf32, #tpu.memory_space<vmem>>, %arg8: memref<64x1xf32, #tpu.memory_space<vmem>>, %arg9: memref<64x128xf32, #tpu.memory_space<vmem>>) attributes {dimension_semantics = [#tpu.dimension_semantics<arbitrary>], iteration_bounds = array<i64: 5>, scalar_prefetch = 0 : i64, scratch_operands = 1 : i64, tpu.core_type = #tpu.core_type<tc>, window_params = [{transform_indices = @transform_0, window_bounds = array<i64: 2, 2000, 128>}, {transform_indices = @transform_1, window_bounds = array<i64: 2000, 128>}, {transform_indices = @transform_2, window_bounds = array<i64: 2000, 64>}, {pipeline_mode = #tpu.pipeline_mode<synchronous>, transform_indices = @transform_3, window_bounds = array<i64: 128, 64>}, {pipeline_mode = #tpu.pipeline_mode<synchronous>, transform_indices = @transform_4, window_bounds = array<i64: 1, 64>}, {pipeline_mode = #tpu.pipeline_mode<synchronous>, transform_indices = @transform_5, window_bounds = array<i64: 64, 1>}, {pipeline_mode = #tpu.pipeline_mode<synchronous>, transform_indices = @transform_6, window_bounds = array<i64: 1, 1>}, {pipeline_mode = #tpu.pipeline_mode<synchronous>, transform_indices = @transform_7, window_bounds = array<i64: 64, 1>}]} {
    %eq3A = arith.constant 0 : i32
    %eq3A_0 = arith.cmpi eq, %arg0, %eq3A : i32
    %convert_element_type3A = arith.extui %eq3A_0 : i1 to i32
    %cond3A = arith.constant 0 : i32
    %cond3A_1 = arith.cmpi ne, %convert_element_type3A, %cond3A : i32
    scf.if %cond3A_1 {
      %broadcast_in_dim3A = arith.constant 0.000000e+00 : f32
      %broadcast_in_dim3A_30 = vector.broadcast %broadcast_in_dim3A : f32 to vector<64x128xf32>
      %swap3A_31 = arith.constant 0 : index
      %swap3A_32 = arith.constant 0 : index
      %swap3A_33 = vector.load %arg9[%swap3A_31, %swap3A_32] : memref<64x128xf32, #tpu.memory_space<vmem>>, vector<64x128xf32>
      tpu.vector_store %arg9[%swap3A_31, %swap3A_32], %broadcast_in_dim3A_30 {strides = array<i32>} : memref<64x128xf32, #tpu.memory_space<vmem>>, vector<64x128xf32>,
    } else {
    }
    %get3A = arith.constant 0 : index
    %get3A_2 = arith.constant 0 : index
    %get3A_3 = arith.constant 0 : index
    %get3A_4 = vector.load %arg1[%get3A, %get3A_2, %get3A_3] : memref<2x2000x128xf32, #tpu.memory_space<vmem>>, vector<1x2000x128xf32>
    %get3A_5 = vector.shape_cast %get3A_4 : vector<1x2000x128xf32> to vector<2000x128xf32>
    %get3A_6 = arith.constant 1 : index
    %get3A_7 = arith.constant 0 : index
    %get3A_8 = arith.constant 0 : index
    %get3A_9 = vector.load %arg1[%get3A_6, %get3A_7, %get3A_8] : memref<2x2000x128xf32, #tpu.memory_space<vmem>>, vector<1x2000x128xf32>
    %get3A_10 = vector.shape_cast %get3A_9 : vector<1x2000x128xf32> to vector<2000x128xf32>
    %add3A = arith.addf %get3A_5, %get3A_10 : vector<2000x128xf32>
    %get3A_11 = arith.constant 0 : index
    %get3A_12 = arith.constant 0 : index
    %get3A_13 = vector.load %arg2[%get3A_11, %get3A_12] : memref<2000x128xf32, #tpu.memory_space<vmem>>, vector<2000x128xf32>
    %add3A_14 = arith.addf %add3A, %get3A_13 : vector<2000x128xf32>
    %get3A_15 = arith.constant 0 : index
    %get3A_16 = arith.constant 0 : index
    %get3A_17 = vector.load %arg9[%get3A_15, %get3A_16] : memref<64x128xf32, #tpu.memory_space<vmem>>, vector<64x128xf32>
    %get3A_18 = arith.constant 0 : index
    %get3A_19 = arith.constant 0 : index
    %get3A_20 = vector.load %arg3[%get3A_18, %get3A_19] : memref<2000x64xf32, #tpu.memory_space<vmem>>, vector<2000x64xf32>
    %dot_general3A = arith.constant dense<0.000000e+00> : vector<64x128xf32>
    %dot_general3A_21 = tpu.matmul %get3A_20, %add3A_14, %dot_general3A {dimension_numbers = #tpu.dot_dimension_numbers<[0], [0], [1], [1], [0, 1, 1, 1], [], []>, transpose_lhs_hint = false} : vector<2000x64xf32>, vector<2000x128xf32>, vector<64x128xf32> -> vector<64x128xf32>
    %add3A_22 = arith.addf %get3A_17, %dot_general3A_21 : vector<64x128xf32>
    %swap3A = arith.constant 0 : index
    %swap3A_23 = arith.constant 0 : index
    %swap3A_24 = vector.load %arg9[%swap3A, %swap3A_23] : memref<64x128xf32, #tpu.memory_space<vmem>>, vector<64x128xf32>
    tpu.vector_store %arg9[%swap3A, %swap3A_23], %add3A_22 {strides = array<i32>} : memref<64x128xf32, #tpu.memory_space<vmem>>, vector<64x128xf32>,
    %eq3A_25 = arith.constant 4 : i32
    %eq3A_26 = arith.cmpi eq, %arg0, %eq3A_25 : i32
    %convert_element_type3A_27 = arith.extui %eq3A_26 : i1 to i32
    %cond3A_28 = arith.constant 0 : i32
    %cond3A_29 = arith.cmpi ne, %convert_element_type3A_27, %cond3A_28 : i32
    scf.if %cond3A_29 {
      %get3A_30 = arith.constant 0 : index
      %get3A_31 = arith.constant 0 : index
      %get3A_32 = vector.load %arg9[%get3A_30, %get3A_31] : memref<64x128xf32, #tpu.memory_space<vmem>>, vector<64x128xf32>
      %get3A_33 = arith.constant 0 : index
      %get3A_34 = arith.constant 0 : index
      %get3A_35 = vector.load %arg4[%get3A_33, %get3A_34] : memref<128x64xf32, #tpu.memory_space<vmem>>, vector<128x64xf32>
      %dot_general3A_36 = arith.constant dense<0.000000e+00> : vector<64x64xf32>
      %dot_general3A_37 = tpu.matmul %get3A_32, %get3A_35, %dot_general3A_36 {dimension_numbers = #tpu.dot_dimension_numbers<[1], [0], [0], [1], [0, 0, 1, 1], [], []>, transpose_lhs_hint = false} : vector<64x128xf32>, vector<128x64xf32>, vector<64x64xf32> -> vector<64x64xf32>
      %get3A_38 = arith.constant 0 : index
      %get3A_39 = arith.constant 0 : index
      %get3A_40 = vector.load %arg5[%get3A_38, %get3A_39] : memref<1x64xf32, #tpu.memory_space<vmem>>, vector<1x64xf32>
      %add3A_41 = vector.broadcast %get3A_40 : vector<1x64xf32> to vector<64x64xf32>
      %add3A_42 = arith.addf %dot_general3A_37, %add3A_41 : vector<64x64xf32>
      %max3A = arith.constant 0.000000e+00 : f32
      %max3A_43 = vector.broadcast %max3A : f32 to vector<64x64xf32>
      %max3A_44 = arith.maximumf %add3A_42, %max3A_43 : vector<64x64xf32>
      %get3A_45 = arith.constant 0 : index
      %get3A_46 = arith.constant 0 : index
      %get3A_47 = vector.load %arg6[%get3A_45, %get3A_46] : memref<64x1xf32, #tpu.memory_space<vmem>>, vector<64x1xf32>
      %dot_general3A_48 = arith.constant dense<0.000000e+00> : vector<64x1xf32>
      %dot_general3A_49 = tpu.matmul %max3A_44, %get3A_47, %dot_general3A_48 {dimension_numbers = #tpu.dot_dimension_numbers<[1], [0], [0], [1], [0, 0, 1, 1], [], []>, transpose_lhs_hint = false} : vector<64x64xf32>, vector<64x1xf32>, vector<64x1xf32> -> vector<64x1xf32>
      %get3A_50 = arith.constant 0 : index
      %get3A_51 = arith.constant 0 : index
      %get3A_52 = vector.load %arg7[%get3A_50, %get3A_51] : memref<1x1xf32, #tpu.memory_space<vmem>>, vector<1x1xf32>
      %add3A_53 = vector.broadcast %get3A_52 : vector<1x1xf32> to vector<64x1xf32>
      %add3A_54 = arith.addf %dot_general3A_49, %add3A_53 : vector<64x1xf32>
      %swap3A_55 = arith.constant 0 : index
      %swap3A_56 = arith.constant 0 : index
      %swap3A_57 = vector.load %arg8[%swap3A_55, %swap3A_56] : memref<64x1xf32, #tpu.memory_space<vmem>>, vector<64x1xf32>
      tpu.vector_store %arg8[%swap3A_55, %swap3A_56], %add3A_54 {strides = array<i32>} : memref<64x1xf32, #tpu.memory_space<vmem>>, vector<64x1xf32>,
    } else {
    }
    return
  }
  func.func @transform_0(%arg0: i32) -> (i32, i32, i32) {
    %c0_i32 = arith.constant 0 : i32
    %c0_i32_0 = arith.constant 0 : i32
    %c0_i32_1 = arith.constant 0 : i32
    return %c0_i32, %arg0, %c0_i32_0 : i32, i32, i32
  }
  func.func @transform_1(%arg0: i32) -> (i32, i32) {
    %c0_i32 = arith.constant 0 : i32
    %c0_i32_0 = arith.constant 0 : i32
    return %arg0, %c0_i32 : i32, i32
  }
  func.func @transform_2(%arg0: i32) -> (i32, i32) {
    %c0_i32 = arith.constant 0 : i32
    %c0_i32_0 = arith.constant 0 : i32
    return %arg0, %c0_i32 : i32, i32
  }
  func.func @transform_3(%arg0: i32) -> (i32, i32) {
    %c0_i32 = arith.constant 0 : i32
    %c0_i32_0 = arith.constant 0 : i32
    %c0_i32_1 = arith.constant 0 : i32
    return %c0_i32, %c0_i32_0 : i32, i32
  }
  func.func @transform_4(%arg0: i32) -> (i32, i32) {
    %c0_i32 = arith.constant 0 : i32
    %c0_i32_0 = arith.constant 0 : i32
    %c0_i32_1 = arith.constant 0 : i32
    return %c0_i32, %c0_i32_0 : i32, i32
  }
  func.func @transform_5(%arg0: i32) -> (i32, i32) {
    %c0_i32 = arith.constant 0 : i32
    %c0_i32_0 = arith.constant 0 : i32
    %c0_i32_1 = arith.constant 0 : i32
    return %c0_i32, %c0_i32_0 : i32, i32
  }
  func.func @transform_6(%arg0: i32) -> (i32, i32) {
    %c0_i32 = arith.constant 0 : i32
    %c0_i32_0 = arith.constant 0 : i32
    %c0_i32_1 = arith.constant 0 : i32
    return %c0_i32, %c0_i32_0 : i32, i32
  }
  func.func @transform_7(%arg0: i32) -> (i32, i32) {
    %c0_i32 = arith.constant 0 : i32
    %c0_i32_0 = arith.constant 0 : i32
    %c0_i32_1 = arith.constant 0 : i32
    return %c0_i32, %c0_i32_0 : i32, i32
  }
}

</mosaic_0001>

<sc_bundles>
// kernel: kernel.12.cloned.1.call-start
scs
__scs_entry_jumppad:
0x0: {  	(pc) =	sbr.rel $0x88, $3  }
0x1: {  	(tag) =	ssettag $0x0;
	lr =	simm.s32 $0x1  }
0x2: {  	[smem:$0x3F93] =	sst lr;
	_ =	strace $0xD0000000  }
0x3: {  	_ = 	snop  }
0x4: {  	_ = 	snop  }
0x5: {  	_ = 	snop  }
0x6: {  	_ = 	snop  }
0x7: {  	_ = 	snop  }
__scs_overlays_trampoline_lowered:
0x8: {  	[smem:$0x3FA2] =	sst s0  }
0x9: {  	[smem:$0x3FA3] =	sst s1  }
0xa: {  	[smem:$0x3FA4] =	sst s2  }
0xb: {  	[smem:$0x3FA5] =	sst s3  }
0xc: {  	[smem:$0x3FA6] =	sst s4  }
0xd: {  	[smem:$0x3FA7] =	sst s5  }
0xe: {  	[smem:$0x3FA8] =	sst s6  }
0xf: {  	[smem:$0x3FA9] =	sst s7  }
0x10: {  	[smem:$0x3FAA] =	sst s8  }
0x11: {  	[smem:$0x3FAB] =	sst s9;
	s0 =	simm.s32 @!p0 $0x0  }
0x12: {  	s1 =	sld [smem:$0x3F91];
	s0 =	simm.s32 @p0 $0x1  }
0x13: {  	[smem:$0x3FAC] =	sst s0;
	s0 =	simm.s32 @!p1 $0x0  }
0x14: {  	s2 =	sld [smem:$0x3F90];
	s0 =	simm.s32 @p1 $0x1  }
0x15: {  	[smem:$0x3FAD] =	sst s0;
	s0 =	simm.s32 @!p2 $0x0  }
0x16: {  	s3 =	sld [smem:$0x3FDB];
	s0 =	simm.s32 @p2 $0x1  }
0x17: {  	s4 =	simm.s32 $0x1BF5;
	[smem:$0x3FAF] =	sst s0  }
0x18: {  	s0 =	sld [smem:$0x3F92];
	_ =	swait.ge [sflag:s4], $0x0  }
0x19: {  	s7 =	sld [smem:$0x3F93]  }
0x1a: {  	s8 =	sadd.s32 $0xFFFFE003, lr  }
0x1b: {  	s9 =	sadd.s32 $0xFFFFFEF7, lr;
	s5 =	simm.s32 $0xFFFFFFFF;
	p2 =	slt.u32 s8, $0xFFFFF086  }
0x1c: {  	p1 =	slt.u32 s9, $0xF7A;
	s5 =	simm.s32 @!p2 $0x0  }
0x1d: {  	s5 =	simm.s32 @p1 $0x1;
	p0 =	seq.s32 s7, s2  }
0x1e: {  	s7 =	smul.u32 @!p0 $0xF7A, s2;
	p2 =	seq.s32 @!p0 s5, $0x0  }
0x1f: {  	s9 =	smul.u32 $0xF7A, s1;
	s8 =	simm.s32 @!p0 $0x1BF5;
	p2 =	por !p2, p0  }
0x20: {  	[sflag:s8] =	ssyncset.s32 @!p0 $0xFFFFF086;
	s6 =	sadd.s32 @!p0 s3, s7;
	s7 =	simm.s32 @!p0 $0x108  }
0x21: {  	s3 =	sadd.s32 s3, s9;
	s6 =	sadd.s32 @!p0 $0x88, s6;
	s7 =	simm.s32 @p2 $0x1082  }
0x22: {  	[simem:s7], [sflag:s8] =	dma.local @!p0 [hbm:s6], $0xF7A  }
0x23: {  	s9 =	sor.u32 $0xD0000000, s2;
	s6 =	simm.s32 $0x108;
	_ =	swait.ge @!p0 [sflag:s8], $0x0  }
0x24: {  	s3 =	sadd.s32 $0x88, s3;
	s6 =	simm.s32 @!p1 $0x1082;
	[sflag:s4] =	ssyncset.s32 $0xFFFFF086  }
0x25: {  	[simem:s6], [sflag:s4] =	dma.local [hbm:s3], $0xF7A  }
0x26: {  	[smem:$0x3F93] =	sst s1;
	(tag) =	ssettag s2;
	_ =	strace s9  }
0x27: {  	s1 =	sld [smem:$0x3FA3]  }
0x28: {  	s2 =	sld [smem:$0x3FA4]  }
0x29: {  	s4 =	sld [smem:$0x3FA6]  }
0x2a: {  	p0 =	seq.s32 s5, $0x0;
	s5 =	sld [smem:$0x3FA7]  }
0x2b: {  	s6 =	sld [smem:$0x3FA8]  }
0x2c: {  	s7 =	sld [smem:$0x3FA9]  }
0x2d: {  	s3 =	simm.s32 $0x108;
	s8 =	sld [smem:$0x3FAA]  }
0x2e: {  	s3 =	simm.s32 @!p0 $0x1082;
	s9 =	sld [smem:$0x3FAB]  }
0x2f: {  	lr =	sadd.s32 s0, s3;
	s0 =	sld [smem:$0x3FA2]  }
0x30: {  	s3 =	sld [smem:$0x3FA5]  }
0x31: {  	[smem:$0x3FAE] =	sst s10  }
0x32: {  	s10 =	sld [smem:$0x3FAC];
	_ =	sdelay $0x3  }
0x33: {  	p0 =	seq.s32 s10, $0x1;
	s10 =	sld [smem:$0x3FAE];
	_ =	sdelay $0x3  }
0x34: {  	[smem:$0x3FAE] =	sst s10  }
0x35: {  	s10 =	sld [smem:$0x3FAD];
	_ =	sdelay $0x3  }
0x36: {  	p1 =	seq.s32 s10, $0x1;
	s10 =	sld [smem:$0x3FAE];
	_ =	sdelay $0x3  }
0x37: {  	[smem:$0x3FAE] =	sst s10  }
0x38: {  	s10 =	sld [smem:$0x3FAF]  }
0x39: {  	_ = 	snop;
	(pc) =	sbr.ind lr, $3  }
0x3a: {  	_ = 	snop  }
0x3b: {  	_ = 	snop  }
0x3c: {  	p2 =	seq.s32 s10, $0x1;
	s10 =	sld [smem:$0x3FAE]  }
0x3d: {  	_ =	shalt  }
0x3e: {  	_ =	shalt  }
0x3f: {  	_ =	shalt  }
0x40: {  	_ =	shalt  }
0x41: {  	_ =	shalt  }
0x42: {  	_ =	shalt  }
0x43: {  	_ =	shalt  }
0x44: {  	_ =	shalt  }
0x45: {  	_ =	shalt  }
0x46: {  	_ =	shalt  }
0x47: {  	_ =	shalt  }
0x48: {  	_ =	shalt  }
0x49: {  	_ =	shalt  }
0x4a: {  	_ =	shalt  }
0x4b: {  	_ =	shalt  }
0x4c: {  	_ =	shalt  }
0x4d: {  	_ =	shalt  }
0x4e: {  	_ =	shalt  }
0x4f: {  	_ =	shalt  }
0x50: {  	_ =	shalt  }
0x51: {  	_ =	shalt  }
0x52: {  	_ =	shalt  }
0x53: {  	_ =	shalt  }
0x54: {  	_ =	shalt  }
0x55: {  	_ =	shalt  }
0x56: {  	_ =	shalt  }
0x57: {  	_ =	shalt  }
0x58: {  	_ =	shalt  }
0x59: {  	_ =	shalt  }
0x5a: {  	_ =	shalt  }
0x5b: {  	_ =	shalt  }
0x5c: {  	_ =	shalt  }
0x5d: {  	_ =	shalt  }
0x5e: {  	_ =	shalt  }
0x5f: {  	_ =	shalt  }
0x60: {  	_ =	shalt  }
0x61: {  	_ =	shalt  }
0x62: {  	_ =	shalt  }
0x63: {  	_ =	shalt  }
0x64: {  	_ =	shalt  }
0x65: {  	_ =	shalt  }
0x66: {  	_ =	shalt  }
0x67: {  	_ =	shalt  }
0x68: {  	_ =	shalt  }
0x69: {  	_ =	shalt  }
0x6a: {  	_ =	shalt  }
0x6b: {  	_ =	shalt  }
0x6c: {  	_ =	shalt  }
0x6d: {  	_ =	shalt  }
0x6e: {  	_ =	shalt  }
0x6f: {  	_ =	shalt  }
0x70: {  	_ =	shalt  }
0x71: {  	_ =	shalt  }
0x72: {  	_ =	shalt  }
0x73: {  	_ =	shalt  }
0x74: {  	_ =	shalt  }
0x75: {  	_ =	shalt  }
0x76: {  	_ =	shalt  }
0x77: {  	_ =	shalt  }
0x78: {  	_ =	shalt  }
0x79: {  	_ =	shalt  }
0x7a: {  	_ =	shalt  }
0x7b: {  	_ =	shalt  }
0x7c: {  	_ =	shalt  }
0x7d: {  	_ =	shalt  }
0x7e: {  	_ =	shalt  }
0x7f: {  	_ =	shalt  }
0x80: {  	_ =	shalt  }
0x81: {  	_ =	shalt  }
0x82: {  	_ =	shalt  }
0x83: {  	_ =	shalt  }
0x84: {  	_ =	shalt  }
0x85: {  	_ =	shalt  }
0x86: {  	_ =	shalt  }
0x87: {  	_ =	shalt  }
.Lfunc_end0:
.L_simem_size_0:
called_computation_lowered:
.L_overlay_start_0:
0x88: {  	s2 =	sld [smem:$0x3FD9]  }
0x89: {  	s3 =	sld [smem:$0x3FFE];
	_ =	sdelay $0x1  }
0x8a: {  	s1 =	srdreg.scid  }
0x8b: {  	s0 =	sand.u32 $0x1, s1  }
0x8c: {  	s16 =	sshll.u32 s0, $0xA;
	s2 =	sadd.s32 s3, s2  }
0x8d: {  	s2 =	sadd.s32 s2, s16  }
0x8e: {  	[smem:$0x3FBA] =	sst s2  }
0x8f: {  	_ = 	snop  }
0x90: {  	(tm) =	ssettm $0x1  }
0x91: {  	s17 =	sld [smem:$0x3FFB];
	_ =	sdelay $0x3  }
0x92: {  	_ =	strace s17  }
0x93: {  	s2 =	sld [smem:$0x3FFC];
	_ =	sdelay $0x3  }
0x94: {  	_ =	strace s2  }
0x95: {  	s2 =	sld [smem:$0x3FFD];
	_ =	sdelay $0x3  }
0x96: {  	_ =	strace s2  }
0x97: {  	_ =	strace $0x8FFFFFFF  }
0x98: {  	s18 =	sld [smem:$0x3FDB];
	_ =	sdelay $0x1  }
0x99: {  	s19 =	simm.s32 $_scs_section_size  }
0x9a: {  	s4 =	simm.s32 $_size__tile_overlayer_lowered;
	s5 =	simm.s32 $_tile_overlayer_lowered  }
0x9b: {  	s22 =	simm.s32 $0x1BFF;
	s21 =	sshll.u32 s5, $0x1;
	s2 =	sadd.s32 s19, s18  }
0x9c: {  	s6 =	simm.s32 $0x0;
	s20 =	sshll.u32 s4, $0x1;
	s4 =	sadd.s32 s21, s2  }
0x9d: {  	[timem:s6], [sflag:s22] =	dma.local [hbm:s4], s20  }
0x9e: {  	_ =	swait.ge [sflag:s22], s20  }
0x9f: {  	s3 =	ssub.s32 $0x0, s20;
	[sflag:s22] =	ssyncset.done $0x0  }
0xa0: {  	[sflag:s22] =	ssyncadd.s32 s3;
	_ =	sdelay $0x1  }
0xa1: {  	s23 =	simm.s32 $0x1B8B  }
0xa2: {  	_ =	swait.ge [sflag:s23], $0x1  }
0xa3: {  	[sflag:s23] =	ssyncset.done $0x0  }
0xa4: {  	s25 =	simm.s32 $0x1B8E;
	s24 =	sld [smem:$0x3FFE];
	[sflag:s23] =	ssyncadd.s32 $0xFFFFFFFF  }
0xa5: {  	s26 =	simm.s32 $execute0_lowered;
	[smem:$0x3FD2] =	sst s25  }
0xa6: {  	s4 =	sshll.u32 s26, $0x1;
	_ =	strace $0x80000046;
	[dreg:$0x1] =	wrdreg $0xFFFFFFFF  }
0xa7: {  	s28 =	simm.s32 $_size_execute0_lowered;
	s2 =	sadd.s32 s2, s4;
	[dreg:$0x0] =	wrdreg $0x0  }
0xa8: {  	s4 =	sshll.u32 s28, $0x1;
	[dreg:$0x2] =	wrdreg s2  }
0xa9: {  	[dreg:$0x3] =	wrdreg s4  }
0xaa: {  	[dreg:$0x4] =	wrdreg $0xC0  }
0xab: {  	_ =	task [dreg:s6], $0x5FFFF  }
0xac: {  	[dreg:$0x1] =	wrdreg $0xFFFFFFFF  }
0xad: {  	[dreg:$0x0] =	wrdreg $0x60  }
0xae: {  	[dreg:$0x2] =	wrdreg s24  }
0xaf: {  	[dreg:$0x3] =	wrdreg $0xA2000  }
0xb0: {  	[dreg:$0x4] =	wrdreg $0x9  }
0xb1: {  	_ =	task.clear_ibuf [dreg:s6], $0x5FFFF;
	_ =	strace $0x90000046  }
0xb2: {  	s29 =	simm.s32 $0x9;
	_ =	strace $0x80000048  }
0xb3: {  	_ =	swait.ge [sflag:s29], $0x1  }
0xb4: {  	[sflag:s29] =	ssyncadd.s32 $0xFFFFFFFF  }
0xb5: {  	_ =	strace $0x90000048  }
0xb6: {  	_ =	sfence  }
0xb7: {  	s30 =	sld [smem:$0x0];
	_ =	sdelay $0x2  }
0xb8: {  	s31 =	sshll.u32 s1, $0xD;
	s1 =	sshrl.u32 s1, $0x2  }
0xb9: {  	s3 =	sand.u32 $0x4000, s31;
	s1 =	sadd.s32 s1, s30  }
0xba: {  	s0 =	sor.u32 s3, s0;
	s1 =	sshll.u32 s1, $0x11  }
0xbb: {  	s0 =	sor.u32 s1, s0  }
0xbc: {  	s0 =	sadd.s32 $0x8F2B, s0  }
0xbd: {  	[sflag:s0] =	ssyncadd.remote.s32 $0x1  }
0xbe: {  	_ =	sfence.sel $0xFFFF  }
0xbf: {  	[dreg:$0x0] =	wrdreg $0xFFFFFFFF;
	(pc) =	sbr.abs _section_cstart, $3  }
0xc0: {  	[dreg:$0x1] =	wrdreg $0xFFFFFFFF  }
0xc1: {  	_ =	task.clear_ibuf [dreg:s6], $0x2FFFF;
	_ =	strace $0x9FFFFFFF  }
0xc2: {  	(tm) =	ssettm $0x7FFFFFFF  }
0xc3: {  	_ =	shalt  }
tec
execute0_lowered:
.L_overlay_start_1:
0x0: {  	(tag) =	ssettag $0x1  }
0x1: {  	s0 =	rddreg [dreg:$0x0]  }
0x2: {  	s2 =	rddreg [dreg:$0x1];
	s3 =	simm.s32 $0x0  }
0x3: {  	s12 =	stileid.u32;
	s1 =	srdreg.scid;
	s16 =	simm.s32 $0x7  }
0x4: {  	s17 =	simm.s32 $0x50;
	s18 =	simm.s32 $0x200;
	s19 =	simm.s32 $0x5200  }
0x5: {  	s28 =	simm.s32 $0x2;
	s29 =	simm.s32 $0x4;
	s30 =	simm.s32 $0x180  }
0x6: {  	[smem:$0x7FF] =	sst s3;
	s7 =	smul.u32 $0x14000, s12;
	s1 =	sand.u32 $0x1, s1  }
0x7: {  	s4 =	sadd.s32 $0xCA200, s0;
	s5 =	sadd.s32 $0x648600, s0;
	s6 =	sadd.s32 $0x7400, s0  }
0x8: {  	s21 =	smul.u32 $0x50000, s12;
	s23 =	sshll.u32 s12, $0x6;
	_ =	strace $0x80000047  }
0x9: {  	s8 =	smul.u32 $0x140000, s1;
	s22 =	ssub.s32 $0x2, s1;
	s1 =	sshll.u32 s1, $0x4  }
0xa: {  	s9 =	sshrl.u32 s7, $0x3;
	s10 =	sshrl.u32 s22, $0x1;
	s1 =	sor.u32 s12, s1  }
0xb: {  	s7 =	sadd.s32 s7, s8;
	s20 =	sadd.s32 s9, s0;
	s24 =	smul.u32 $0x27100, s1  }
0xc: {  	s9 =	sshrl.u32 s21, $0x2;
	s11 =	ssub.s32 s22, s10;
	s10 =	smul.u32 $0x2710, s1  }
0xd: {  	s21 =	simm.s32 $0x2A00;
	s22 =	simm.s32 $0x7A00;
	s7 =	sshrl.u32 s7, $0x3  }
0xe: {  	s9 =	sadd.s32 s9, s2;
	s8 =	sadd.s32 $0x26800, s20;
	s31 =	smax.u32 s11, $0x1  }
0xf: {  	s20 =	simm.s32 $0x100;
	s0 =	sadd.s32 s7, s0;
	[dreg:$0x3] =	wrdreg s8  }
0x10: {  	s7 =	smul.u32 $0x7D00, s1;
	s26 =	sadd.s32 s5, s24;
	[dreg:$0x8] =	wrdreg s31  }
0x11: {  	s8 =	sor.u32 $0x1C07, s23;
	s23 =	simm.s32 $0x1;
	[dreg:$0x6] =	wrdreg s26  }
0x12: {  	s0 =	sadd.s32 $0x4E800, s0;
	[dreg:$0x4] =	wrdreg s8;
	s25 =	sshrl.u32 s7, $0x3  }
0x13: {  	s24 =	simm.s32 $0x3;
	[dreg:$0x7] =	wrdreg s0;
	s1 =	sadd.s32 s6, s25  }
0x14: {  	s26 =	simm.s32 $0x5;
	[dreg:$0x5] =	wrdreg s1;
	s1 =	sshrl.u32 s9, $0x3  }
0x15: {  	s25 =	simm.s32 $0x80;
	s9 =	simm.s32 $0x0;
	[dreg:$0x9] =	wrdreg s1  }
.LBB2_1:
0x16: {  	[dreg:$0xa] =	wrdreg s9  }
0x17: {  	s0 =	rddreg [dreg:$0x3]  }
0x18: {  	[spmem:s1], [sflag:s8] =	dma.local [hbm:s0], $0x2800  }
0x19: {  	_ =	swait.ge [sflag:s16], $0x2800  }
0x1a: {  	[sflag:s16] =	ssyncset.done $0x0  }
0x1b: {  	[sflag:s16] =	ssyncadd.s32 $0xFFFFD800  }
0x1c: {  	[bflag:$0x0] =	sbarrier.arrive $0xFFFF  }
0x1d: {  	s15 =	rddreg [dreg:$0x5]  }
0x1e: {  	[tilespmem:s3], [sflag:$0x7] =	stream.linear.gather [hbm4b:s15+s3], $0x100, $0x38;
	[tilespmem:$0x1E200] =	vst v63  }
0x1f: {  	_ =	swait.ge [sflag:s16], $0x100  }
0x20: {  	[sflag:s16] =	ssyncset.done $0x0  }
0x21: {  	[sflag:s16] =	ssyncadd.s32 $0xFFFFFF00  }
0x22: {  	[tilespmem:s18], [sflag:$0x1] =	stream.indirect.gather [hbm4b:s4+s17], $0x80, s3, s17, $0xb8;
	[tilespmem:$0x1E200] =	vst v63  }
0x23: {  	s1 =	simm.s32 $0x0;
	s31 =	rddreg [dreg:$0x6]  }
0x24: {  	[tilespmem:s19], [sflag:$0x3] =	stream.linear.gather [hbm4b:s31+s3], $0x2800, $0x38;
	[tilespmem:$0x1E200] =	vst v63  }
.LBB2_2:
0x25: {  	s8 =	sshll.u32 s1, $0x1  }
0x26: {  	p0 =	seq.s32 s1, $0x0;
	s0 =	sor.u32 $0x1, s8  }
0x27: {  	s9 =	simm.s32 @!p0 $0x6;
	s11 =	sshll.u32 s0, $0x8  }
0x28: {  	_ =	swait.ge @!p0 [sflag:s9], $0x2800;
	s11 =	sadd.s32 s7, s11  }
0x29: {  	[sflag:s9] =	ssyncset.done @!p0 $0x0;
	s11 =	sshrl.u32 s11, $0x3  }
0x2a: {  	s0 =	smul.u32 $0x50, s0;
	[sflag:s9] =	ssyncadd.s32 @!p0 $0xFFFFD800;
	s14 =	sadd.s32 s6, s11  }
0x2b: {  	[tilespmem:s20], [sflag:$0x7] =	stream.linear.gather [hbm4b:s14+s3], $0x100, $0x38;
	[tilespmem:$0x1E200] =	vst v63  }
0x2c: {  	_ =	swait.ge [sflag:s16], $0x100  }
0x2d: {  	s0 =	sadd.s32 s10, s0;
	[sflag:s16] =	ssyncset.done $0x0  }
0x2e: {  	s0 =	sshll.u32 s0, $0x4;
	[sflag:s16] =	ssyncadd.s32 $0xFFFFFF00  }
0x2f: {  	[tilespmem:s21], [sflag:$0x2] =	stream.indirect.gather [hbm4b:s4+s17], $0x80, s20, s17, $0xb8;
	[tilespmem:$0x1E200] =	vst v63  }
0x30: {  	s0 =	sadd.s32 s5, s0  }
0x31: {  	[tilespmem:s22], [sflag:$0x4] =	stream.linear.gather [hbm4b:s0+s3], $0x2800, $0x38;
	[tilespmem:$0x1E200] =	vst v63  }
0x32: {  	_ =	swait.ge [sflag:s23], $0x2800  }
0x33: {  	[sflag:s23] =	ssyncset.done $0x0  }
0x34: {  	[sflag:s23] =	ssyncadd.s32 $0xFFFFD800  }
0x35: {  	_ =	swait.ge [sflag:s24], $0x2800  }
0x36: {  	[sflag:s24] =	ssyncset.done $0x0  }
0x37: {  	s11 =	simm.s32 $0x280;
	[sflag:s24] =	ssyncadd.s32 $0xFFFFD800  }
0x38: {  	s15 =	simm.s32 $0x5280;
	v0 =	vld [tilespmem:s11+$0x0]  }
0x39: {  	v1 =	vld [tilespmem:s15+$0x0];
	_ =	sdelay $0x3  }
0x3a: {  	v2 =	vld [tilespmem:s11+$0xFFFFFF80]  }
0x3b: {  	v0 =	vmul.f32 v1, v0;
	v1 =	vld [tilespmem:s15+$0xFFFFFF80];
	_ =	sdelay $0x1  }
0x3c: {  	[tilespmem:s11+$0x0] =	vst v0;
	v0 =	vld [tilespmem:s11+$0x10]  }
0x3d: {  	v3 =	vld [tilespmem:s15+$0x10];
	_ =	sdelay $0x1  }
0x3e: {  	v1 =	vmul.f32 v1, v2;
	_ =	sdelay $0x1  }
0x3f: {  	v4 =	vld [tilespmem:s11+$0xFFFFFF90];
	[tilespmem:s11+$0xFFFFFF80] =	vst v1  }
0x40: {  	v0 =	vmul.f32 v3, v0;
	v1 =	vld [tilespmem:s15+$0xFFFFFF90];
	_ =	sdelay $0x1  }
0x41: {  	[tilespmem:s11+$0x10] =	vst v0;
	v0 =	vld [tilespmem:s11+$0x20]  }
0x42: {  	v3 =	vld [tilespmem:s15+$0x20]  }
0x43: {  	v5 =	vld [tilespmem:s11+$0xFFFFFFB0]  }
0x44: {  	s12 =	simm.s32 $0x380;
	v6 =	vld [tilespmem:s11+$0xFFFFFFD0];
	v1 =	vmul.f32 v1, v4  }
0x45: {  	v7 =	vld [tilespmem:s12+$0x0]  }
0x46: {  	v2 =	vld [tilespmem:s11+$0xFFFFFFA0];
	[tilespmem:s11+$0xFFFFFF90] =	vst v1  }
0x47: {  	v0 =	vmul.f32 v3, v0;
	v1 =	vld [tilespmem:s15+$0xFFFFFFA0]  }
0x48: {  	v8 =	vld [tilespmem:s11+$0xFFFFFFE0]  }
0x49: {  	[tilespmem:s11+$0x20] =	vst v0;
	v0 =	vld [tilespmem:s11+$0x30]  }
0x4a: {  	s13 =	simm.s32 $0x5380;
	v3 =	vld [tilespmem:s15+$0x30]  }
0x4b: {  	v10 =	vld [tilespmem:s13+$0xFFFFFF80]  }
0x4c: {  	v1 =	vmul.f32 v1, v2;
	v2 =	vld [tilespmem:s13+$0x0]  }
0x4d: {  	v12 =	vld [tilespmem:s12+$0xFFFFFF90]  }
0x4e: {  	s31 =	simm.s32 $0x5480;
	v13 =	vld [tilespmem:s12+$0xFFFFFFD0]  }
0x4f: {  	v15 =	vld [tilespmem:s31+$0xFFFFFF80];
	v0 =	vmul.f32 v3, v0  }
0x50: {  	[tilespmem:s11+$0xFFFFFFA0] =	vst v1;
	v1 =	vld [tilespmem:s11+$0x40]  }
0x51: {  	[tilespmem:s11+$0x30] =	vst v0;
	v2 =	vmul.f32 v2, v7;
	v7 =	vld [tilespmem:s12+$0xFFFFFF80]  }
0x52: {  	s14 =	simm.s32 $0x480;
	v9 =	vld [tilespmem:s15+$0x40]  }
0x53: {  	v16 =	vld [tilespmem:s14+$0xFFFFFF80]  }
0x54: {  	v3 =	vld [tilespmem:s15+$0xFFFFFFB0]  }
0x55: {  	v17 =	vld [tilespmem:s12+$0x50]  }
0x56: {  	[tilespmem:s12+$0x0] =	vst v2;
	v2 =	vld [tilespmem:s12+$0x10];
	v7 =	vmul.f32 v10, v7  }
0x57: {  	v11 =	vld [tilespmem:s13+$0x10];
	v1 =	vmul.f32 v9, v1  }
0x58: {  	v9 =	vld [tilespmem:s11+$0x50];
	[tilespmem:s12+$0xFFFFFF80] =	vst v7  }
0x59: {  	[tilespmem:s11+$0x40] =	vst v1;
	v1 =	vmul.f32 v3, v5;
	v5 =	vld [tilespmem:s13+$0xFFFFFF90]  }
0x5a: {  	v3 =	vld [tilespmem:s15+$0x50]  }
0x5b: {  	v60 =	vld [tilespmem:s14+$0xFFFFFFA0]  }
0x5c: {  	v4 =	vld [tilespmem:s11+$0xFFFFFFC0];
	v2 =	vmul.f32 v11, v2;
	[tilespmem:s11+$0xFFFFFFB0] =	vst v1  }
0x5d: {  	v1 =	vld [tilespmem:s15+$0xFFFFFFC0]  }
0x5e: {  	[tilespmem:s12+$0x10] =	vst v2;
	v2 =	vld [tilespmem:s12+$0x20]  }
0x5f: {  	v5 =	vmul.f32 v5, v12;
	v3 =	vmul.f32 v3, v9;
	v9 =	vld [tilespmem:s13+$0x20]  }
0x60: {  	v18 =	vld [tilespmem:s12+$0x60];
	v15 =	vmul.f32 v15, v16  }
0x61: {  	v10 =	vld [tilespmem:s12+$0xFFFFFFA0];
	[tilespmem:s12+$0xFFFFFF90] =	vst v5  }
0x62: {  	[tilespmem:s14+$0xFFFFFF80] =	vst v15;
	v1 =	vmul.f32 v1, v4;
	v4 =	vld [tilespmem:s13+$0xFFFFFFA0]  }
0x63: {  	v15 =	vld [tilespmem:s31+$0xFFFFFF90]  }
0x64: {  	v0 =	vld [tilespmem:s11+$0xFFFFFFF0];
	[tilespmem:s11+$0xFFFFFFC0] =	vst v1;
	v1 =	vmul.f32 v9, v2  }
0x65: {  	v7 =	vld [tilespmem:s12+$0xFFFFFFB0]  }
0x66: {  	v5 =	vld [tilespmem:s12+$0x30];
	[tilespmem:s12+$0x20] =	vst v1  }
0x67: {  	v4 =	vmul.f32 v4, v10;
	v10 =	vld [tilespmem:s13+$0x30]  }
0x68: {  	v2 =	vld [tilespmem:s15+$0xFFFFFFD0]  }
0x69: {  	v11 =	vld [tilespmem:s11+$0x60]  }
0x6a: {  	v12 =	vld [tilespmem:s12+$0xFFFFFFC0];
	[tilespmem:s11+$0x50] =	vst v3  }
0x6b: {  	v3 =	vld [tilespmem:s15+$0x60]  }
0x6c: {  	[tilespmem:s12+$0xFFFFFFA0] =	vst v4;
	v4 =	vld [tilespmem:s14+$0x0];
	v5 =	vmul.f32 v10, v5  }
0x6d: {  	v2 =	vmul.f32 v2, v6;
	v6 =	vld [tilespmem:s31+$0x0]  }
0x6e: {  	v10 =	vld [tilespmem:s12+$0x40];
	[tilespmem:s12+$0x30] =	vst v5  }
0x6f: {  	v5 =	vld [tilespmem:s13+$0x40]  }
0x70: {  	v9 =	vld [tilespmem:s11+$0x70];
	v3 =	vmul.f32 v3, v11  }
0x71: {  	v1 =	vld [tilespmem:s12+$0xFFFFFFE0]  }
0x72: {  	[tilespmem:s11+$0x60] =	vst v3;
	v3 =	vld [tilespmem:s13+$0xFFFFFFB0];
	v4 =	vmul.f32 v6, v4  }
0x73: {  	v6 =	vld [tilespmem:s14+$0xFFFFFF90]  }
0x74: {  	[tilespmem:s14+$0x0] =	vst v4;
	v4 =	vld [tilespmem:s14+$0x10];
	v5 =	vmul.f32 v5, v10  }
0x75: {  	v10 =	vld [tilespmem:s31+$0x10]  }
0x76: {  	v11 =	vld [tilespmem:s15+$0x70];
	[tilespmem:s12+$0x40] =	vst v5  }
0x77: {  	v3 =	vmul.f32 v3, v7;
	v7 =	vld [tilespmem:s13+$0x50]  }
0x78: {  	[tilespmem:s11+$0xFFFFFFD0] =	vst v2;
	v2 =	vld [tilespmem:s12+$0xFFFFFFF0]  }
0x79: {  	v14 =	vld [tilespmem:s15+$0xFFFFFFE0];
	[tilespmem:s12+$0xFFFFFFB0] =	vst v3;
	v6 =	vmul.f32 v15, v6  }
0x7a: {  	v3 =	vmul.f32 v10, v4;
	v10 =	vld [tilespmem:s13+$0xFFFFFFC0]  }
0x7b: {  	[tilespmem:s14+$0xFFFFFF90] =	vst v6;
	v6 =	vld [tilespmem:s14+$0xFFFFFFE0]  }
0x7c: {  	v5 =	vld [tilespmem:s14+$0xFFFFFFB0];
	[tilespmem:s14+$0x10] =	vst v3;
	v3 =	vmul.f32 v7, v17  }
0x7d: {  	v7 =	vld [tilespmem:s14+$0x20]  }
0x7e: {  	v15 =	vld [tilespmem:s31+$0x20];
	[tilespmem:s12+$0x50] =	vst v3  }
0x7f: {  	v10 =	vmul.f32 v10, v12;
	v12 =	vld [tilespmem:s13+$0x60]  }
0x80: {  	v61 =	vld [tilespmem:s31+$0xFFFFFFA0]  }
0x81: {  	v4 =	vld [tilespmem:s14+$0xFFFFFFC0];
	[tilespmem:s12+$0xFFFFFFC0] =	vst v10  }
0x82: {  	v10 =	vld [tilespmem:s13+$0xFFFFFFD0]  }
0x83: {  	v3 =	vld [tilespmem:s14+$0xFFFFFFD0];
	v7 =	vmul.f32 v15, v7  }
0x84: {  	v15 =	vld [tilespmem:s12+$0x70];
	v12 =	vmul.f32 v12, v18  }
0x85: {  	[tilespmem:s14+$0x20] =	vst v7;
	v7 =	vmul.f32 v14, v8;
	v14 =	vld [tilespmem:s14+$0x30]  }
0x86: {  	v8 =	vmul.f32 v61, v60;
	v62 =	vld [tilespmem:s31+$0x30];
	[tilespmem:s12+$0x60] =	vst v12  }
0x87: {  	[tilespmem:s11+$0xFFFFFFE0] =	vst v7;
	v7 =	vmul.f32 v10, v13;
	v63 =	vld [tilespmem:s13+$0x70]  }
0x88: {  	[tilespmem:s14+$0xFFFFFFA0] =	vst v8;
	v8 =	vld [tilespmem:s15+$0xFFFFFFF0]  }
0x89: {  	v12 =	vld [tilespmem:s31+$0xFFFFFFB0];
	[tilespmem:s12+$0xFFFFFFD0] =	vst v7  }
0x8a: {  	v10 =	vmul.f32 v11, v9;
	v9 =	vld [tilespmem:s13+$0xFFFFFFE0]  }
0x8b: {  	v7 =	vld [tilespmem:s14+$0xFFFFFFF0];
	v13 =	vmul.f32 v62, v14  }
0x8c: {  	s9 =	simm.s32 $0x5480;
	s0 =	simm.s32 $0x580;
	s15 =	simm.s32 $0x4;
	[tilespmem:s11+$0x70] =	vst v10;
	v10 =	vld [tilespmem:s14+$0x40];
	v11 =	vmul.f32 v63, v15  }
.LBB2_3:
0x8d: {  	v14 =	vld [tilespmem:s0+$0x0];
	[tilespmem:s14+$0x30] =	vst v13;
	s31 =	sadd.s32 $0x100, s31;
	v8 =	vmul.f32 v8, v0;
	v0 =	vmov v2  }
0x8e: {  	v13 =	vld [tilespmem:s31+$0x0];
	v12 =	vmul.f32 v12, v5;
	[tilespmem:s12+$0x70] =	vst v11  }
0x8f: {  	s15 =	sadd.s32 $0x2, s15;
	v5 =	vld [tilespmem:s9+$0x40];
	v9 =	vmul.f32 v9, v1;
	[tilespmem:s11+$0xFFFFFFF0] =	vst v8;
	v1 =	vmov v6;
	s11 =	smov.u32 s12;
	s12 =	smov.u32 s14  }
0x90: {  	p0 =	slt.u32 s15, $0x4E;
	s14 =	smov.u32 s0;
	v6 =	vld [tilespmem:s31+$0xFFFFFF80];
	[tilespmem:s12+$0xFFFFFFB0] =	vst v12;
	v2 =	vmov v7  }
0x91: {  	v7 =	vld [tilespmem:s0+$0xFFFFFF80];
	[tilespmem:s11+$0xFFFFFFE0] =	vst v9  }
0x92: {  	v8 =	vld [tilespmem:s0+$0xFFFFFF90]  }
0x93: {  	v9 =	vld [tilespmem:s0+$0xFFFFFFA0];
	v11 =	vmul.f32 v13, v14  }
0x94: {  	v5 =	vmul.f32 v5, v10;
	v10 =	vld [tilespmem:s12+$0x50]  }
0x95: {  	[tilespmem:s0+$0x0] =	vst v11;
	v11 =	vld [tilespmem:s0+$0x10]  }
0x96: {  	v6 =	vmul.f32 v6, v7;
	v7 =	vld [tilespmem:s31+$0x10];
	[tilespmem:s12+$0x40] =	vst v5  }
0x97: {  	v12 =	vld [tilespmem:s9+$0x50]  }
0x98: {  	[tilespmem:s0+$0xFFFFFF80] =	vst v6;
	v5 =	vld [tilespmem:s0+$0xFFFFFFB0]  }
0x99: {  	v6 =	vld [tilespmem:s31+$0xFFFFFF90]  }
0x9a: {  	v13 =	vld [tilespmem:s9+$0xFFFFFFC0]  }
0x9b: {  	v14 =	vld [tilespmem:s0+$0xFFFFFFC0];
	v7 =	vmul.f32 v7, v11  }
0x9c: {  	v10 =	vmul.f32 v12, v10;
	v11 =	vld [tilespmem:s12+$0x60]  }
0x9d: {  	[tilespmem:s0+$0x10] =	vst v7;
	v7 =	vld [tilespmem:s0+$0x20]  }
0x9e: {  	v6 =	vmul.f32 v6, v8;
	v8 =	vld [tilespmem:s31+$0x20];
	[tilespmem:s12+$0x50] =	vst v10  }
0x9f: {  	v10 =	vmul.f32 v13, v4;
	v12 =	vld [tilespmem:s9+$0x60]  }
0xa0: {  	[tilespmem:s0+$0xFFFFFF90] =	vst v6;
	v13 =	vld [tilespmem:s0+$0xFFFFFFD0];
	v4 =	vmov v14  }
0xa1: {  	v14 =	vld [tilespmem:s31+$0xFFFFFFA0];
	[tilespmem:s12+$0xFFFFFFC0] =	vst v10  }
0xa2: {  	v10 =	vld [tilespmem:s9+$0xFFFFFFD0]  }
0xa3: {  	v6 =	vld [tilespmem:s0+$0xFFFFFFE0];
	v7 =	vmul.f32 v8, v7  }
0xa4: {  	v8 =	vmul.f32 v12, v11;
	v11 =	vld [tilespmem:s12+$0x70]  }
0xa5: {  	[tilespmem:s0+$0x20] =	vst v7;
	v15 =	vld [tilespmem:s0+$0x30]  }
0xa6: {  	v7 =	vmul.f32 v14, v9;
	v14 =	vld [tilespmem:s31+$0x30];
	[tilespmem:s12+$0x60] =	vst v8  }
0xa7: {  	v9 =	vmul.f32 v10, v3;
	v16 =	vld [tilespmem:s9+$0x70];
	v3 =	vmov v13  }
.Ltmp0:
0xa8: {  	[tilespmem:s0+$0xFFFFFFA0] =	vst v7;
	v8 =	vld [tilespmem:s13+$0xFFFFFFF0];
	s13 =	smov.u32 s9;
	s9 =	smov.u32 s31;
	(pc) =	sbr.rel @p0 .LBB2_3-.Ltmp0, $4  }
0xa9: {  	v12 =	vld [tilespmem:s31+$0xFFFFFFB0];
	[tilespmem:s12+$0xFFFFFFD0] =	vst v9  }
0xaa: {  	v9 =	vld [tilespmem:s13+$0xFFFFFFE0]  }
0xab: {  	v7 =	vld [tilespmem:s0+$0xFFFFFFF0];
	v13 =	vmul.f32 v14, v15  }
0xac: {  	s0 =	sadd.s32 $0x100, s0;
	v10 =	vld [tilespmem:s14+$0x40];
	v11 =	vmul.f32 v16, v11  }
0xad: {  	_ = 	snop  }
0xae: {  	[tilespmem:s14+$0x30] =	vst v13;
	v5 =	vmul.f32 v12, v5  }
0xaf: {  	v12 =	vld [tilespmem:s9+$0x40]  }
0xb0: {  	[tilespmem:s14+$0xFFFFFFB0] =	vst v5  }
0xb1: {  	v5 =	vld [tilespmem:s9+$0xFFFFFFC0];
	_ =	sdelay $0x2  }
0xb2: {  	v10 =	vmul.f32 v12, v10;
	_ =	sdelay $0x1  }
0xb3: {  	v12 =	vld [tilespmem:s14+$0x50];
	[tilespmem:s14+$0x40] =	vst v10;
	v4 =	vmul.f32 v5, v4  }
0xb4: {  	v5 =	vld [tilespmem:s9+$0x50]  }
0xb5: {  	[tilespmem:s14+$0xFFFFFFC0] =	vst v4  }
0xb6: {  	v4 =	vld [tilespmem:s9+$0xFFFFFFD0];
	_ =	sdelay $0x2  }
0xb7: {  	v5 =	vmul.f32 v5, v12;
	_ =	sdelay $0x1  }
0xb8: {  	v10 =	vld [tilespmem:s14+$0x60];
	[tilespmem:s14+$0x50] =	vst v5;
	v3 =	vmul.f32 v4, v3  }
0xb9: {  	v4 =	vld [tilespmem:s9+$0x60]  }
0xba: {  	[tilespmem:s14+$0xFFFFFFD0] =	vst v3  }
0xbb: {  	v3 =	vld [tilespmem:s9+$0xFFFFFFE0];
	_ =	sdelay $0x2  }
0xbc: {  	v4 =	vmul.f32 v4, v10  }
0xbd: {  	v1 =	vmul.f32 v9, v1  }
0xbe: {  	v5 =	vld [tilespmem:s14+$0x70];
	[tilespmem:s14+$0x60] =	vst v4;
	v3 =	vmul.f32 v3, v6  }
0xbf: {  	[tilespmem:s12+$0xFFFFFFE0] =	vst v1;
	v1 =	vld [tilespmem:s9+$0x70]  }
0xc0: {  	v4 =	vld [tilespmem:s13+$0xFFFFFFF0];
	[tilespmem:s14+$0xFFFFFFE0] =	vst v3  }
0xc1: {  	v3 =	vld [tilespmem:s9+$0xFFFFFFF0];
	_ =	sdelay $0x1  }
0xc2: {  	v0 =	vmul.f32 v8, v0  }
0xc3: {  	[tilespmem:s12+$0x70] =	vst v11;
	v1 =	vmul.f32 v1, v5  }
0xc4: {  	[tilespmem:s11+$0xFFFFFFF0] =	vst v0;
	v0 =	vmul.f32 v4, v2  }
0xc5: {  	[tilespmem:s14+$0x70] =	vst v1;
	v1 =	vmul.f32 v3, v7  }
0xc6: {  	s0 =	sadd.s32 $0x2, s8;
	[tilespmem:s12+$0xFFFFFFF0] =	vst v0  }
0xc7: {  	s8 =	sshll.u32 s0, $0x8;
	[tilespmem:s14+$0xFFFFFFF0] =	vst v1  }
0xc8: {  	[spmem:s2] =	stream.indirect.scatter.add.f32 [tilespmem:s18], [sflag:$0x5], $0x80, s25, s17, $0xb8;
	[tilespmem:$0x1E200] =	vst v63  }
0xc9: {  	s8 =	sadd.s32 s7, s8;
	_ =	swait.ge [sflag:s26], $0x2800  }
0xca: {  	s8 =	sshrl.u32 s8, $0x3;
	[sflag:s26] =	ssyncset.done $0x0  }
0xcb: {  	s0 =	smul.u32 $0x50, s0;
	s8 =	sadd.s32 s6, s8;
	[sflag:s26] =	ssyncadd.s32 $0xFFFFD800  }
0xcc: {  	[tilespmem:s3], [sflag:$0x7] =	stream.linear.gather [hbm4b:s8+s3], $0x100, $0x38;
	[tilespmem:$0x1E200] =	vst v63  }
0xcd: {  	_ =	swait.ge [sflag:s16], $0x100  }
0xce: {  	s0 =	sadd.s32 s10, s0;
	[sflag:s16] =	ssyncset.done $0x0  }
0xcf: {  	s0 =	sshll.u32 s0, $0x4;
	[sflag:s16] =	ssyncadd.s32 $0xFFFFFF00  }
0xd0: {  	[tilespmem:s18], [sflag:$0x1] =	stream.indirect.gather [hbm4b:s4+s17], $0x80, s3, s17, $0xb8;
	[tilespmem:$0x1E200] =	vst v63  }
0xd1: {  	s0 =	sadd.s32 s5, s0  }
0xd2: {  	[tilespmem:s19], [sflag:$0x3] =	stream.linear.gather [hbm4b:s0+s3], $0x2800, $0x38;
	[tilespmem:$0x1E200] =	vst v63  }
0xd3: {  	_ =	swait.ge [sflag:s28], $0x2800  }
0xd4: {  	[sflag:s28] =	ssyncset.done $0x0  }
0xd5: {  	[sflag:s28] =	ssyncadd.s32 $0xFFFFD800  }
0xd6: {  	_ =	swait.ge [sflag:s29], $0x2800  }
0xd7: {  	[sflag:s29] =	ssyncset.done $0x0  }
0xd8: {  	s8 =	simm.s32 $0x2A80;
	[sflag:s29] =	ssyncadd.s32 $0xFFFFD800  }
0xd9: {  	s31 =	simm.s32 $0x7A80;
	v0 =	vld [tilespmem:s8+$0x0]  }
0xda: {  	v1 =	vld [tilespmem:s31+$0x0];
	_ =	sdelay $0x3  }
0xdb: {  	v2 =	vld [tilespmem:s8+$0xFFFFFF80]  }
0xdc: {  	v0 =	vmul.f32 v1, v0;
	v1 =	vld [tilespmem:s31+$0xFFFFFF80];
	_ =	sdelay $0x1  }
0xdd: {  	[tilespmem:s8+$0x0] =	vst v0;
	v0 =	vld [tilespmem:s8+$0x10]  }
0xde: {  	v3 =	vld [tilespmem:s31+$0x10];
	_ =	sdelay $0x1  }
0xdf: {  	v1 =	vmul.f32 v1, v2;
	_ =	sdelay $0x1  }
0xe0: {  	v4 =	vld [tilespmem:s8+$0xFFFFFF90];
	[tilespmem:s8+$0xFFFFFF80] =	vst v1  }
0xe1: {  	v0 =	vmul.f32 v3, v0;
	v1 =	vld [tilespmem:s31+$0xFFFFFF90];
	_ =	sdelay $0x1  }
0xe2: {  	[tilespmem:s8+$0x10] =	vst v0;
	v0 =	vld [tilespmem:s8+$0x20]  }
0xe3: {  	v3 =	vld [tilespmem:s31+$0x20]  }
0xe4: {  	v5 =	vld [tilespmem:s8+$0xFFFFFFB0]  }
0xe5: {  	s11 =	simm.s32 $0x2B80;
	v6 =	vld [tilespmem:s8+$0xFFFFFFD0];
	v1 =	vmul.f32 v1, v4  }
0xe6: {  	v7 =	vld [tilespmem:s11+$0x0]  }
0xe7: {  	v2 =	vld [tilespmem:s8+$0xFFFFFFA0];
	[tilespmem:s8+$0xFFFFFF90] =	vst v1  }
0xe8: {  	v0 =	vmul.f32 v3, v0;
	v1 =	vld [tilespmem:s31+$0xFFFFFFA0]  }
0xe9: {  	v8 =	vld [tilespmem:s8+$0xFFFFFFE0]  }
0xea: {  	[tilespmem:s8+$0x20] =	vst v0;
	v0 =	vld [tilespmem:s8+$0x30]  }
0xeb: {  	s12 =	simm.s32 $0x7B80;
	v3 =	vld [tilespmem:s31+$0x30]  }
0xec: {  	v10 =	vld [tilespmem:s12+$0xFFFFFF80]  }
0xed: {  	v1 =	vmul.f32 v1, v2;
	v2 =	vld [tilespmem:s12+$0x0]  }
0xee: {  	v12 =	vld [tilespmem:s11+$0xFFFFFF90]  }
0xef: {  	s14 =	simm.s32 $0x7C80;
	v13 =	vld [tilespmem:s11+$0xFFFFFFD0]  }
0xf0: {  	v15 =	vld [tilespmem:s14+$0xFFFFFF80];
	v0 =	vmul.f32 v3, v0  }
0xf1: {  	[tilespmem:s8+$0xFFFFFFA0] =	vst v1;
	v1 =	vld [tilespmem:s8+$0x40]  }
0xf2: {  	[tilespmem:s8+$0x30] =	vst v0;
	v2 =	vmul.f32 v2, v7;
	v7 =	vld [tilespmem:s11+$0xFFFFFF80]  }
0xf3: {  	s13 =	simm.s32 $0x2C80;
	v9 =	vld [tilespmem:s31+$0x40]  }
0xf4: {  	v16 =	vld [tilespmem:s13+$0xFFFFFF80]  }
0xf5: {  	v3 =	vld [tilespmem:s31+$0xFFFFFFB0]  }
0xf6: {  	v17 =	vld [tilespmem:s11+$0x50]  }
0xf7: {  	[tilespmem:s11+$0x0] =	vst v2;
	v2 =	vld [tilespmem:s11+$0x10];
	v7 =	vmul.f32 v10, v7  }
0xf8: {  	v11 =	vld [tilespmem:s12+$0x10];
	v1 =	vmul.f32 v9, v1  }
0xf9: {  	v9 =	vld [tilespmem:s8+$0x50];
	[tilespmem:s11+$0xFFFFFF80] =	vst v7  }
0xfa: {  	[tilespmem:s8+$0x40] =	vst v1;
	v1 =	vmul.f32 v3, v5;
	v5 =	vld [tilespmem:s12+$0xFFFFFF90]  }
0xfb: {  	v3 =	vld [tilespmem:s31+$0x50]  }
0xfc: {  	v60 =	vld [tilespmem:s13+$0xFFFFFFA0]  }
0xfd: {  	v4 =	vld [tilespmem:s8+$0xFFFFFFC0];
	v2 =	vmul.f32 v11, v2;
	[tilespmem:s8+$0xFFFFFFB0] =	vst v1  }
0xfe: {  	v1 =	vld [tilespmem:s31+$0xFFFFFFC0]  }
0xff: {  	[tilespmem:s11+$0x10] =	vst v2;
	v2 =	vld [tilespmem:s11+$0x20]  }
0x100: {  	v5 =	vmul.f32 v5, v12;
	v3 =	vmul.f32 v3, v9;
	v9 =	vld [tilespmem:s12+$0x20]  }
0x101: {  	v18 =	vld [tilespmem:s11+$0x60];
	v15 =	vmul.f32 v15, v16  }
0x102: {  	v10 =	vld [tilespmem:s11+$0xFFFFFFA0];
	[tilespmem:s11+$0xFFFFFF90] =	vst v5  }
0x103: {  	[tilespmem:s13+$0xFFFFFF80] =	vst v15;
	v1 =	vmul.f32 v1, v4;
	v4 =	vld [tilespmem:s12+$0xFFFFFFA0]  }
0x104: {  	v15 =	vld [tilespmem:s14+$0xFFFFFF90]  }
0x105: {  	v0 =	vld [tilespmem:s8+$0xFFFFFFF0];
	[tilespmem:s8+$0xFFFFFFC0] =	vst v1;
	v1 =	vmul.f32 v9, v2  }
0x106: {  	v7 =	vld [tilespmem:s11+$0xFFFFFFB0]  }
0x107: {  	v5 =	vld [tilespmem:s11+$0x30];
	[tilespmem:s11+$0x20] =	vst v1  }
0x108: {  	v4 =	vmul.f32 v4, v10;
	v10 =	vld [tilespmem:s12+$0x30]  }
0x109: {  	v2 =	vld [tilespmem:s31+$0xFFFFFFD0]  }
0x10a: {  	v11 =	vld [tilespmem:s8+$0x60]  }
0x10b: {  	v12 =	vld [tilespmem:s11+$0xFFFFFFC0];
	[tilespmem:s8+$0x50] =	vst v3  }
0x10c: {  	v3 =	vld [tilespmem:s31+$0x60]  }
0x10d: {  	[tilespmem:s11+$0xFFFFFFA0] =	vst v4;
	v4 =	vld [tilespmem:s13+$0x0];
	v5 =	vmul.f32 v10, v5  }
0x10e: {  	v2 =	vmul.f32 v2, v6;
	v6 =	vld [tilespmem:s14+$0x0]  }
0x10f: {  	v10 =	vld [tilespmem:s11+$0x40];
	[tilespmem:s11+$0x30] =	vst v5  }
0x110: {  	v5 =	vld [tilespmem:s12+$0x40]  }
0x111: {  	v9 =	vld [tilespmem:s8+$0x70];
	v3 =	vmul.f32 v3, v11  }
0x112: {  	v1 =	vld [tilespmem:s11+$0xFFFFFFE0]  }
0x113: {  	[tilespmem:s8+$0x60] =	vst v3;
	v3 =	vld [tilespmem:s12+$0xFFFFFFB0];
	v4 =	vmul.f32 v6, v4  }
0x114: {  	v6 =	vld [tilespmem:s13+$0xFFFFFF90]  }
0x115: {  	[tilespmem:s13+$0x0] =	vst v4;
	v4 =	vld [tilespmem:s13+$0x10];
	v5 =	vmul.f32 v5, v10  }
0x116: {  	v10 =	vld [tilespmem:s14+$0x10]  }
0x117: {  	v11 =	vld [tilespmem:s31+$0x70];
	[tilespmem:s11+$0x40] =	vst v5  }
0x118: {  	v3 =	vmul.f32 v3, v7;
	v7 =	vld [tilespmem:s12+$0x50]  }
0x119: {  	[tilespmem:s8+$0xFFFFFFD0] =	vst v2;
	v2 =	vld [tilespmem:s11+$0xFFFFFFF0]  }
0x11a: {  	v14 =	vld [tilespmem:s31+$0xFFFFFFE0];
	[tilespmem:s11+$0xFFFFFFB0] =	vst v3;
	v6 =	vmul.f32 v15, v6  }
0x11b: {  	v3 =	vmul.f32 v10, v4;
	v10 =	vld [tilespmem:s12+$0xFFFFFFC0]  }
0x11c: {  	[tilespmem:s13+$0xFFFFFF90] =	vst v6;
	v6 =	vld [tilespmem:s13+$0xFFFFFFE0]  }
0x11d: {  	v5 =	vld [tilespmem:s13+$0xFFFFFFB0];
	[tilespmem:s13+$0x10] =	vst v3;
	v3 =	vmul.f32 v7, v17  }
0x11e: {  	v7 =	vld [tilespmem:s13+$0x20]  }
0x11f: {  	v15 =	vld [tilespmem:s14+$0x20];
	[tilespmem:s11+$0x50] =	vst v3  }
0x120: {  	v10 =	vmul.f32 v10, v12;
	v12 =	vld [tilespmem:s12+$0x60]  }
0x121: {  	v61 =	vld [tilespmem:s14+$0xFFFFFFA0]  }
0x122: {  	v4 =	vld [tilespmem:s13+$0xFFFFFFC0];
	[tilespmem:s11+$0xFFFFFFC0] =	vst v10  }
0x123: {  	v10 =	vld [tilespmem:s12+$0xFFFFFFD0]  }
0x124: {  	v3 =	vld [tilespmem:s13+$0xFFFFFFD0];
	v7 =	vmul.f32 v15, v7  }
0x125: {  	v15 =	vld [tilespmem:s11+$0x70];
	v12 =	vmul.f32 v12, v18  }
0x126: {  	[tilespmem:s13+$0x20] =	vst v7;
	v7 =	vmul.f32 v14, v8;
	v14 =	vld [tilespmem:s13+$0x30]  }
0x127: {  	v8 =	vmul.f32 v61, v60;
	v62 =	vld [tilespmem:s14+$0x30];
	[tilespmem:s11+$0x60] =	vst v12  }
0x128: {  	[tilespmem:s8+$0xFFFFFFE0] =	vst v7;
	v7 =	vmul.f32 v10, v13;
	v63 =	vld [tilespmem:s12+$0x70]  }
0x129: {  	[tilespmem:s13+$0xFFFFFFA0] =	vst v8;
	v8 =	vld [tilespmem:s31+$0xFFFFFFF0]  }
0x12a: {  	v12 =	vld [tilespmem:s14+$0xFFFFFFB0];
	[tilespmem:s11+$0xFFFFFFD0] =	vst v7  }
0x12b: {  	v10 =	vmul.f32 v11, v9;
	v9 =	vld [tilespmem:s12+$0xFFFFFFE0]  }
0x12c: {  	v7 =	vld [tilespmem:s13+$0xFFFFFFF0];
	v13 =	vmul.f32 v62, v14  }
0x12d: {  	s15 =	simm.s32 $0x4;
	s9 =	simm.s32 $0x7C80;
	s0 =	simm.s32 $0x2D80;
	[tilespmem:s8+$0x70] =	vst v10;
	v10 =	vld [tilespmem:s13+$0x40];
	v11 =	vmul.f32 v63, v15  }
.LBB2_5:
0x12e: {  	v14 =	vld [tilespmem:s0+$0x0];
	[tilespmem:s13+$0x30] =	vst v13;
	s14 =	sadd.s32 $0x100, s14;
	v8 =	vmul.f32 v8, v0;
	v0 =	vmov v2  }
0x12f: {  	v13 =	vld [tilespmem:s14+$0x0];
	v12 =	vmul.f32 v12, v5;
	[tilespmem:s11+$0x70] =	vst v11  }
0x130: {  	s15 =	sadd.s32 $0x2, s15;
	v5 =	vld [tilespmem:s9+$0x40];
	v9 =	vmul.f32 v9, v1;
	[tilespmem:s8+$0xFFFFFFF0] =	vst v8;
	v1 =	vmov v6;
	s8 =	smov.u32 s11;
	s11 =	smov.u32 s13  }
0x131: {  	p0 =	slt.u32 s15, $0x4E;
	s13 =	smov.u32 s0;
	v6 =	vld [tilespmem:s14+$0xFFFFFF80];
	[tilespmem:s11+$0xFFFFFFB0] =	vst v12;
	v2 =	vmov v7  }
0x132: {  	v7 =	vld [tilespmem:s0+$0xFFFFFF80];
	[tilespmem:s8+$0xFFFFFFE0] =	vst v9  }
0x133: {  	v8 =	vld [tilespmem:s0+$0xFFFFFF90]  }
0x134: {  	v9 =	vld [tilespmem:s0+$0xFFFFFFA0];
	v11 =	vmul.f32 v13, v14  }
0x135: {  	v5 =	vmul.f32 v5, v10;
	v10 =	vld [tilespmem:s11+$0x50]  }
0x136: {  	[tilespmem:s0+$0x0] =	vst v11;
	v11 =	vld [tilespmem:s0+$0x10]  }
0x137: {  	v6 =	vmul.f32 v6, v7;
	v7 =	vld [tilespmem:s14+$0x10];
	[tilespmem:s11+$0x40] =	vst v5  }
0x138: {  	v12 =	vld [tilespmem:s9+$0x50]  }
0x139: {  	[tilespmem:s0+$0xFFFFFF80] =	vst v6;
	v5 =	vld [tilespmem:s0+$0xFFFFFFB0]  }
0x13a: {  	v6 =	vld [tilespmem:s14+$0xFFFFFF90]  }
0x13b: {  	v13 =	vld [tilespmem:s9+$0xFFFFFFC0]  }
0x13c: {  	v14 =	vld [tilespmem:s0+$0xFFFFFFC0];
	v7 =	vmul.f32 v7, v11  }
0x13d: {  	v10 =	vmul.f32 v12, v10;
	v11 =	vld [tilespmem:s11+$0x60]  }
0x13e: {  	[tilespmem:s0+$0x10] =	vst v7;
	v7 =	vld [tilespmem:s0+$0x20]  }
0x13f: {  	v6 =	vmul.f32 v6, v8;
	v8 =	vld [tilespmem:s14+$0x20];
	[tilespmem:s11+$0x50] =	vst v10  }
0x140: {  	v10 =	vmul.f32 v13, v4;
	v12 =	vld [tilespmem:s9+$0x60]  }
0x141: {  	[tilespmem:s0+$0xFFFFFF90] =	vst v6;
	v13 =	vld [tilespmem:s0+$0xFFFFFFD0];
	v4 =	vmov v14  }
0x142: {  	v14 =	vld [tilespmem:s14+$0xFFFFFFA0];
	[tilespmem:s11+$0xFFFFFFC0] =	vst v10  }
0x143: {  	v10 =	vld [tilespmem:s9+$0xFFFFFFD0]  }
0x144: {  	v6 =	vld [tilespmem:s0+$0xFFFFFFE0];
	v7 =	vmul.f32 v8, v7  }
0x145: {  	v8 =	vmul.f32 v12, v11;
	v11 =	vld [tilespmem:s11+$0x70]  }
0x146: {  	[tilespmem:s0+$0x20] =	vst v7;
	v15 =	vld [tilespmem:s0+$0x30]  }
0x147: {  	v7 =	vmul.f32 v14, v9;
	v14 =	vld [tilespmem:s14+$0x30];
	[tilespmem:s11+$0x60] =	vst v8  }
0x148: {  	v9 =	vmul.f32 v10, v3;
	v16 =	vld [tilespmem:s9+$0x70];
	v3 =	vmov v13  }
.Ltmp1:
0x149: {  	[tilespmem:s0+$0xFFFFFFA0] =	vst v7;
	v8 =	vld [tilespmem:s12+$0xFFFFFFF0];
	s12 =	smov.u32 s9;
	s9 =	smov.u32 s14;
	(pc) =	sbr.rel @p0 .LBB2_5-.Ltmp1, $4  }
0x14a: {  	v12 =	vld [tilespmem:s14+$0xFFFFFFB0];
	[tilespmem:s11+$0xFFFFFFD0] =	vst v9  }
0x14b: {  	v9 =	vld [tilespmem:s12+$0xFFFFFFE0]  }
0x14c: {  	v7 =	vld [tilespmem:s0+$0xFFFFFFF0];
	v13 =	vmul.f32 v14, v15  }
0x14d: {  	s0 =	sadd.s32 $0x100, s0;
	v10 =	vld [tilespmem:s13+$0x40];
	v11 =	vmul.f32 v16, v11  }
0x14e: {  	_ = 	snop  }
0x14f: {  	v5 =	vmul.f32 v12, v5  }
0x150: {  	[tilespmem:s13+$0x30] =	vst v13  }
0x151: {  	v54 =	vld [tilespmem:s9+$0x40];
	[tilespmem:s13+$0xFFFFFFB0] =	vst v5  }
0x152: {  	v5 =	vld [tilespmem:s9+$0xFFFFFFC0];
	_ =	sdelay $0x3  }
0x153: {  	v10 =	vmul.f32 v54, v10  }
0x154: {  	v4 =	vmul.f32 v5, v4  }
0x155: {  	v55 =	vld [tilespmem:s13+$0x50];
	[tilespmem:s13+$0x40] =	vst v10  }
0x156: {  	v56 =	vld [tilespmem:s9+$0x50];
	[tilespmem:s13+$0xFFFFFFC0] =	vst v4  }
0x157: {  	v4 =	vld [tilespmem:s9+$0xFFFFFFD0];
	_ =	sdelay $0x3  }
0x158: {  	v5 =	vmul.f32 v56, v55  }
0x159: {  	v3 =	vmul.f32 v4, v3  }
0x15a: {  	v57 =	vld [tilespmem:s13+$0x60];
	[tilespmem:s13+$0x50] =	vst v5  }
0x15b: {  	v58 =	vld [tilespmem:s9+$0x60];
	[tilespmem:s13+$0xFFFFFFD0] =	vst v3  }
0x15c: {  	v3 =	vld [tilespmem:s9+$0xFFFFFFE0];
	_ =	sdelay $0x2  }
0x15d: {  	v1 =	vmul.f32 v9, v1  }
0x15e: {  	v4 =	vmul.f32 v58, v57  }
0x15f: {  	v59 =	vld [tilespmem:s13+$0x70];
	[tilespmem:s11+$0xFFFFFFE0] =	vst v1;
	v3 =	vmul.f32 v3, v6  }
0x160: {  	v61 =	vld [tilespmem:s12+$0xFFFFFFF0];
	[tilespmem:s13+$0x60] =	vst v4  }
0x161: {  	v60 =	vld [tilespmem:s9+$0x70];
	[tilespmem:s13+$0xFFFFFFE0] =	vst v3  }
0x162: {  	v3 =	vld [tilespmem:s9+$0xFFFFFFF0];
	_ =	sdelay $0x1  }
0x163: {  	v0 =	vmul.f32 v8, v0;
	s1 =	sadd.s32 $0x1, s1  }
0x164: {  	[tilespmem:s11+$0x70] =	vst v11;
	p0 =	sne.s32 s1, $0x3E;
	v62 =	vmul.f32 v61, v2  }
.Ltmp2:
0x165: {  	[tilespmem:s8+$0xFFFFFFF0] =	vst v0;
	v1 =	vmul.f32 v60, v59;
	(pc) =	sbr.rel @p0 .LBB2_2-.Ltmp2, $4  }
0x166: {  	[tilespmem:s11+$0xFFFFFFF0] =	vst v62;
	v63 =	vmul.f32 v3, v7  }
0x167: {  	[tilespmem:s13+$0x70] =	vst v1  }
0x168: {  	[tilespmem:s13+$0xFFFFFFF0] =	vst v63  }
0x169: {  	[spmem:s2] =	stream.indirect.scatter.add.f32 [tilespmem:s21], [sflag:$0x6], $0x80, s30, s17, $0xb8;
	[tilespmem:$0x1E200] =	vst v63  }
0x16a: {  	_ =	swait.ge [sflag:s23], $0x2800  }
0x16b: {  	[sflag:s23] =	ssyncset.done $0x0  }
0x16c: {  	[sflag:s23] =	ssyncadd.s32 $0xFFFFD800  }
0x16d: {  	_ =	swait.ge [sflag:s24], $0x2800  }
0x16e: {  	[sflag:s24] =	ssyncset.done $0x0  }
0x16f: {  	s1 =	simm.s32 $0x280;
	[sflag:s24] =	ssyncadd.s32 $0xFFFFD800  }
0x170: {  	s9 =	simm.s32 $0x5280;
	v0 =	vld [tilespmem:s1+$0x0]  }
0x171: {  	v1 =	vld [tilespmem:s9+$0x0];
	_ =	sdelay $0x3  }
0x172: {  	v2 =	vld [tilespmem:s1+$0xFFFFFF80]  }
0x173: {  	v0 =	vmul.f32 v1, v0;
	v1 =	vld [tilespmem:s9+$0xFFFFFF80];
	_ =	sdelay $0x1  }
0x174: {  	[tilespmem:s1+$0x0] =	vst v0;
	v0 =	vld [tilespmem:s1+$0x10]  }
0x175: {  	v3 =	vld [tilespmem:s9+$0x10];
	_ =	sdelay $0x1  }
0x176: {  	v1 =	vmul.f32 v1, v2;
	_ =	sdelay $0x1  }
0x177: {  	v4 =	vld [tilespmem:s1+$0xFFFFFF90];
	[tilespmem:s1+$0xFFFFFF80] =	vst v1  }
0x178: {  	v0 =	vmul.f32 v3, v0;
	v1 =	vld [tilespmem:s9+$0xFFFFFF90];
	_ =	sdelay $0x1  }
0x179: {  	[tilespmem:s1+$0x10] =	vst v0;
	v0 =	vld [tilespmem:s1+$0x20]  }
0x17a: {  	v3 =	vld [tilespmem:s9+$0x20]  }
0x17b: {  	v5 =	vld [tilespmem:s1+$0xFFFFFFB0]  }
0x17c: {  	s8 =	simm.s32 $0x380;
	v6 =	vld [tilespmem:s1+$0xFFFFFFD0];
	v1 =	vmul.f32 v1, v4  }
0x17d: {  	v7 =	vld [tilespmem:s8+$0x0]  }
0x17e: {  	v2 =	vld [tilespmem:s1+$0xFFFFFFA0];
	[tilespmem:s1+$0xFFFFFF90] =	vst v1  }
0x17f: {  	v0 =	vmul.f32 v3, v0;
	v1 =	vld [tilespmem:s9+$0xFFFFFFA0]  }
0x180: {  	v8 =	vld [tilespmem:s1+$0xFFFFFFE0]  }
0x181: {  	[tilespmem:s1+$0x20] =	vst v0;
	v0 =	vld [tilespmem:s1+$0x30]  }
0x182: {  	s11 =	simm.s32 $0x5380;
	v3 =	vld [tilespmem:s9+$0x30]  }
0x183: {  	v10 =	vld [tilespmem:s11+$0xFFFFFF80]  }
0x184: {  	v1 =	vmul.f32 v1, v2;
	v2 =	vld [tilespmem:s11+$0x0]  }
0x185: {  	v12 =	vld [tilespmem:s8+$0xFFFFFF90]  }
0x186: {  	s13 =	simm.s32 $0x5480;
	v13 =	vld [tilespmem:s8+$0xFFFFFFD0]  }
0x187: {  	v15 =	vld [tilespmem:s13+$0xFFFFFF80];
	v0 =	vmul.f32 v3, v0  }
0x188: {  	[tilespmem:s1+$0xFFFFFFA0] =	vst v1;
	v1 =	vld [tilespmem:s1+$0x40]  }
0x189: {  	[tilespmem:s1+$0x30] =	vst v0;
	v2 =	vmul.f32 v2, v7;
	v7 =	vld [tilespmem:s8+$0xFFFFFF80]  }
0x18a: {  	s12 =	simm.s32 $0x480;
	v9 =	vld [tilespmem:s9+$0x40]  }
0x18b: {  	v16 =	vld [tilespmem:s12+$0xFFFFFF80]  }
0x18c: {  	v3 =	vld [tilespmem:s9+$0xFFFFFFB0]  }
0x18d: {  	v17 =	vld [tilespmem:s8+$0x50]  }
0x18e: {  	[tilespmem:s8+$0x0] =	vst v2;
	v2 =	vld [tilespmem:s8+$0x10];
	v7 =	vmul.f32 v10, v7  }
0x18f: {  	v11 =	vld [tilespmem:s11+$0x10];
	v1 =	vmul.f32 v9, v1  }
0x190: {  	v9 =	vld [tilespmem:s1+$0x50];
	[tilespmem:s8+$0xFFFFFF80] =	vst v7  }
0x191: {  	[tilespmem:s1+$0x40] =	vst v1;
	v1 =	vmul.f32 v3, v5;
	v5 =	vld [tilespmem:s11+$0xFFFFFF90]  }
0x192: {  	v3 =	vld [tilespmem:s9+$0x50]  }
0x193: {  	v60 =	vld [tilespmem:s12+$0xFFFFFFA0]  }
0x194: {  	v4 =	vld [tilespmem:s1+$0xFFFFFFC0];
	v2 =	vmul.f32 v11, v2;
	[tilespmem:s1+$0xFFFFFFB0] =	vst v1  }
0x195: {  	v1 =	vld [tilespmem:s9+$0xFFFFFFC0]  }
0x196: {  	[tilespmem:s8+$0x10] =	vst v2;
	v2 =	vld [tilespmem:s8+$0x20]  }
0x197: {  	v5 =	vmul.f32 v5, v12;
	v3 =	vmul.f32 v3, v9;
	v9 =	vld [tilespmem:s11+$0x20]  }
0x198: {  	v18 =	vld [tilespmem:s8+$0x60];
	v15 =	vmul.f32 v15, v16  }
0x199: {  	v10 =	vld [tilespmem:s8+$0xFFFFFFA0];
	[tilespmem:s8+$0xFFFFFF90] =	vst v5  }
0x19a: {  	[tilespmem:s12+$0xFFFFFF80] =	vst v15;
	v1 =	vmul.f32 v1, v4;
	v4 =	vld [tilespmem:s11+$0xFFFFFFA0]  }
0x19b: {  	v15 =	vld [tilespmem:s13+$0xFFFFFF90]  }
0x19c: {  	v0 =	vld [tilespmem:s1+$0xFFFFFFF0];
	[tilespmem:s1+$0xFFFFFFC0] =	vst v1;
	v1 =	vmul.f32 v9, v2  }
0x19d: {  	v7 =	vld [tilespmem:s8+$0xFFFFFFB0]  }
0x19e: {  	v5 =	vld [tilespmem:s8+$0x30];
	[tilespmem:s8+$0x20] =	vst v1  }
0x19f: {  	v4 =	vmul.f32 v4, v10;
	v10 =	vld [tilespmem:s11+$0x30]  }
0x1a0: {  	v2 =	vld [tilespmem:s9+$0xFFFFFFD0]  }
0x1a1: {  	v11 =	vld [tilespmem:s1+$0x60]  }
0x1a2: {  	v12 =	vld [tilespmem:s8+$0xFFFFFFC0];
	[tilespmem:s1+$0x50] =	vst v3  }
0x1a3: {  	v3 =	vld [tilespmem:s9+$0x60]  }
0x1a4: {  	[tilespmem:s8+$0xFFFFFFA0] =	vst v4;
	v4 =	vld [tilespmem:s12+$0x0];
	v5 =	vmul.f32 v10, v5  }
0x1a5: {  	v2 =	vmul.f32 v2, v6;
	v6 =	vld [tilespmem:s13+$0x0]  }
0x1a6: {  	v10 =	vld [tilespmem:s8+$0x40];
	[tilespmem:s8+$0x30] =	vst v5  }
0x1a7: {  	v5 =	vld [tilespmem:s11+$0x40]  }
0x1a8: {  	v9 =	vld [tilespmem:s1+$0x70];
	v3 =	vmul.f32 v3, v11  }
0x1a9: {  	v1 =	vld [tilespmem:s8+$0xFFFFFFE0]  }
0x1aa: {  	[tilespmem:s1+$0x60] =	vst v3;
	v3 =	vld [tilespmem:s11+$0xFFFFFFB0];
	v4 =	vmul.f32 v6, v4  }
0x1ab: {  	v6 =	vld [tilespmem:s12+$0xFFFFFF90]  }
0x1ac: {  	[tilespmem:s12+$0x0] =	vst v4;
	v4 =	vld [tilespmem:s12+$0x10];
	v5 =	vmul.f32 v5, v10  }
0x1ad: {  	v10 =	vld [tilespmem:s13+$0x10]  }
0x1ae: {  	v11 =	vld [tilespmem:s9+$0x70];
	[tilespmem:s8+$0x40] =	vst v5  }
0x1af: {  	v3 =	vmul.f32 v3, v7;
	v7 =	vld [tilespmem:s11+$0x50]  }
0x1b0: {  	[tilespmem:s1+$0xFFFFFFD0] =	vst v2;
	v2 =	vld [tilespmem:s8+$0xFFFFFFF0]  }
0x1b1: {  	v14 =	vld [tilespmem:s9+$0xFFFFFFE0];
	[tilespmem:s8+$0xFFFFFFB0] =	vst v3;
	v6 =	vmul.f32 v15, v6  }
0x1b2: {  	v3 =	vmul.f32 v10, v4;
	v10 =	vld [tilespmem:s11+$0xFFFFFFC0]  }
0x1b3: {  	[tilespmem:s12+$0xFFFFFF90] =	vst v6;
	v6 =	vld [tilespmem:s12+$0xFFFFFFE0]  }
0x1b4: {  	v5 =	vld [tilespmem:s12+$0xFFFFFFB0];
	[tilespmem:s12+$0x10] =	vst v3;
	v3 =	vmul.f32 v7, v17  }
0x1b5: {  	v7 =	vld [tilespmem:s12+$0x20]  }
0x1b6: {  	v15 =	vld [tilespmem:s13+$0x20];
	[tilespmem:s8+$0x50] =	vst v3  }
0x1b7: {  	v10 =	vmul.f32 v10, v12;
	v12 =	vld [tilespmem:s11+$0x60]  }
0x1b8: {  	v61 =	vld [tilespmem:s13+$0xFFFFFFA0]  }
0x1b9: {  	v4 =	vld [tilespmem:s12+$0xFFFFFFC0];
	[tilespmem:s8+$0xFFFFFFC0] =	vst v10  }
0x1ba: {  	v10 =	vld [tilespmem:s11+$0xFFFFFFD0]  }
0x1bb: {  	v3 =	vld [tilespmem:s12+$0xFFFFFFD0];
	v7 =	vmul.f32 v15, v7  }
0x1bc: {  	v15 =	vld [tilespmem:s8+$0x70];
	v12 =	vmul.f32 v12, v18  }
0x1bd: {  	[tilespmem:s12+$0x20] =	vst v7;
	v7 =	vmul.f32 v14, v8;
	v14 =	vld [tilespmem:s12+$0x30]  }
0x1be: {  	v8 =	vmul.f32 v61, v60;
	v62 =	vld [tilespmem:s13+$0x30];
	[tilespmem:s8+$0x60] =	vst v12  }
0x1bf: {  	[tilespmem:s1+$0xFFFFFFE0] =	vst v7;
	v7 =	vmul.f32 v10, v13;
	v63 =	vld [tilespmem:s11+$0x70]  }
0x1c0: {  	[tilespmem:s12+$0xFFFFFFA0] =	vst v8;
	v8 =	vld [tilespmem:s9+$0xFFFFFFF0]  }
0x1c1: {  	v12 =	vld [tilespmem:s13+$0xFFFFFFB0];
	[tilespmem:s8+$0xFFFFFFD0] =	vst v7  }
0x1c2: {  	v10 =	vmul.f32 v11, v9;
	v9 =	vld [tilespmem:s11+$0xFFFFFFE0]  }
0x1c3: {  	v7 =	vld [tilespmem:s12+$0xFFFFFFF0];
	v13 =	vmul.f32 v62, v14  }
0x1c4: {  	s14 =	simm.s32 $0x4;
	s0 =	simm.s32 $0x580;
	s9 =	simm.s32 $0x5480;
	[tilespmem:s1+$0x70] =	vst v10;
	v10 =	vld [tilespmem:s12+$0x40];
	v11 =	vmul.f32 v63, v15  }
.LBB2_8:
0x1c5: {  	v14 =	vld [tilespmem:s0+$0x0];
	[tilespmem:s12+$0x30] =	vst v13;
	s13 =	sadd.s32 $0x100, s13;
	v8 =	vmul.f32 v8, v0;
	v0 =	vmov v2  }
0x1c6: {  	v13 =	vld [tilespmem:s13+$0x0];
	v12 =	vmul.f32 v12, v5;
	[tilespmem:s8+$0x70] =	vst v11  }
0x1c7: {  	s14 =	sadd.s32 $0x2, s14;
	v5 =	vld [tilespmem:s9+$0x40];
	v9 =	vmul.f32 v9, v1;
	[tilespmem:s1+$0xFFFFFFF0] =	vst v8;
	v1 =	vmov v6;
	s1 =	smov.u32 s8;
	s8 =	smov.u32 s12  }
0x1c8: {  	p0 =	slt.u32 s14, $0x4E;
	s12 =	smov.u32 s0;
	v6 =	vld [tilespmem:s13+$0xFFFFFF80];
	[tilespmem:s8+$0xFFFFFFB0] =	vst v12;
	v2 =	vmov v7  }
0x1c9: {  	v7 =	vld [tilespmem:s0+$0xFFFFFF80];
	[tilespmem:s1+$0xFFFFFFE0] =	vst v9  }
0x1ca: {  	v8 =	vld [tilespmem:s0+$0xFFFFFF90]  }
0x1cb: {  	v9 =	vld [tilespmem:s0+$0xFFFFFFA0];
	v11 =	vmul.f32 v13, v14  }
0x1cc: {  	v5 =	vmul.f32 v5, v10;
	v10 =	vld [tilespmem:s8+$0x50]  }
0x1cd: {  	[tilespmem:s0+$0x0] =	vst v11;
	v11 =	vld [tilespmem:s0+$0x10]  }
0x1ce: {  	v6 =	vmul.f32 v6, v7;
	v7 =	vld [tilespmem:s13+$0x10];
	[tilespmem:s8+$0x40] =	vst v5  }
0x1cf: {  	v12 =	vld [tilespmem:s9+$0x50]  }
0x1d0: {  	[tilespmem:s0+$0xFFFFFF80] =	vst v6;
	v5 =	vld [tilespmem:s0+$0xFFFFFFB0]  }
0x1d1: {  	v6 =	vld [tilespmem:s13+$0xFFFFFF90]  }
0x1d2: {  	v13 =	vld [tilespmem:s9+$0xFFFFFFC0]  }
0x1d3: {  	v14 =	vld [tilespmem:s0+$0xFFFFFFC0];
	v7 =	vmul.f32 v7, v11  }
0x1d4: {  	v10 =	vmul.f32 v12, v10;
	v11 =	vld [tilespmem:s8+$0x60]  }
0x1d5: {  	[tilespmem:s0+$0x10] =	vst v7;
	v7 =	vld [tilespmem:s0+$0x20]  }
0x1d6: {  	v6 =	vmul.f32 v6, v8;
	v8 =	vld [tilespmem:s13+$0x20];
	[tilespmem:s8+$0x50] =	vst v10  }
0x1d7: {  	v10 =	vmul.f32 v13, v4;
	v12 =	vld [tilespmem:s9+$0x60]  }
0x1d8: {  	[tilespmem:s0+$0xFFFFFF90] =	vst v6;
	v13 =	vld [tilespmem:s0+$0xFFFFFFD0];
	v4 =	vmov v14  }
0x1d9: {  	v14 =	vld [tilespmem:s13+$0xFFFFFFA0];
	[tilespmem:s8+$0xFFFFFFC0] =	vst v10  }
0x1da: {  	v10 =	vld [tilespmem:s9+$0xFFFFFFD0]  }
0x1db: {  	v6 =	vld [tilespmem:s0+$0xFFFFFFE0];
	v7 =	vmul.f32 v8, v7  }
0x1dc: {  	v8 =	vmul.f32 v12, v11;
	v11 =	vld [tilespmem:s8+$0x70]  }
0x1dd: {  	[tilespmem:s0+$0x20] =	vst v7;
	v15 =	vld [tilespmem:s0+$0x30]  }
0x1de: {  	v7 =	vmul.f32 v14, v9;
	v14 =	vld [tilespmem:s13+$0x30];
	[tilespmem:s8+$0x60] =	vst v8  }
0x1df: {  	v9 =	vmul.f32 v10, v3;
	v16 =	vld [tilespmem:s9+$0x70];
	v3 =	vmov v13  }
.Ltmp3:
0x1e0: {  	[tilespmem:s0+$0xFFFFFFA0] =	vst v7;
	v8 =	vld [tilespmem:s11+$0xFFFFFFF0];
	s11 =	smov.u32 s9;
	s9 =	smov.u32 s13;
	(pc) =	sbr.rel @p0 .LBB2_8-.Ltmp3, $4  }
0x1e1: {  	v12 =	vld [tilespmem:s13+$0xFFFFFFB0];
	[tilespmem:s8+$0xFFFFFFD0] =	vst v9  }
0x1e2: {  	v9 =	vld [tilespmem:s11+$0xFFFFFFE0]  }
0x1e3: {  	v7 =	vld [tilespmem:s0+$0xFFFFFFF0];
	v13 =	vmul.f32 v14, v15  }
0x1e4: {  	s0 =	sadd.s32 $0x100, s0;
	v10 =	vld [tilespmem:s12+$0x40];
	v11 =	vmul.f32 v16, v11  }
0x1e5: {  	_ = 	snop  }
0x1e6: {  	v5 =	vmul.f32 v12, v5  }
0x1e7: {  	[tilespmem:s12+$0x30] =	vst v13  }
0x1e8: {  	v54 =	vld [tilespmem:s9+$0x40];
	[tilespmem:s12+$0xFFFFFFB0] =	vst v5  }
0x1e9: {  	v5 =	vld [tilespmem:s9+$0xFFFFFFC0];
	_ =	sdelay $0x3  }
0x1ea: {  	v10 =	vmul.f32 v54, v10  }
0x1eb: {  	v4 =	vmul.f32 v5, v4  }
0x1ec: {  	v55 =	vld [tilespmem:s12+$0x50];
	[tilespmem:s12+$0x40] =	vst v10  }
0x1ed: {  	v56 =	vld [tilespmem:s9+$0x50];
	[tilespmem:s12+$0xFFFFFFC0] =	vst v4  }
0x1ee: {  	v4 =	vld [tilespmem:s9+$0xFFFFFFD0];
	_ =	sdelay $0x3  }
0x1ef: {  	v5 =	vmul.f32 v56, v55  }
0x1f0: {  	v3 =	vmul.f32 v4, v3  }
0x1f1: {  	v57 =	vld [tilespmem:s12+$0x60];
	[tilespmem:s12+$0x50] =	vst v5  }
0x1f2: {  	v58 =	vld [tilespmem:s9+$0x60];
	[tilespmem:s12+$0xFFFFFFD0] =	vst v3  }
0x1f3: {  	v3 =	vld [tilespmem:s9+$0xFFFFFFE0];
	_ =	sdelay $0x2  }
0x1f4: {  	v1 =	vmul.f32 v9, v1  }
0x1f5: {  	v4 =	vmul.f32 v58, v57  }
0x1f6: {  	v59 =	vld [tilespmem:s12+$0x70];
	[tilespmem:s8+$0xFFFFFFE0] =	vst v1;
	v3 =	vmul.f32 v3, v6  }
0x1f7: {  	v61 =	vld [tilespmem:s11+$0xFFFFFFF0];
	[tilespmem:s12+$0x60] =	vst v4  }
0x1f8: {  	v60 =	vld [tilespmem:s9+$0x70];
	[tilespmem:s12+$0xFFFFFFE0] =	vst v3  }
0x1f9: {  	v3 =	vld [tilespmem:s9+$0xFFFFFFF0];
	_ =	sdelay $0x1  }
0x1fa: {  	v0 =	vmul.f32 v8, v0  }
0x1fb: {  	[tilespmem:s8+$0x70] =	vst v11;
	v62 =	vmul.f32 v61, v2  }
0x1fc: {  	[tilespmem:s1+$0xFFFFFFF0] =	vst v0;
	v1 =	vmul.f32 v60, v59  }
0x1fd: {  	[tilespmem:s8+$0xFFFFFFF0] =	vst v62;
	v63 =	vmul.f32 v3, v7  }
0x1fe: {  	[tilespmem:s12+$0x70] =	vst v1  }
0x1ff: {  	[tilespmem:s12+$0xFFFFFFF0] =	vst v63  }
0x200: {  	[spmem:s2] =	stream.indirect.scatter.add.f32 [tilespmem:s18], [sflag:$0x5], $0x80, s25, s17, $0xb8;
	[tilespmem:$0x1E200] =	vst v63  }
0x201: {  	_ =	swait.ge [sflag:s26], $0x2800  }
0x202: {  	[sflag:s26] =	ssyncset.done $0x0  }
0x203: {  	s0 =	simm.s32 $0x6;
	[sflag:s26] =	ssyncadd.s32 $0xFFFFD800  }
0x204: {  	_ =	swait.ge [sflag:s0], $0x2800  }
0x205: {  	[sflag:s0] =	ssyncset.done $0x0  }
0x206: {  	[sflag:s0] =	ssyncadd.s32 $0xFFFFD800  }
0x207: {  	[bflag:$0x0] =	sbarrier.arrive $0xFFFF  }
0x208: {  	s8 =	rddreg [dreg:$0x4]  }
0x209: {  	s14 =	rddreg [dreg:$0x7]  }
0x20a: {  	s1 =	rddreg [dreg:$0x9]  }
0x20b: {  	[hbm:s14], [sflag:s8] =	dma.local [spmem:s1], $0x2800  }
0x20c: {  	_ =	swait.ge [sflag:s16], $0x2800  }
0x20d: {  	s15 =	rddreg [dreg:$0xa]  }
0x20e: {  	s31 =	rddreg [dreg:$0x8];
	s9 =	sadd.s32 $0x1, s15  }
0x20f: {  	p0 =	sne.s32 s9, s31  }
.Ltmp4:
0x210: {  	_ = 	snop;
	(pc) =	sbr.rel @p0 .LBB2_1-.Ltmp4, $3  }
0x211: {  	_ =	sdelay $0x1  }
0x212: {  	[sflag:s16] =	ssyncset.done $0x0  }
0x213: {  	[sflag:s16] =	ssyncadd.s32 $0xFFFFD800  }
0x214: {  	_ =	sfence.sel $0x180000  }
0x215: {  	[bflag:$0x0] =	sbarrier.arrive $0xFFFF  }
0x216: {  	_ =	strace $0x90000047  }
0x217: {  	s0 =	stileid.u32;
	[bflag:$0x2] =	sbarrier.arrive $0xFFFF  }
0x218: {  	p0 =	sne.s32 s0, $0x0;
	s0 =	rddreg [dreg:$0x2]  }
0x219: {  	s0 =	sadd.s32 @!p0 $0x100000, s0  }
0x21a: {  	[sflag:s0] =	ssyncadd.tile.s32 @!p0 $0x1;
	_ =	shalt  }
.Lfunc_end2:
_tile_overlayer_lowered:
.L_overlay_start_2:
0x21b: {  	(tag) =	ssettag $0x2  }
0x21c: {  	s0 =	rddreg [dreg:$0x0];
	s2 =	stileid.u32  }
0x21d: {  	s1 =	rddreg [dreg:$0x1];
	p0 =	sne.s32 s2, $0x0  }
0x21e: {  	s3 =	rddreg [dreg:$0x2];
	[bflag:$0x3] =	sbarrier.arrive $0xFFFF;
	s2 =	simm.s32 @!p0 $0x1C07  }
0x21f: {  	[timem:s3], [sflag:s2] =	dma.local @!p0 [hbm:s0], s1  }
0x220: {  	s0 =	simm.s32 @!p0 $0x7  }
0x221: {  	_ =	swait.ge @!p0 [sflag:s0], s1  }
0x222: {  	s1 =	ssub.s32 @!p0 $0x0, s1;
	[sflag:s0] =	ssyncset.done @!p0 $0x0  }
0x223: {  	[sflag:s0] =	ssyncadd.s32 @!p0 s1  }
0x224: {  	[bflag:$0x3] =	sbarrier.arrive $0xFFFF  }
0x225: {  	_ =	shalt  }

// kernel: kernel.15.cloned.1.call-start
scs
__scs_entry_jumppad:
0x0: {  	(pc) =	sbr.rel $0x88, $3  }
0x1: {  	(tag) =	ssettag $0x0;
	lr =	simm.s32 $0x1  }
0x2: {  	[smem:$0x3F93] =	sst lr;
	_ =	strace $0xD0000000  }
0x3: {  	_ = 	snop  }
0x4: {  	_ = 	snop  }
0x5: {  	_ = 	snop  }
0x6: {  	_ = 	snop  }
0x7: {  	_ = 	snop  }
__scs_overlays_trampoline_lowered:
0x8: {  	[smem:$0x3FA2] =	sst s0  }
0x9: {  	[smem:$0x3FA3] =	sst s1  }
0xa: {  	[smem:$0x3FA4] =	sst s2  }
0xb: {  	[smem:$0x3FA5] =	sst s3  }
0xc: {  	[smem:$0x3FA6] =	sst s4  }
0xd: {  	[smem:$0x3FA7] =	sst s5  }
0xe: {  	[smem:$0x3FA8] =	sst s6  }
0xf: {  	[smem:$0x3FA9] =	sst s7  }
0x10: {  	[smem:$0x3FAA] =	sst s8  }
0x11: {  	[smem:$0x3FAB] =	sst s9;
	s0 =	simm.s32 @!p0 $0x0  }
0x12: {  	s1 =	sld [smem:$0x3F91];
	s0 =	simm.s32 @p0 $0x1  }
0x13: {  	[smem:$0x3FAC] =	sst s0;
	s0 =	simm.s32 @!p1 $0x0  }
0x14: {  	s2 =	sld [smem:$0x3F90];
	s0 =	simm.s32 @p1 $0x1  }
0x15: {  	[smem:$0x3FAD] =	sst s0;
	s0 =	simm.s32 @!p2 $0x0  }
0x16: {  	s3 =	sld [smem:$0x3FDB];
	s0 =	simm.s32 @p2 $0x1  }
0x17: {  	s4 =	simm.s32 $0x1BF5;
	[smem:$0x3FAF] =	sst s0  }
0x18: {  	s0 =	sld [smem:$0x3F92];
	_ =	swait.ge [sflag:s4], $0x0  }
0x19: {  	s7 =	sld [smem:$0x3F93]  }
0x1a: {  	s8 =	sadd.s32 $0xFFFFE003, lr  }
0x1b: {  	s9 =	sadd.s32 $0xFFFFFEF7, lr;
	s5 =	simm.s32 $0xFFFFFFFF;
	p2 =	slt.u32 s8, $0xFFFFF086  }
0x1c: {  	p1 =	slt.u32 s9, $0xF7A;
	s5 =	simm.s32 @!p2 $0x0  }
0x1d: {  	s5 =	simm.s32 @p1 $0x1;
	p0 =	seq.s32 s7, s2  }
0x1e: {  	s7 =	smul.u32 @!p0 $0xF7A, s2;
	p2 =	seq.s32 @!p0 s5, $0x0  }
0x1f: {  	s9 =	smul.u32 $0xF7A, s1;
	s8 =	simm.s32 @!p0 $0x1BF5;
	p2 =	por !p2, p0  }
0x20: {  	[sflag:s8] =	ssyncset.s32 @!p0 $0xFFFFF086;
	s6 =	sadd.s32 @!p0 s3, s7;
	s7 =	simm.s32 @!p0 $0x108  }
0x21: {  	s3 =	sadd.s32 s3, s9;
	s6 =	sadd.s32 @!p0 $0x88, s6;
	s7 =	simm.s32 @p2 $0x1082  }
0x22: {  	[simem:s7], [sflag:s8] =	dma.local @!p0 [hbm:s6], $0xF7A  }
0x23: {  	s9 =	sor.u32 $0xD0000000, s2;
	s6 =	simm.s32 $0x108;
	_ =	swait.ge @!p0 [sflag:s8], $0x0  }
0x24: {  	s3 =	sadd.s32 $0x88, s3;
	s6 =	simm.s32 @!p1 $0x1082;
	[sflag:s4] =	ssyncset.s32 $0xFFFFF086  }
0x25: {  	[simem:s6], [sflag:s4] =	dma.local [hbm:s3], $0xF7A  }
0x26: {  	[smem:$0x3F93] =	sst s1;
	(tag) =	ssettag s2;
	_ =	strace s9  }
0x27: {  	s1 =	sld [smem:$0x3FA3]  }
0x28: {  	s2 =	sld [smem:$0x3FA4]  }
0x29: {  	s4 =	sld [smem:$0x3FA6]  }
0x2a: {  	p0 =	seq.s32 s5, $0x0;
	s5 =	sld [smem:$0x3FA7]  }
0x2b: {  	s6 =	sld [smem:$0x3FA8]  }
0x2c: {  	s7 =	sld [smem:$0x3FA9]  }
0x2d: {  	s3 =	simm.s32 $0x108;
	s8 =	sld [smem:$0x3FAA]  }
0x2e: {  	s3 =	simm.s32 @!p0 $0x1082;
	s9 =	sld [smem:$0x3FAB]  }
0x2f: {  	lr =	sadd.s32 s0, s3;
	s0 =	sld [smem:$0x3FA2]  }
0x30: {  	s3 =	sld [smem:$0x3FA5]  }
0x31: {  	[smem:$0x3FAE] =	sst s10  }
0x32: {  	s10 =	sld [smem:$0x3FAC];
	_ =	sdelay $0x3  }
0x33: {  	p0 =	seq.s32 s10, $0x1;
	s10 =	sld [smem:$0x3FAE];
	_ =	sdelay $0x3  }
0x34: {  	[smem:$0x3FAE] =	sst s10  }
0x35: {  	s10 =	sld [smem:$0x3FAD];
	_ =	sdelay $0x3  }
0x36: {  	p1 =	seq.s32 s10, $0x1;
	s10 =	sld [smem:$0x3FAE];
	_ =	sdelay $0x3  }
0x37: {  	[smem:$0x3FAE] =	sst s10  }
0x38: {  	s10 =	sld [smem:$0x3FAF]  }
0x39: {  	_ = 	snop;
	(pc) =	sbr.ind lr, $3  }
0x3a: {  	_ = 	snop  }
0x3b: {  	_ = 	snop  }
0x3c: {  	p2 =	seq.s32 s10, $0x1;
	s10 =	sld [smem:$0x3FAE]  }
0x3d: {  	_ =	shalt  }
0x3e: {  	_ =	shalt  }
0x3f: {  	_ =	shalt  }
0x40: {  	_ =	shalt  }
0x41: {  	_ =	shalt  }
0x42: {  	_ =	shalt  }
0x43: {  	_ =	shalt  }
0x44: {  	_ =	shalt  }
0x45: {  	_ =	shalt  }
0x46: {  	_ =	shalt  }
0x47: {  	_ =	shalt  }
0x48: {  	_ =	shalt  }
0x49: {  	_ =	shalt  }
0x4a: {  	_ =	shalt  }
0x4b: {  	_ =	shalt  }
0x4c: {  	_ =	shalt  }
0x4d: {  	_ =	shalt  }
0x4e: {  	_ =	shalt  }
0x4f: {  	_ =	shalt  }
0x50: {  	_ =	shalt  }
0x51: {  	_ =	shalt  }
0x52: {  	_ =	shalt  }
0x53: {  	_ =	shalt  }
0x54: {  	_ =	shalt  }
0x55: {  	_ =	shalt  }
0x56: {  	_ =	shalt  }
0x57: {  	_ =	shalt  }
0x58: {  	_ =	shalt  }
0x59: {  	_ =	shalt  }
0x5a: {  	_ =	shalt  }
0x5b: {  	_ =	shalt  }
0x5c: {  	_ =	shalt  }
0x5d: {  	_ =	shalt  }
0x5e: {  	_ =	shalt  }
0x5f: {  	_ =	shalt  }
0x60: {  	_ =	shalt  }
0x61: {  	_ =	shalt  }
0x62: {  	_ =	shalt  }
0x63: {  	_ =	shalt  }
0x64: {  	_ =	shalt  }
0x65: {  	_ =	shalt  }
0x66: {  	_ =	shalt  }
0x67: {  	_ =	shalt  }
0x68: {  	_ =	shalt  }
0x69: {  	_ =	shalt  }
0x6a: {  	_ =	shalt  }
0x6b: {  	_ =	shalt  }
0x6c: {  	_ =	shalt  }
0x6d: {  	_ =	shalt  }
0x6e: {  	_ =	shalt  }
0x6f: {  	_ =	shalt  }
0x70: {  	_ =	shalt  }
0x71: {  	_ =	shalt  }
0x72: {  	_ =	shalt  }
0x73: {  	_ =	shalt  }
0x74: {  	_ =	shalt  }
0x75: {  	_ =	shalt  }
0x76: {  	_ =	shalt  }
0x77: {  	_ =	shalt  }
0x78: {  	_ =	shalt  }
0x79: {  	_ =	shalt  }
0x7a: {  	_ =	shalt  }
0x7b: {  	_ =	shalt  }
0x7c: {  	_ =	shalt  }
0x7d: {  	_ =	shalt  }
0x7e: {  	_ =	shalt  }
0x7f: {  	_ =	shalt  }
0x80: {  	_ =	shalt  }
0x81: {  	_ =	shalt  }
0x82: {  	_ =	shalt  }
0x83: {  	_ =	shalt  }
0x84: {  	_ =	shalt  }
0x85: {  	_ =	shalt  }
0x86: {  	_ =	shalt  }
0x87: {  	_ =	shalt  }
.Lfunc_end0:
.L_simem_size_0:
called_computation.1_lowered:
.L_overlay_start_0:
0x88: {  	s2 =	sld [smem:$0x3FD9]  }
0x89: {  	s3 =	sld [smem:$0x3FFE];
	_ =	sdelay $0x1  }
0x8a: {  	s1 =	srdreg.scid  }
0x8b: {  	s0 =	sand.u32 $0x1, s1  }
0x8c: {  	s16 =	sshll.u32 s0, $0xA;
	s2 =	sadd.s32 s3, s2  }
0x8d: {  	s2 =	sadd.s32 s2, s16  }
0x8e: {  	[smem:$0x3FBA] =	sst s2  }
0x8f: {  	_ = 	snop  }
0x90: {  	(tm) =	ssettm $0x1  }
0x91: {  	s17 =	sld [smem:$0x3FFB];
	_ =	sdelay $0x3  }
0x92: {  	_ =	strace s17  }
0x93: {  	s2 =	sld [smem:$0x3FFC];
	_ =	sdelay $0x3  }
0x94: {  	_ =	strace s2  }
0x95: {  	s2 =	sld [smem:$0x3FFD];
	_ =	sdelay $0x3  }
0x96: {  	_ =	strace s2  }
0x97: {  	_ =	strace $0x8FFFFFFF  }
0x98: {  	s18 =	sld [smem:$0x3FDB];
	_ =	sdelay $0x1  }
0x99: {  	s19 =	simm.s32 $_scs_section_size  }
0x9a: {  	s4 =	simm.s32 $_size__tile_overlayer_lowered;
	s5 =	simm.s32 $_tile_overlayer_lowered  }
0x9b: {  	s22 =	simm.s32 $0x1BFF;
	s21 =	sshll.u32 s5, $0x1;
	s2 =	sadd.s32 s19, s18  }
0x9c: {  	s6 =	simm.s32 $0x0;
	s20 =	sshll.u32 s4, $0x1;
	s4 =	sadd.s32 s21, s2  }
0x9d: {  	[timem:s6], [sflag:s22] =	dma.local [hbm:s4], s20  }
0x9e: {  	_ =	swait.ge [sflag:s22], s20  }
0x9f: {  	s3 =	ssub.s32 $0x0, s20;
	[sflag:s22] =	ssyncset.done $0x0  }
0xa0: {  	[sflag:s22] =	ssyncadd.s32 s3;
	_ =	sdelay $0x1  }
0xa1: {  	s23 =	simm.s32 $0x1B8B  }
0xa2: {  	_ =	swait.ge [sflag:s23], $0x1  }
0xa3: {  	[sflag:s23] =	ssyncset.done $0x0  }
0xa4: {  	s25 =	simm.s32 $0x1B8E;
	s24 =	sld [smem:$0x3FFE];
	[sflag:s23] =	ssyncadd.s32 $0xFFFFFFFF  }
0xa5: {  	s26 =	simm.s32 $execute0_lowered;
	[smem:$0x3FD2] =	sst s25  }
0xa6: {  	s4 =	sshll.u32 s26, $0x1;
	_ =	strace $0x80000049;
	[dreg:$0x1] =	wrdreg $0xFFFFFFFF  }
0xa7: {  	s28 =	simm.s32 $_size_execute0_lowered;
	s2 =	sadd.s32 s2, s4;
	[dreg:$0x0] =	wrdreg $0x0  }
0xa8: {  	s4 =	sshll.u32 s28, $0x1;
	[dreg:$0x2] =	wrdreg s2  }
0xa9: {  	[dreg:$0x3] =	wrdreg s4  }
0xaa: {  	[dreg:$0x4] =	wrdreg $0xC0  }
0xab: {  	_ =	task [dreg:s6], $0x5FFFF  }
0xac: {  	[dreg:$0x1] =	wrdreg $0xFFFFFFFF  }
0xad: {  	[dreg:$0x0] =	wrdreg $0x60  }
0xae: {  	[dreg:$0x2] =	wrdreg s24  }
0xaf: {  	[dreg:$0x3] =	wrdreg $0xA2000  }
0xb0: {  	[dreg:$0x4] =	wrdreg $0x9  }
0xb1: {  	_ =	task.clear_ibuf [dreg:s6], $0x5FFFF;
	_ =	strace $0x90000049  }
0xb2: {  	s29 =	simm.s32 $0x9;
	_ =	strace $0x8000004B  }
0xb3: {  	_ =	swait.ge [sflag:s29], $0x1  }
0xb4: {  	[sflag:s29] =	ssyncadd.s32 $0xFFFFFFFF  }
0xb5: {  	_ =	strace $0x9000004B  }
0xb6: {  	_ =	sfence  }
0xb7: {  	s30 =	sld [smem:$0x0];
	_ =	sdelay $0x2  }
0xb8: {  	s31 =	sshll.u32 s1, $0xD;
	s1 =	sshrl.u32 s1, $0x2  }
0xb9: {  	s3 =	sand.u32 $0x4000, s31;
	s1 =	sadd.s32 s1, s30  }
0xba: {  	s0 =	sor.u32 s3, s0;
	s1 =	sshll.u32 s1, $0x11  }
0xbb: {  	s0 =	sor.u32 s1, s0  }
0xbc: {  	s0 =	sadd.s32 $0x8F2B, s0  }
0xbd: {  	[sflag:s0] =	ssyncadd.remote.s32 $0x1  }
0xbe: {  	_ =	sfence.sel $0xFFFF  }
0xbf: {  	[dreg:$0x0] =	wrdreg $0xFFFFFFFF;
	(pc) =	sbr.abs _section_cstart, $3  }
0xc0: {  	[dreg:$0x1] =	wrdreg $0xFFFFFFFF  }
0xc1: {  	_ =	task.clear_ibuf [dreg:s6], $0x2FFFF;
	_ =	strace $0x9FFFFFFF  }
0xc2: {  	(tm) =	ssettm $0x7FFFFFFF  }
0xc3: {  	_ =	shalt  }
tec
execute0_lowered:
.L_overlay_start_1:
0x0: {  	(tag) =	ssettag $0x1  }
0x1: {  	s0 =	rddreg [dreg:$0x0]  }
0x2: {  	s2 =	rddreg [dreg:$0x1];
	s3 =	simm.s32 $0x0  }
0x3: {  	s12 =	stileid.u32;
	s1 =	srdreg.scid;
	s16 =	simm.s32 $0x7  }
0x4: {  	s17 =	simm.s32 $0x50;
	s18 =	simm.s32 $0x200;
	s19 =	simm.s32 $0x5200  }
0x5: {  	s28 =	simm.s32 $0x2;
	s29 =	simm.s32 $0x4;
	s30 =	simm.s32 $0x180  }
0x6: {  	[smem:$0x7FF] =	sst s3;
	s7 =	smul.u32 $0x14000, s12;
	s4 =	sadd.s32 $0x648600, s0  }
0x7: {  	s1 =	sand.u32 $0x1, s1;
	s5 =	sadd.s32 $0xB2A600, s0;
	s6 =	sadd.s32 $0x7400, s0  }
0x8: {  	s21 =	smul.u32 $0x50000, s12;
	s23 =	sshll.u32 s12, $0x6;
	_ =	strace $0x8000004A  }
0x9: {  	s8 =	smul.u32 $0x140000, s1;
	s22 =	ssub.s32 $0x2, s1;
	s1 =	sshll.u32 s1, $0x4  }
0xa: {  	s9 =	sshrl.u32 s7, $0x3;
	s10 =	sshrl.u32 s22, $0x1;
	s1 =	sor.u32 s12, s1  }
0xb: {  	s7 =	sadd.s32 s7, s8;
	s20 =	sadd.s32 s9, s0;
	s24 =	smul.u32 $0x27100, s1  }
0xc: {  	s9 =	sshrl.u32 s21, $0x2;
	s11 =	ssub.s32 s22, s10;
	s10 =	smul.u32 $0x2710, s1  }
0xd: {  	s21 =	simm.s32 $0x2A00;
	s22 =	simm.s32 $0x7A00;
	s7 =	sshrl.u32 s7, $0x3  }
0xe: {  	s9 =	sadd.s32 s9, s2;
	s8 =	sadd.s32 $0x26800, s20;
	s31 =	smax.u32 s11, $0x1  }
0xf: {  	s20 =	simm.s32 $0x100;
	s0 =	sadd.s32 s7, s0;
	[dreg:$0x3] =	wrdreg s8  }
0x10: {  	s7 =	smul.u32 $0x7D00, s1;
	s26 =	sadd.s32 s5, s24;
	[dreg:$0x8] =	wrdreg s31  }
0x11: {  	s8 =	sor.u32 $0x1C07, s23;
	s23 =	simm.s32 $0x1;
	[dreg:$0x6] =	wrdreg s26  }
0x12: {  	s0 =	sadd.s32 $0x4E800, s0;
	[dreg:$0x4] =	wrdreg s8;
	s25 =	sshrl.u32 s7, $0x3  }
0x13: {  	s24 =	simm.s32 $0x3;
	[dreg:$0x7] =	wrdreg s0;
	s1 =	sadd.s32 s6, s25  }
0x14: {  	s26 =	simm.s32 $0x5;
	[dreg:$0x5] =	wrdreg s1;
	s1 =	sshrl.u32 s9, $0x3  }
0x15: {  	s25 =	simm.s32 $0x80;
	s9 =	simm.s32 $0x0;
	[dreg:$0x9] =	wrdreg s1  }
.LBB2_1:
0x16: {  	[dreg:$0xa] =	wrdreg s9  }
0x17: {  	s0 =	rddreg [dreg:$0x3]  }
0x18: {  	[spmem:s1], [sflag:s8] =	dma.local [hbm:s0], $0x2800  }
0x19: {  	_ =	swait.ge [sflag:s16], $0x2800  }
0x1a: {  	[sflag:s16] =	ssyncset.done $0x0  }
0x1b: {  	[sflag:s16] =	ssyncadd.s32 $0xFFFFD800  }
0x1c: {  	[bflag:$0x0] =	sbarrier.arrive $0xFFFF  }
0x1d: {  	s15 =	rddreg [dreg:$0x5]  }
0x1e: {  	[tilespmem:s3], [sflag:$0x7] =	stream.linear.gather [hbm4b:s15+s3], $0x100, $0x38;
	[tilespmem:$0x1E200] =	vst v63  }
0x1f: {  	_ =	swait.ge [sflag:s16], $0x100  }
0x20: {  	[sflag:s16] =	ssyncset.done $0x0  }
0x21: {  	[sflag:s16] =	ssyncadd.s32 $0xFFFFFF00  }
0x22: {  	[tilespmem:s18], [sflag:$0x1] =	stream.indirect.gather [hbm4b:s4+s17], $0x80, s3, s17, $0xb8;
	[tilespmem:$0x1E200] =	vst v63  }
0x23: {  	s1 =	simm.s32 $0x0;
	s31 =	rddreg [dreg:$0x6]  }
0x24: {  	[tilespmem:s19], [sflag:$0x3] =	stream.linear.gather [hbm4b:s31+s3], $0x2800, $0x38;
	[tilespmem:$0x1E200] =	vst v63  }
.LBB2_2:
0x25: {  	s8 =	sshll.u32 s1, $0x1  }
0x26: {  	p0 =	seq.s32 s1, $0x0;
	s0 =	sor.u32 $0x1, s8  }
0x27: {  	s9 =	simm.s32 @!p0 $0x6;
	s11 =	sshll.u32 s0, $0x8  }
0x28: {  	_ =	swait.ge @!p0 [sflag:s9], $0x2800;
	s11 =	sadd.s32 s7, s11  }
0x29: {  	[sflag:s9] =	ssyncset.done @!p0 $0x0;
	s11 =	sshrl.u32 s11, $0x3  }
0x2a: {  	s0 =	smul.u32 $0x50, s0;
	[sflag:s9] =	ssyncadd.s32 @!p0 $0xFFFFD800;
	s14 =	sadd.s32 s6, s11  }
0x2b: {  	[tilespmem:s20], [sflag:$0x7] =	stream.linear.gather [hbm4b:s14+s3], $0x100, $0x38;
	[tilespmem:$0x1E200] =	vst v63  }
0x2c: {  	_ =	swait.ge [sflag:s16], $0x100  }
0x2d: {  	s0 =	sadd.s32 s10, s0;
	[sflag:s16] =	ssyncset.done $0x0  }
0x2e: {  	s0 =	sshll.u32 s0, $0x4;
	[sflag:s16] =	ssyncadd.s32 $0xFFFFFF00  }
0x2f: {  	[tilespmem:s21], [sflag:$0x2] =	stream.indirect.gather [hbm4b:s4+s17], $0x80, s20, s17, $0xb8;
	[tilespmem:$0x1E200] =	vst v63  }
0x30: {  	s0 =	sadd.s32 s5, s0  }
0x31: {  	[tilespmem:s22], [sflag:$0x4] =	stream.linear.gather [hbm4b:s0+s3], $0x2800, $0x38;
	[tilespmem:$0x1E200] =	vst v63  }
0x32: {  	_ =	swait.ge [sflag:s23], $0x2800  }
0x33: {  	[sflag:s23] =	ssyncset.done $0x0  }
0x34: {  	[sflag:s23] =	ssyncadd.s32 $0xFFFFD800  }
0x35: {  	_ =	swait.ge [sflag:s24], $0x2800  }
0x36: {  	[sflag:s24] =	ssyncset.done $0x0  }
0x37: {  	s11 =	simm.s32 $0x280;
	[sflag:s24] =	ssyncadd.s32 $0xFFFFD800  }
0x38: {  	s15 =	simm.s32 $0x5280;
	v0 =	vld [tilespmem:s11+$0x0]  }
0x39: {  	v1 =	vld [tilespmem:s15+$0x0];
	_ =	sdelay $0x3  }
0x3a: {  	v2 =	vld [tilespmem:s11+$0xFFFFFF80]  }
0x3b: {  	v0 =	vmul.f32 v1, v0;
	v1 =	vld [tilespmem:s15+$0xFFFFFF80];
	_ =	sdelay $0x1  }
0x3c: {  	[tilespmem:s11+$0x0] =	vst v0;
	v0 =	vld [tilespmem:s11+$0x10]  }
0x3d: {  	v3 =	vld [tilespmem:s15+$0x10];
	_ =	sdelay $0x1  }
0x3e: {  	v1 =	vmul.f32 v1, v2;
	_ =	sdelay $0x1  }
0x3f: {  	v4 =	vld [tilespmem:s11+$0xFFFFFF90];
	[tilespmem:s11+$0xFFFFFF80] =	vst v1  }
0x40: {  	v0 =	vmul.f32 v3, v0;
	v1 =	vld [tilespmem:s15+$0xFFFFFF90];
	_ =	sdelay $0x1  }
0x41: {  	[tilespmem:s11+$0x10] =	vst v0;
	v0 =	vld [tilespmem:s11+$0x20]  }
0x42: {  	v3 =	vld [tilespmem:s15+$0x20]  }
0x43: {  	v5 =	vld [tilespmem:s11+$0xFFFFFFB0]  }
0x44: {  	s12 =	simm.s32 $0x380;
	v6 =	vld [tilespmem:s11+$0xFFFFFFD0];
	v1 =	vmul.f32 v1, v4  }
0x45: {  	v7 =	vld [tilespmem:s12+$0x0]  }
0x46: {  	v2 =	vld [tilespmem:s11+$0xFFFFFFA0];
	[tilespmem:s11+$0xFFFFFF90] =	vst v1  }
0x47: {  	v0 =	vmul.f32 v3, v0;
	v1 =	vld [tilespmem:s15+$0xFFFFFFA0]  }
0x48: {  	v8 =	vld [tilespmem:s11+$0xFFFFFFE0]  }
0x49: {  	[tilespmem:s11+$0x20] =	vst v0;
	v0 =	vld [tilespmem:s11+$0x30]  }
0x4a: {  	s13 =	simm.s32 $0x5380;
	v3 =	vld [tilespmem:s15+$0x30]  }
0x4b: {  	v10 =	vld [tilespmem:s13+$0xFFFFFF80]  }
0x4c: {  	v1 =	vmul.f32 v1, v2;
	v2 =	vld [tilespmem:s13+$0x0]  }
0x4d: {  	v12 =	vld [tilespmem:s12+$0xFFFFFF90]  }
0x4e: {  	s31 =	simm.s32 $0x5480;
	v13 =	vld [tilespmem:s12+$0xFFFFFFD0]  }
0x4f: {  	v15 =	vld [tilespmem:s31+$0xFFFFFF80];
	v0 =	vmul.f32 v3, v0  }
0x50: {  	[tilespmem:s11+$0xFFFFFFA0] =	vst v1;
	v1 =	vld [tilespmem:s11+$0x40]  }
0x51: {  	[tilespmem:s11+$0x30] =	vst v0;
	v2 =	vmul.f32 v2, v7;
	v7 =	vld [tilespmem:s12+$0xFFFFFF80]  }
0x52: {  	s14 =	simm.s32 $0x480;
	v9 =	vld [tilespmem:s15+$0x40]  }
0x53: {  	v16 =	vld [tilespmem:s14+$0xFFFFFF80]  }
0x54: {  	v3 =	vld [tilespmem:s15+$0xFFFFFFB0]  }
0x55: {  	v17 =	vld [tilespmem:s12+$0x50]  }
0x56: {  	[tilespmem:s12+$0x0] =	vst v2;
	v2 =	vld [tilespmem:s12+$0x10];
	v7 =	vmul.f32 v10, v7  }
0x57: {  	v11 =	vld [tilespmem:s13+$0x10];
	v1 =	vmul.f32 v9, v1  }
0x58: {  	v9 =	vld [tilespmem:s11+$0x50];
	[tilespmem:s12+$0xFFFFFF80] =	vst v7  }
0x59: {  	[tilespmem:s11+$0x40] =	vst v1;
	v1 =	vmul.f32 v3, v5;
	v5 =	vld [tilespmem:s13+$0xFFFFFF90]  }
0x5a: {  	v3 =	vld [tilespmem:s15+$0x50]  }
0x5b: {  	v60 =	vld [tilespmem:s14+$0xFFFFFFA0]  }
0x5c: {  	v4 =	vld [tilespmem:s11+$0xFFFFFFC0];
	v2 =	vmul.f32 v11, v2;
	[tilespmem:s11+$0xFFFFFFB0] =	vst v1  }
0x5d: {  	v1 =	vld [tilespmem:s15+$0xFFFFFFC0]  }
0x5e: {  	[tilespmem:s12+$0x10] =	vst v2;
	v2 =	vld [tilespmem:s12+$0x20]  }
0x5f: {  	v5 =	vmul.f32 v5, v12;
	v3 =	vmul.f32 v3, v9;
	v9 =	vld [tilespmem:s13+$0x20]  }
0x60: {  	v18 =	vld [tilespmem:s12+$0x60];
	v15 =	vmul.f32 v15, v16  }
0x61: {  	v10 =	vld [tilespmem:s12+$0xFFFFFFA0];
	[tilespmem:s12+$0xFFFFFF90] =	vst v5  }
0x62: {  	[tilespmem:s14+$0xFFFFFF80] =	vst v15;
	v1 =	vmul.f32 v1, v4;
	v4 =	vld [tilespmem:s13+$0xFFFFFFA0]  }
0x63: {  	v15 =	vld [tilespmem:s31+$0xFFFFFF90]  }
0x64: {  	v0 =	vld [tilespmem:s11+$0xFFFFFFF0];
	[tilespmem:s11+$0xFFFFFFC0] =	vst v1;
	v1 =	vmul.f32 v9, v2  }
0x65: {  	v7 =	vld [tilespmem:s12+$0xFFFFFFB0]  }
0x66: {  	v5 =	vld [tilespmem:s12+$0x30];
	[tilespmem:s12+$0x20] =	vst v1  }
0x67: {  	v4 =	vmul.f32 v4, v10;
	v10 =	vld [tilespmem:s13+$0x30]  }
0x68: {  	v2 =	vld [tilespmem:s15+$0xFFFFFFD0]  }
0x69: {  	v11 =	vld [tilespmem:s11+$0x60]  }
0x6a: {  	v12 =	vld [tilespmem:s12+$0xFFFFFFC0];
	[tilespmem:s11+$0x50] =	vst v3  }
0x6b: {  	v3 =	vld [tilespmem:s15+$0x60]  }
0x6c: {  	[tilespmem:s12+$0xFFFFFFA0] =	vst v4;
	v4 =	vld [tilespmem:s14+$0x0];
	v5 =	vmul.f32 v10, v5  }
0x6d: {  	v2 =	vmul.f32 v2, v6;
	v6 =	vld [tilespmem:s31+$0x0]  }
0x6e: {  	v10 =	vld [tilespmem:s12+$0x40];
	[tilespmem:s12+$0x30] =	vst v5  }
0x6f: {  	v5 =	vld [tilespmem:s13+$0x40]  }
0x70: {  	v9 =	vld [tilespmem:s11+$0x70];
	v3 =	vmul.f32 v3, v11  }
0x71: {  	v1 =	vld [tilespmem:s12+$0xFFFFFFE0]  }
0x72: {  	[tilespmem:s11+$0x60] =	vst v3;
	v3 =	vld [tilespmem:s13+$0xFFFFFFB0];
	v4 =	vmul.f32 v6, v4  }
0x73: {  	v6 =	vld [tilespmem:s14+$0xFFFFFF90]  }
0x74: {  	[tilespmem:s14+$0x0] =	vst v4;
	v4 =	vld [tilespmem:s14+$0x10];
	v5 =	vmul.f32 v5, v10  }
0x75: {  	v10 =	vld [tilespmem:s31+$0x10]  }
0x76: {  	v11 =	vld [tilespmem:s15+$0x70];
	[tilespmem:s12+$0x40] =	vst v5  }
0x77: {  	v3 =	vmul.f32 v3, v7;
	v7 =	vld [tilespmem:s13+$0x50]  }
0x78: {  	[tilespmem:s11+$0xFFFFFFD0] =	vst v2;
	v2 =	vld [tilespmem:s12+$0xFFFFFFF0]  }
0x79: {  	v14 =	vld [tilespmem:s15+$0xFFFFFFE0];
	[tilespmem:s12+$0xFFFFFFB0] =	vst v3;
	v6 =	vmul.f32 v15, v6  }
0x7a: {  	v3 =	vmul.f32 v10, v4;
	v10 =	vld [tilespmem:s13+$0xFFFFFFC0]  }
0x7b: {  	[tilespmem:s14+$0xFFFFFF90] =	vst v6;
	v6 =	vld [tilespmem:s14+$0xFFFFFFE0]  }
0x7c: {  	v5 =	vld [tilespmem:s14+$0xFFFFFFB0];
	[tilespmem:s14+$0x10] =	vst v3;
	v3 =	vmul.f32 v7, v17  }
0x7d: {  	v7 =	vld [tilespmem:s14+$0x20]  }
0x7e: {  	v15 =	vld [tilespmem:s31+$0x20];
	[tilespmem:s12+$0x50] =	vst v3  }
0x7f: {  	v10 =	vmul.f32 v10, v12;
	v12 =	vld [tilespmem:s13+$0x60]  }
0x80: {  	v61 =	vld [tilespmem:s31+$0xFFFFFFA0]  }
0x81: {  	v4 =	vld [tilespmem:s14+$0xFFFFFFC0];
	[tilespmem:s12+$0xFFFFFFC0] =	vst v10  }
0x82: {  	v10 =	vld [tilespmem:s13+$0xFFFFFFD0]  }
0x83: {  	v3 =	vld [tilespmem:s14+$0xFFFFFFD0];
	v7 =	vmul.f32 v15, v7  }
0x84: {  	v15 =	vld [tilespmem:s12+$0x70];
	v12 =	vmul.f32 v12, v18  }
0x85: {  	[tilespmem:s14+$0x20] =	vst v7;
	v7 =	vmul.f32 v14, v8;
	v14 =	vld [tilespmem:s14+$0x30]  }
0x86: {  	v8 =	vmul.f32 v61, v60;
	v62 =	vld [tilespmem:s31+$0x30];
	[tilespmem:s12+$0x60] =	vst v12  }
0x87: {  	[tilespmem:s11+$0xFFFFFFE0] =	vst v7;
	v7 =	vmul.f32 v10, v13;
	v63 =	vld [tilespmem:s13+$0x70]  }
0x88: {  	[tilespmem:s14+$0xFFFFFFA0] =	vst v8;
	v8 =	vld [tilespmem:s15+$0xFFFFFFF0]  }
0x89: {  	v12 =	vld [tilespmem:s31+$0xFFFFFFB0];
	[tilespmem:s12+$0xFFFFFFD0] =	vst v7  }
0x8a: {  	v10 =	vmul.f32 v11, v9;
	v9 =	vld [tilespmem:s13+$0xFFFFFFE0]  }
0x8b: {  	v7 =	vld [tilespmem:s14+$0xFFFFFFF0];
	v13 =	vmul.f32 v62, v14  }
0x8c: {  	s9 =	simm.s32 $0x5480;
	s0 =	simm.s32 $0x580;
	s15 =	simm.s32 $0x4;
	[tilespmem:s11+$0x70] =	vst v10;
	v10 =	vld [tilespmem:s14+$0x40];
	v11 =	vmul.f32 v63, v15  }
.LBB2_3:
0x8d: {  	v14 =	vld [tilespmem:s0+$0x0];
	[tilespmem:s14+$0x30] =	vst v13;
	s31 =	sadd.s32 $0x100, s31;
	v8 =	vmul.f32 v8, v0;
	v0 =	vmov v2  }
0x8e: {  	v13 =	vld [tilespmem:s31+$0x0];
	v12 =	vmul.f32 v12, v5;
	[tilespmem:s12+$0x70] =	vst v11  }
0x8f: {  	s15 =	sadd.s32 $0x2, s15;
	v5 =	vld [tilespmem:s9+$0x40];
	v9 =	vmul.f32 v9, v1;
	[tilespmem:s11+$0xFFFFFFF0] =	vst v8;
	v1 =	vmov v6;
	s11 =	smov.u32 s12;
	s12 =	smov.u32 s14  }
0x90: {  	p0 =	slt.u32 s15, $0x4E;
	s14 =	smov.u32 s0;
	v6 =	vld [tilespmem:s31+$0xFFFFFF80];
	[tilespmem:s12+$0xFFFFFFB0] =	vst v12;
	v2 =	vmov v7  }
0x91: {  	v7 =	vld [tilespmem:s0+$0xFFFFFF80];
	[tilespmem:s11+$0xFFFFFFE0] =	vst v9  }
0x92: {  	v8 =	vld [tilespmem:s0+$0xFFFFFF90]  }
0x93: {  	v9 =	vld [tilespmem:s0+$0xFFFFFFA0];
	v11 =	vmul.f32 v13, v14  }
0x94: {  	v5 =	vmul.f32 v5, v10;
	v10 =	vld [tilespmem:s12+$0x50]  }
0x95: {  	[tilespmem:s0+$0x0] =	vst v11;
	v11 =	vld [tilespmem:s0+$0x10]  }
0x96: {  	v6 =	vmul.f32 v6, v7;
	v7 =	vld [tilespmem:s31+$0x10];
	[tilespmem:s12+$0x40] =	vst v5  }
0x97: {  	v12 =	vld [tilespmem:s9+$0x50]  }
0x98: {  	[tilespmem:s0+$0xFFFFFF80] =	vst v6;
	v5 =	vld [tilespmem:s0+$0xFFFFFFB0]  }
0x99: {  	v6 =	vld [tilespmem:s31+$0xFFFFFF90]  }
0x9a: {  	v13 =	vld [tilespmem:s9+$0xFFFFFFC0]  }
0x9b: {  	v14 =	vld [tilespmem:s0+$0xFFFFFFC0];
	v7 =	vmul.f32 v7, v11  }
0x9c: {  	v10 =	vmul.f32 v12, v10;
	v11 =	vld [tilespmem:s12+$0x60]  }
0x9d: {  	[tilespmem:s0+$0x10] =	vst v7;
	v7 =	vld [tilespmem:s0+$0x20]  }
0x9e: {  	v6 =	vmul.f32 v6, v8;
	v8 =	vld [tilespmem:s31+$0x20];
	[tilespmem:s12+$0x50] =	vst v10  }
0x9f: {  	v10 =	vmul.f32 v13, v4;
	v12 =	vld [tilespmem:s9+$0x60]  }
0xa0: {  	[tilespmem:s0+$0xFFFFFF90] =	vst v6;
	v13 =	vld [tilespmem:s0+$0xFFFFFFD0];
	v4 =	vmov v14  }
0xa1: {  	v14 =	vld [tilespmem:s31+$0xFFFFFFA0];
	[tilespmem:s12+$0xFFFFFFC0] =	vst v10  }
0xa2: {  	v10 =	vld [tilespmem:s9+$0xFFFFFFD0]  }
0xa3: {  	v6 =	vld [tilespmem:s0+$0xFFFFFFE0];
	v7 =	vmul.f32 v8, v7  }
0xa4: {  	v8 =	vmul.f32 v12, v11;
	v11 =	vld [tilespmem:s12+$0x70]  }
0xa5: {  	[tilespmem:s0+$0x20] =	vst v7;
	v15 =	vld [tilespmem:s0+$0x30]  }
0xa6: {  	v7 =	vmul.f32 v14, v9;
	v14 =	vld [tilespmem:s31+$0x30];
	[tilespmem:s12+$0x60] =	vst v8  }
0xa7: {  	v9 =	vmul.f32 v10, v3;
	v16 =	vld [tilespmem:s9+$0x70];
	v3 =	vmov v13  }
.Ltmp0:
0xa8: {  	[tilespmem:s0+$0xFFFFFFA0] =	vst v7;
	v8 =	vld [tilespmem:s13+$0xFFFFFFF0];
	s13 =	smov.u32 s9;
	s9 =	smov.u32 s31;
	(pc) =	sbr.rel @p0 .LBB2_3-.Ltmp0, $4  }
0xa9: {  	v12 =	vld [tilespmem:s31+$0xFFFFFFB0];
	[tilespmem:s12+$0xFFFFFFD0] =	vst v9  }
0xaa: {  	v9 =	vld [tilespmem:s13+$0xFFFFFFE0]  }
0xab: {  	v7 =	vld [tilespmem:s0+$0xFFFFFFF0];
	v13 =	vmul.f32 v14, v15  }
0xac: {  	s0 =	sadd.s32 $0x100, s0;
	v10 =	vld [tilespmem:s14+$0x40];
	v11 =	vmul.f32 v16, v11  }
0xad: {  	_ = 	snop  }
0xae: {  	[tilespmem:s14+$0x30] =	vst v13;
	v5 =	vmul.f32 v12, v5  }
0xaf: {  	v12 =	vld [tilespmem:s9+$0x40]  }
0xb0: {  	[tilespmem:s14+$0xFFFFFFB0] =	vst v5  }
0xb1: {  	v5 =	vld [tilespmem:s9+$0xFFFFFFC0];
	_ =	sdelay $0x2  }
0xb2: {  	v10 =	vmul.f32 v12, v10;
	_ =	sdelay $0x1  }
0xb3: {  	v12 =	vld [tilespmem:s14+$0x50];
	[tilespmem:s14+$0x40] =	vst v10;
	v4 =	vmul.f32 v5, v4  }
0xb4: {  	v5 =	vld [tilespmem:s9+$0x50]  }
0xb5: {  	[tilespmem:s14+$0xFFFFFFC0] =	vst v4  }
0xb6: {  	v4 =	vld [tilespmem:s9+$0xFFFFFFD0];
	_ =	sdelay $0x2  }
0xb7: {  	v5 =	vmul.f32 v5, v12;
	_ =	sdelay $0x1  }
0xb8: {  	v10 =	vld [tilespmem:s14+$0x60];
	[tilespmem:s14+$0x50] =	vst v5;
	v3 =	vmul.f32 v4, v3  }
0xb9: {  	v4 =	vld [tilespmem:s9+$0x60]  }
0xba: {  	[tilespmem:s14+$0xFFFFFFD0] =	vst v3  }
0xbb: {  	v3 =	vld [tilespmem:s9+$0xFFFFFFE0];
	_ =	sdelay $0x2  }
0xbc: {  	v4 =	vmul.f32 v4, v10  }
0xbd: {  	v1 =	vmul.f32 v9, v1  }
0xbe: {  	v5 =	vld [tilespmem:s14+$0x70];
	[tilespmem:s14+$0x60] =	vst v4;
	v3 =	vmul.f32 v3, v6  }
0xbf: {  	[tilespmem:s12+$0xFFFFFFE0] =	vst v1;
	v1 =	vld [tilespmem:s9+$0x70]  }
0xc0: {  	v4 =	vld [tilespmem:s13+$0xFFFFFFF0];
	[tilespmem:s14+$0xFFFFFFE0] =	vst v3  }
0xc1: {  	v3 =	vld [tilespmem:s9+$0xFFFFFFF0];
	_ =	sdelay $0x1  }
0xc2: {  	v0 =	vmul.f32 v8, v0  }
0xc3: {  	[tilespmem:s12+$0x70] =	vst v11;
	v1 =	vmul.f32 v1, v5  }
0xc4: {  	[tilespmem:s11+$0xFFFFFFF0] =	vst v0;
	v0 =	vmul.f32 v4, v2  }
0xc5: {  	[tilespmem:s14+$0x70] =	vst v1;
	v1 =	vmul.f32 v3, v7  }
0xc6: {  	s0 =	sadd.s32 $0x2, s8;
	[tilespmem:s12+$0xFFFFFFF0] =	vst v0  }
0xc7: {  	s8 =	sshll.u32 s0, $0x8;
	[tilespmem:s14+$0xFFFFFFF0] =	vst v1  }
0xc8: {  	[spmem:s2] =	stream.indirect.scatter.add.f32 [tilespmem:s18], [sflag:$0x5], $0x80, s25, s17, $0xb8;
	[tilespmem:$0x1E200] =	vst v63  }
0xc9: {  	s8 =	sadd.s32 s7, s8;
	_ =	swait.ge [sflag:s26], $0x2800  }
0xca: {  	s8 =	sshrl.u32 s8, $0x3;
	[sflag:s26] =	ssyncset.done $0x0  }
0xcb: {  	s0 =	smul.u32 $0x50, s0;
	s8 =	sadd.s32 s6, s8;
	[sflag:s26] =	ssyncadd.s32 $0xFFFFD800  }
0xcc: {  	[tilespmem:s3], [sflag:$0x7] =	stream.linear.gather [hbm4b:s8+s3], $0x100, $0x38;
	[tilespmem:$0x1E200] =	vst v63  }
0xcd: {  	_ =	swait.ge [sflag:s16], $0x100  }
0xce: {  	s0 =	sadd.s32 s10, s0;
	[sflag:s16] =	ssyncset.done $0x0  }
0xcf: {  	s0 =	sshll.u32 s0, $0x4;
	[sflag:s16] =	ssyncadd.s32 $0xFFFFFF00  }
0xd0: {  	[tilespmem:s18], [sflag:$0x1] =	stream.indirect.gather [hbm4b:s4+s17], $0x80, s3, s17, $0xb8;
	[tilespmem:$0x1E200] =	vst v63  }
0xd1: {  	s0 =	sadd.s32 s5, s0  }
0xd2: {  	[tilespmem:s19], [sflag:$0x3] =	stream.linear.gather [hbm4b:s0+s3], $0x2800, $0x38;
	[tilespmem:$0x1E200] =	vst v63  }
0xd3: {  	_ =	swait.ge [sflag:s28], $0x2800  }
0xd4: {  	[sflag:s28] =	ssyncset.done $0x0  }
0xd5: {  	[sflag:s28] =	ssyncadd.s32 $0xFFFFD800  }
0xd6: {  	_ =	swait.ge [sflag:s29], $0x2800  }
0xd7: {  	[sflag:s29] =	ssyncset.done $0x0  }
0xd8: {  	s8 =	simm.s32 $0x2A80;
	[sflag:s29] =	ssyncadd.s32 $0xFFFFD800  }
0xd9: {  	s31 =	simm.s32 $0x7A80;
	v0 =	vld [tilespmem:s8+$0x0]  }
0xda: {  	v1 =	vld [tilespmem:s31+$0x0];
	_ =	sdelay $0x3  }
0xdb: {  	v2 =	vld [tilespmem:s8+$0xFFFFFF80]  }
0xdc: {  	v0 =	vmul.f32 v1, v0;
	v1 =	vld [tilespmem:s31+$0xFFFFFF80];
	_ =	sdelay $0x1  }
0xdd: {  	[tilespmem:s8+$0x0] =	vst v0;
	v0 =	vld [tilespmem:s8+$0x10]  }
0xde: {  	v3 =	vld [tilespmem:s31+$0x10];
	_ =	sdelay $0x1  }
0xdf: {  	v1 =	vmul.f32 v1, v2;
	_ =	sdelay $0x1  }
0xe0: {  	v4 =	vld [tilespmem:s8+$0xFFFFFF90];
	[tilespmem:s8+$0xFFFFFF80] =	vst v1  }
0xe1: {  	v0 =	vmul.f32 v3, v0;
	v1 =	vld [tilespmem:s31+$0xFFFFFF90];
	_ =	sdelay $0x1  }
0xe2: {  	[tilespmem:s8+$0x10] =	vst v0;
	v0 =	vld [tilespmem:s8+$0x20]  }
0xe3: {  	v3 =	vld [tilespmem:s31+$0x20]  }
0xe4: {  	v5 =	vld [tilespmem:s8+$0xFFFFFFB0]  }
0xe5: {  	s11 =	simm.s32 $0x2B80;
	v6 =	vld [tilespmem:s8+$0xFFFFFFD0];
	v1 =	vmul.f32 v1, v4  }
0xe6: {  	v7 =	vld [tilespmem:s11+$0x0]  }
0xe7: {  	v2 =	vld [tilespmem:s8+$0xFFFFFFA0];
	[tilespmem:s8+$0xFFFFFF90] =	vst v1  }
0xe8: {  	v0 =	vmul.f32 v3, v0;
	v1 =	vld [tilespmem:s31+$0xFFFFFFA0]  }
0xe9: {  	v8 =	vld [tilespmem:s8+$0xFFFFFFE0]  }
0xea: {  	[tilespmem:s8+$0x20] =	vst v0;
	v0 =	vld [tilespmem:s8+$0x30]  }
0xeb: {  	s12 =	simm.s32 $0x7B80;
	v3 =	vld [tilespmem:s31+$0x30]  }
0xec: {  	v10 =	vld [tilespmem:s12+$0xFFFFFF80]  }
0xed: {  	v1 =	vmul.f32 v1, v2;
	v2 =	vld [tilespmem:s12+$0x0]  }
0xee: {  	v12 =	vld [tilespmem:s11+$0xFFFFFF90]  }
0xef: {  	s14 =	simm.s32 $0x7C80;
	v13 =	vld [tilespmem:s11+$0xFFFFFFD0]  }
0xf0: {  	v15 =	vld [tilespmem:s14+$0xFFFFFF80];
	v0 =	vmul.f32 v3, v0  }
0xf1: {  	[tilespmem:s8+$0xFFFFFFA0] =	vst v1;
	v1 =	vld [tilespmem:s8+$0x40]  }
0xf2: {  	[tilespmem:s8+$0x30] =	vst v0;
	v2 =	vmul.f32 v2, v7;
	v7 =	vld [tilespmem:s11+$0xFFFFFF80]  }
0xf3: {  	s13 =	simm.s32 $0x2C80;
	v9 =	vld [tilespmem:s31+$0x40]  }
0xf4: {  	v16 =	vld [tilespmem:s13+$0xFFFFFF80]  }
0xf5: {  	v3 =	vld [tilespmem:s31+$0xFFFFFFB0]  }
0xf6: {  	v17 =	vld [tilespmem:s11+$0x50]  }
0xf7: {  	[tilespmem:s11+$0x0] =	vst v2;
	v2 =	vld [tilespmem:s11+$0x10];
	v7 =	vmul.f32 v10, v7  }
0xf8: {  	v11 =	vld [tilespmem:s12+$0x10];
	v1 =	vmul.f32 v9, v1  }
0xf9: {  	v9 =	vld [tilespmem:s8+$0x50];
	[tilespmem:s11+$0xFFFFFF80] =	vst v7  }
0xfa: {  	[tilespmem:s8+$0x40] =	vst v1;
	v1 =	vmul.f32 v3, v5;
	v5 =	vld [tilespmem:s12+$0xFFFFFF90]  }
0xfb: {  	v3 =	vld [tilespmem:s31+$0x50]  }
0xfc: {  	v60 =	vld [tilespmem:s13+$0xFFFFFFA0]  }
0xfd: {  	v4 =	vld [tilespmem:s8+$0xFFFFFFC0];
	v2 =	vmul.f32 v11, v2;
	[tilespmem:s8+$0xFFFFFFB0] =	vst v1  }
0xfe: {  	v1 =	vld [tilespmem:s31+$0xFFFFFFC0]  }
0xff: {  	[tilespmem:s11+$0x10] =	vst v2;
	v2 =	vld [tilespmem:s11+$0x20]  }
0x100: {  	v5 =	vmul.f32 v5, v12;
	v3 =	vmul.f32 v3, v9;
	v9 =	vld [tilespmem:s12+$0x20]  }
0x101: {  	v18 =	vld [tilespmem:s11+$0x60];
	v15 =	vmul.f32 v15, v16  }
0x102: {  	v10 =	vld [tilespmem:s11+$0xFFFFFFA0];
	[tilespmem:s11+$0xFFFFFF90] =	vst v5  }
0x103: {  	[tilespmem:s13+$0xFFFFFF80] =	vst v15;
	v1 =	vmul.f32 v1, v4;
	v4 =	vld [tilespmem:s12+$0xFFFFFFA0]  }
0x104: {  	v15 =	vld [tilespmem:s14+$0xFFFFFF90]  }
0x105: {  	v0 =	vld [tilespmem:s8+$0xFFFFFFF0];
	[tilespmem:s8+$0xFFFFFFC0] =	vst v1;
	v1 =	vmul.f32 v9, v2  }
0x106: {  	v7 =	vld [tilespmem:s11+$0xFFFFFFB0]  }
0x107: {  	v5 =	vld [tilespmem:s11+$0x30];
	[tilespmem:s11+$0x20] =	vst v1  }
0x108: {  	v4 =	vmul.f32 v4, v10;
	v10 =	vld [tilespmem:s12+$0x30]  }
0x109: {  	v2 =	vld [tilespmem:s31+$0xFFFFFFD0]  }
0x10a: {  	v11 =	vld [tilespmem:s8+$0x60]  }
0x10b: {  	v12 =	vld [tilespmem:s11+$0xFFFFFFC0];
	[tilespmem:s8+$0x50] =	vst v3  }
0x10c: {  	v3 =	vld [tilespmem:s31+$0x60]  }
0x10d: {  	[tilespmem:s11+$0xFFFFFFA0] =	vst v4;
	v4 =	vld [tilespmem:s13+$0x0];
	v5 =	vmul.f32 v10, v5  }
0x10e: {  	v2 =	vmul.f32 v2, v6;
	v6 =	vld [tilespmem:s14+$0x0]  }
0x10f: {  	v10 =	vld [tilespmem:s11+$0x40];
	[tilespmem:s11+$0x30] =	vst v5  }
0x110: {  	v5 =	vld [tilespmem:s12+$0x40]  }
0x111: {  	v9 =	vld [tilespmem:s8+$0x70];
	v3 =	vmul.f32 v3, v11  }
0x112: {  	v1 =	vld [tilespmem:s11+$0xFFFFFFE0]  }
0x113: {  	[tilespmem:s8+$0x60] =	vst v3;
	v3 =	vld [tilespmem:s12+$0xFFFFFFB0];
	v4 =	vmul.f32 v6, v4  }
0x114: {  	v6 =	vld [tilespmem:s13+$0xFFFFFF90]  }
0x115: {  	[tilespmem:s13+$0x0] =	vst v4;
	v4 =	vld [tilespmem:s13+$0x10];
	v5 =	vmul.f32 v5, v10  }
0x116: {  	v10 =	vld [tilespmem:s14+$0x10]  }
0x117: {  	v11 =	vld [tilespmem:s31+$0x70];
	[tilespmem:s11+$0x40] =	vst v5  }
0x118: {  	v3 =	vmul.f32 v3, v7;
	v7 =	vld [tilespmem:s12+$0x50]  }
0x119: {  	[tilespmem:s8+$0xFFFFFFD0] =	vst v2;
	v2 =	vld [tilespmem:s11+$0xFFFFFFF0]  }
0x11a: {  	v14 =	vld [tilespmem:s31+$0xFFFFFFE0];
	[tilespmem:s11+$0xFFFFFFB0] =	vst v3;
	v6 =	vmul.f32 v15, v6  }
0x11b: {  	v3 =	vmul.f32 v10, v4;
	v10 =	vld [tilespmem:s12+$0xFFFFFFC0]  }
0x11c: {  	[tilespmem:s13+$0xFFFFFF90] =	vst v6;
	v6 =	vld [tilespmem:s13+$0xFFFFFFE0]  }
0x11d: {  	v5 =	vld [tilespmem:s13+$0xFFFFFFB0];
	[tilespmem:s13+$0x10] =	vst v3;
	v3 =	vmul.f32 v7, v17  }
0x11e: {  	v7 =	vld [tilespmem:s13+$0x20]  }
0x11f: {  	v15 =	vld [tilespmem:s14+$0x20];
	[tilespmem:s11+$0x50] =	vst v3  }
0x120: {  	v10 =	vmul.f32 v10, v12;
	v12 =	vld [tilespmem:s12+$0x60]  }
0x121: {  	v61 =	vld [tilespmem:s14+$0xFFFFFFA0]  }
0x122: {  	v4 =	vld [tilespmem:s13+$0xFFFFFFC0];
	[tilespmem:s11+$0xFFFFFFC0] =	vst v10  }
0x123: {  	v10 =	vld [tilespmem:s12+$0xFFFFFFD0]  }
0x124: {  	v3 =	vld [tilespmem:s13+$0xFFFFFFD0];
	v7 =	vmul.f32 v15, v7  }
0x125: {  	v15 =	vld [tilespmem:s11+$0x70];
	v12 =	vmul.f32 v12, v18  }
0x126: {  	[tilespmem:s13+$0x20] =	vst v7;
	v7 =	vmul.f32 v14, v8;
	v14 =	vld [tilespmem:s13+$0x30]  }
0x127: {  	v8 =	vmul.f32 v61, v60;
	v62 =	vld [tilespmem:s14+$0x30];
	[tilespmem:s11+$0x60] =	vst v12  }
0x128: {  	[tilespmem:s8+$0xFFFFFFE0] =	vst v7;
	v7 =	vmul.f32 v10, v13;
	v63 =	vld [tilespmem:s12+$0x70]  }
0x129: {  	[tilespmem:s13+$0xFFFFFFA0] =	vst v8;
	v8 =	vld [tilespmem:s31+$0xFFFFFFF0]  }
0x12a: {  	v12 =	vld [tilespmem:s14+$0xFFFFFFB0];
	[tilespmem:s11+$0xFFFFFFD0] =	vst v7  }
0x12b: {  	v10 =	vmul.f32 v11, v9;
	v9 =	vld [tilespmem:s12+$0xFFFFFFE0]  }
0x12c: {  	v7 =	vld [tilespmem:s13+$0xFFFFFFF0];
	v13 =	vmul.f32 v62, v14  }
0x12d: {  	s15 =	simm.s32 $0x4;
	s9 =	simm.s32 $0x7C80;
	s0 =	simm.s32 $0x2D80;
	[tilespmem:s8+$0x70] =	vst v10;
	v10 =	vld [tilespmem:s13+$0x40];
	v11 =	vmul.f32 v63, v15  }
.LBB2_5:
0x12e: {  	v14 =	vld [tilespmem:s0+$0x0];
	[tilespmem:s13+$0x30] =	vst v13;
	s14 =	sadd.s32 $0x100, s14;
	v8 =	vmul.f32 v8, v0;
	v0 =	vmov v2  }
0x12f: {  	v13 =	vld [tilespmem:s14+$0x0];
	v12 =	vmul.f32 v12, v5;
	[tilespmem:s11+$0x70] =	vst v11  }
0x130: {  	s15 =	sadd.s32 $0x2, s15;
	v5 =	vld [tilespmem:s9+$0x40];
	v9 =	vmul.f32 v9, v1;
	[tilespmem:s8+$0xFFFFFFF0] =	vst v8;
	v1 =	vmov v6;
	s8 =	smov.u32 s11;
	s11 =	smov.u32 s13  }
0x131: {  	p0 =	slt.u32 s15, $0x4E;
	s13 =	smov.u32 s0;
	v6 =	vld [tilespmem:s14+$0xFFFFFF80];
	[tilespmem:s11+$0xFFFFFFB0] =	vst v12;
	v2 =	vmov v7  }
0x132: {  	v7 =	vld [tilespmem:s0+$0xFFFFFF80];
	[tilespmem:s8+$0xFFFFFFE0] =	vst v9  }
0x133: {  	v8 =	vld [tilespmem:s0+$0xFFFFFF90]  }
0x134: {  	v9 =	vld [tilespmem:s0+$0xFFFFFFA0];
	v11 =	vmul.f32 v13, v14  }
0x135: {  	v5 =	vmul.f32 v5, v10;
	v10 =	vld [tilespmem:s11+$0x50]  }
0x136: {  	[tilespmem:s0+$0x0] =	vst v11;
	v11 =	vld [tilespmem:s0+$0x10]  }
0x137: {  	v6 =	vmul.f32 v6, v7;
	v7 =	vld [tilespmem:s14+$0x10];
	[tilespmem:s11+$0x40] =	vst v5  }
0x138: {  	v12 =	vld [tilespmem:s9+$0x50]  }
0x139: {  	[tilespmem:s0+$0xFFFFFF80] =	vst v6;
	v5 =	vld [tilespmem:s0+$0xFFFFFFB0]  }
0x13a: {  	v6 =	vld [tilespmem:s14+$0xFFFFFF90]  }
0x13b: {  	v13 =	vld [tilespmem:s9+$0xFFFFFFC0]  }
0x13c: {  	v14 =	vld [tilespmem:s0+$0xFFFFFFC0];
	v7 =	vmul.f32 v7, v11  }
0x13d: {  	v10 =	vmul.f32 v12, v10;
	v11 =	vld [tilespmem:s11+$0x60]  }
0x13e: {  	[tilespmem:s0+$0x10] =	vst v7;
	v7 =	vld [tilespmem:s0+$0x20]  }
0x13f: {  	v6 =	vmul.f32 v6, v8;
	v8 =	vld [tilespmem:s14+$0x20];
	[tilespmem:s11+$0x50] =	vst v10  }
0x140: {  	v10 =	vmul.f32 v13, v4;
	v12 =	vld [tilespmem:s9+$0x60]  }
0x141: {  	[tilespmem:s0+$0xFFFFFF90] =	vst v6;
	v13 =	vld [tilespmem:s0+$0xFFFFFFD0];
	v4 =	vmov v14  }
0x142: {  	v14 =	vld [tilespmem:s14+$0xFFFFFFA0];
	[tilespmem:s11+$0xFFFFFFC0] =	vst v10  }
0x143: {  	v10 =	vld [tilespmem:s9+$0xFFFFFFD0]  }
0x144: {  	v6 =	vld [tilespmem:s0+$0xFFFFFFE0];
	v7 =	vmul.f32 v8, v7  }
0x145: {  	v8 =	vmul.f32 v12, v11;
	v11 =	vld [tilespmem:s11+$0x70]  }
0x146: {  	[tilespmem:s0+$0x20] =	vst v7;
	v15 =	vld [tilespmem:s0+$0x30]  }
0x147: {  	v7 =	vmul.f32 v14, v9;
	v14 =	vld [tilespmem:s14+$0x30];
	[tilespmem:s11+$0x60] =	vst v8  }
0x148: {  	v9 =	vmul.f32 v10, v3;
	v16 =	vld [tilespmem:s9+$0x70];
	v3 =	vmov v13  }
.Ltmp1:
0x149: {  	[tilespmem:s0+$0xFFFFFFA0] =	vst v7;
	v8 =	vld [tilespmem:s12+$0xFFFFFFF0];
	s12 =	smov.u32 s9;
	s9 =	smov.u32 s14;
	(pc) =	sbr.rel @p0 .LBB2_5-.Ltmp1, $4  }
0x14a: {  	v12 =	vld [tilespmem:s14+$0xFFFFFFB0];
	[tilespmem:s11+$0xFFFFFFD0] =	vst v9  }
0x14b: {  	v9 =	vld [tilespmem:s12+$0xFFFFFFE0]  }
0x14c: {  	v7 =	vld [tilespmem:s0+$0xFFFFFFF0];
	v13 =	vmul.f32 v14, v15  }
0x14d: {  	s0 =	sadd.s32 $0x100, s0;
	v10 =	vld [tilespmem:s13+$0x40];
	v11 =	vmul.f32 v16, v11  }
0x14e: {  	_ = 	snop  }
0x14f: {  	v5 =	vmul.f32 v12, v5  }
0x150: {  	[tilespmem:s13+$0x30] =	vst v13  }
0x151: {  	v54 =	vld [tilespmem:s9+$0x40];
	[tilespmem:s13+$0xFFFFFFB0] =	vst v5  }
0x152: {  	v5 =	vld [tilespmem:s9+$0xFFFFFFC0];
	_ =	sdelay $0x3  }
0x153: {  	v10 =	vmul.f32 v54, v10  }
0x154: {  	v4 =	vmul.f32 v5, v4  }
0x155: {  	v55 =	vld [tilespmem:s13+$0x50];
	[tilespmem:s13+$0x40] =	vst v10  }
0x156: {  	v56 =	vld [tilespmem:s9+$0x50];
	[tilespmem:s13+$0xFFFFFFC0] =	vst v4  }
0x157: {  	v4 =	vld [tilespmem:s9+$0xFFFFFFD0];
	_ =	sdelay $0x3  }
0x158: {  	v5 =	vmul.f32 v56, v55  }
0x159: {  	v3 =	vmul.f32 v4, v3  }
0x15a: {  	v57 =	vld [tilespmem:s13+$0x60];
	[tilespmem:s13+$0x50] =	vst v5  }
0x15b: {  	v58 =	vld [tilespmem:s9+$0x60];
	[tilespmem:s13+$0xFFFFFFD0] =	vst v3  }
0x15c: {  	v3 =	vld [tilespmem:s9+$0xFFFFFFE0];
	_ =	sdelay $0x2  }
0x15d: {  	v1 =	vmul.f32 v9, v1  }
0x15e: {  	v4 =	vmul.f32 v58, v57  }
0x15f: {  	v59 =	vld [tilespmem:s13+$0x70];
	[tilespmem:s11+$0xFFFFFFE0] =	vst v1;
	v3 =	vmul.f32 v3, v6  }
0x160: {  	v61 =	vld [tilespmem:s12+$0xFFFFFFF0];
	[tilespmem:s13+$0x60] =	vst v4  }
0x161: {  	v60 =	vld [tilespmem:s9+$0x70];
	[tilespmem:s13+$0xFFFFFFE0] =	vst v3  }
0x162: {  	v3 =	vld [tilespmem:s9+$0xFFFFFFF0];
	_ =	sdelay $0x1  }
0x163: {  	v0 =	vmul.f32 v8, v0;
	s1 =	sadd.s32 $0x1, s1  }
0x164: {  	[tilespmem:s11+$0x70] =	vst v11;
	p0 =	sne.s32 s1, $0x3E;
	v62 =	vmul.f32 v61, v2  }
.Ltmp2:
0x165: {  	[tilespmem:s8+$0xFFFFFFF0] =	vst v0;
	v1 =	vmul.f32 v60, v59;
	(pc) =	sbr.rel @p0 .LBB2_2-.Ltmp2, $4  }
0x166: {  	[tilespmem:s11+$0xFFFFFFF0] =	vst v62;
	v63 =	vmul.f32 v3, v7  }
0x167: {  	[tilespmem:s13+$0x70] =	vst v1  }
0x168: {  	[tilespmem:s13+$0xFFFFFFF0] =	vst v63  }
0x169: {  	[spmem:s2] =	stream.indirect.scatter.add.f32 [tilespmem:s21], [sflag:$0x6], $0x80, s30, s17, $0xb8;
	[tilespmem:$0x1E200] =	vst v63  }
0x16a: {  	_ =	swait.ge [sflag:s23], $0x2800  }
0x16b: {  	[sflag:s23] =	ssyncset.done $0x0  }
0x16c: {  	[sflag:s23] =	ssyncadd.s32 $0xFFFFD800  }
0x16d: {  	_ =	swait.ge [sflag:s24], $0x2800  }
0x16e: {  	[sflag:s24] =	ssyncset.done $0x0  }
0x16f: {  	s1 =	simm.s32 $0x280;
	[sflag:s24] =	ssyncadd.s32 $0xFFFFD800  }
0x170: {  	s9 =	simm.s32 $0x5280;
	v0 =	vld [tilespmem:s1+$0x0]  }
0x171: {  	v1 =	vld [tilespmem:s9+$0x0];
	_ =	sdelay $0x3  }
0x172: {  	v2 =	vld [tilespmem:s1+$0xFFFFFF80]  }
0x173: {  	v0 =	vmul.f32 v1, v0;
	v1 =	vld [tilespmem:s9+$0xFFFFFF80];
	_ =	sdelay $0x1  }
0x174: {  	[tilespmem:s1+$0x0] =	vst v0;
	v0 =	vld [tilespmem:s1+$0x10]  }
0x175: {  	v3 =	vld [tilespmem:s9+$0x10];
	_ =	sdelay $0x1  }
0x176: {  	v1 =	vmul.f32 v1, v2;
	_ =	sdelay $0x1  }
0x177: {  	v4 =	vld [tilespmem:s1+$0xFFFFFF90];
	[tilespmem:s1+$0xFFFFFF80] =	vst v1  }
0x178: {  	v0 =	vmul.f32 v3, v0;
	v1 =	vld [tilespmem:s9+$0xFFFFFF90];
	_ =	sdelay $0x1  }
0x179: {  	[tilespmem:s1+$0x10] =	vst v0;
	v0 =	vld [tilespmem:s1+$0x20]  }
0x17a: {  	v3 =	vld [tilespmem:s9+$0x20]  }
0x17b: {  	v5 =	vld [tilespmem:s1+$0xFFFFFFB0]  }
0x17c: {  	s8 =	simm.s32 $0x380;
	v6 =	vld [tilespmem:s1+$0xFFFFFFD0];
	v1 =	vmul.f32 v1, v4  }
0x17d: {  	v7 =	vld [tilespmem:s8+$0x0]  }
0x17e: {  	v2 =	vld [tilespmem:s1+$0xFFFFFFA0];
	[tilespmem:s1+$0xFFFFFF90] =	vst v1  }
0x17f: {  	v0 =	vmul.f32 v3, v0;
	v1 =	vld [tilespmem:s9+$0xFFFFFFA0]  }
0x180: {  	v8 =	vld [tilespmem:s1+$0xFFFFFFE0]  }
0x181: {  	[tilespmem:s1+$0x20] =	vst v0;
	v0 =	vld [tilespmem:s1+$0x30]  }
0x182: {  	s11 =	simm.s32 $0x5380;
	v3 =	vld [tilespmem:s9+$0x30]  }
0x183: {  	v10 =	vld [tilespmem:s11+$0xFFFFFF80]  }
0x184: {  	v1 =	vmul.f32 v1, v2;
	v2 =	vld [tilespmem:s11+$0x0]  }
0x185: {  	v12 =	vld [tilespmem:s8+$0xFFFFFF90]  }
0x186: {  	s13 =	simm.s32 $0x5480;
	v13 =	vld [tilespmem:s8+$0xFFFFFFD0]  }
0x187: {  	v15 =	vld [tilespmem:s13+$0xFFFFFF80];
	v0 =	vmul.f32 v3, v0  }
0x188: {  	[tilespmem:s1+$0xFFFFFFA0] =	vst v1;
	v1 =	vld [tilespmem:s1+$0x40]  }
0x189: {  	[tilespmem:s1+$0x30] =	vst v0;
	v2 =	vmul.f32 v2, v7;
	v7 =	vld [tilespmem:s8+$0xFFFFFF80]  }
0x18a: {  	s12 =	simm.s32 $0x480;
	v9 =	vld [tilespmem:s9+$0x40]  }
0x18b: {  	v16 =	vld [tilespmem:s12+$0xFFFFFF80]  }
0x18c: {  	v3 =	vld [tilespmem:s9+$0xFFFFFFB0]  }
0x18d: {  	v17 =	vld [tilespmem:s8+$0x50]  }
0x18e: {  	[tilespmem:s8+$0x0] =	vst v2;
	v2 =	vld [tilespmem:s8+$0x10];
	v7 =	vmul.f32 v10, v7  }
0x18f: {  	v11 =	vld [tilespmem:s11+$0x10];
	v1 =	vmul.f32 v9, v1  }
0x190: {  	v9 =	vld [tilespmem:s1+$0x50];
	[tilespmem:s8+$0xFFFFFF80] =	vst v7  }
0x191: {  	[tilespmem:s1+$0x40] =	vst v1;
	v1 =	vmul.f32 v3, v5;
	v5 =	vld [tilespmem:s11+$0xFFFFFF90]  }
0x192: {  	v3 =	vld [tilespmem:s9+$0x50]  }
0x193: {  	v60 =	vld [tilespmem:s12+$0xFFFFFFA0]  }
0x194: {  	v4 =	vld [tilespmem:s1+$0xFFFFFFC0];
	v2 =	vmul.f32 v11, v2;
	[tilespmem:s1+$0xFFFFFFB0] =	vst v1  }
0x195: {  	v1 =	vld [tilespmem:s9+$0xFFFFFFC0]  }
0x196: {  	[tilespmem:s8+$0x10] =	vst v2;
	v2 =	vld [tilespmem:s8+$0x20]  }
0x197: {  	v5 =	vmul.f32 v5, v12;
	v3 =	vmul.f32 v3, v9;
	v9 =	vld [tilespmem:s11+$0x20]  }
0x198: {  	v18 =	vld [tilespmem:s8+$0x60];
	v15 =	vmul.f32 v15, v16  }
0x199: {  	v10 =	vld [tilespmem:s8+$0xFFFFFFA0];
	[tilespmem:s8+$0xFFFFFF90] =	vst v5  }
0x19a: {  	[tilespmem:s12+$0xFFFFFF80] =	vst v15;
	v1 =	vmul.f32 v1, v4;
	v4 =	vld [tilespmem:s11+$0xFFFFFFA0]  }
0x19b: {  	v15 =	vld [tilespmem:s13+$0xFFFFFF90]  }
0x19c: {  	v0 =	vld [tilespmem:s1+$0xFFFFFFF0];
	[tilespmem:s1+$0xFFFFFFC0] =	vst v1;
	v1 =	vmul.f32 v9, v2  }
0x19d: {  	v7 =	vld [tilespmem:s8+$0xFFFFFFB0]  }
0x19e: {  	v5 =	vld [tilespmem:s8+$0x30];
	[tilespmem:s8+$0x20] =	vst v1  }
0x19f: {  	v4 =	vmul.f32 v4, v10;
	v10 =	vld [tilespmem:s11+$0x30]  }
0x1a0: {  	v2 =	vld [tilespmem:s9+$0xFFFFFFD0]  }
0x1a1: {  	v11 =	vld [tilespmem:s1+$0x60]  }
0x1a2: {  	v12 =	vld [tilespmem:s8+$0xFFFFFFC0];
	[tilespmem:s1+$0x50] =	vst v3  }
0x1a3: {  	v3 =	vld [tilespmem:s9+$0x60]  }
0x1a4: {  	[tilespmem:s8+$0xFFFFFFA0] =	vst v4;
	v4 =	vld [tilespmem:s12+$0x0];
	v5 =	vmul.f32 v10, v5  }
0x1a5: {  	v2 =	vmul.f32 v2, v6;
	v6 =	vld [tilespmem:s13+$0x0]  }
0x1a6: {  	v10 =	vld [tilespmem:s8+$0x40];
	[tilespmem:s8+$0x30] =	vst v5  }
0x1a7: {  	v5 =	vld [tilespmem:s11+$0x40]  }
0x1a8: {  	v9 =	vld [tilespmem:s1+$0x70];
	v3 =	vmul.f32 v3, v11  }
0x1a9: {  	v1 =	vld [tilespmem:s8+$0xFFFFFFE0]  }
0x1aa: {  	[tilespmem:s1+$0x60] =	vst v3;
	v3 =	vld [tilespmem:s11+$0xFFFFFFB0];
	v4 =	vmul.f32 v6, v4  }
0x1ab: {  	v6 =	vld [tilespmem:s12+$0xFFFFFF90]  }
0x1ac: {  	[tilespmem:s12+$0x0] =	vst v4;
	v4 =	vld [tilespmem:s12+$0x10];
	v5 =	vmul.f32 v5, v10  }
0x1ad: {  	v10 =	vld [tilespmem:s13+$0x10]  }
0x1ae: {  	v11 =	vld [tilespmem:s9+$0x70];
	[tilespmem:s8+$0x40] =	vst v5  }
0x1af: {  	v3 =	vmul.f32 v3, v7;
	v7 =	vld [tilespmem:s11+$0x50]  }
0x1b0: {  	[tilespmem:s1+$0xFFFFFFD0] =	vst v2;
	v2 =	vld [tilespmem:s8+$0xFFFFFFF0]  }
0x1b1: {  	v14 =	vld [tilespmem:s9+$0xFFFFFFE0];
	[tilespmem:s8+$0xFFFFFFB0] =	vst v3;
	v6 =	vmul.f32 v15, v6  }
0x1b2: {  	v3 =	vmul.f32 v10, v4;
	v10 =	vld [tilespmem:s11+$0xFFFFFFC0]  }
0x1b3: {  	[tilespmem:s12+$0xFFFFFF90] =	vst v6;
	v6 =	vld [tilespmem:s12+$0xFFFFFFE0]  }
0x1b4: {  	v5 =	vld [tilespmem:s12+$0xFFFFFFB0];
	[tilespmem:s12+$0x10] =	vst v3;
	v3 =	vmul.f32 v7, v17  }
0x1b5: {  	v7 =	vld [tilespmem:s12+$0x20]  }
0x1b6: {  	v15 =	vld [tilespmem:s13+$0x20];
	[tilespmem:s8+$0x50] =	vst v3  }
0x1b7: {  	v10 =	vmul.f32 v10, v12;
	v12 =	vld [tilespmem:s11+$0x60]  }
0x1b8: {  	v61 =	vld [tilespmem:s13+$0xFFFFFFA0]  }
0x1b9: {  	v4 =	vld [tilespmem:s12+$0xFFFFFFC0];
	[tilespmem:s8+$0xFFFFFFC0] =	vst v10  }
0x1ba: {  	v10 =	vld [tilespmem:s11+$0xFFFFFFD0]  }
0x1bb: {  	v3 =	vld [tilespmem:s12+$0xFFFFFFD0];
	v7 =	vmul.f32 v15, v7  }
0x1bc: {  	v15 =	vld [tilespmem:s8+$0x70];
	v12 =	vmul.f32 v12, v18  }
0x1bd: {  	[tilespmem:s12+$0x20] =	vst v7;
	v7 =	vmul.f32 v14, v8;
	v14 =	vld [tilespmem:s12+$0x30]  }
0x1be: {  	v8 =	vmul.f32 v61, v60;
	v62 =	vld [tilespmem:s13+$0x30];
	[tilespmem:s8+$0x60] =	vst v12  }
0x1bf: {  	[tilespmem:s1+$0xFFFFFFE0] =	vst v7;
	v7 =	vmul.f32 v10, v13;
	v63 =	vld [tilespmem:s11+$0x70]  }
0x1c0: {  	[tilespmem:s12+$0xFFFFFFA0] =	vst v8;
	v8 =	vld [tilespmem:s9+$0xFFFFFFF0]  }
0x1c1: {  	v12 =	vld [tilespmem:s13+$0xFFFFFFB0];
	[tilespmem:s8+$0xFFFFFFD0] =	vst v7  }
0x1c2: {  	v10 =	vmul.f32 v11, v9;
	v9 =	vld [tilespmem:s11+$0xFFFFFFE0]  }
0x1c3: {  	v7 =	vld [tilespmem:s12+$0xFFFFFFF0];
	v13 =	vmul.f32 v62, v14  }
0x1c4: {  	s14 =	simm.s32 $0x4;
	s0 =	simm.s32 $0x580;
	s9 =	simm.s32 $0x5480;
	[tilespmem:s1+$0x70] =	vst v10;
	v10 =	vld [tilespmem:s12+$0x40];
	v11 =	vmul.f32 v63, v15  }
.LBB2_8:
0x1c5: {  	v14 =	vld [tilespmem:s0+$0x0];
	[tilespmem:s12+$0x30] =	vst v13;
	s13 =	sadd.s32 $0x100, s13;
	v8 =	vmul.f32 v8, v0;
	v0 =	vmov v2  }
0x1c6: {  	v13 =	vld [tilespmem:s13+$0x0];
	v12 =	vmul.f32 v12, v5;
	[tilespmem:s8+$0x70] =	vst v11  }
0x1c7: {  	s14 =	sadd.s32 $0x2, s14;
	v5 =	vld [tilespmem:s9+$0x40];
	v9 =	vmul.f32 v9, v1;
	[tilespmem:s1+$0xFFFFFFF0] =	vst v8;
	v1 =	vmov v6;
	s1 =	smov.u32 s8;
	s8 =	smov.u32 s12  }
0x1c8: {  	p0 =	slt.u32 s14, $0x4E;
	s12 =	smov.u32 s0;
	v6 =	vld [tilespmem:s13+$0xFFFFFF80];
	[tilespmem:s8+$0xFFFFFFB0] =	vst v12;
	v2 =	vmov v7  }
0x1c9: {  	v7 =	vld [tilespmem:s0+$0xFFFFFF80];
	[tilespmem:s1+$0xFFFFFFE0] =	vst v9  }
0x1ca: {  	v8 =	vld [tilespmem:s0+$0xFFFFFF90]  }
0x1cb: {  	v9 =	vld [tilespmem:s0+$0xFFFFFFA0];
	v11 =	vmul.f32 v13, v14  }
0x1cc: {  	v5 =	vmul.f32 v5, v10;
	v10 =	vld [tilespmem:s8+$0x50]  }
0x1cd: {  	[tilespmem:s0+$0x0] =	vst v11;
	v11 =	vld [tilespmem:s0+$0x10]  }
0x1ce: {  	v6 =	vmul.f32 v6, v7;
	v7 =	vld [tilespmem:s13+$0x10];
	[tilespmem:s8+$0x40] =	vst v5  }
0x1cf: {  	v12 =	vld [tilespmem:s9+$0x50]  }
0x1d0: {  	[tilespmem:s0+$0xFFFFFF80] =	vst v6;
	v5 =	vld [tilespmem:s0+$0xFFFFFFB0]  }
0x1d1: {  	v6 =	vld [tilespmem:s13+$0xFFFFFF90]  }
0x1d2: {  	v13 =	vld [tilespmem:s9+$0xFFFFFFC0]  }
0x1d3: {  	v14 =	vld [tilespmem:s0+$0xFFFFFFC0];
	v7 =	vmul.f32 v7, v11  }
0x1d4: {  	v10 =	vmul.f32 v12, v10;
	v11 =	vld [tilespmem:s8+$0x60]  }
0x1d5: {  	[tilespmem:s0+$0x10] =	vst v7;
	v7 =	vld [tilespmem:s0+$0x20]  }
0x1d6: {  	v6 =	vmul.f32 v6, v8;
	v8 =	vld [tilespmem:s13+$0x20];
	[tilespmem:s8+$0x50] =	vst v10  }
0x1d7: {  	v10 =	vmul.f32 v13, v4;
	v12 =	vld [tilespmem:s9+$0x60]  }
0x1d8: {  	[tilespmem:s0+$0xFFFFFF90] =	vst v6;
	v13 =	vld [tilespmem:s0+$0xFFFFFFD0];
	v4 =	vmov v14  }
0x1d9: {  	v14 =	vld [tilespmem:s13+$0xFFFFFFA0];
	[tilespmem:s8+$0xFFFFFFC0] =	vst v10  }
0x1da: {  	v10 =	vld [tilespmem:s9+$0xFFFFFFD0]  }
0x1db: {  	v6 =	vld [tilespmem:s0+$0xFFFFFFE0];
	v7 =	vmul.f32 v8, v7  }
0x1dc: {  	v8 =	vmul.f32 v12, v11;
	v11 =	vld [tilespmem:s8+$0x70]  }
0x1dd: {  	[tilespmem:s0+$0x20] =	vst v7;
	v15 =	vld [tilespmem:s0+$0x30]  }
0x1de: {  	v7 =	vmul.f32 v14, v9;
	v14 =	vld [tilespmem:s13+$0x30];
	[tilespmem:s8+$0x60] =	vst v8  }
0x1df: {  	v9 =	vmul.f32 v10, v3;
	v16 =	vld [tilespmem:s9+$0x70];
	v3 =	vmov v13  }
.Ltmp3:
0x1e0: {  	[tilespmem:s0+$0xFFFFFFA0] =	vst v7;
	v8 =	vld [tilespmem:s11+$0xFFFFFFF0];
	s11 =	smov.u32 s9;
	s9 =	smov.u32 s13;
	(pc) =	sbr.rel @p0 .LBB2_8-.Ltmp3, $4  }
0x1e1: {  	v12 =	vld [tilespmem:s13+$0xFFFFFFB0];
	[tilespmem:s8+$0xFFFFFFD0] =	vst v9  }
0x1e2: {  	v9 =	vld [tilespmem:s11+$0xFFFFFFE0]  }
0x1e3: {  	v7 =	vld [tilespmem:s0+$0xFFFFFFF0];
	v13 =	vmul.f32 v14, v15  }
0x1e4: {  	s0 =	sadd.s32 $0x100, s0;
	v10 =	vld [tilespmem:s12+$0x40];
	v11 =	vmul.f32 v16, v11  }
0x1e5: {  	_ = 	snop  }
0x1e6: {  	v5 =	vmul.f32 v12, v5  }
0x1e7: {  	[tilespmem:s12+$0x30] =	vst v13  }
0x1e8: {  	v54 =	vld [tilespmem:s9+$0x40];
	[tilespmem:s12+$0xFFFFFFB0] =	vst v5  }
0x1e9: {  	v5 =	vld [tilespmem:s9+$0xFFFFFFC0];
	_ =	sdelay $0x3  }
0x1ea: {  	v10 =	vmul.f32 v54, v10  }
0x1eb: {  	v4 =	vmul.f32 v5, v4  }
0x1ec: {  	v55 =	vld [tilespmem:s12+$0x50];
	[tilespmem:s12+$0x40] =	vst v10  }
0x1ed: {  	v56 =	vld [tilespmem:s9+$0x50];
	[tilespmem:s12+$0xFFFFFFC0] =	vst v4  }
0x1ee: {  	v4 =	vld [tilespmem:s9+$0xFFFFFFD0];
	_ =	sdelay $0x3  }
0x1ef: {  	v5 =	vmul.f32 v56, v55  }
0x1f0: {  	v3 =	vmul.f32 v4, v3  }
0x1f1: {  	v57 =	vld [tilespmem:s12+$0x60];
	[tilespmem:s12+$0x50] =	vst v5  }
0x1f2: {  	v58 =	vld [tilespmem:s9+$0x60];
	[tilespmem:s12+$0xFFFFFFD0] =	vst v3  }
0x1f3: {  	v3 =	vld [tilespmem:s9+$0xFFFFFFE0];
	_ =	sdelay $0x2  }
0x1f4: {  	v1 =	vmul.f32 v9, v1  }
0x1f5: {  	v4 =	vmul.f32 v58, v57  }
0x1f6: {  	v59 =	vld [tilespmem:s12+$0x70];
	[tilespmem:s8+$0xFFFFFFE0] =	vst v1;
	v3 =	vmul.f32 v3, v6  }
0x1f7: {  	v61 =	vld [tilespmem:s11+$0xFFFFFFF0];
	[tilespmem:s12+$0x60] =	vst v4  }
0x1f8: {  	v60 =	vld [tilespmem:s9+$0x70];
	[tilespmem:s12+$0xFFFFFFE0] =	vst v3  }
0x1f9: {  	v3 =	vld [tilespmem:s9+$0xFFFFFFF0];
	_ =	sdelay $0x1  }
0x1fa: {  	v0 =	vmul.f32 v8, v0  }
0x1fb: {  	[tilespmem:s8+$0x70] =	vst v11;
	v62 =	vmul.f32 v61, v2  }
0x1fc: {  	[tilespmem:s1+$0xFFFFFFF0] =	vst v0;
	v1 =	vmul.f32 v60, v59  }
0x1fd: {  	[tilespmem:s8+$0xFFFFFFF0] =	vst v62;
	v63 =	vmul.f32 v3, v7  }
0x1fe: {  	[tilespmem:s12+$0x70] =	vst v1  }
0x1ff: {  	[tilespmem:s12+$0xFFFFFFF0] =	vst v63  }
0x200: {  	[spmem:s2] =	stream.indirect.scatter.add.f32 [tilespmem:s18], [sflag:$0x5], $0x80, s25, s17, $0xb8;
	[tilespmem:$0x1E200] =	vst v63  }
0x201: {  	_ =	swait.ge [sflag:s26], $0x2800  }
0x202: {  	[sflag:s26] =	ssyncset.done $0x0  }
0x203: {  	s0 =	simm.s32 $0x6;
	[sflag:s26] =	ssyncadd.s32 $0xFFFFD800  }
0x204: {  	_ =	swait.ge [sflag:s0], $0x2800  }
0x205: {  	[sflag:s0] =	ssyncset.done $0x0  }
0x206: {  	[sflag:s0] =	ssyncadd.s32 $0xFFFFD800  }
0x207: {  	[bflag:$0x0] =	sbarrier.arrive $0xFFFF  }
0x208: {  	s8 =	rddreg [dreg:$0x4]  }
0x209: {  	s14 =	rddreg [dreg:$0x7]  }
0x20a: {  	s1 =	rddreg [dreg:$0x9]  }
0x20b: {  	[hbm:s14], [sflag:s8] =	dma.local [spmem:s1], $0x2800  }
0x20c: {  	_ =	swait.ge [sflag:s16], $0x2800  }
0x20d: {  	s15 =	rddreg [dreg:$0xa]  }
0x20e: {  	s31 =	rddreg [dreg:$0x8];
	s9 =	sadd.s32 $0x1, s15  }
0x20f: {  	p0 =	sne.s32 s9, s31  }
.Ltmp4:
0x210: {  	_ = 	snop;
	(pc) =	sbr.rel @p0 .LBB2_1-.Ltmp4, $3  }
0x211: {  	_ =	sdelay $0x1  }
0x212: {  	[sflag:s16] =	ssyncset.done $0x0  }
0x213: {  	[sflag:s16] =	ssyncadd.s32 $0xFFFFD800  }
0x214: {  	_ =	sfence.sel $0x180000  }
0x215: {  	[bflag:$0x0] =	sbarrier.arrive $0xFFFF  }
0x216: {  	_ =	strace $0x9000004A  }
0x217: {  	s0 =	stileid.u32;
	[bflag:$0x2] =	sbarrier.arrive $0xFFFF  }
0x218: {  	p0 =	sne.s32 s0, $0x0;
	s0 =	rddreg [dreg:$0x2]  }
0x219: {  	s0 =	sadd.s32 @!p0 $0x100000, s0  }
0x21a: {  	[sflag:s0] =	ssyncadd.tile.s32 @!p0 $0x1;
	_ =	shalt  }
.Lfunc_end2:
_tile_overlayer_lowered:
.L_overlay_start_2:
0x21b: {  	(tag) =	ssettag $0x2  }
0x21c: {  	s0 =	rddreg [dreg:$0x0];
	s2 =	stileid.u32  }
0x21d: {  	s1 =	rddreg [dreg:$0x1];
	p0 =	sne.s32 s2, $0x0  }
0x21e: {  	s3 =	rddreg [dreg:$0x2];
	[bflag:$0x3] =	sbarrier.arrive $0xFFFF;
	s2 =	simm.s32 @!p0 $0x1C07  }
0x21f: {  	[timem:s3], [sflag:s2] =	dma.local @!p0 [hbm:s0], s1  }
0x220: {  	s0 =	simm.s32 @!p0 $0x7  }
0x221: {  	_ =	swait.ge @!p0 [sflag:s0], s1  }
0x222: {  	s1 =	ssub.s32 @!p0 $0x0, s1;
	[sflag:s0] =	ssyncset.done @!p0 $0x0  }
0x223: {  	[sflag:s0] =	ssyncadd.s32 @!p0 s1  }
0x224: {  	[bflag:$0x3] =	sbarrier.arrive $0xFFFF  }
0x225: {  	_ =	shalt  }

// kernel: kernel.18.cloned.1.call-start
scs
__scs_entry_jumppad:
0x0: {  	(pc) =	sbr.rel $0x88, $3  }
0x1: {  	(tag) =	ssettag $0x0;
	lr =	simm.s32 $0x1  }
0x2: {  	[smem:$0x3F93] =	sst lr;
	_ =	strace $0xD0000000  }
0x3: {  	_ = 	snop  }
0x4: {  	_ = 	snop  }
0x5: {  	_ = 	snop  }
0x6: {  	_ = 	snop  }
0x7: {  	_ = 	snop  }
__scs_overlays_trampoline_lowered:
0x8: {  	[smem:$0x3FA2] =	sst s0  }
0x9: {  	[smem:$0x3FA3] =	sst s1  }
0xa: {  	[smem:$0x3FA4] =	sst s2  }
0xb: {  	[smem:$0x3FA5] =	sst s3  }
0xc: {  	[smem:$0x3FA6] =	sst s4  }
0xd: {  	[smem:$0x3FA7] =	sst s5  }
0xe: {  	[smem:$0x3FA8] =	sst s6  }
0xf: {  	[smem:$0x3FA9] =	sst s7  }
0x10: {  	[smem:$0x3FAA] =	sst s8  }
0x11: {  	[smem:$0x3FAB] =	sst s9;
	s0 =	simm.s32 @!p0 $0x0  }
0x12: {  	s1 =	sld [smem:$0x3F91];
	s0 =	simm.s32 @p0 $0x1  }
0x13: {  	[smem:$0x3FAC] =	sst s0;
	s0 =	simm.s32 @!p1 $0x0  }
0x14: {  	s2 =	sld [smem:$0x3F90];
	s0 =	simm.s32 @p1 $0x1  }
0x15: {  	[smem:$0x3FAD] =	sst s0;
	s0 =	simm.s32 @!p2 $0x0  }
0x16: {  	s3 =	sld [smem:$0x3FDB];
	s0 =	simm.s32 @p2 $0x1  }
0x17: {  	s4 =	simm.s32 $0x1BF5;
	[smem:$0x3FAF] =	sst s0  }
0x18: {  	s0 =	sld [smem:$0x3F92];
	_ =	swait.ge [sflag:s4], $0x0  }
0x19: {  	s7 =	sld [smem:$0x3F93]  }
0x1a: {  	s8 =	sadd.s32 $0xFFFFE003, lr  }
0x1b: {  	s9 =	sadd.s32 $0xFFFFFEF7, lr;
	s5 =	simm.s32 $0xFFFFFFFF;
	p2 =	slt.u32 s8, $0xFFFFF086  }
0x1c: {  	p1 =	slt.u32 s9, $0xF7A;
	s5 =	simm.s32 @!p2 $0x0  }
0x1d: {  	s5 =	simm.s32 @p1 $0x1;
	p0 =	seq.s32 s7, s2  }
0x1e: {  	s7 =	smul.u32 @!p0 $0xF7A, s2;
	p2 =	seq.s32 @!p0 s5, $0x0  }
0x1f: {  	s9 =	smul.u32 $0xF7A, s1;
	s8 =	simm.s32 @!p0 $0x1BF5;
	p2 =	por !p2, p0  }
0x20: {  	[sflag:s8] =	ssyncset.s32 @!p0 $0xFFFFF086;
	s6 =	sadd.s32 @!p0 s3, s7;
	s7 =	simm.s32 @!p0 $0x108  }
0x21: {  	s3 =	sadd.s32 s3, s9;
	s6 =	sadd.s32 @!p0 $0x88, s6;
	s7 =	simm.s32 @p2 $0x1082  }
0x22: {  	[simem:s7], [sflag:s8] =	dma.local @!p0 [hbm:s6], $0xF7A  }
0x23: {  	s9 =	sor.u32 $0xD0000000, s2;
	s6 =	simm.s32 $0x108;
	_ =	swait.ge @!p0 [sflag:s8], $0x0  }
0x24: {  	s3 =	sadd.s32 $0x88, s3;
	s6 =	simm.s32 @!p1 $0x1082;
	[sflag:s4] =	ssyncset.s32 $0xFFFFF086  }
0x25: {  	[simem:s6], [sflag:s4] =	dma.local [hbm:s3], $0xF7A  }
0x26: {  	[smem:$0x3F93] =	sst s1;
	(tag) =	ssettag s2;
	_ =	strace s9  }
0x27: {  	s1 =	sld [smem:$0x3FA3]  }
0x28: {  	s2 =	sld [smem:$0x3FA4]  }
0x29: {  	s4 =	sld [smem:$0x3FA6]  }
0x2a: {  	p0 =	seq.s32 s5, $0x0;
	s5 =	sld [smem:$0x3FA7]  }
0x2b: {  	s6 =	sld [smem:$0x3FA8]  }
0x2c: {  	s7 =	sld [smem:$0x3FA9]  }
0x2d: {  	s3 =	simm.s32 $0x108;
	s8 =	sld [smem:$0x3FAA]  }
0x2e: {  	s3 =	simm.s32 @!p0 $0x1082;
	s9 =	sld [smem:$0x3FAB]  }
0x2f: {  	lr =	sadd.s32 s0, s3;
	s0 =	sld [smem:$0x3FA2]  }
0x30: {  	s3 =	sld [smem:$0x3FA5]  }
0x31: {  	[smem:$0x3FAE] =	sst s10  }
0x32: {  	s10 =	sld [smem:$0x3FAC];
	_ =	sdelay $0x3  }
0x33: {  	p0 =	seq.s32 s10, $0x1;
	s10 =	sld [smem:$0x3FAE];
	_ =	sdelay $0x3  }
0x34: {  	[smem:$0x3FAE] =	sst s10  }
0x35: {  	s10 =	sld [smem:$0x3FAD];
	_ =	sdelay $0x3  }
0x36: {  	p1 =	seq.s32 s10, $0x1;
	s10 =	sld [smem:$0x3FAE];
	_ =	sdelay $0x3  }
0x37: {  	[smem:$0x3FAE] =	sst s10  }
0x38: {  	s10 =	sld [smem:$0x3FAF]  }
0x39: {  	_ = 	snop;
	(pc) =	sbr.ind lr, $3  }
0x3a: {  	_ = 	snop  }
0x3b: {  	_ = 	snop  }
0x3c: {  	p2 =	seq.s32 s10, $0x1;
	s10 =	sld [smem:$0x3FAE]  }
0x3d: {  	_ =	shalt  }
0x3e: {  	_ =	shalt  }
0x3f: {  	_ =	shalt  }
0x40: {  	_ =	shalt  }
0x41: {  	_ =	shalt  }
0x42: {  	_ =	shalt  }
0x43: {  	_ =	shalt  }
0x44: {  	_ =	shalt  }
0x45: {  	_ =	shalt  }
0x46: {  	_ =	shalt  }
0x47: {  	_ =	shalt  }
0x48: {  	_ =	shalt  }
0x49: {  	_ =	shalt  }
0x4a: {  	_ =	shalt  }
0x4b: {  	_ =	shalt  }
0x4c: {  	_ =	shalt  }
0x4d: {  	_ =	shalt  }
0x4e: {  	_ =	shalt  }
0x4f: {  	_ =	shalt  }
0x50: {  	_ =	shalt  }
0x51: {  	_ =	shalt  }
0x52: {  	_ =	shalt  }
0x53: {  	_ =	shalt  }
0x54: {  	_ =	shalt  }
0x55: {  	_ =	shalt  }
0x56: {  	_ =	shalt  }
0x57: {  	_ =	shalt  }
0x58: {  	_ =	shalt  }
0x59: {  	_ =	shalt  }
0x5a: {  	_ =	shalt  }
0x5b: {  	_ =	shalt  }
0x5c: {  	_ =	shalt  }
0x5d: {  	_ =	shalt  }
0x5e: {  	_ =	shalt  }
0x5f: {  	_ =	shalt  }
0x60: {  	_ =	shalt  }
0x61: {  	_ =	shalt  }
0x62: {  	_ =	shalt  }
0x63: {  	_ =	shalt  }
0x64: {  	_ =	shalt  }
0x65: {  	_ =	shalt  }
0x66: {  	_ =	shalt  }
0x67: {  	_ =	shalt  }
0x68: {  	_ =	shalt  }
0x69: {  	_ =	shalt  }
0x6a: {  	_ =	shalt  }
0x6b: {  	_ =	shalt  }
0x6c: {  	_ =	shalt  }
0x6d: {  	_ =	shalt  }
0x6e: {  	_ =	shalt  }
0x6f: {  	_ =	shalt  }
0x70: {  	_ =	shalt  }
0x71: {  	_ =	shalt  }
0x72: {  	_ =	shalt  }
0x73: {  	_ =	shalt  }
0x74: {  	_ =	shalt  }
0x75: {  	_ =	shalt  }
0x76: {  	_ =	shalt  }
0x77: {  	_ =	shalt  }
0x78: {  	_ =	shalt  }
0x79: {  	_ =	shalt  }
0x7a: {  	_ =	shalt  }
0x7b: {  	_ =	shalt  }
0x7c: {  	_ =	shalt  }
0x7d: {  	_ =	shalt  }
0x7e: {  	_ =	shalt  }
0x7f: {  	_ =	shalt  }
0x80: {  	_ =	shalt  }
0x81: {  	_ =	shalt  }
0x82: {  	_ =	shalt  }
0x83: {  	_ =	shalt  }
0x84: {  	_ =	shalt  }
0x85: {  	_ =	shalt  }
0x86: {  	_ =	shalt  }
0x87: {  	_ =	shalt  }
.Lfunc_end0:
.L_simem_size_0:
called_computation.2_lowered:
.L_overlay_start_0:
0x88: {  	s2 =	sld [smem:$0x3FD9]  }
0x89: {  	s3 =	sld [smem:$0x3FFE];
	_ =	sdelay $0x1  }
0x8a: {  	s1 =	srdreg.scid  }
0x8b: {  	s0 =	sand.u32 $0x1, s1  }
0x8c: {  	s16 =	sshll.u32 s0, $0xA;
	s2 =	sadd.s32 s3, s2  }
0x8d: {  	s2 =	sadd.s32 s2, s16  }
0x8e: {  	[smem:$0x3FBA] =	sst s2  }
0x8f: {  	_ = 	snop  }
0x90: {  	(tm) =	ssettm $0x1  }
0x91: {  	s17 =	sld [smem:$0x3FFB];
	_ =	sdelay $0x3  }
0x92: {  	_ =	strace s17  }
0x93: {  	s2 =	sld [smem:$0x3FFC];
	_ =	sdelay $0x3  }
0x94: {  	_ =	strace s2  }
0x95: {  	s2 =	sld [smem:$0x3FFD];
	_ =	sdelay $0x3  }
0x96: {  	_ =	strace s2  }
0x97: {  	_ =	strace $0x8FFFFFFF  }
0x98: {  	s18 =	sld [smem:$0x3FDB];
	_ =	sdelay $0x1  }
0x99: {  	s19 =	simm.s32 $_scs_section_size  }
0x9a: {  	s4 =	simm.s32 $_size__tile_overlayer_lowered;
	s5 =	simm.s32 $_tile_overlayer_lowered  }
0x9b: {  	s22 =	simm.s32 $0x1BFF;
	s21 =	sshll.u32 s5, $0x1;
	s2 =	sadd.s32 s19, s18  }
0x9c: {  	s6 =	simm.s32 $0x0;
	s20 =	sshll.u32 s4, $0x1;
	s4 =	sadd.s32 s21, s2  }
0x9d: {  	[timem:s6], [sflag:s22] =	dma.local [hbm:s4], s20  }
0x9e: {  	_ =	swait.ge [sflag:s22], s20  }
0x9f: {  	s3 =	ssub.s32 $0x0, s20;
	[sflag:s22] =	ssyncset.done $0x0  }
0xa0: {  	[sflag:s22] =	ssyncadd.s32 s3;
	_ =	sdelay $0x1  }
0xa1: {  	s23 =	simm.s32 $0x1B8B  }
0xa2: {  	_ =	swait.ge [sflag:s23], $0x1  }
0xa3: {  	[sflag:s23] =	ssyncset.done $0x0  }
0xa4: {  	s25 =	simm.s32 $0x1B8E;
	s24 =	sld [smem:$0x3FFE];
	[sflag:s23] =	ssyncadd.s32 $0xFFFFFFFF  }
0xa5: {  	s26 =	simm.s32 $execute0_lowered;
	[smem:$0x3FD2] =	sst s25  }
0xa6: {  	s4 =	sshll.u32 s26, $0x1;
	_ =	strace $0x8000004C;
	[dreg:$0x1] =	wrdreg $0xFFFFFFFF  }
0xa7: {  	s28 =	simm.s32 $_size_execute0_lowered;
	s2 =	sadd.s32 s2, s4;
	[dreg:$0x0] =	wrdreg $0x0  }
0xa8: {  	s4 =	sshll.u32 s28, $0x1;
	[dreg:$0x2] =	wrdreg s2  }
0xa9: {  	[dreg:$0x3] =	wrdreg s4  }
0xaa: {  	[dreg:$0x4] =	wrdreg $0xC0  }
0xab: {  	_ =	task [dreg:s6], $0x5FFFF  }
0xac: {  	[dreg:$0x1] =	wrdreg $0xFFFFFFFF  }
0xad: {  	[dreg:$0x0] =	wrdreg $0x60  }
0xae: {  	[dreg:$0x2] =	wrdreg s24  }
0xaf: {  	[dreg:$0x3] =	wrdreg $0xA2000  }
0xb0: {  	[dreg:$0x4] =	wrdreg $0x9  }
0xb1: {  	_ =	task.clear_ibuf [dreg:s6], $0x5FFFF;
	_ =	strace $0x9000004C  }
0xb2: {  	s29 =	simm.s32 $0x9;
	_ =	strace $0x8000004E  }
0xb3: {  	_ =	swait.ge [sflag:s29], $0x1  }
0xb4: {  	[sflag:s29] =	ssyncadd.s32 $0xFFFFFFFF  }
0xb5: {  	_ =	strace $0x9000004E  }
0xb6: {  	_ =	sfence  }
0xb7: {  	s30 =	sld [smem:$0x0];
	_ =	sdelay $0x2  }
0xb8: {  	s31 =	sshll.u32 s1, $0xD;
	s1 =	sshrl.u32 s1, $0x2  }
0xb9: {  	s3 =	sand.u32 $0x4000, s31;
	s1 =	sadd.s32 s1, s30  }
0xba: {  	s0 =	sor.u32 s3, s0;
	s1 =	sshll.u32 s1, $0x11  }
0xbb: {  	s0 =	sor.u32 s1, s0  }
0xbc: {  	s0 =	sadd.s32 $0x8F2B, s0  }
0xbd: {  	[sflag:s0] =	ssyncadd.remote.s32 $0x1  }
0xbe: {  	_ =	sfence.sel $0xFFFF  }
0xbf: {  	[dreg:$0x0] =	wrdreg $0xFFFFFFFF;
	(pc) =	sbr.abs _section_cstart, $3  }
0xc0: {  	[dreg:$0x1] =	wrdreg $0xFFFFFFFF  }
0xc1: {  	_ =	task.clear_ibuf [dreg:s6], $0x2FFFF;
	_ =	strace $0x9FFFFFFF  }
0xc2: {  	(tm) =	ssettm $0x7FFFFFFF  }
0xc3: {  	_ =	shalt  }
tec
execute0_lowered:
.L_overlay_start_1:
0x0: {  	(tag) =	ssettag $0x1  }
0x1: {  	s0 =	rddreg [dreg:$0x0]  }
0x2: {  	s2 =	rddreg [dreg:$0x1];
	s3 =	simm.s32 $0x0  }
0x3: {  	s12 =	stileid.u32;
	s1 =	srdreg.scid;
	s16 =	simm.s32 $0x7  }
0x4: {  	s17 =	simm.s32 $0x50;
	s18 =	simm.s32 $0x200;
	s19 =	simm.s32 $0x5200  }
0x5: {  	s28 =	simm.s32 $0x2;
	s29 =	simm.s32 $0x4;
	s30 =	simm.s32 $0x180  }
0x6: {  	[smem:$0x7FF] =	sst s3;
	s7 =	smul.u32 $0x14000, s12;
	s4 =	sadd.s32 $0x111E00, s0  }
0x7: {  	s1 =	sand.u32 $0x1, s1;
	s5 =	sadd.s32 $0x100C600, s0;
	s6 =	sadd.s32 $0x7400, s0  }
0x8: {  	s21 =	smul.u32 $0x50000, s12;
	s23 =	sshll.u32 s12, $0x6;
	_ =	strace $0x8000004D  }
0x9: {  	s8 =	smul.u32 $0x140000, s1;
	s22 =	ssub.s32 $0x2, s1;
	s1 =	sshll.u32 s1, $0x4  }
0xa: {  	s9 =	sshrl.u32 s7, $0x3;
	s10 =	sshrl.u32 s22, $0x1;
	s1 =	sor.u32 s12, s1  }
0xb: {  	s7 =	sadd.s32 s7, s8;
	s20 =	sadd.s32 s9, s0;
	s24 =	smul.u32 $0x27100, s1  }
0xc: {  	s9 =	sshrl.u32 s21, $0x2;
	s11 =	ssub.s32 s22, s10;
	s10 =	smul.u32 $0x2710, s1  }
0xd: {  	s21 =	simm.s32 $0x2A00;
	s22 =	simm.s32 $0x7A00;
	s7 =	sshrl.u32 s7, $0x3  }
0xe: {  	s9 =	sadd.s32 s9, s2;
	s8 =	sadd.s32 $0x26800, s20;
	s31 =	smax.u32 s11, $0x1  }
0xf: {  	s20 =	simm.s32 $0x100;
	s0 =	sadd.s32 s7, s0;
	[dreg:$0x3] =	wrdreg s8  }
0x10: {  	s7 =	smul.u32 $0x7D00, s1;
	s26 =	sadd.s32 s5, s24;
	[dreg:$0x8] =	wrdreg s31  }
0x11: {  	s8 =	sor.u32 $0x1C07, s23;
	s23 =	simm.s32 $0x1;
	[dreg:$0x6] =	wrdreg s26  }
0x12: {  	s0 =	sadd.s32 $0x4E800, s0;
	[dreg:$0x4] =	wrdreg s8;
	s25 =	sshrl.u32 s7, $0x3  }
0x13: {  	s24 =	simm.s32 $0x3;
	[dreg:$0x7] =	wrdreg s0;
	s1 =	sadd.s32 s6, s25  }
0x14: {  	s26 =	simm.s32 $0x5;
	[dreg:$0x5] =	wrdreg s1;
	s1 =	sshrl.u32 s9, $0x3  }
0x15: {  	s25 =	simm.s32 $0x80;
	s9 =	simm.s32 $0x0;
	[dreg:$0x9] =	wrdreg s1  }
.LBB2_1:
0x16: {  	[dreg:$0xa] =	wrdreg s9  }
0x17: {  	s0 =	rddreg [dreg:$0x3]  }
0x18: {  	[spmem:s1], [sflag:s8] =	dma.local [hbm:s0], $0x2800  }
0x19: {  	_ =	swait.ge [sflag:s16], $0x2800  }
0x1a: {  	[sflag:s16] =	ssyncset.done $0x0  }
0x1b: {  	[sflag:s16] =	ssyncadd.s32 $0xFFFFD800  }
0x1c: {  	[bflag:$0x0] =	sbarrier.arrive $0xFFFF  }
0x1d: {  	s15 =	rddreg [dreg:$0x5]  }
0x1e: {  	[tilespmem:s3], [sflag:$0x7] =	stream.linear.gather [hbm4b:s15+s3], $0x100, $0x38;
	[tilespmem:$0x1E200] =	vst v63  }
0x1f: {  	_ =	swait.ge [sflag:s16], $0x100  }
0x20: {  	[sflag:s16] =	ssyncset.done $0x0  }
0x21: {  	[sflag:s16] =	ssyncadd.s32 $0xFFFFFF00  }
0x22: {  	[tilespmem:s18], [sflag:$0x1] =	stream.indirect.gather [hbm4b:s4+s17], $0x80, s3, s17, $0xb8;
	[tilespmem:$0x1E200] =	vst v63  }
0x23: {  	s1 =	simm.s32 $0x0;
	s31 =	rddreg [dreg:$0x6]  }
0x24: {  	[tilespmem:s19], [sflag:$0x3] =	stream.linear.gather [hbm4b:s31+s3], $0x2800, $0x38;
	[tilespmem:$0x1E200] =	vst v63  }
.LBB2_2:
0x25: {  	s8 =	sshll.u32 s1, $0x1  }
0x26: {  	p0 =	seq.s32 s1, $0x0;
	s0 =	sor.u32 $0x1, s8  }
0x27: {  	s9 =	simm.s32 @!p0 $0x6;
	s11 =	sshll.u32 s0, $0x8  }
0x28: {  	_ =	swait.ge @!p0 [sflag:s9], $0x2800;
	s11 =	sadd.s32 s7, s11  }
0x29: {  	[sflag:s9] =	ssyncset.done @!p0 $0x0;
	s11 =	sshrl.u32 s11, $0x3  }
0x2a: {  	s0 =	smul.u32 $0x50, s0;
	[sflag:s9] =	ssyncadd.s32 @!p0 $0xFFFFD800;
	s14 =	sadd.s32 s6, s11  }
0x2b: {  	[tilespmem:s20], [sflag:$0x7] =	stream.linear.gather [hbm4b:s14+s3], $0x100, $0x38;
	[tilespmem:$0x1E200] =	vst v63  }
0x2c: {  	_ =	swait.ge [sflag:s16], $0x100  }
0x2d: {  	s0 =	sadd.s32 s10, s0;
	[sflag:s16] =	ssyncset.done $0x0  }
0x2e: {  	s0 =	sshll.u32 s0, $0x4;
	[sflag:s16] =	ssyncadd.s32 $0xFFFFFF00  }
0x2f: {  	[tilespmem:s21], [sflag:$0x2] =	stream.indirect.gather [hbm4b:s4+s17], $0x80, s20, s17, $0xb8;
	[tilespmem:$0x1E200] =	vst v63  }
0x30: {  	s0 =	sadd.s32 s5, s0  }
0x31: {  	[tilespmem:s22], [sflag:$0x4] =	stream.linear.gather [hbm4b:s0+s3], $0x2800, $0x38;
	[tilespmem:$0x1E200] =	vst v63  }
0x32: {  	_ =	swait.ge [sflag:s23], $0x2800  }
0x33: {  	[sflag:s23] =	ssyncset.done $0x0  }
0x34: {  	[sflag:s23] =	ssyncadd.s32 $0xFFFFD800  }
0x35: {  	_ =	swait.ge [sflag:s24], $0x2800  }
0x36: {  	[sflag:s24] =	ssyncset.done $0x0  }
0x37: {  	s11 =	simm.s32 $0x280;
	[sflag:s24] =	ssyncadd.s32 $0xFFFFD800  }
0x38: {  	s15 =	simm.s32 $0x5280;
	v0 =	vld [tilespmem:s11+$0x0]  }
0x39: {  	v1 =	vld [tilespmem:s15+$0x0];
	_ =	sdelay $0x3  }
0x3a: {  	v2 =	vld [tilespmem:s11+$0xFFFFFF80]  }
0x3b: {  	v0 =	vmul.f32 v1, v0;
	v1 =	vld [tilespmem:s15+$0xFFFFFF80];
	_ =	sdelay $0x1  }
0x3c: {  	[tilespmem:s11+$0x0] =	vst v0;
	v0 =	vld [tilespmem:s11+$0x10]  }
0x3d: {  	v3 =	vld [tilespmem:s15+$0x10];
	_ =	sdelay $0x1  }
0x3e: {  	v1 =	vmul.f32 v1, v2;
	_ =	sdelay $0x1  }
0x3f: {  	v4 =	vld [tilespmem:s11+$0xFFFFFF90];
	[tilespmem:s11+$0xFFFFFF80] =	vst v1  }
0x40: {  	v0 =	vmul.f32 v3, v0;
	v1 =	vld [tilespmem:s15+$0xFFFFFF90];
	_ =	sdelay $0x1  }
0x41: {  	[tilespmem:s11+$0x10] =	vst v0;
	v0 =	vld [tilespmem:s11+$0x20]  }
0x42: {  	v3 =	vld [tilespmem:s15+$0x20]  }
0x43: {  	v5 =	vld [tilespmem:s11+$0xFFFFFFB0]  }
0x44: {  	s12 =	simm.s32 $0x380;
	v6 =	vld [tilespmem:s11+$0xFFFFFFD0];
	v1 =	vmul.f32 v1, v4  }
0x45: {  	v7 =	vld [tilespmem:s12+$0x0]  }
0x46: {  	v2 =	vld [tilespmem:s11+$0xFFFFFFA0];
	[tilespmem:s11+$0xFFFFFF90] =	vst v1  }
0x47: {  	v0 =	vmul.f32 v3, v0;
	v1 =	vld [tilespmem:s15+$0xFFFFFFA0]  }
0x48: {  	v8 =	vld [tilespmem:s11+$0xFFFFFFE0]  }
0x49: {  	[tilespmem:s11+$0x20] =	vst v0;
	v0 =	vld [tilespmem:s11+$0x30]  }
0x4a: {  	s13 =	simm.s32 $0x5380;
	v3 =	vld [tilespmem:s15+$0x30]  }
0x4b: {  	v10 =	vld [tilespmem:s13+$0xFFFFFF80]  }
0x4c: {  	v1 =	vmul.f32 v1, v2;
	v2 =	vld [tilespmem:s13+$0x0]  }
0x4d: {  	v12 =	vld [tilespmem:s12+$0xFFFFFF90]  }
0x4e: {  	s31 =	simm.s32 $0x5480;
	v13 =	vld [tilespmem:s12+$0xFFFFFFD0]  }
0x4f: {  	v15 =	vld [tilespmem:s31+$0xFFFFFF80];
	v0 =	vmul.f32 v3, v0  }
0x50: {  	[tilespmem:s11+$0xFFFFFFA0] =	vst v1;
	v1 =	vld [tilespmem:s11+$0x40]  }
0x51: {  	[tilespmem:s11+$0x30] =	vst v0;
	v2 =	vmul.f32 v2, v7;
	v7 =	vld [tilespmem:s12+$0xFFFFFF80]  }
0x52: {  	s14 =	simm.s32 $0x480;
	v9 =	vld [tilespmem:s15+$0x40]  }
0x53: {  	v16 =	vld [tilespmem:s14+$0xFFFFFF80]  }
0x54: {  	v3 =	vld [tilespmem:s15+$0xFFFFFFB0]  }
0x55: {  	v17 =	vld [tilespmem:s12+$0x50]  }
0x56: {  	[tilespmem:s12+$0x0] =	vst v2;
	v2 =	vld [tilespmem:s12+$0x10];
	v7 =	vmul.f32 v10, v7  }
0x57: {  	v11 =	vld [tilespmem:s13+$0x10];
	v1 =	vmul.f32 v9, v1  }
0x58: {  	v9 =	vld [tilespmem:s11+$0x50];
	[tilespmem:s12+$0xFFFFFF80] =	vst v7  }
0x59: {  	[tilespmem:s11+$0x40] =	vst v1;
	v1 =	vmul.f32 v3, v5;
	v5 =	vld [tilespmem:s13+$0xFFFFFF90]  }
0x5a: {  	v3 =	vld [tilespmem:s15+$0x50]  }
0x5b: {  	v60 =	vld [tilespmem:s14+$0xFFFFFFA0]  }
0x5c: {  	v4 =	vld [tilespmem:s11+$0xFFFFFFC0];
	v2 =	vmul.f32 v11, v2;
	[tilespmem:s11+$0xFFFFFFB0] =	vst v1  }
0x5d: {  	v1 =	vld [tilespmem:s15+$0xFFFFFFC0]  }
0x5e: {  	[tilespmem:s12+$0x10] =	vst v2;
	v2 =	vld [tilespmem:s12+$0x20]  }
0x5f: {  	v5 =	vmul.f32 v5, v12;
	v3 =	vmul.f32 v3, v9;
	v9 =	vld [tilespmem:s13+$0x20]  }
0x60: {  	v18 =	vld [tilespmem:s12+$0x60];
	v15 =	vmul.f32 v15, v16  }
0x61: {  	v10 =	vld [tilespmem:s12+$0xFFFFFFA0];
	[tilespmem:s12+$0xFFFFFF90] =	vst v5  }
0x62: {  	[tilespmem:s14+$0xFFFFFF80] =	vst v15;
	v1 =	vmul.f32 v1, v4;
	v4 =	vld [tilespmem:s13+$0xFFFFFFA0]  }
0x63: {  	v15 =	vld [tilespmem:s31+$0xFFFFFF90]  }
0x64: {  	v0 =	vld [tilespmem:s11+$0xFFFFFFF0];
	[tilespmem:s11+$0xFFFFFFC0] =	vst v1;
	v1 =	vmul.f32 v9, v2  }
0x65: {  	v7 =	vld [tilespmem:s12+$0xFFFFFFB0]  }
0x66: {  	v5 =	vld [tilespmem:s12+$0x30];
	[tilespmem:s12+$0x20] =	vst v1  }
0x67: {  	v4 =	vmul.f32 v4, v10;
	v10 =	vld [tilespmem:s13+$0x30]  }
0x68: {  	v2 =	vld [tilespmem:s15+$0xFFFFFFD0]  }
0x69: {  	v11 =	vld [tilespmem:s11+$0x60]  }
0x6a: {  	v12 =	vld [tilespmem:s12+$0xFFFFFFC0];
	[tilespmem:s11+$0x50] =	vst v3  }
0x6b: {  	v3 =	vld [tilespmem:s15+$0x60]  }
0x6c: {  	[tilespmem:s12+$0xFFFFFFA0] =	vst v4;
	v4 =	vld [tilespmem:s14+$0x0];
	v5 =	vmul.f32 v10, v5  }
0x6d: {  	v2 =	vmul.f32 v2, v6;
	v6 =	vld [tilespmem:s31+$0x0]  }
0x6e: {  	v10 =	vld [tilespmem:s12+$0x40];
	[tilespmem:s12+$0x30] =	vst v5  }
0x6f: {  	v5 =	vld [tilespmem:s13+$0x40]  }
0x70: {  	v9 =	vld [tilespmem:s11+$0x70];
	v3 =	vmul.f32 v3, v11  }
0x71: {  	v1 =	vld [tilespmem:s12+$0xFFFFFFE0]  }
0x72: {  	[tilespmem:s11+$0x60] =	vst v3;
	v3 =	vld [tilespmem:s13+$0xFFFFFFB0];
	v4 =	vmul.f32 v6, v4  }
0x73: {  	v6 =	vld [tilespmem:s14+$0xFFFFFF90]  }
0x74: {  	[tilespmem:s14+$0x0] =	vst v4;
	v4 =	vld [tilespmem:s14+$0x10];
	v5 =	vmul.f32 v5, v10  }
0x75: {  	v10 =	vld [tilespmem:s31+$0x10]  }
0x76: {  	v11 =	vld [tilespmem:s15+$0x70];
	[tilespmem:s12+$0x40] =	vst v5  }
0x77: {  	v3 =	vmul.f32 v3, v7;
	v7 =	vld [tilespmem:s13+$0x50]  }
0x78: {  	[tilespmem:s11+$0xFFFFFFD0] =	vst v2;
	v2 =	vld [tilespmem:s12+$0xFFFFFFF0]  }
0x79: {  	v14 =	vld [tilespmem:s15+$0xFFFFFFE0];
	[tilespmem:s12+$0xFFFFFFB0] =	vst v3;
	v6 =	vmul.f32 v15, v6  }
0x7a: {  	v3 =	vmul.f32 v10, v4;
	v10 =	vld [tilespmem:s13+$0xFFFFFFC0]  }
0x7b: {  	[tilespmem:s14+$0xFFFFFF90] =	vst v6;
	v6 =	vld [tilespmem:s14+$0xFFFFFFE0]  }
0x7c: {  	v5 =	vld [tilespmem:s14+$0xFFFFFFB0];
	[tilespmem:s14+$0x10] =	vst v3;
	v3 =	vmul.f32 v7, v17  }
0x7d: {  	v7 =	vld [tilespmem:s14+$0x20]  }
0x7e: {  	v15 =	vld [tilespmem:s31+$0x20];
	[tilespmem:s12+$0x50] =	vst v3  }
0x7f: {  	v10 =	vmul.f32 v10, v12;
	v12 =	vld [tilespmem:s13+$0x60]  }
0x80: {  	v61 =	vld [tilespmem:s31+$0xFFFFFFA0]  }
0x81: {  	v4 =	vld [tilespmem:s14+$0xFFFFFFC0];
	[tilespmem:s12+$0xFFFFFFC0] =	vst v10  }
0x82: {  	v10 =	vld [tilespmem:s13+$0xFFFFFFD0]  }
0x83: {  	v3 =	vld [tilespmem:s14+$0xFFFFFFD0];
	v7 =	vmul.f32 v15, v7  }
0x84: {  	v15 =	vld [tilespmem:s12+$0x70];
	v12 =	vmul.f32 v12, v18  }
0x85: {  	[tilespmem:s14+$0x20] =	vst v7;
	v7 =	vmul.f32 v14, v8;
	v14 =	vld [tilespmem:s14+$0x30]  }
0x86: {  	v8 =	vmul.f32 v61, v60;
	v62 =	vld [tilespmem:s31+$0x30];
	[tilespmem:s12+$0x60] =	vst v12  }
0x87: {  	[tilespmem:s11+$0xFFFFFFE0] =	vst v7;
	v7 =	vmul.f32 v10, v13;
	v63 =	vld [tilespmem:s13+$0x70]  }
0x88: {  	[tilespmem:s14+$0xFFFFFFA0] =	vst v8;
	v8 =	vld [tilespmem:s15+$0xFFFFFFF0]  }
0x89: {  	v12 =	vld [tilespmem:s31+$0xFFFFFFB0];
	[tilespmem:s12+$0xFFFFFFD0] =	vst v7  }
0x8a: {  	v10 =	vmul.f32 v11, v9;
	v9 =	vld [tilespmem:s13+$0xFFFFFFE0]  }
0x8b: {  	v7 =	vld [tilespmem:s14+$0xFFFFFFF0];
	v13 =	vmul.f32 v62, v14  }
0x8c: {  	s9 =	simm.s32 $0x5480;
	s0 =	simm.s32 $0x580;
	s15 =	simm.s32 $0x4;
	[tilespmem:s11+$0x70] =	vst v10;
	v10 =	vld [tilespmem:s14+$0x40];
	v11 =	vmul.f32 v63, v15  }
.LBB2_3:
0x8d: {  	v14 =	vld [tilespmem:s0+$0x0];
	[tilespmem:s14+$0x30] =	vst v13;
	s31 =	sadd.s32 $0x100, s31;
	v8 =	vmul.f32 v8, v0;
	v0 =	vmov v2  }
0x8e: {  	v13 =	vld [tilespmem:s31+$0x0];
	v12 =	vmul.f32 v12, v5;
	[tilespmem:s12+$0x70] =	vst v11  }
0x8f: {  	s15 =	sadd.s32 $0x2, s15;
	v5 =	vld [tilespmem:s9+$0x40];
	v9 =	vmul.f32 v9, v1;
	[tilespmem:s11+$0xFFFFFFF0] =	vst v8;
	v1 =	vmov v6;
	s11 =	smov.u32 s12;
	s12 =	smov.u32 s14  }
0x90: {  	p0 =	slt.u32 s15, $0x4E;
	s14 =	smov.u32 s0;
	v6 =	vld [tilespmem:s31+$0xFFFFFF80];
	[tilespmem:s12+$0xFFFFFFB0] =	vst v12;
	v2 =	vmov v7  }
0x91: {  	v7 =	vld [tilespmem:s0+$0xFFFFFF80];
	[tilespmem:s11+$0xFFFFFFE0] =	vst v9  }
0x92: {  	v8 =	vld [tilespmem:s0+$0xFFFFFF90]  }
0x93: {  	v9 =	vld [tilespmem:s0+$0xFFFFFFA0];
	v11 =	vmul.f32 v13, v14  }
0x94: {  	v5 =	vmul.f32 v5, v10;
	v10 =	vld [tilespmem:s12+$0x50]  }
0x95: {  	[tilespmem:s0+$0x0] =	vst v11;
	v11 =	vld [tilespmem:s0+$0x10]  }
0x96: {  	v6 =	vmul.f32 v6, v7;
	v7 =	vld [tilespmem:s31+$0x10];
	[tilespmem:s12+$0x40] =	vst v5  }
0x97: {  	v12 =	vld [tilespmem:s9+$0x50]  }
0x98: {  	[tilespmem:s0+$0xFFFFFF80] =	vst v6;
	v5 =	vld [tilespmem:s0+$0xFFFFFFB0]  }
0x99: {  	v6 =	vld [tilespmem:s31+$0xFFFFFF90]  }
0x9a: {  	v13 =	vld [tilespmem:s9+$0xFFFFFFC0]  }
0x9b: {  	v14 =	vld [tilespmem:s0+$0xFFFFFFC0];
	v7 =	vmul.f32 v7, v11  }
0x9c: {  	v10 =	vmul.f32 v12, v10;
	v11 =	vld [tilespmem:s12+$0x60]  }
0x9d: {  	[tilespmem:s0+$0x10] =	vst v7;
	v7 =	vld [tilespmem:s0+$0x20]  }
0x9e: {  	v6 =	vmul.f32 v6, v8;
	v8 =	vld [tilespmem:s31+$0x20];
	[tilespmem:s12+$0x50] =	vst v10  }
0x9f: {  	v10 =	vmul.f32 v13, v4;
	v12 =	vld [tilespmem:s9+$0x60]  }
0xa0: {  	[tilespmem:s0+$0xFFFFFF90] =	vst v6;
	v13 =	vld [tilespmem:s0+$0xFFFFFFD0];
	v4 =	vmov v14  }
0xa1: {  	v14 =	vld [tilespmem:s31+$0xFFFFFFA0];
	[tilespmem:s12+$0xFFFFFFC0] =	vst v10  }
0xa2: {  	v10 =	vld [tilespmem:s9+$0xFFFFFFD0]  }
0xa3: {  	v6 =	vld [tilespmem:s0+$0xFFFFFFE0];
	v7 =	vmul.f32 v8, v7  }
0xa4: {  	v8 =	vmul.f32 v12, v11;
	v11 =	vld [tilespmem:s12+$0x70]  }
0xa5: {  	[tilespmem:s0+$0x20] =	vst v7;
	v15 =	vld [tilespmem:s0+$0x30]  }
0xa6: {  	v7 =	vmul.f32 v14, v9;
	v14 =	vld [tilespmem:s31+$0x30];
	[tilespmem:s12+$0x60] =	vst v8  }
0xa7: {  	v9 =	vmul.f32 v10, v3;
	v16 =	vld [tilespmem:s9+$0x70];
	v3 =	vmov v13  }
.Ltmp0:
0xa8: {  	[tilespmem:s0+$0xFFFFFFA0] =	vst v7;
	v8 =	vld [tilespmem:s13+$0xFFFFFFF0];
	s13 =	smov.u32 s9;
	s9 =	smov.u32 s31;
	(pc) =	sbr.rel @p0 .LBB2_3-.Ltmp0, $4  }
0xa9: {  	v12 =	vld [tilespmem:s31+$0xFFFFFFB0];
	[tilespmem:s12+$0xFFFFFFD0] =	vst v9  }
0xaa: {  	v9 =	vld [tilespmem:s13+$0xFFFFFFE0]  }
0xab: {  	v7 =	vld [tilespmem:s0+$0xFFFFFFF0];
	v13 =	vmul.f32 v14, v15  }
0xac: {  	s0 =	sadd.s32 $0x100, s0;
	v10 =	vld [tilespmem:s14+$0x40];
	v11 =	vmul.f32 v16, v11  }
0xad: {  	_ = 	snop  }
0xae: {  	[tilespmem:s14+$0x30] =	vst v13;
	v5 =	vmul.f32 v12, v5  }
0xaf: {  	v12 =	vld [tilespmem:s9+$0x40]  }
0xb0: {  	[tilespmem:s14+$0xFFFFFFB0] =	vst v5  }
0xb1: {  	v5 =	vld [tilespmem:s9+$0xFFFFFFC0];
	_ =	sdelay $0x2  }
0xb2: {  	v10 =	vmul.f32 v12, v10;
	_ =	sdelay $0x1  }
0xb3: {  	v12 =	vld [tilespmem:s14+$0x50];
	[tilespmem:s14+$0x40] =	vst v10;
	v4 =	vmul.f32 v5, v4  }
0xb4: {  	v5 =	vld [tilespmem:s9+$0x50]  }
0xb5: {  	[tilespmem:s14+$0xFFFFFFC0] =	vst v4  }
0xb6: {  	v4 =	vld [tilespmem:s9+$0xFFFFFFD0];
	_ =	sdelay $0x2  }
0xb7: {  	v5 =	vmul.f32 v5, v12;
	_ =	sdelay $0x1  }
0xb8: {  	v10 =	vld [tilespmem:s14+$0x60];
	[tilespmem:s14+$0x50] =	vst v5;
	v3 =	vmul.f32 v4, v3  }
0xb9: {  	v4 =	vld [tilespmem:s9+$0x60]  }
0xba: {  	[tilespmem:s14+$0xFFFFFFD0] =	vst v3  }
0xbb: {  	v3 =	vld [tilespmem:s9+$0xFFFFFFE0];
	_ =	sdelay $0x2  }
0xbc: {  	v4 =	vmul.f32 v4, v10  }
0xbd: {  	v1 =	vmul.f32 v9, v1  }
0xbe: {  	v5 =	vld [tilespmem:s14+$0x70];
	[tilespmem:s14+$0x60] =	vst v4;
	v3 =	vmul.f32 v3, v6  }
0xbf: {  	[tilespmem:s12+$0xFFFFFFE0] =	vst v1;
	v1 =	vld [tilespmem:s9+$0x70]  }
0xc0: {  	v4 =	vld [tilespmem:s13+$0xFFFFFFF0];
	[tilespmem:s14+$0xFFFFFFE0] =	vst v3  }
0xc1: {  	v3 =	vld [tilespmem:s9+$0xFFFFFFF0];
	_ =	sdelay $0x1  }
0xc2: {  	v0 =	vmul.f32 v8, v0  }
0xc3: {  	[tilespmem:s12+$0x70] =	vst v11;
	v1 =	vmul.f32 v1, v5  }
0xc4: {  	[tilespmem:s11+$0xFFFFFFF0] =	vst v0;
	v0 =	vmul.f32 v4, v2  }
0xc5: {  	[tilespmem:s14+$0x70] =	vst v1;
	v1 =	vmul.f32 v3, v7  }
0xc6: {  	s0 =	sadd.s32 $0x2, s8;
	[tilespmem:s12+$0xFFFFFFF0] =	vst v0  }
0xc7: {  	s8 =	sshll.u32 s0, $0x8;
	[tilespmem:s14+$0xFFFFFFF0] =	vst v1  }
0xc8: {  	[spmem:s2] =	stream.indirect.scatter.add.f32 [tilespmem:s18], [sflag:$0x5], $0x80, s25, s17, $0xb8;
	[tilespmem:$0x1E200] =	vst v63  }
0xc9: {  	s8 =	sadd.s32 s7, s8;
	_ =	swait.ge [sflag:s26], $0x2800  }
0xca: {  	s8 =	sshrl.u32 s8, $0x3;
	[sflag:s26] =	ssyncset.done $0x0  }
0xcb: {  	s0 =	smul.u32 $0x50, s0;
	s8 =	sadd.s32 s6, s8;
	[sflag:s26] =	ssyncadd.s32 $0xFFFFD800  }
0xcc: {  	[tilespmem:s3], [sflag:$0x7] =	stream.linear.gather [hbm4b:s8+s3], $0x100, $0x38;
	[tilespmem:$0x1E200] =	vst v63  }
0xcd: {  	_ =	swait.ge [sflag:s16], $0x100  }
0xce: {  	s0 =	sadd.s32 s10, s0;
	[sflag:s16] =	ssyncset.done $0x0  }
0xcf: {  	s0 =	sshll.u32 s0, $0x4;
	[sflag:s16] =	ssyncadd.s32 $0xFFFFFF00  }
0xd0: {  	[tilespmem:s18], [sflag:$0x1] =	stream.indirect.gather [hbm4b:s4+s17], $0x80, s3, s17, $0xb8;
	[tilespmem:$0x1E200] =	vst v63  }
0xd1: {  	s0 =	sadd.s32 s5, s0  }
0xd2: {  	[tilespmem:s19], [sflag:$0x3] =	stream.linear.gather [hbm4b:s0+s3], $0x2800, $0x38;
	[tilespmem:$0x1E200] =	vst v63  }
0xd3: {  	_ =	swait.ge [sflag:s28], $0x2800  }
0xd4: {  	[sflag:s28] =	ssyncset.done $0x0  }
0xd5: {  	[sflag:s28] =	ssyncadd.s32 $0xFFFFD800  }
0xd6: {  	_ =	swait.ge [sflag:s29], $0x2800  }
0xd7: {  	[sflag:s29] =	ssyncset.done $0x0  }
0xd8: {  	s8 =	simm.s32 $0x2A80;
	[sflag:s29] =	ssyncadd.s32 $0xFFFFD800  }
0xd9: {  	s31 =	simm.s32 $0x7A80;
	v0 =	vld [tilespmem:s8+$0x0]  }
0xda: {  	v1 =	vld [tilespmem:s31+$0x0];
	_ =	sdelay $0x3  }
0xdb: {  	v2 =	vld [tilespmem:s8+$0xFFFFFF80]  }
0xdc: {  	v0 =	vmul.f32 v1, v0;
	v1 =	vld [tilespmem:s31+$0xFFFFFF80];
	_ =	sdelay $0x1  }
0xdd: {  	[tilespmem:s8+$0x0] =	vst v0;
	v0 =	vld [tilespmem:s8+$0x10]  }
0xde: {  	v3 =	vld [tilespmem:s31+$0x10];
	_ =	sdelay $0x1  }
0xdf: {  	v1 =	vmul.f32 v1, v2;
	_ =	sdelay $0x1  }
0xe0: {  	v4 =	vld [tilespmem:s8+$0xFFFFFF90];
	[tilespmem:s8+$0xFFFFFF80] =	vst v1  }
0xe1: {  	v0 =	vmul.f32 v3, v0;
	v1 =	vld [tilespmem:s31+$0xFFFFFF90];
	_ =	sdelay $0x1  }
0xe2: {  	[tilespmem:s8+$0x10] =	vst v0;
	v0 =	vld [tilespmem:s8+$0x20]  }
0xe3: {  	v3 =	vld [tilespmem:s31+$0x20]  }
0xe4: {  	v5 =	vld [tilespmem:s8+$0xFFFFFFB0]  }
0xe5: {  	s11 =	simm.s32 $0x2B80;
	v6 =	vld [tilespmem:s8+$0xFFFFFFD0];
	v1 =	vmul.f32 v1, v4  }
0xe6: {  	v7 =	vld [tilespmem:s11+$0x0]  }
0xe7: {  	v2 =	vld [tilespmem:s8+$0xFFFFFFA0];
	[tilespmem:s8+$0xFFFFFF90] =	vst v1  }
0xe8: {  	v0 =	vmul.f32 v3, v0;
	v1 =	vld [tilespmem:s31+$0xFFFFFFA0]  }
0xe9: {  	v8 =	vld [tilespmem:s8+$0xFFFFFFE0]  }
0xea: {  	[tilespmem:s8+$0x20] =	vst v0;
	v0 =	vld [tilespmem:s8+$0x30]  }
0xeb: {  	s12 =	simm.s32 $0x7B80;
	v3 =	vld [tilespmem:s31+$0x30]  }
0xec: {  	v10 =	vld [tilespmem:s12+$0xFFFFFF80]  }
0xed: {  	v1 =	vmul.f32 v1, v2;
	v2 =	vld [tilespmem:s12+$0x0]  }
0xee: {  	v12 =	vld [tilespmem:s11+$0xFFFFFF90]  }
0xef: {  	s14 =	simm.s32 $0x7C80;
	v13 =	vld [tilespmem:s11+$0xFFFFFFD0]  }
0xf0: {  	v15 =	vld [tilespmem:s14+$0xFFFFFF80];
	v0 =	vmul.f32 v3, v0  }
0xf1: {  	[tilespmem:s8+$0xFFFFFFA0] =	vst v1;
	v1 =	vld [tilespmem:s8+$0x40]  }
0xf2: {  	[tilespmem:s8+$0x30] =	vst v0;
	v2 =	vmul.f32 v2, v7;
	v7 =	vld [tilespmem:s11+$0xFFFFFF80]  }
0xf3: {  	s13 =	simm.s32 $0x2C80;
	v9 =	vld [tilespmem:s31+$0x40]  }
0xf4: {  	v16 =	vld [tilespmem:s13+$0xFFFFFF80]  }
0xf5: {  	v3 =	vld [tilespmem:s31+$0xFFFFFFB0]  }
0xf6: {  	v17 =	vld [tilespmem:s11+$0x50]  }
0xf7: {  	[tilespmem:s11+$0x0] =	vst v2;
	v2 =	vld [tilespmem:s11+$0x10];
	v7 =	vmul.f32 v10, v7  }
0xf8: {  	v11 =	vld [tilespmem:s12+$0x10];
	v1 =	vmul.f32 v9, v1  }
0xf9: {  	v9 =	vld [tilespmem:s8+$0x50];
	[tilespmem:s11+$0xFFFFFF80] =	vst v7  }
0xfa: {  	[tilespmem:s8+$0x40] =	vst v1;
	v1 =	vmul.f32 v3, v5;
	v5 =	vld [tilespmem:s12+$0xFFFFFF90]  }
0xfb: {  	v3 =	vld [tilespmem:s31+$0x50]  }
0xfc: {  	v60 =	vld [tilespmem:s13+$0xFFFFFFA0]  }
0xfd: {  	v4 =	vld [tilespmem:s8+$0xFFFFFFC0];
	v2 =	vmul.f32 v11, v2;
	[tilespmem:s8+$0xFFFFFFB0] =	vst v1  }
0xfe: {  	v1 =	vld [tilespmem:s31+$0xFFFFFFC0]  }
0xff: {  	[tilespmem:s11+$0x10] =	vst v2;
	v2 =	vld [tilespmem:s11+$0x20]  }
0x100: {  	v5 =	vmul.f32 v5, v12;
	v3 =	vmul.f32 v3, v9;
	v9 =	vld [tilespmem:s12+$0x20]  }
0x101: {  	v18 =	vld [tilespmem:s11+$0x60];
	v15 =	vmul.f32 v15, v16  }
0x102: {  	v10 =	vld [tilespmem:s11+$0xFFFFFFA0];
	[tilespmem:s11+$0xFFFFFF90] =	vst v5  }
0x103: {  	[tilespmem:s13+$0xFFFFFF80] =	vst v15;
	v1 =	vmul.f32 v1, v4;
	v4 =	vld [tilespmem:s12+$0xFFFFFFA0]  }
0x104: {  	v15 =	vld [tilespmem:s14+$0xFFFFFF90]  }
0x105: {  	v0 =	vld [tilespmem:s8+$0xFFFFFFF0];
	[tilespmem:s8+$0xFFFFFFC0] =	vst v1;
	v1 =	vmul.f32 v9, v2  }
0x106: {  	v7 =	vld [tilespmem:s11+$0xFFFFFFB0]  }
0x107: {  	v5 =	vld [tilespmem:s11+$0x30];
	[tilespmem:s11+$0x20] =	vst v1  }
0x108: {  	v4 =	vmul.f32 v4, v10;
	v10 =	vld [tilespmem:s12+$0x30]  }
0x109: {  	v2 =	vld [tilespmem:s31+$0xFFFFFFD0]  }
0x10a: {  	v11 =	vld [tilespmem:s8+$0x60]  }
0x10b: {  	v12 =	vld [tilespmem:s11+$0xFFFFFFC0];
	[tilespmem:s8+$0x50] =	vst v3  }
0x10c: {  	v3 =	vld [tilespmem:s31+$0x60]  }
0x10d: {  	[tilespmem:s11+$0xFFFFFFA0] =	vst v4;
	v4 =	vld [tilespmem:s13+$0x0];
	v5 =	vmul.f32 v10, v5  }
0x10e: {  	v2 =	vmul.f32 v2, v6;
	v6 =	vld [tilespmem:s14+$0x0]  }
0x10f: {  	v10 =	vld [tilespmem:s11+$0x40];
	[tilespmem:s11+$0x30] =	vst v5  }
0x110: {  	v5 =	vld [tilespmem:s12+$0x40]  }
0x111: {  	v9 =	vld [tilespmem:s8+$0x70];
	v3 =	vmul.f32 v3, v11  }
0x112: {  	v1 =	vld [tilespmem:s11+$0xFFFFFFE0]  }
0x113: {  	[tilespmem:s8+$0x60] =	vst v3;
	v3 =	vld [tilespmem:s12+$0xFFFFFFB0];
	v4 =	vmul.f32 v6, v4  }
0x114: {  	v6 =	vld [tilespmem:s13+$0xFFFFFF90]  }
0x115: {  	[tilespmem:s13+$0x0] =	vst v4;
	v4 =	vld [tilespmem:s13+$0x10];
	v5 =	vmul.f32 v5, v10  }
0x116: {  	v10 =	vld [tilespmem:s14+$0x10]  }
0x117: {  	v11 =	vld [tilespmem:s31+$0x70];
	[tilespmem:s11+$0x40] =	vst v5  }
0x118: {  	v3 =	vmul.f32 v3, v7;
	v7 =	vld [tilespmem:s12+$0x50]  }
0x119: {  	[tilespmem:s8+$0xFFFFFFD0] =	vst v2;
	v2 =	vld [tilespmem:s11+$0xFFFFFFF0]  }
0x11a: {  	v14 =	vld [tilespmem:s31+$0xFFFFFFE0];
	[tilespmem:s11+$0xFFFFFFB0] =	vst v3;
	v6 =	vmul.f32 v15, v6  }
0x11b: {  	v3 =	vmul.f32 v10, v4;
	v10 =	vld [tilespmem:s12+$0xFFFFFFC0]  }
0x11c: {  	[tilespmem:s13+$0xFFFFFF90] =	vst v6;
	v6 =	vld [tilespmem:s13+$0xFFFFFFE0]  }
0x11d: {  	v5 =	vld [tilespmem:s13+$0xFFFFFFB0];
	[tilespmem:s13+$0x10] =	vst v3;
	v3 =	vmul.f32 v7, v17  }
0x11e: {  	v7 =	vld [tilespmem:s13+$0x20]  }
0x11f: {  	v15 =	vld [tilespmem:s14+$0x20];
	[tilespmem:s11+$0x50] =	vst v3  }
0x120: {  	v10 =	vmul.f32 v10, v12;
	v12 =	vld [tilespmem:s12+$0x60]  }
0x121: {  	v61 =	vld [tilespmem:s14+$0xFFFFFFA0]  }
0x122: {  	v4 =	vld [tilespmem:s13+$0xFFFFFFC0];
	[tilespmem:s11+$0xFFFFFFC0] =	vst v10  }
0x123: {  	v10 =	vld [tilespmem:s12+$0xFFFFFFD0]  }
0x124: {  	v3 =	vld [tilespmem:s13+$0xFFFFFFD0];
	v7 =	vmul.f32 v15, v7  }
0x125: {  	v15 =	vld [tilespmem:s11+$0x70];
	v12 =	vmul.f32 v12, v18  }
0x126: {  	[tilespmem:s13+$0x20] =	vst v7;
	v7 =	vmul.f32 v14, v8;
	v14 =	vld [tilespmem:s13+$0x30]  }
0x127: {  	v8 =	vmul.f32 v61, v60;
	v62 =	vld [tilespmem:s14+$0x30];
	[tilespmem:s11+$0x60] =	vst v12  }
0x128: {  	[tilespmem:s8+$0xFFFFFFE0] =	vst v7;
	v7 =	vmul.f32 v10, v13;
	v63 =	vld [tilespmem:s12+$0x70]  }
0x129: {  	[tilespmem:s13+$0xFFFFFFA0] =	vst v8;
	v8 =	vld [tilespmem:s31+$0xFFFFFFF0]  }
0x12a: {  	v12 =	vld [tilespmem:s14+$0xFFFFFFB0];
	[tilespmem:s11+$0xFFFFFFD0] =	vst v7  }
0x12b: {  	v10 =	vmul.f32 v11, v9;
	v9 =	vld [tilespmem:s12+$0xFFFFFFE0]  }
0x12c: {  	v7 =	vld [tilespmem:s13+$0xFFFFFFF0];
	v13 =	vmul.f32 v62, v14  }
0x12d: {  	s15 =	simm.s32 $0x4;
	s9 =	simm.s32 $0x7C80;
	s0 =	simm.s32 $0x2D80;
	[tilespmem:s8+$0x70] =	vst v10;
	v10 =	vld [tilespmem:s13+$0x40];
	v11 =	vmul.f32 v63, v15  }
.LBB2_5:
0x12e: {  	v14 =	vld [tilespmem:s0+$0x0];
	[tilespmem:s13+$0x30] =	vst v13;
	s14 =	sadd.s32 $0x100, s14;
	v8 =	vmul.f32 v8, v0;
	v0 =	vmov v2  }
0x12f: {  	v13 =	vld [tilespmem:s14+$0x0];
	v12 =	vmul.f32 v12, v5;
	[tilespmem:s11+$0x70] =	vst v11  }
0x130: {  	s15 =	sadd.s32 $0x2, s15;
	v5 =	vld [tilespmem:s9+$0x40];
	v9 =	vmul.f32 v9, v1;
	[tilespmem:s8+$0xFFFFFFF0] =	vst v8;
	v1 =	vmov v6;
	s8 =	smov.u32 s11;
	s11 =	smov.u32 s13  }
0x131: {  	p0 =	slt.u32 s15, $0x4E;
	s13 =	smov.u32 s0;
	v6 =	vld [tilespmem:s14+$0xFFFFFF80];
	[tilespmem:s11+$0xFFFFFFB0] =	vst v12;
	v2 =	vmov v7  }
0x132: {  	v7 =	vld [tilespmem:s0+$0xFFFFFF80];
	[tilespmem:s8+$0xFFFFFFE0] =	vst v9  }
0x133: {  	v8 =	vld [tilespmem:s0+$0xFFFFFF90]  }
0x134: {  	v9 =	vld [tilespmem:s0+$0xFFFFFFA0];
	v11 =	vmul.f32 v13, v14  }
0x135: {  	v5 =	vmul.f32 v5, v10;
	v10 =	vld [tilespmem:s11+$0x50]  }
0x136: {  	[tilespmem:s0+$0x0] =	vst v11;
	v11 =	vld [tilespmem:s0+$0x10]  }
0x137: {  	v6 =	vmul.f32 v6, v7;
	v7 =	vld [tilespmem:s14+$0x10];
	[tilespmem:s11+$0x40] =	vst v5  }
0x138: {  	v12 =	vld [tilespmem:s9+$0x50]  }
0x139: {  	[tilespmem:s0+$0xFFFFFF80] =	vst v6;
	v5 =	vld [tilespmem:s0+$0xFFFFFFB0]  }
0x13a: {  	v6 =	vld [tilespmem:s14+$0xFFFFFF90]  }
0x13b: {  	v13 =	vld [tilespmem:s9+$0xFFFFFFC0]  }
0x13c: {  	v14 =	vld [tilespmem:s0+$0xFFFFFFC0];
	v7 =	vmul.f32 v7, v11  }
0x13d: {  	v10 =	vmul.f32 v12, v10;
	v11 =	vld [tilespmem:s11+$0x60]  }
0x13e: {  	[tilespmem:s0+$0x10] =	vst v7;
	v7 =	vld [tilespmem:s0+$0x20]  }
0x13f: {  	v6 =	vmul.f32 v6, v8;
	v8 =	vld [tilespmem:s14+$0x20];
	[tilespmem:s11+$0x50] =	vst v10  }
0x140: {  	v10 =	vmul.f32 v13, v4;
	v12 =	vld [tilespmem:s9+$0x60]  }
0x141: {  	[tilespmem:s0+$0xFFFFFF90] =	vst v6;
	v13 =	vld [tilespmem:s0+$0xFFFFFFD0];
	v4 =	vmov v14  }
0x142: {  	v14 =	vld [tilespmem:s14+$0xFFFFFFA0];
	[tilespmem:s11+$0xFFFFFFC0] =	vst v10  }
0x143: {  	v10 =	vld [tilespmem:s9+$0xFFFFFFD0]  }
0x144: {  	v6 =	vld [tilespmem:s0+$0xFFFFFFE0];
	v7 =	vmul.f32 v8, v7  }
0x145: {  	v8 =	vmul.f32 v12, v11;
	v11 =	vld [tilespmem:s11+$0x70]  }
0x146: {  	[tilespmem:s0+$0x20] =	vst v7;
	v15 =	vld [tilespmem:s0+$0x30]  }
0x147: {  	v7 =	vmul.f32 v14, v9;
	v14 =	vld [tilespmem:s14+$0x30];
	[tilespmem:s11+$0x60] =	vst v8  }
0x148: {  	v9 =	vmul.f32 v10, v3;
	v16 =	vld [tilespmem:s9+$0x70];
	v3 =	vmov v13  }
.Ltmp1:
0x149: {  	[tilespmem:s0+$0xFFFFFFA0] =	vst v7;
	v8 =	vld [tilespmem:s12+$0xFFFFFFF0];
	s12 =	smov.u32 s9;
	s9 =	smov.u32 s14;
	(pc) =	sbr.rel @p0 .LBB2_5-.Ltmp1, $4  }
0x14a: {  	v12 =	vld [tilespmem:s14+$0xFFFFFFB0];
	[tilespmem:s11+$0xFFFFFFD0] =	vst v9  }
0x14b: {  	v9 =	vld [tilespmem:s12+$0xFFFFFFE0]  }
0x14c: {  	v7 =	vld [tilespmem:s0+$0xFFFFFFF0];
	v13 =	vmul.f32 v14, v15  }
0x14d: {  	s0 =	sadd.s32 $0x100, s0;
	v10 =	vld [tilespmem:s13+$0x40];
	v11 =	vmul.f32 v16, v11  }
0x14e: {  	_ = 	snop  }
0x14f: {  	v5 =	vmul.f32 v12, v5  }
0x150: {  	[tilespmem:s13+$0x30] =	vst v13  }
0x151: {  	v54 =	vld [tilespmem:s9+$0x40];
	[tilespmem:s13+$0xFFFFFFB0] =	vst v5  }
0x152: {  	v5 =	vld [tilespmem:s9+$0xFFFFFFC0];
	_ =	sdelay $0x3  }
0x153: {  	v10 =	vmul.f32 v54, v10  }
0x154: {  	v4 =	vmul.f32 v5, v4  }
0x155: {  	v55 =	vld [tilespmem:s13+$0x50];
	[tilespmem:s13+$0x40] =	vst v10  }
0x156: {  	v56 =	vld [tilespmem:s9+$0x50];
	[tilespmem:s13+$0xFFFFFFC0] =	vst v4  }
0x157: {  	v4 =	vld [tilespmem:s9+$0xFFFFFFD0];
	_ =	sdelay $0x3  }
0x158: {  	v5 =	vmul.f32 v56, v55  }
0x159: {  	v3 =	vmul.f32 v4, v3  }
0x15a: {  	v57 =	vld [tilespmem:s13+$0x60];
	[tilespmem:s13+$0x50] =	vst v5  }
0x15b: {  	v58 =	vld [tilespmem:s9+$0x60];
	[tilespmem:s13+$0xFFFFFFD0] =	vst v3  }
0x15c: {  	v3 =	vld [tilespmem:s9+$0xFFFFFFE0];
	_ =	sdelay $0x2  }
0x15d: {  	v1 =	vmul.f32 v9, v1  }
0x15e: {  	v4 =	vmul.f32 v58, v57  }
0x15f: {  	v59 =	vld [tilespmem:s13+$0x70];
	[tilespmem:s11+$0xFFFFFFE0] =	vst v1;
	v3 =	vmul.f32 v3, v6  }
0x160: {  	v61 =	vld [tilespmem:s12+$0xFFFFFFF0];
	[tilespmem:s13+$0x60] =	vst v4  }
0x161: {  	v60 =	vld [tilespmem:s9+$0x70];
	[tilespmem:s13+$0xFFFFFFE0] =	vst v3  }
0x162: {  	v3 =	vld [tilespmem:s9+$0xFFFFFFF0];
	_ =	sdelay $0x1  }
0x163: {  	v0 =	vmul.f32 v8, v0;
	s1 =	sadd.s32 $0x1, s1  }
0x164: {  	[tilespmem:s11+$0x70] =	vst v11;
	p0 =	sne.s32 s1, $0x3E;
	v62 =	vmul.f32 v61, v2  }
.Ltmp2:
0x165: {  	[tilespmem:s8+$0xFFFFFFF0] =	vst v0;
	v1 =	vmul.f32 v60, v59;
	(pc) =	sbr.rel @p0 .LBB2_2-.Ltmp2, $4  }
0x166: {  	[tilespmem:s11+$0xFFFFFFF0] =	vst v62;
	v63 =	vmul.f32 v3, v7  }
0x167: {  	[tilespmem:s13+$0x70] =	vst v1  }
0x168: {  	[tilespmem:s13+$0xFFFFFFF0] =	vst v63  }
0x169: {  	[spmem:s2] =	stream.indirect.scatter.add.f32 [tilespmem:s21], [sflag:$0x6], $0x80, s30, s17, $0xb8;
	[tilespmem:$0x1E200] =	vst v63  }
0x16a: {  	_ =	swait.ge [sflag:s23], $0x2800  }
0x16b: {  	[sflag:s23] =	ssyncset.done $0x0  }
0x16c: {  	[sflag:s23] =	ssyncadd.s32 $0xFFFFD800  }
0x16d: {  	_ =	swait.ge [sflag:s24], $0x2800  }
0x16e: {  	[sflag:s24] =	ssyncset.done $0x0  }
0x16f: {  	s1 =	simm.s32 $0x280;
	[sflag:s24] =	ssyncadd.s32 $0xFFFFD800  }
0x170: {  	s9 =	simm.s32 $0x5280;
	v0 =	vld [tilespmem:s1+$0x0]  }
0x171: {  	v1 =	vld [tilespmem:s9+$0x0];
	_ =	sdelay $0x3  }
0x172: {  	v2 =	vld [tilespmem:s1+$0xFFFFFF80]  }
0x173: {  	v0 =	vmul.f32 v1, v0;
	v1 =	vld [tilespmem:s9+$0xFFFFFF80];
	_ =	sdelay $0x1  }
0x174: {  	[tilespmem:s1+$0x0] =	vst v0;
	v0 =	vld [tilespmem:s1+$0x10]  }
0x175: {  	v3 =	vld [tilespmem:s9+$0x10];
	_ =	sdelay $0x1  }
0x176: {  	v1 =	vmul.f32 v1, v2;
	_ =	sdelay $0x1  }
0x177: {  	v4 =	vld [tilespmem:s1+$0xFFFFFF90];
	[tilespmem:s1+$0xFFFFFF80] =	vst v1  }
0x178: {  	v0 =	vmul.f32 v3, v0;
	v1 =	vld [tilespmem:s9+$0xFFFFFF90];
	_ =	sdelay $0x1  }
0x179: {  	[tilespmem:s1+$0x10] =	vst v0;
	v0 =	vld [tilespmem:s1+$0x20]  }
0x17a: {  	v3 =	vld [tilespmem:s9+$0x20]  }
0x17b: {  	v5 =	vld [tilespmem:s1+$0xFFFFFFB0]  }
0x17c: {  	s8 =	simm.s32 $0x380;
	v6 =	vld [tilespmem:s1+$0xFFFFFFD0];
	v1 =	vmul.f32 v1, v4  }
0x17d: {  	v7 =	vld [tilespmem:s8+$0x0]  }
0x17e: {  	v2 =	vld [tilespmem:s1+$0xFFFFFFA0];
	[tilespmem:s1+$0xFFFFFF90] =	vst v1  }
0x17f: {  	v0 =	vmul.f32 v3, v0;
	v1 =	vld [tilespmem:s9+$0xFFFFFFA0]  }
0x180: {  	v8 =	vld [tilespmem:s1+$0xFFFFFFE0]  }
0x181: {  	[tilespmem:s1+$0x20] =	vst v0;
	v0 =	vld [tilespmem:s1+$0x30]  }
0x182: {  	s11 =	simm.s32 $0x5380;
	v3 =	vld [tilespmem:s9+$0x30]  }
0x183: {  	v10 =	vld [tilespmem:s11+$0xFFFFFF80]  }
0x184: {  	v1 =	vmul.f32 v1, v2;
	v2 =	vld [tilespmem:s11+$0x0]  }
0x185: {  	v12 =	vld [tilespmem:s8+$0xFFFFFF90]  }
0x186: {  	s13 =	simm.s32 $0x5480;
	v13 =	vld [tilespmem:s8+$0xFFFFFFD0]  }
0x187: {  	v15 =	vld [tilespmem:s13+$0xFFFFFF80];
	v0 =	vmul.f32 v3, v0  }
0x188: {  	[tilespmem:s1+$0xFFFFFFA0] =	vst v1;
	v1 =	vld [tilespmem:s1+$0x40]  }
0x189: {  	[tilespmem:s1+$0x30] =	vst v0;
	v2 =	vmul.f32 v2, v7;
	v7 =	vld [tilespmem:s8+$0xFFFFFF80]  }
0x18a: {  	s12 =	simm.s32 $0x480;
	v9 =	vld [tilespmem:s9+$0x40]  }
0x18b: {  	v16 =	vld [tilespmem:s12+$0xFFFFFF80]  }
0x18c: {  	v3 =	vld [tilespmem:s9+$0xFFFFFFB0]  }
0x18d: {  	v17 =	vld [tilespmem:s8+$0x50]  }
0x18e: {  	[tilespmem:s8+$0x0] =	vst v2;
	v2 =	vld [tilespmem:s8+$0x10];
	v7 =	vmul.f32 v10, v7  }
0x18f: {  	v11 =	vld [tilespmem:s11+$0x10];
	v1 =	vmul.f32 v9, v1  }
0x190: {  	v9 =	vld [tilespmem:s1+$0x50];
	[tilespmem:s8+$0xFFFFFF80] =	vst v7  }
0x191: {  	[tilespmem:s1+$0x40] =	vst v1;
	v1 =	vmul.f32 v3, v5;
	v5 =	vld [tilespmem:s11+$0xFFFFFF90]  }
0x192: {  	v3 =	vld [tilespmem:s9+$0x50]  }
0x193: {  	v60 =	vld [tilespmem:s12+$0xFFFFFFA0]  }
0x194: {  	v4 =	vld [tilespmem:s1+$0xFFFFFFC0];
	v2 =	vmul.f32 v11, v2;
	[tilespmem:s1+$0xFFFFFFB0] =	vst v1  }
0x195: {  	v1 =	vld [tilespmem:s9+$0xFFFFFFC0]  }
0x196: {  	[tilespmem:s8+$0x10] =	vst v2;
	v2 =	vld [tilespmem:s8+$0x20]  }
0x197: {  	v5 =	vmul.f32 v5, v12;
	v3 =	vmul.f32 v3, v9;
	v9 =	vld [tilespmem:s11+$0x20]  }
0x198: {  	v18 =	vld [tilespmem:s8+$0x60];
	v15 =	vmul.f32 v15, v16  }
0x199: {  	v10 =	vld [tilespmem:s8+$0xFFFFFFA0];
	[tilespmem:s8+$0xFFFFFF90] =	vst v5  }
0x19a: {  	[tilespmem:s12+$0xFFFFFF80] =	vst v15;
	v1 =	vmul.f32 v1, v4;
	v4 =	vld [tilespmem:s11+$0xFFFFFFA0]  }
0x19b: {  	v15 =	vld [tilespmem:s13+$0xFFFFFF90]  }
0x19c: {  	v0 =	vld [tilespmem:s1+$0xFFFFFFF0];
	[tilespmem:s1+$0xFFFFFFC0] =	vst v1;
	v1 =	vmul.f32 v9, v2  }
0x19d: {  	v7 =	vld [tilespmem:s8+$0xFFFFFFB0]  }
0x19e: {  	v5 =	vld [tilespmem:s8+$0x30];
	[tilespmem:s8+$0x20] =	vst v1  }
0x19f: {  	v4 =	vmul.f32 v4, v10;
	v10 =	vld [tilespmem:s11+$0x30]  }
0x1a0: {  	v2 =	vld [tilespmem:s9+$0xFFFFFFD0]  }
0x1a1: {  	v11 =	vld [tilespmem:s1+$0x60]  }
0x1a2: {  	v12 =	vld [tilespmem:s8+$0xFFFFFFC0];
	[tilespmem:s1+$0x50] =	vst v3  }
0x1a3: {  	v3 =	vld [tilespmem:s9+$0x60]  }
0x1a4: {  	[tilespmem:s8+$0xFFFFFFA0] =	vst v4;
	v4 =	vld [tilespmem:s12+$0x0];
	v5 =	vmul.f32 v10, v5  }
0x1a5: {  	v2 =	vmul.f32 v2, v6;
	v6 =	vld [tilespmem:s13+$0x0]  }
0x1a6: {  	v10 =	vld [tilespmem:s8+$0x40];
	[tilespmem:s8+$0x30] =	vst v5  }
0x1a7: {  	v5 =	vld [tilespmem:s11+$0x40]  }
0x1a8: {  	v9 =	vld [tilespmem:s1+$0x70];
	v3 =	vmul.f32 v3, v11  }
0x1a9: {  	v1 =	vld [tilespmem:s8+$0xFFFFFFE0]  }
0x1aa: {  	[tilespmem:s1+$0x60] =	vst v3;
	v3 =	vld [tilespmem:s11+$0xFFFFFFB0];
	v4 =	vmul.f32 v6, v4  }
0x1ab: {  	v6 =	vld [tilespmem:s12+$0xFFFFFF90]  }
0x1ac: {  	[tilespmem:s12+$0x0] =	vst v4;
	v4 =	vld [tilespmem:s12+$0x10];
	v5 =	vmul.f32 v5, v10  }
0x1ad: {  	v10 =	vld [tilespmem:s13+$0x10]  }
0x1ae: {  	v11 =	vld [tilespmem:s9+$0x70];
	[tilespmem:s8+$0x40] =	vst v5  }
0x1af: {  	v3 =	vmul.f32 v3, v7;
	v7 =	vld [tilespmem:s11+$0x50]  }
0x1b0: {  	[tilespmem:s1+$0xFFFFFFD0] =	vst v2;
	v2 =	vld [tilespmem:s8+$0xFFFFFFF0]  }
0x1b1: {  	v14 =	vld [tilespmem:s9+$0xFFFFFFE0];
	[tilespmem:s8+$0xFFFFFFB0] =	vst v3;
	v6 =	vmul.f32 v15, v6  }
0x1b2: {  	v3 =	vmul.f32 v10, v4;
	v10 =	vld [tilespmem:s11+$0xFFFFFFC0]  }
0x1b3: {  	[tilespmem:s12+$0xFFFFFF90] =	vst v6;
	v6 =	vld [tilespmem:s12+$0xFFFFFFE0]  }
0x1b4: {  	v5 =	vld [tilespmem:s12+$0xFFFFFFB0];
	[tilespmem:s12+$0x10] =	vst v3;
	v3 =	vmul.f32 v7, v17  }
0x1b5: {  	v7 =	vld [tilespmem:s12+$0x20]  }
0x1b6: {  	v15 =	vld [tilespmem:s13+$0x20];
	[tilespmem:s8+$0x50] =	vst v3  }
0x1b7: {  	v10 =	vmul.f32 v10, v12;
	v12 =	vld [tilespmem:s11+$0x60]  }
0x1b8: {  	v61 =	vld [tilespmem:s13+$0xFFFFFFA0]  }
0x1b9: {  	v4 =	vld [tilespmem:s12+$0xFFFFFFC0];
	[tilespmem:s8+$0xFFFFFFC0] =	vst v10  }
0x1ba: {  	v10 =	vld [tilespmem:s11+$0xFFFFFFD0]  }
0x1bb: {  	v3 =	vld [tilespmem:s12+$0xFFFFFFD0];
	v7 =	vmul.f32 v15, v7  }
0x1bc: {  	v15 =	vld [tilespmem:s8+$0x70];
	v12 =	vmul.f32 v12, v18  }
0x1bd: {  	[tilespmem:s12+$0x20] =	vst v7;
	v7 =	vmul.f32 v14, v8;
	v14 =	vld [tilespmem:s12+$0x30]  }
0x1be: {  	v8 =	vmul.f32 v61, v60;
	v62 =	vld [tilespmem:s13+$0x30];
	[tilespmem:s8+$0x60] =	vst v12  }
0x1bf: {  	[tilespmem:s1+$0xFFFFFFE0] =	vst v7;
	v7 =	vmul.f32 v10, v13;
	v63 =	vld [tilespmem:s11+$0x70]  }
0x1c0: {  	[tilespmem:s12+$0xFFFFFFA0] =	vst v8;
	v8 =	vld [tilespmem:s9+$0xFFFFFFF0]  }
0x1c1: {  	v12 =	vld [tilespmem:s13+$0xFFFFFFB0];
	[tilespmem:s8+$0xFFFFFFD0] =	vst v7  }
0x1c2: {  	v10 =	vmul.f32 v11, v9;
	v9 =	vld [tilespmem:s11+$0xFFFFFFE0]  }
0x1c3: {  	v7 =	vld [tilespmem:s12+$0xFFFFFFF0];
	v13 =	vmul.f32 v62, v14  }
0x1c4: {  	s14 =	simm.s32 $0x4;
	s0 =	simm.s32 $0x580;
	s9 =	simm.s32 $0x5480;
	[tilespmem:s1+$0x70] =	vst v10;
	v10 =	vld [tilespmem:s12+$0x40];
	v11 =	vmul.f32 v63, v15  }
.LBB2_8:
0x1c5: {  	v14 =	vld [tilespmem:s0+$0x0];
	[tilespmem:s12+$0x30] =	vst v13;
	s13 =	sadd.s32 $0x100, s13;
	v8 =	vmul.f32 v8, v0;
	v0 =	vmov v2  }
0x1c6: {  	v13 =	vld [tilespmem:s13+$0x0];
	v12 =	vmul.f32 v12, v5;
	[tilespmem:s8+$0x70] =	vst v11  }
0x1c7: {  	s14 =	sadd.s32 $0x2, s14;
	v5 =	vld [tilespmem:s9+$0x40];
	v9 =	vmul.f32 v9, v1;
	[tilespmem:s1+$0xFFFFFFF0] =	vst v8;
	v1 =	vmov v6;
	s1 =	smov.u32 s8;
	s8 =	smov.u32 s12  }
0x1c8: {  	p0 =	slt.u32 s14, $0x4E;
	s12 =	smov.u32 s0;
	v6 =	vld [tilespmem:s13+$0xFFFFFF80];
	[tilespmem:s8+$0xFFFFFFB0] =	vst v12;
	v2 =	vmov v7  }
0x1c9: {  	v7 =	vld [tilespmem:s0+$0xFFFFFF80];
	[tilespmem:s1+$0xFFFFFFE0] =	vst v9  }
0x1ca: {  	v8 =	vld [tilespmem:s0+$0xFFFFFF90]  }
0x1cb: {  	v9 =	vld [tilespmem:s0+$0xFFFFFFA0];
	v11 =	vmul.f32 v13, v14  }
0x1cc: {  	v5 =	vmul.f32 v5, v10;
	v10 =	vld [tilespmem:s8+$0x50]  }
0x1cd: {  	[tilespmem:s0+$0x0] =	vst v11;
	v11 =	vld [tilespmem:s0+$0x10]  }
0x1ce: {  	v6 =	vmul.f32 v6, v7;
	v7 =	vld [tilespmem:s13+$0x10];
	[tilespmem:s8+$0x40] =	vst v5  }
0x1cf: {  	v12 =	vld [tilespmem:s9+$0x50]  }
0x1d0: {  	[tilespmem:s0+$0xFFFFFF80] =	vst v6;
	v5 =	vld [tilespmem:s0+$0xFFFFFFB0]  }
0x1d1: {  	v6 =	vld [tilespmem:s13+$0xFFFFFF90]  }
0x1d2: {  	v13 =	vld [tilespmem:s9+$0xFFFFFFC0]  }
0x1d3: {  	v14 =	vld [tilespmem:s0+$0xFFFFFFC0];
	v7 =	vmul.f32 v7, v11  }
0x1d4: {  	v10 =	vmul.f32 v12, v10;
	v11 =	vld [tilespmem:s8+$0x60]  }
0x1d5: {  	[tilespmem:s0+$0x10] =	vst v7;
	v7 =	vld [tilespmem:s0+$0x20]  }
0x1d6: {  	v6 =	vmul.f32 v6, v8;
	v8 =	vld [tilespmem:s13+$0x20];
	[tilespmem:s8+$0x50] =	vst v10  }
0x1d7: {  	v10 =	vmul.f32 v13, v4;
	v12 =	vld [tilespmem:s9+$0x60]  }
0x1d8: {  	[tilespmem:s0+$0xFFFFFF90] =	vst v6;
	v13 =	vld [tilespmem:s0+$0xFFFFFFD0];
	v4 =	vmov v14  }
0x1d9: {  	v14 =	vld [tilespmem:s13+$0xFFFFFFA0];
	[tilespmem:s8+$0xFFFFFFC0] =	vst v10  }
0x1da: {  	v10 =	vld [tilespmem:s9+$0xFFFFFFD0]  }
0x1db: {  	v6 =	vld [tilespmem:s0+$0xFFFFFFE0];
	v7 =	vmul.f32 v8, v7  }
0x1dc: {  	v8 =	vmul.f32 v12, v11;
	v11 =	vld [tilespmem:s8+$0x70]  }
0x1dd: {  	[tilespmem:s0+$0x20] =	vst v7;
	v15 =	vld [tilespmem:s0+$0x30]  }
0x1de: {  	v7 =	vmul.f32 v14, v9;
	v14 =	vld [tilespmem:s13+$0x30];
	[tilespmem:s8+$0x60] =	vst v8  }
0x1df: {  	v9 =	vmul.f32 v10, v3;
	v16 =	vld [tilespmem:s9+$0x70];
	v3 =	vmov v13  }
.Ltmp3:
0x1e0: {  	[tilespmem:s0+$0xFFFFFFA0] =	vst v7;
	v8 =	vld [tilespmem:s11+$0xFFFFFFF0];
	s11 =	smov.u32 s9;
	s9 =	smov.u32 s13;
	(pc) =	sbr.rel @p0 .LBB2_8-.Ltmp3, $4  }
0x1e1: {  	v12 =	vld [tilespmem:s13+$0xFFFFFFB0];
	[tilespmem:s8+$0xFFFFFFD0] =	vst v9  }
0x1e2: {  	v9 =	vld [tilespmem:s11+$0xFFFFFFE0]  }
0x1e3: {  	v7 =	vld [tilespmem:s0+$0xFFFFFFF0];
	v13 =	vmul.f32 v14, v15  }
0x1e4: {  	s0 =	sadd.s32 $0x100, s0;
	v10 =	vld [tilespmem:s12+$0x40];
	v11 =	vmul.f32 v16, v11  }
0x1e5: {  	_ = 	snop  }
0x1e6: {  	v5 =	vmul.f32 v12, v5  }
0x1e7: {  	[tilespmem:s12+$0x30] =	vst v13  }
0x1e8: {  	v54 =	vld [tilespmem:s9+$0x40];
	[tilespmem:s12+$0xFFFFFFB0] =	vst v5  }
0x1e9: {  	v5 =	vld [tilespmem:s9+$0xFFFFFFC0];
	_ =	sdelay $0x3  }
0x1ea: {  	v10 =	vmul.f32 v54, v10  }
0x1eb: {  	v4 =	vmul.f32 v5, v4  }
0x1ec: {  	v55 =	vld [tilespmem:s12+$0x50];
	[tilespmem:s12+$0x40] =	vst v10  }
0x1ed: {  	v56 =	vld [tilespmem:s9+$0x50];
	[tilespmem:s12+$0xFFFFFFC0] =	vst v4  }
0x1ee: {  	v4 =	vld [tilespmem:s9+$0xFFFFFFD0];
	_ =	sdelay $0x3  }
0x1ef: {  	v5 =	vmul.f32 v56, v55  }
0x1f0: {  	v3 =	vmul.f32 v4, v3  }
0x1f1: {  	v57 =	vld [tilespmem:s12+$0x60];
	[tilespmem:s12+$0x50] =	vst v5  }
0x1f2: {  	v58 =	vld [tilespmem:s9+$0x60];
	[tilespmem:s12+$0xFFFFFFD0] =	vst v3  }
0x1f3: {  	v3 =	vld [tilespmem:s9+$0xFFFFFFE0];
	_ =	sdelay $0x2  }
0x1f4: {  	v1 =	vmul.f32 v9, v1  }
0x1f5: {  	v4 =	vmul.f32 v58, v57  }
0x1f6: {  	v59 =	vld [tilespmem:s12+$0x70];
	[tilespmem:s8+$0xFFFFFFE0] =	vst v1;
	v3 =	vmul.f32 v3, v6  }
0x1f7: {  	v61 =	vld [tilespmem:s11+$0xFFFFFFF0];
	[tilespmem:s12+$0x60] =	vst v4  }
0x1f8: {  	v60 =	vld [tilespmem:s9+$0x70];
	[tilespmem:s12+$0xFFFFFFE0] =	vst v3  }
0x1f9: {  	v3 =	vld [tilespmem:s9+$0xFFFFFFF0];
	_ =	sdelay $0x1  }
0x1fa: {  	v0 =	vmul.f32 v8, v0  }
0x1fb: {  	[tilespmem:s8+$0x70] =	vst v11;
	v62 =	vmul.f32 v61, v2  }
0x1fc: {  	[tilespmem:s1+$0xFFFFFFF0] =	vst v0;
	v1 =	vmul.f32 v60, v59  }
0x1fd: {  	[tilespmem:s8+$0xFFFFFFF0] =	vst v62;
	v63 =	vmul.f32 v3, v7  }
0x1fe: {  	[tilespmem:s12+$0x70] =	vst v1  }
0x1ff: {  	[tilespmem:s12+$0xFFFFFFF0] =	vst v63  }
0x200: {  	[spmem:s2] =	stream.indirect.scatter.add.f32 [tilespmem:s18], [sflag:$0x5], $0x80, s25, s17, $0xb8;
	[tilespmem:$0x1E200] =	vst v63  }
0x201: {  	_ =	swait.ge [sflag:s26], $0x2800  }
0x202: {  	[sflag:s26] =	ssyncset.done $0x0  }
0x203: {  	s0 =	simm.s32 $0x6;
	[sflag:s26] =	ssyncadd.s32 $0xFFFFD800  }
0x204: {  	_ =	swait.ge [sflag:s0], $0x2800  }
0x205: {  	[sflag:s0] =	ssyncset.done $0x0  }
0x206: {  	[sflag:s0] =	ssyncadd.s32 $0xFFFFD800  }
0x207: {  	[bflag:$0x0] =	sbarrier.arrive $0xFFFF  }
0x208: {  	s8 =	rddreg [dreg:$0x4]  }
0x209: {  	s14 =	rddreg [dreg:$0x7]  }
0x20a: {  	s1 =	rddreg [dreg:$0x9]  }
0x20b: {  	[hbm:s14], [sflag:s8] =	dma.local [spmem:s1], $0x2800  }
0x20c: {  	_ =	swait.ge [sflag:s16], $0x2800  }
0x20d: {  	s15 =	rddreg [dreg:$0xa]  }
0x20e: {  	s31 =	rddreg [dreg:$0x8];
	s9 =	sadd.s32 $0x1, s15  }
0x20f: {  	p0 =	sne.s32 s9, s31  }
.Ltmp4:
0x210: {  	_ = 	snop;
	(pc) =	sbr.rel @p0 .LBB2_1-.Ltmp4, $3  }
0x211: {  	_ =	sdelay $0x1  }
0x212: {  	[sflag:s16] =	ssyncset.done $0x0  }
0x213: {  	[sflag:s16] =	ssyncadd.s32 $0xFFFFD800  }
0x214: {  	_ =	sfence.sel $0x180000  }
0x215: {  	[bflag:$0x0] =	sbarrier.arrive $0xFFFF  }
0x216: {  	_ =	strace $0x9000004D  }
0x217: {  	s0 =	stileid.u32;
	[bflag:$0x2] =	sbarrier.arrive $0xFFFF  }
0x218: {  	p0 =	sne.s32 s0, $0x0;
	s0 =	rddreg [dreg:$0x2]  }
0x219: {  	s0 =	sadd.s32 @!p0 $0x100000, s0  }
0x21a: {  	[sflag:s0] =	ssyncadd.tile.s32 @!p0 $0x1;
	_ =	shalt  }
.Lfunc_end2:
_tile_overlayer_lowered:
.L_overlay_start_2:
0x21b: {  	(tag) =	ssettag $0x2  }
0x21c: {  	s0 =	rddreg [dreg:$0x0];
	s2 =	stileid.u32  }
0x21d: {  	s1 =	rddreg [dreg:$0x1];
	p0 =	sne.s32 s2, $0x0  }
0x21e: {  	s3 =	rddreg [dreg:$0x2];
	[bflag:$0x3] =	sbarrier.arrive $0xFFFF;
	s2 =	simm.s32 @!p0 $0x1C07  }
0x21f: {  	[timem:s3], [sflag:s2] =	dma.local @!p0 [hbm:s0], s1  }
0x220: {  	s0 =	simm.s32 @!p0 $0x7  }
0x221: {  	_ =	swait.ge @!p0 [sflag:s0], s1  }
0x222: {  	s1 =	ssub.s32 @!p0 $0x0, s1;
	[sflag:s0] =	ssyncset.done @!p0 $0x0  }
0x223: {  	[sflag:s0] =	ssyncadd.s32 @!p0 s1  }
0x224: {  	[bflag:$0x3] =	sbarrier.arrive $0xFFFF  }
0x225: {  	_ =	shalt  }

</sc_bundles>
